<compile_context>
chip_gen: v7x
topology: tpu7x:2x2x1
jax: 0.10.2.dev20260603
libtpu: 0.0.44.dev20260713+nightly
codegen_flags: <defaults>
</compile_context>

<pallas_src>
import functools

import jax
import jax.numpy as jnp
from jax import lax
from jax.experimental import pallas as pl
from jax.experimental.pallas import tpu as pltpu
from jax.experimental.pallas import tpu_sc as plsc

NC = 2
NS = 16
LN = 16
CH = 128
BLK = 8
RING = 2


def _pad_geometry(N, E):
    NW = NC * NS
    Np = -(-N // (NS * 8)) * (NS * 8)
    n_ch = -(-(-(-E // NW) // CH) // (2 * BLK)) * 2 * BLK
    return NW, Np, n_ch


def _make_sc_agg(N, E, D, with_hist):
    NW, Np, n_ch = _pad_geometry(N, E)
    n_blk = n_ch // BLK
    pairs = n_blk // 2
    rows_per_tile = Np // NS
    NR = Np // CH
    NRp = -(-(NR + 1) // 8) * 8
    e_pw = n_ch * CH
    IB = BLK * CH
    FW = E // e_pw

    mesh = plsc.VectorSubcoreMesh(core_axis_name="c", subcore_axis_name="s")

    out_type = [jax.ShapeDtypeStruct((NC, Np, D), jnp.float32)]
    scratch = [
        pltpu.VMEM((IB,), jnp.int32),
        pltpu.VMEM((IB,), jnp.int32),
        pltpu.VMEM((IB,), jnp.int32),
        pltpu.VMEM((IB,), jnp.int32),
        pltpu.VMEM((CH, D), jnp.float32),
        pltpu.VMEM((CH, D), jnp.float32),
        pltpu.VMEM_SHARED((Np, D), jnp.float32),
        pltpu.SemaphoreType.DMA,
        pltpu.SemaphoreType.DMA,
        pltpu.SemaphoreType.DMA,
        pltpu.SemaphoreType.DMA,
        pltpu.SemaphoreType.DMA,
        pltpu.SemaphoreType.DMA,
    ]
    if with_hist:
        out_type.append(jax.ShapeDtypeStruct((NW, NRp, CH), jnp.float32))
        scratch.append(pltpu.VMEM((NRp, CH), jnp.float32))

    @functools.partial(
        pl.kernel,
        mesh=mesh,
        out_type=tuple(out_type),
        compiler_params=pltpu.CompilerParams(needs_layout_passes=False),
        scratch_types=scratch,
    )
    def agg(table_hbm, edge_hbm, srcp_hbm, dstp_hbm, *rest):
        if with_hist:
            (out_hbm, hist_hbm, sib0, sib1, dib0, dib1, r0, r1, accum_sh,
             gs0, gs1, ss0, ss1, is0, is1, hist) = rest
        else:
            (out_hbm, sib0, sib1, dib0, dib1, r0, r1, accum_sh,
             gs0, gs1, ss0, ss1, is0, is1) = rest
            hist = None
        c = lax.axis_index("c")
        s = lax.axis_index("s")
        wid = s * NC + c
        row0 = s * rows_per_tile
        rows = [r0, r1]
        gsem = [gs0, gs1]
        ssem = [ss0, ss1]
        zero16 = jnp.zeros((LN,), jnp.float32)
        ones16 = jnp.ones((LN,), jnp.float32)

        def zero_row(r, carry):
            for q in range(D // LN):
                r0[r, pl.ds(q * LN, LN)] = zero16
            return carry

        lax.fori_loop(0, CH, zero_row, 0)
        n_full = rows_per_tile // CH
        for i in range(n_full):
            pltpu.sync_copy(r0, accum_sh.at[pl.ds(row0 + i * CH, CH)])
        tail = rows_per_tile - n_full * CH
        if tail:
            pltpu.sync_copy(r0.at[pl.ds(0, tail)],
                            accum_sh.at[pl.ds(row0 + n_full * CH, tail)])
        if with_hist:
            def zero_hrow(r, carry):
                for q in range(CH // LN):
                    hist[r, pl.ds(q * LN, LN)] = zero16
                return carry

            lax.fori_loop(0, NRp, zero_hrow, 0)
        plsc.subcore_barrier()

        def g_start(ib, k, sl):
            pltpu.async_copy(table_hbm.at[ib.at[pl.ds(k * CH, CH)]],
                             rows[sl], gsem[sl])

        def g_wait(sl):
            pltpu.make_async_copy(table_hbm.at[pl.ds(0, CH)], rows[sl],
                                  gsem[sl]).wait()

        def s_start(ib, k, sl):
            pltpu.async_copy(rows[sl], accum_sh.at[ib.at[pl.ds(k * CH, CH)]],
                             ssem[sl], add=True)

        def s_wait(sl):
            pltpu.make_async_copy(table_hbm.at[pl.ds(0, CH)], rows[sl],
                                  ssem[sl]).wait()

        def i_start(b, sib, dib, sem):
            @pl.when(wid < FW)
            def _():
                off = wid * e_pw + b * IB
                pltpu.async_copy(edge_hbm.at[0, pl.ds(off, IB)], sib, sem)
                pltpu.async_copy(edge_hbm.at[1, pl.ds(off, IB)], dib, sem)

            @pl.when(wid >= FW)
            def _():
                off = (wid - FW) * e_pw + b * IB
                pltpu.async_copy(srcp_hbm.at[pl.ds(off, IB)], sib, sem)
                pltpu.async_copy(dstp_hbm.at[pl.ds(off, IB)], dib, sem)

        def i_wait(sib, dib, sem):
            pltpu.make_async_copy(srcp_hbm.at[pl.ds(0, IB)], sib, sem).wait()
            pltpu.make_async_copy(srcp_hbm.at[pl.ds(0, IB)], dib, sem).wait()

        def histo(dib):
            for k in range(IB // LN):
                idx16 = dib[pl.ds(k * LN, LN)]
                hi = lax.shift_right_logical(idx16, 7)
                lo = lax.bitwise_and(idx16, 127)
                plsc.addupdate_scatter(hist, [hi, lo], ones16)

        def block(sib, dib, waits_in, drain_out):
            for k in range(RING):
                if waits_in:
                    s_wait(k)
                g_start(sib, k, k)
            if with_hist:
                histo(dib)
            for k in range(BLK):
                sl = k % RING
                g_wait(sl)
                s_start(dib, k, sl)
                if k + RING < BLK:
                    s_wait(sl)
                    g_start(sib, k + RING, sl)
            if drain_out:
                for k in range(RING):
                    s_wait(k)

        i_start(0, sib0, dib0, is0)
        i_start(1, sib1, dib1, is1)

        def pair_body(p, carry):
            i_wait(sib0, dib0, is0)
            block(sib0, dib0, waits_in=False, drain_out=False)
            i_wait(sib1, dib1, is1)
            block(sib1, dib1, waits_in=True, drain_out=True)

            @pl.when(p < pairs - 1)
            def _():
                i_start(2 * p + 2, sib0, dib0, is0)
                i_start(2 * p + 3, sib1, dib1, is1)

            return carry

        lax.fori_loop(0, pairs, pair_body, 0)

        plsc.subcore_barrier()
        pltpu.sync_copy(accum_sh.at[pl.ds(row0, rows_per_tile)],
                        out_hbm.at[c, pl.ds(row0, rows_per_tile)])
        if with_hist:
            pltpu.sync_copy(hist, hist_hbm.at[wid])

    return agg


def _dot_t(a, w):
    return lax.dot_general(a, w, (((1,), (1,)), ((), ())),
                           preferred_element_type=jnp.float32)


def _make_tc_layer(N, D, H, relu, R=1024):
    def body(sums_ref, cnt_ref, x_ref, wl_ref, bl_ref, wr_ref, o_ref):
        sm = sums_ref[0] + sums_ref[1]
        cnt = jnp.maximum(cnt_ref[...], 1.0)
        agg = sm / cnt
        out = (_dot_t(agg, wl_ref[...]) + bl_ref[...]
               + _dot_t(x_ref[...], wr_ref[...]))
        if relu:
            out = jnp.maximum(out, 0.0)
        o_ref[...] = out

    return pl.pallas_call(
        body,
        grid=(-(-N // R),),
        in_specs=[
            pl.BlockSpec((NC, R, D), lambda i: (0, i, 0)),
            pl.BlockSpec((R, 1), lambda i: (i, 0)),
            pl.BlockSpec((R, D), lambda i: (i, 0)),
            pl.BlockSpec((H, D), lambda i: (0, 0)),
            pl.BlockSpec((1, H), lambda i: (0, 0)),
            pl.BlockSpec((H, D), lambda i: (0, 0)),
        ],
        out_specs=pl.BlockSpec((R, H), lambda i: (i, 0)),
        out_shape=jax.ShapeDtypeStruct((N, H), jnp.float32),
    )


@jax.jit
def kernel(x, edge_index, W_l1, b_l1, W_r1, W_l2, b_l2, W_r2):
    N, D = x.shape
    E = edge_index.shape[1]
    H = W_l1.shape[0]
    NW, Np, n_ch = _pad_geometry(N, E)
    e_pw = n_ch * CH
    FW = E // e_pw
    n_pad = NW * e_pw - E
    pad_src = jnp.arange(n_pad, dtype=jnp.int32) % N
    pad_dst = N + jnp.arange(n_pad, dtype=jnp.int32) % (Np - N)
    srcp = jnp.concatenate([edge_index[0, FW * e_pw:], pad_src])
    dstp = jnp.concatenate([edge_index[1, FW * e_pw:], pad_dst])

    sc_agg1 = _make_sc_agg(N, E, D, with_hist=True)
    sc_agg2 = _make_sc_agg(N, E, H, with_hist=False)
    tc1 = _make_tc_layer(N, D, H, relu=True)
    tc2 = _make_tc_layer(N, H, H, relu=False)

    sums1, hist = sc_agg1(x, edge_index, srcp, dstp)
    cnt = jnp.sum(hist, axis=0).reshape(-1, 1)
    h1 = tc1(sums1, cnt, x, W_l1, b_l1[None, :], W_r1)
    (sums2,) = sc_agg2(h1, edge_index, srcp, dstp)
    out = tc2(sums2, cnt, h1, W_l2, b_l2[None, :], W_r2)
    return out

# --- scband reference (transcript-rebuilt; emitter-appended) ---
"""Pipeline reference for scband-sage-50276887167532 (READ-ONLY COPY).

The authoritative reference and input builder live on the scoring server;
editing this copy changes nothing except your own understanding.
"""

import jax, jax.numpy as jnp
import numpy as np

N = 10000
E = 320000
D = 128
H = 128


def setup_inputs(seed: int = 0) -> dict:
    key = jax.random.key(seed)
    ks = jax.random.split(key, 9)
    x = jax.random.normal(ks[0], (N, D), dtype=jnp.float32)
    edge_index = jax.random.randint(ks[1], (2, E), 0, N, dtype=jnp.int32)
    s1 = 1.0 / np.sqrt(D)
    s2 = 1.0 / np.sqrt(H)
    W_l1 = jax.random.normal(ks[2], (H, D), dtype=jnp.float32) * s1
    b_l1 = jnp.zeros((H,), dtype=jnp.float32)
    W_r1 = jax.random.normal(ks[3], (H, D), dtype=jnp.float32) * s1
    W_l2 = jax.random.normal(ks[4], (H, H), dtype=jnp.float32) * s2
    b_l2 = jnp.zeros((H,), dtype=jnp.float32)
    W_r2 = jax.random.normal(ks[5], (H, H), dtype=jnp.float32) * s2
    return {"x": x, "edge_index": edge_index, "W_l1": W_l1, "b_l1": b_l1, "W_r1": W_r1, "W_l2": W_l2, "b_l2": b_l2, "W_r2": W_r2}


def _sage_layer(h, edge_index, Wl, bl, Wr):
    # PyG convention: edge_index[0] = source j, edge_index[1] = target i
    src = edge_index[0]
    dst = edge_index[1]
    msgs = h[src]  # gather source-node features (message = x_j)
    summed = jax.ops.segment_sum(msgs, dst, num_segments=h.shape[0])
    cnt = jax.ops.segment_sum(jnp.ones((src.shape[0], 1), dtype=h.dtype), dst, num_segments=h.shape[0])
    agg = summed / jnp.clip(cnt, 1.0, None)  # mean aggregation
    out = agg @ Wl.T + bl  # lin_l on aggregated neighbors
    out = out + h @ Wr.T   # lin_r on root features (root_weight=True, no bias)
    return out


def reference(x, edge_index, W_l1, b_l1, W_r1, W_l2, b_l2, W_r2):
    # SAGE.full_forward with num_layers=2, eval mode (dropout = identity)
    h = _sage_layer(x, edge_index, W_l1, b_l1, W_r1)
    h = jax.nn.relu(h)
    h = _sage_layer(h, edge_index, W_l2, b_l2, W_r2)
    return h

if __name__ == "__main__":
    import jax
    _d = setup_inputs()
    print(jax.jit(kernel)(*tuple(_d.values())))

</pallas_src>

<mosaic_0001>
#map = affine_map<(d0, d1) -> (0, 0)>
#map1 = affine_map<(d0, d1) -> (0)>
#map2 = affine_map<(d0, d1) -> (0, 0, 0)>
module attributes {stable_mosaic.version = 14 : i64} {
  func.func @agg(%arg0: i32, %arg1: i32, %arg2: memref<10000x128xf32, #tpu.memory_space<hbm>>, %arg3: memref<2x320000xi32, #tpu.memory_space<hbm>>, %arg4: memref<10240xi32, #tpu.memory_space<hbm>>, %arg5: memref<10240xi32, #tpu.memory_space<hbm>>, %arg6: memref<2x10112x128xf32, #tpu.memory_space<hbm>>, %arg7: memref<1024xi32, #tpu.memory_space<vmem>>, %arg8: memref<1024xi32, #tpu.memory_space<vmem>>, %arg9: memref<1024xi32, #tpu.memory_space<vmem>>, %arg10: memref<1024xi32, #tpu.memory_space<vmem>>, %arg11: memref<128x128xf32, #tpu.memory_space<vmem>>, %arg12: memref<128x128xf32, #tpu.memory_space<vmem>>, %arg13: memref<10112x128xf32, #tpu.memory_space<vmem_shared>>, %arg14: memref<!tpu.dma_semaphore, #tpu.memory_space<semaphore_mem>>, %arg15: memref<!tpu.dma_semaphore, #tpu.memory_space<semaphore_mem>>, %arg16: memref<!tpu.dma_semaphore, #tpu.memory_space<semaphore_mem>>, %arg17: memref<!tpu.dma_semaphore, #tpu.memory_space<semaphore_mem>>, %arg18: memref<!tpu.dma_semaphore, #tpu.memory_space<semaphore_mem>>, %arg19: memref<!tpu.dma_semaphore, #tpu.memory_space<semaphore_mem>>) attributes {dimension_semantics = [#tpu.dimension_semantics<core_parallel>, #tpu.dimension_semantics<subcore_parallel>], iteration_bounds = array<i64: 2, 16>, scalar_prefetch = 0 : i64, scratch_operands = 13 : i64, tpu.core_type = #tpu.core_type<sc_vector_subcore>, window_params = [{transform_indices = #map}, {transform_indices = #map}, {transform_indices = #map1}, {transform_indices = #map1}, {transform_indices = #map2}]} {
    %mul3A = arith.constant 2 : i32
    %mul3A_0 = arith.muli %arg1, %mul3A : i32
    %add3A = arith.addi %mul3A_0, %arg0 : i32
    %mul3A_1 = arith.constant 632 : i32
    %mul3A_2 = arith.muli %arg1, %mul3A_1 : i32
    %broadcast_in_dim3A = arith.constant 0.000000e+00 : f32
    %broadcast_in_dim3A_3 = vector.broadcast %broadcast_in_dim3A : f32 to vector<16xf32>
    %broadcast_in_dim3A_4 = arith.constant 1.000000e+00 : f32
    %broadcast_in_dim3A_5 = vector.broadcast %broadcast_in_dim3A_4 : f32 to vector<16xf32>
    %scan3A = arith.constant 0 : i32
    %scan3A_6 = arith.constant 0 : i32
    %scan3A_7 = arith.constant 128 : i32
    %scan3A_8 = arith.addi %scan3A_6, %scan3A_7 : i32
    %scan3A_9 = arith.constant 1 : i32
    scf.for %scan3A_44 = %scan3A_6 to %scan3A_8 step %scan3A_9  : i32 {
      %swap3A = arith.index_cast %scan3A_44 : i32 to index
      %swap3A_45 = arith.constant 0 : index
      %swap3A_46 = tpu.vector_load %arg11[%swap3A, %swap3A_45] {strides = array<i32>} : memref<128x128xf32, #tpu.memory_space<vmem>>, vector<16xf32>,
      tpu.vector_store %arg11[%swap3A, %swap3A_45], %broadcast_in_dim3A_3 {strides = array<i32>} : memref<128x128xf32, #tpu.memory_space<vmem>>, vector<16xf32>,
      %swap3A_47 = arith.index_cast %scan3A_44 : i32 to index
      %swap3A_48 = arith.constant 16 : index
      %swap3A_49 = tpu.vector_load %arg11[%swap3A_47, %swap3A_48] {strides = array<i32>} : memref<128x128xf32, #tpu.memory_space<vmem>>, vector<16xf32>,
      tpu.vector_store %arg11[%swap3A_47, %swap3A_48], %broadcast_in_dim3A_3 {strides = array<i32>} : memref<128x128xf32, #tpu.memory_space<vmem>>, vector<16xf32>,
      %swap3A_50 = arith.index_cast %scan3A_44 : i32 to index
      %swap3A_51 = arith.constant 32 : index
      %swap3A_52 = tpu.vector_load %arg11[%swap3A_50, %swap3A_51] {strides = array<i32>} : memref<128x128xf32, #tpu.memory_space<vmem>>, vector<16xf32>,
      tpu.vector_store %arg11[%swap3A_50, %swap3A_51], %broadcast_in_dim3A_3 {strides = array<i32>} : memref<128x128xf32, #tpu.memory_space<vmem>>, vector<16xf32>,
      %swap3A_53 = arith.index_cast %scan3A_44 : i32 to index
      %swap3A_54 = arith.constant 48 : index
      %swap3A_55 = tpu.vector_load %arg11[%swap3A_53, %swap3A_54] {strides = array<i32>} : memref<128x128xf32, #tpu.memory_space<vmem>>, vector<16xf32>,
      tpu.vector_store %arg11[%swap3A_53, %swap3A_54], %broadcast_in_dim3A_3 {strides = array<i32>} : memref<128x128xf32, #tpu.memory_space<vmem>>, vector<16xf32>,
      %swap3A_56 = arith.index_cast %scan3A_44 : i32 to index
      %swap3A_57 = arith.constant 64 : index
      %swap3A_58 = tpu.vector_load %arg11[%swap3A_56, %swap3A_57] {strides = array<i32>} : memref<128x128xf32, #tpu.memory_space<vmem>>, vector<16xf32>,
      tpu.vector_store %arg11[%swap3A_56, %swap3A_57], %broadcast_in_dim3A_3 {strides = array<i32>} : memref<128x128xf32, #tpu.memory_space<vmem>>, vector<16xf32>,
      %swap3A_59 = arith.index_cast %scan3A_44 : i32 to index
      %swap3A_60 = arith.constant 80 : index
      %swap3A_61 = tpu.vector_load %arg11[%swap3A_59, %swap3A_60] {strides = array<i32>} : memref<128x128xf32, #tpu.memory_space<vmem>>, vector<16xf32>,
      tpu.vector_store %arg11[%swap3A_59, %swap3A_60], %broadcast_in_dim3A_3 {strides = array<i32>} : memref<128x128xf32, #tpu.memory_space<vmem>>, vector<16xf32>,
      %swap3A_62 = arith.index_cast %scan3A_44 : i32 to index
      %swap3A_63 = arith.constant 96 : index
      %swap3A_64 = tpu.vector_load %arg11[%swap3A_62, %swap3A_63] {strides = array<i32>} : memref<128x128xf32, #tpu.memory_space<vmem>>, vector<16xf32>,
      tpu.vector_store %arg11[%swap3A_62, %swap3A_63], %broadcast_in_dim3A_3 {strides = array<i32>} : memref<128x128xf32, #tpu.memory_space<vmem>>, vector<16xf32>,
      %swap3A_65 = arith.index_cast %scan3A_44 : i32 to index
      %swap3A_66 = arith.constant 112 : index
      %swap3A_67 = tpu.vector_load %arg11[%swap3A_65, %swap3A_66] {strides = array<i32>} : memref<128x128xf32, #tpu.memory_space<vmem>>, vector<16xf32>,
      tpu.vector_store %arg11[%swap3A_65, %swap3A_66], %broadcast_in_dim3A_3 {strides = array<i32>} : memref<128x128xf32, #tpu.memory_space<vmem>>, vector<16xf32>,
    }
    %scan3A_10 = arith.constant 128 : i32
    %add3A_11 = arith.constant 0 : i32
    %add3A_12 = arith.addi %mul3A_2, %add3A_11 : i32
    "tpu.region"() ({
      %run_scoped3A = tpu.sem_alloc : memref<!tpu.dma_semaphore, #tpu.memory_space<semaphore_mem>>
      %dma_start3A = arith.constant 0 : i32
      %dma_start3A_44 = tpu.memref_slice %arg13[%add3A_12, %dma_start3A] : memref<10112x128xf32, #tpu.memory_space<vmem_shared>> -> memref<128x128xf32, #tpu.memory_space<vmem_shared>>
      %dma_start3A_45 = arith.constant 0 : i32
      %dma_start3A_46 = tpu.memref_slice %arg13[%add3A_12, %dma_start3A_45] : memref<10112x128xf32, #tpu.memory_space<vmem_shared>> -> memref<128x128xf32, #tpu.memory_space<vmem_shared>>
      tpu.enqueue_dma source(%arg11 : memref<128x128xf32, #tpu.memory_space<vmem>>) target(%dma_start3A_46 : memref<128x128xf32, #tpu.memory_space<vmem_shared>>) target_semaphore(%run_scoped3A : memref<!tpu.dma_semaphore, #tpu.memory_space<semaphore_mem>>)
      %dma_wait3A = arith.constant 0 : i32
      %dma_wait3A_47 = tpu.memref_slice %arg13[%add3A_12, %dma_wait3A] : memref<10112x128xf32, #tpu.memory_space<vmem_shared>> -> memref<128x128xf32, #tpu.memory_space<vmem_shared>>
      %dma_wait3A_48 = arith.constant 0 : i32
      %dma_wait3A_49 = tpu.memref_slice %arg13[%add3A_12, %dma_wait3A_48] : memref<10112x128xf32, #tpu.memory_space<vmem_shared>> -> memref<128x128xf32, #tpu.memory_space<vmem_shared>>
      tpu.wait_dma2 semaphore(%run_scoped3A : memref<!tpu.dma_semaphore, #tpu.memory_space<semaphore_mem>>) src(%arg11 : memref<128x128xf32, #tpu.memory_space<vmem>>) dst(%dma_wait3A_49 : memref<128x128xf32, #tpu.memory_space<vmem_shared>>)
      tpu.yield
    }) : () -> ()
    %add3A_13 = arith.constant 128 : i32
    %add3A_14 = arith.addi %mul3A_2, %add3A_13 : i32
    "tpu.region"() ({
      %run_scoped3A = tpu.sem_alloc : memref<!tpu.dma_semaphore, #tpu.memory_space<semaphore_mem>>
      %dma_start3A = arith.constant 0 : i32
      %dma_start3A_44 = tpu.memref_slice %arg13[%add3A_14, %dma_start3A] : memref<10112x128xf32, #tpu.memory_space<vmem_shared>> -> memref<128x128xf32, #tpu.memory_space<vmem_shared>>
      %dma_start3A_45 = arith.constant 0 : i32
      %dma_start3A_46 = tpu.memref_slice %arg13[%add3A_14, %dma_start3A_45] : memref<10112x128xf32, #tpu.memory_space<vmem_shared>> -> memref<128x128xf32, #tpu.memory_space<vmem_shared>>
      tpu.enqueue_dma source(%arg11 : memref<128x128xf32, #tpu.memory_space<vmem>>) target(%dma_start3A_46 : memref<128x128xf32, #tpu.memory_space<vmem_shared>>) target_semaphore(%run_scoped3A : memref<!tpu.dma_semaphore, #tpu.memory_space<semaphore_mem>>)
      %dma_wait3A = arith.constant 0 : i32
      %dma_wait3A_47 = tpu.memref_slice %arg13[%add3A_14, %dma_wait3A] : memref<10112x128xf32, #tpu.memory_space<vmem_shared>> -> memref<128x128xf32, #tpu.memory_space<vmem_shared>>
      %dma_wait3A_48 = arith.constant 0 : i32
      %dma_wait3A_49 = tpu.memref_slice %arg13[%add3A_14, %dma_wait3A_48] : memref<10112x128xf32, #tpu.memory_space<vmem_shared>> -> memref<128x128xf32, #tpu.memory_space<vmem_shared>>
      tpu.wait_dma2 semaphore(%run_scoped3A : memref<!tpu.dma_semaphore, #tpu.memory_space<semaphore_mem>>) src(%arg11 : memref<128x128xf32, #tpu.memory_space<vmem>>) dst(%dma_wait3A_49 : memref<128x128xf32, #tpu.memory_space<vmem_shared>>)
      tpu.yield
    }) : () -> ()
    %add3A_15 = arith.constant 256 : i32
    %add3A_16 = arith.addi %mul3A_2, %add3A_15 : i32
    "tpu.region"() ({
      %run_scoped3A = tpu.sem_alloc : memref<!tpu.dma_semaphore, #tpu.memory_space<semaphore_mem>>
      %dma_start3A = arith.constant 0 : i32
      %dma_start3A_44 = tpu.memref_slice %arg13[%add3A_16, %dma_start3A] : memref<10112x128xf32, #tpu.memory_space<vmem_shared>> -> memref<128x128xf32, #tpu.memory_space<vmem_shared>>
      %dma_start3A_45 = arith.constant 0 : i32
      %dma_start3A_46 = tpu.memref_slice %arg13[%add3A_16, %dma_start3A_45] : memref<10112x128xf32, #tpu.memory_space<vmem_shared>> -> memref<128x128xf32, #tpu.memory_space<vmem_shared>>
      tpu.enqueue_dma source(%arg11 : memref<128x128xf32, #tpu.memory_space<vmem>>) target(%dma_start3A_46 : memref<128x128xf32, #tpu.memory_space<vmem_shared>>) target_semaphore(%run_scoped3A : memref<!tpu.dma_semaphore, #tpu.memory_space<semaphore_mem>>)
      %dma_wait3A = arith.constant 0 : i32
      %dma_wait3A_47 = tpu.memref_slice %arg13[%add3A_16, %dma_wait3A] : memref<10112x128xf32, #tpu.memory_space<vmem_shared>> -> memref<128x128xf32, #tpu.memory_space<vmem_shared>>
      %dma_wait3A_48 = arith.constant 0 : i32
      %dma_wait3A_49 = tpu.memref_slice %arg13[%add3A_16, %dma_wait3A_48] : memref<10112x128xf32, #tpu.memory_space<vmem_shared>> -> memref<128x128xf32, #tpu.memory_space<vmem_shared>>
      tpu.wait_dma2 semaphore(%run_scoped3A : memref<!tpu.dma_semaphore, #tpu.memory_space<semaphore_mem>>) src(%arg11 : memref<128x128xf32, #tpu.memory_space<vmem>>) dst(%dma_wait3A_49 : memref<128x128xf32, #tpu.memory_space<vmem_shared>>)
      tpu.yield
    }) : () -> ()
    %add3A_17 = arith.constant 384 : i32
    %add3A_18 = arith.addi %mul3A_2, %add3A_17 : i32
    "tpu.region"() ({
      %run_scoped3A = tpu.sem_alloc : memref<!tpu.dma_semaphore, #tpu.memory_space<semaphore_mem>>
      %dma_start3A = arith.constant 0 : i32
      %dma_start3A_44 = tpu.memref_slice %arg13[%add3A_18, %dma_start3A] : memref<10112x128xf32, #tpu.memory_space<vmem_shared>> -> memref<128x128xf32, #tpu.memory_space<vmem_shared>>
      %dma_start3A_45 = arith.constant 0 : i32
      %dma_start3A_46 = tpu.memref_slice %arg13[%add3A_18, %dma_start3A_45] : memref<10112x128xf32, #tpu.memory_space<vmem_shared>> -> memref<128x128xf32, #tpu.memory_space<vmem_shared>>
      tpu.enqueue_dma source(%arg11 : memref<128x128xf32, #tpu.memory_space<vmem>>) target(%dma_start3A_46 : memref<128x128xf32, #tpu.memory_space<vmem_shared>>) target_semaphore(%run_scoped3A : memref<!tpu.dma_semaphore, #tpu.memory_space<semaphore_mem>>)
      %dma_wait3A = arith.constant 0 : i32
      %dma_wait3A_47 = tpu.memref_slice %arg13[%add3A_18, %dma_wait3A] : memref<10112x128xf32, #tpu.memory_space<vmem_shared>> -> memref<128x128xf32, #tpu.memory_space<vmem_shared>>
      %dma_wait3A_48 = arith.constant 0 : i32
      %dma_wait3A_49 = tpu.memref_slice %arg13[%add3A_18, %dma_wait3A_48] : memref<10112x128xf32, #tpu.memory_space<vmem_shared>> -> memref<128x128xf32, #tpu.memory_space<vmem_shared>>
      tpu.wait_dma2 semaphore(%run_scoped3A : memref<!tpu.dma_semaphore, #tpu.memory_space<semaphore_mem>>) src(%arg11 : memref<128x128xf32, #tpu.memory_space<vmem>>) dst(%dma_wait3A_49 : memref<128x128xf32, #tpu.memory_space<vmem_shared>>)
      tpu.yield
    }) : () -> ()
    %add3A_19 = arith.constant 512 : i32
    %add3A_20 = arith.addi %mul3A_2, %add3A_19 : i32
    "tpu.region"() ({
      %run_scoped3A = tpu.sem_alloc : memref<!tpu.dma_semaphore, #tpu.memory_space<semaphore_mem>>
      %dma_start3A = arith.constant 0 : i32
      %dma_start3A_44 = arith.constant 0 : i32
      %dma_start3A_45 = tpu.memref_slice %arg11[%dma_start3A, %dma_start3A_44] : memref<128x128xf32, #tpu.memory_space<vmem>> -> memref<120x128xf32, #tpu.memory_space<vmem>>
      %dma_start3A_46 = arith.constant 0 : i32
      %dma_start3A_47 = tpu.memref_slice %arg13[%add3A_20, %dma_start3A_46] : memref<10112x128xf32, #tpu.memory_space<vmem_shared>> -> memref<120x128xf32, #tpu.memory_space<vmem_shared>>
      %dma_start3A_48 = arith.constant 0 : i32
      %dma_start3A_49 = tpu.memref_slice %arg13[%add3A_20, %dma_start3A_48] : memref<10112x128xf32, #tpu.memory_space<vmem_shared>> -> memref<120x128xf32, #tpu.memory_space<vmem_shared>>
      %dma_start3A_50 = arith.constant 0 : i32
      %dma_start3A_51 = arith.constant 0 : i32
      %dma_start3A_52 = tpu.memref_slice %arg11[%dma_start3A_50, %dma_start3A_51] : memref<128x128xf32, #tpu.memory_space<vmem>> -> memref<120x128xf32, #tpu.memory_space<vmem>>
      tpu.enqueue_dma source(%dma_start3A_52 : memref<120x128xf32, #tpu.memory_space<vmem>>) target(%dma_start3A_49 : memref<120x128xf32, #tpu.memory_space<vmem_shared>>) target_semaphore(%run_scoped3A : memref<!tpu.dma_semaphore, #tpu.memory_space<semaphore_mem>>)
      %dma_wait3A = arith.constant 0 : i32
      %dma_wait3A_53 = arith.constant 0 : i32
      %dma_wait3A_54 = tpu.memref_slice %arg11[%dma_wait3A, %dma_wait3A_53] : memref<128x128xf32, #tpu.memory_space<vmem>> -> memref<120x128xf32, #tpu.memory_space<vmem>>
      %dma_wait3A_55 = arith.constant 0 : i32
      %dma_wait3A_56 = tpu.memref_slice %arg13[%add3A_20, %dma_wait3A_55] : memref<10112x128xf32, #tpu.memory_space<vmem_shared>> -> memref<120x128xf32, #tpu.memory_space<vmem_shared>>
      %dma_wait3A_57 = arith.constant 0 : i32
      %dma_wait3A_58 = tpu.memref_slice %arg13[%add3A_20, %dma_wait3A_57] : memref<10112x128xf32, #tpu.memory_space<vmem_shared>> -> memref<120x128xf32, #tpu.memory_space<vmem_shared>>
      %dma_wait3A_59 = arith.constant 0 : i32
      %dma_wait3A_60 = arith.constant 0 : i32
      %dma_wait3A_61 = tpu.memref_slice %arg11[%dma_wait3A_59, %dma_wait3A_60] : memref<128x128xf32, #tpu.memory_space<vmem>> -> memref<120x128xf32, #tpu.memory_space<vmem>>
      tpu.wait_dma2 semaphore(%run_scoped3A : memref<!tpu.dma_semaphore, #tpu.memory_space<semaphore_mem>>) src(%dma_wait3A_61 : memref<120x128xf32, #tpu.memory_space<vmem>>) dst(%dma_wait3A_58 : memref<120x128xf32, #tpu.memory_space<vmem_shared>>)
      tpu.yield
    }) : () -> ()
    %barrier3A = arith.constant 0 : index
    tpu.barrier barrier_id(%barrier3A)
    %lt3A = arith.constant 31 : i32
    %lt3A_21 = arith.cmpi slt, %add3A, %lt3A : i32
    %convert_element_type3A = arith.extui %lt3A_21 : i1 to i32
    %cond3A = arith.constant 0 : i32
    %cond3A_22 = arith.cmpi ne, %convert_element_type3A, %cond3A : i32
    scf.if %cond3A_22 {
      %mul3A_44 = arith.constant 10240 : i32
      %mul3A_45 = arith.muli %add3A, %mul3A_44 : i32
      %add3A_46 = arith.constant 0 : i32
      %add3A_47 = arith.addi %mul3A_45, %add3A_46 : i32
      %dma_start3A = arith.constant 0 : i32
      %dma_start3A_48 = tpu.memref_slice %arg3[%dma_start3A, %add3A_47] : memref<2x320000xi32, #tpu.memory_space<hbm>> -> memref<1x1024xi32, #tpu.memory_space<hbm>>
      %dma_start3A_49 = tpu.memref_squeeze %dma_start3A_48 : memref<1x1024xi32, #tpu.memory_space<hbm>> -> memref<1024xi32, #tpu.memory_space<hbm>>
      %dma_start3A_50 = tpu.memref_slice %arg3[%dma_start3A, %add3A_47] : memref<2x320000xi32, #tpu.memory_space<hbm>> -> memref<1x1024xi32, #tpu.memory_space<hbm>>
      %dma_start3A_51 = tpu.memref_squeeze %dma_start3A_50 : memref<1x1024xi32, #tpu.memory_space<hbm>> -> memref<1024xi32, #tpu.memory_space<hbm>>
      tpu.enqueue_dma source(%dma_start3A_51 : memref<1024xi32, #tpu.memory_space<hbm>>) target(%arg7 : memref<1024xi32, #tpu.memory_space<vmem>>) target_semaphore(%arg18 : memref<!tpu.dma_semaphore, #tpu.memory_space<semaphore_mem>>)
      %dma_start3A_52 = arith.constant 1 : i32
      %dma_start3A_53 = tpu.memref_slice %arg3[%dma_start3A_52, %add3A_47] : memref<2x320000xi32, #tpu.memory_space<hbm>> -> memref<1x1024xi32, #tpu.memory_space<hbm>>
      %dma_start3A_54 = tpu.memref_squeeze %dma_start3A_53 : memref<1x1024xi32, #tpu.memory_space<hbm>> -> memref<1024xi32, #tpu.memory_space<hbm>>
      %dma_start3A_55 = tpu.memref_slice %arg3[%dma_start3A_52, %add3A_47] : memref<2x320000xi32, #tpu.memory_space<hbm>> -> memref<1x1024xi32, #tpu.memory_space<hbm>>
      %dma_start3A_56 = tpu.memref_squeeze %dma_start3A_55 : memref<1x1024xi32, #tpu.memory_space<hbm>> -> memref<1024xi32, #tpu.memory_space<hbm>>
      tpu.enqueue_dma source(%dma_start3A_56 : memref<1024xi32, #tpu.memory_space<hbm>>) target(%arg9 : memref<1024xi32, #tpu.memory_space<vmem>>) target_semaphore(%arg18 : memref<!tpu.dma_semaphore, #tpu.memory_space<semaphore_mem>>)
    } else {
    }
    %ge3A = arith.constant 31 : i32
    %ge3A_23 = arith.cmpi sge, %add3A, %ge3A : i32
    %convert_element_type3A_24 = arith.extui %ge3A_23 : i1 to i32
    %cond3A_25 = arith.constant 0 : i32
    %cond3A_26 = arith.cmpi ne, %convert_element_type3A_24, %cond3A_25 : i32
    scf.if %cond3A_26 {
      %sub3A = arith.constant 31 : i32
      %sub3A_44 = arith.subi %add3A, %sub3A : i32
      %mul3A_45 = arith.constant 10240 : i32
      %mul3A_46 = arith.muli %sub3A_44, %mul3A_45 : i32
      %add3A_47 = arith.constant 0 : i32
      %add3A_48 = arith.addi %mul3A_46, %add3A_47 : i32
      %dma_start3A = tpu.memref_slice %arg4[%add3A_48] : memref<10240xi32, #tpu.memory_space<hbm>> -> memref<1024xi32, #tpu.memory_space<hbm>>
      %dma_start3A_49 = tpu.memref_slice %arg4[%add3A_48] : memref<10240xi32, #tpu.memory_space<hbm>> -> memref<1024xi32, #tpu.memory_space<hbm>>
      tpu.enqueue_dma source(%dma_start3A_49 : memref<1024xi32, #tpu.memory_space<hbm>>) target(%arg7 : memref<1024xi32, #tpu.memory_space<vmem>>) target_semaphore(%arg18 : memref<!tpu.dma_semaphore, #tpu.memory_space<semaphore_mem>>)
      %dma_start3A_50 = tpu.memref_slice %arg5[%add3A_48] : memref<10240xi32, #tpu.memory_space<hbm>> -> memref<1024xi32, #tpu.memory_space<hbm>>
      %dma_start3A_51 = tpu.memref_slice %arg5[%add3A_48] : memref<10240xi32, #tpu.memory_space<hbm>> -> memref<1024xi32, #tpu.memory_space<hbm>>
      tpu.enqueue_dma source(%dma_start3A_51 : memref<1024xi32, #tpu.memory_space<hbm>>) target(%arg9 : memref<1024xi32, #tpu.memory_space<vmem>>) target_semaphore(%arg18 : memref<!tpu.dma_semaphore, #tpu.memory_space<semaphore_mem>>)
    } else {
    }
    %lt3A_27 = arith.constant 31 : i32
    %lt3A_28 = arith.cmpi slt, %add3A, %lt3A_27 : i32
    %convert_element_type3A_29 = arith.extui %lt3A_28 : i1 to i32
    %cond3A_30 = arith.constant 0 : i32
    %cond3A_31 = arith.cmpi ne, %convert_element_type3A_29, %cond3A_30 : i32
    scf.if %cond3A_31 {
      %mul3A_44 = arith.constant 10240 : i32
      %mul3A_45 = arith.muli %add3A, %mul3A_44 : i32
      %add3A_46 = arith.constant 1024 : i32
      %add3A_47 = arith.addi %mul3A_45, %add3A_46 : i32
      %dma_start3A = arith.constant 0 : i32
      %dma_start3A_48 = tpu.memref_slice %arg3[%dma_start3A, %add3A_47] : memref<2x320000xi32, #tpu.memory_space<hbm>> -> memref<1x1024xi32, #tpu.memory_space<hbm>>
      %dma_start3A_49 = tpu.memref_squeeze %dma_start3A_48 : memref<1x1024xi32, #tpu.memory_space<hbm>> -> memref<1024xi32, #tpu.memory_space<hbm>>
      %dma_start3A_50 = tpu.memref_slice %arg3[%dma_start3A, %add3A_47] : memref<2x320000xi32, #tpu.memory_space<hbm>> -> memref<1x1024xi32, #tpu.memory_space<hbm>>
      %dma_start3A_51 = tpu.memref_squeeze %dma_start3A_50 : memref<1x1024xi32, #tpu.memory_space<hbm>> -> memref<1024xi32, #tpu.memory_space<hbm>>
      tpu.enqueue_dma source(%dma_start3A_51 : memref<1024xi32, #tpu.memory_space<hbm>>) target(%arg8 : memref<1024xi32, #tpu.memory_space<vmem>>) target_semaphore(%arg19 : memref<!tpu.dma_semaphore, #tpu.memory_space<semaphore_mem>>)
      %dma_start3A_52 = arith.constant 1 : i32
      %dma_start3A_53 = tpu.memref_slice %arg3[%dma_start3A_52, %add3A_47] : memref<2x320000xi32, #tpu.memory_space<hbm>> -> memref<1x1024xi32, #tpu.memory_space<hbm>>
      %dma_start3A_54 = tpu.memref_squeeze %dma_start3A_53 : memref<1x1024xi32, #tpu.memory_space<hbm>> -> memref<1024xi32, #tpu.memory_space<hbm>>
      %dma_start3A_55 = tpu.memref_slice %arg3[%dma_start3A_52, %add3A_47] : memref<2x320000xi32, #tpu.memory_space<hbm>> -> memref<1x1024xi32, #tpu.memory_space<hbm>>
      %dma_start3A_56 = tpu.memref_squeeze %dma_start3A_55 : memref<1x1024xi32, #tpu.memory_space<hbm>> -> memref<1024xi32, #tpu.memory_space<hbm>>
      tpu.enqueue_dma source(%dma_start3A_56 : memref<1024xi32, #tpu.memory_space<hbm>>) target(%arg10 : memref<1024xi32, #tpu.memory_space<vmem>>) target_semaphore(%arg19 : memref<!tpu.dma_semaphore, #tpu.memory_space<semaphore_mem>>)
    } else {
    }
    %ge3A_32 = arith.constant 31 : i32
    %ge3A_33 = arith.cmpi sge, %add3A, %ge3A_32 : i32
    %convert_element_type3A_34 = arith.extui %ge3A_33 : i1 to i32
    %cond3A_35 = arith.constant 0 : i32
    %cond3A_36 = arith.cmpi ne, %convert_element_type3A_34, %cond3A_35 : i32
    scf.if %cond3A_36 {
      %sub3A = arith.constant 31 : i32
      %sub3A_44 = arith.subi %add3A, %sub3A : i32
      %mul3A_45 = arith.constant 10240 : i32
      %mul3A_46 = arith.muli %sub3A_44, %mul3A_45 : i32
      %add3A_47 = arith.constant 1024 : i32
      %add3A_48 = arith.addi %mul3A_46, %add3A_47 : i32
      %dma_start3A = tpu.memref_slice %arg4[%add3A_48] : memref<10240xi32, #tpu.memory_space<hbm>> -> memref<1024xi32, #tpu.memory_space<hbm>>
      %dma_start3A_49 = tpu.memref_slice %arg4[%add3A_48] : memref<10240xi32, #tpu.memory_space<hbm>> -> memref<1024xi32, #tpu.memory_space<hbm>>
      tpu.enqueue_dma source(%dma_start3A_49 : memref<1024xi32, #tpu.memory_space<hbm>>) target(%arg8 : memref<1024xi32, #tpu.memory_space<vmem>>) target_semaphore(%arg19 : memref<!tpu.dma_semaphore, #tpu.memory_space<semaphore_mem>>)
      %dma_start3A_50 = tpu.memref_slice %arg5[%add3A_48] : memref<10240xi32, #tpu.memory_space<hbm>> -> memref<1024xi32, #tpu.memory_space<hbm>>
      %dma_start3A_51 = tpu.memref_slice %arg5[%add3A_48] : memref<10240xi32, #tpu.memory_space<hbm>> -> memref<1024xi32, #tpu.memory_space<hbm>>
      tpu.enqueue_dma source(%dma_start3A_51 : memref<1024xi32, #tpu.memory_space<hbm>>) target(%arg10 : memref<1024xi32, #tpu.memory_space<vmem>>) target_semaphore(%arg19 : memref<!tpu.dma_semaphore, #tpu.memory_space<semaphore_mem>>)
    } else {
    }
    %scan3A_37 = arith.constant 0 : i32
    %scan3A_38 = arith.constant 0 : i32
    %scan3A_39 = arith.constant 5 : i32
    %scan3A_40 = arith.addi %scan3A_38, %scan3A_39 : i32
    %scan3A_41 = arith.constant 1 : i32
    scf.for %scan3A_44 = %scan3A_38 to %scan3A_40 step %scan3A_41  : i32 {
      %dma_wait3A = arith.constant 0 : i32
      %dma_wait3A_45 = tpu.memref_slice %arg4[%dma_wait3A] : memref<10240xi32, #tpu.memory_space<hbm>> -> memref<1024xi32, #tpu.memory_space<hbm>>
      %dma_wait3A_46 = arith.constant 0 : i32
      %dma_wait3A_47 = tpu.memref_slice %arg4[%dma_wait3A_46] : memref<10240xi32, #tpu.memory_space<hbm>> -> memref<1024xi32, #tpu.memory_space<hbm>>
      tpu.wait_dma2 semaphore(%arg18 : memref<!tpu.dma_semaphore, #tpu.memory_space<semaphore_mem>>) src(%dma_wait3A_47 : memref<1024xi32, #tpu.memory_space<hbm>>) dst(%arg7 : memref<1024xi32, #tpu.memory_space<vmem>>)
      %dma_wait3A_48 = arith.constant 0 : i32
      %dma_wait3A_49 = tpu.memref_slice %arg4[%dma_wait3A_48] : memref<10240xi32, #tpu.memory_space<hbm>> -> memref<1024xi32, #tpu.memory_space<hbm>>
      %dma_wait3A_50 = arith.constant 0 : i32
      %dma_wait3A_51 = tpu.memref_slice %arg4[%dma_wait3A_50] : memref<10240xi32, #tpu.memory_space<hbm>> -> memref<1024xi32, #tpu.memory_space<hbm>>
      tpu.wait_dma2 semaphore(%arg18 : memref<!tpu.dma_semaphore, #tpu.memory_space<semaphore_mem>>) src(%dma_wait3A_51 : memref<1024xi32, #tpu.memory_space<hbm>>) dst(%arg9 : memref<1024xi32, #tpu.memory_space<vmem>>)
      %dma_start3A = arith.constant 0 : i32
      %dma_start3A_52 = tpu.memref_slice %arg7[%dma_start3A] : memref<1024xi32, #tpu.memory_space<vmem>> -> memref<128xi32, #tpu.memory_space<vmem>>
      %dma_start3A_53 = arith.constant 0 : i32
      %dma_start3A_54 = arith.constant 0 : i32
      %dma_start3A_55 = tpu.memref_slice %arg2[%dma_start3A_53, %dma_start3A_54] : memref<10000x128xf32, #tpu.memory_space<hbm>> -> memref<10000x128xf32, #tpu.memory_space<hbm>>
      tpu.enqueue_indirect_dma source(%dma_start3A_55 : memref<10000x128xf32, #tpu.memory_space<hbm>>) target(%arg11 : memref<128x128xf32, #tpu.memory_space<vmem>>) offsets(%dma_start3A_52 : memref<128xi32, #tpu.memory_space<vmem>>) semaphore(%arg14 : memref<!tpu.dma_semaphore, #tpu.memory_space<semaphore_mem>>)
      %dma_start3A_56 = arith.constant 128 : i32
      %dma_start3A_57 = tpu.memref_slice %arg7[%dma_start3A_56] : memref<1024xi32, #tpu.memory_space<vmem>> -> memref<128xi32, #tpu.memory_space<vmem>>
      %dma_start3A_58 = arith.constant 0 : i32
      %dma_start3A_59 = arith.constant 0 : i32
      %dma_start3A_60 = tpu.memref_slice %arg2[%dma_start3A_58, %dma_start3A_59] : memref<10000x128xf32, #tpu.memory_space<hbm>> -> memref<10000x128xf32, #tpu.memory_space<hbm>>
      tpu.enqueue_indirect_dma source(%dma_start3A_60 : memref<10000x128xf32, #tpu.memory_space<hbm>>) target(%arg12 : memref<128x128xf32, #tpu.memory_space<vmem>>) offsets(%dma_start3A_57 : memref<128xi32, #tpu.memory_space<vmem>>) semaphore(%arg15 : memref<!tpu.dma_semaphore, #tpu.memory_space<semaphore_mem>>)
      %dma_wait3A_61 = arith.constant 0 : i32
      %dma_wait3A_62 = arith.constant 0 : i32
      %dma_wait3A_63 = tpu.memref_slice %arg2[%dma_wait3A_61, %dma_wait3A_62] : memref<10000x128xf32, #tpu.memory_space<hbm>> -> memref<128x128xf32, #tpu.memory_space<hbm>>
      %dma_wait3A_64 = arith.constant 0 : i32
      %dma_wait3A_65 = arith.constant 0 : i32
      %dma_wait3A_66 = tpu.memref_slice %arg2[%dma_wait3A_64, %dma_wait3A_65] : memref<10000x128xf32, #tpu.memory_space<hbm>> -> memref<128x128xf32, #tpu.memory_space<hbm>>
      tpu.wait_dma2 semaphore(%arg14 : memref<!tpu.dma_semaphore, #tpu.memory_space<semaphore_mem>>) src(%dma_wait3A_66 : memref<128x128xf32, #tpu.memory_space<hbm>>) dst(%arg11 : memref<128x128xf32, #tpu.memory_space<vmem>>)
      %dma_start3A_67 = arith.constant 0 : i32
      %dma_start3A_68 = tpu.memref_slice %arg9[%dma_start3A_67] : memref<1024xi32, #tpu.memory_space<vmem>> -> memref<128xi32, #tpu.memory_space<vmem>>
      %dma_start3A_69 = arith.constant 0 : i32
      %dma_start3A_70 = arith.constant 0 : i32
      %dma_start3A_71 = tpu.memref_slice %arg13[%dma_start3A_69, %dma_start3A_70] : memref<10112x128xf32, #tpu.memory_space<vmem_shared>> -> memref<10112x128xf32, #tpu.memory_space<vmem_shared>>
      tpu.enqueue_indirect_dma source(%arg11 : memref<128x128xf32, #tpu.memory_space<vmem>>) target(%dma_start3A_71 : memref<10112x128xf32, #tpu.memory_space<vmem_shared>>) offsets(%dma_start3A_68 : memref<128xi32, #tpu.memory_space<vmem>>) semaphore(%arg16 : memref<!tpu.dma_semaphore, #tpu.memory_space<semaphore_mem>>) {add = true}
      %dma_wait3A_72 = arith.constant 0 : i32
      %dma_wait3A_73 = arith.constant 0 : i32
      %dma_wait3A_74 = tpu.memref_slice %arg2[%dma_wait3A_72, %dma_wait3A_73] : memref<10000x128xf32, #tpu.memory_space<hbm>> -> memref<128x128xf32, #tpu.memory_space<hbm>>
      %dma_wait3A_75 = arith.constant 0 : i32
      %dma_wait3A_76 = arith.constant 0 : i32
      %dma_wait3A_77 = tpu.memref_slice %arg2[%dma_wait3A_75, %dma_wait3A_76] : memref<10000x128xf32, #tpu.memory_space<hbm>> -> memref<128x128xf32, #tpu.memory_space<hbm>>
      tpu.wait_dma2 semaphore(%arg16 : memref<!tpu.dma_semaphore, #tpu.memory_space<semaphore_mem>>) src(%dma_wait3A_77 : memref<128x128xf32, #tpu.memory_space<hbm>>) dst(%arg11 : memref<128x128xf32, #tpu.memory_space<vmem>>)
      %dma_start3A_78 = arith.constant 256 : i32
      %dma_start3A_79 = tpu.memref_slice %arg7[%dma_start3A_78] : memref<1024xi32, #tpu.memory_space<vmem>> -> memref<128xi32, #tpu.memory_space<vmem>>
      %dma_start3A_80 = arith.constant 0 : i32
      %dma_start3A_81 = arith.constant 0 : i32
      %dma_start3A_82 = tpu.memref_slice %arg2[%dma_start3A_80, %dma_start3A_81] : memref<10000x128xf32, #tpu.memory_space<hbm>> -> memref<10000x128xf32, #tpu.memory_space<hbm>>
      tpu.enqueue_indirect_dma source(%dma_start3A_82 : memref<10000x128xf32, #tpu.memory_space<hbm>>) target(%arg11 : memref<128x128xf32, #tpu.memory_space<vmem>>) offsets(%dma_start3A_79 : memref<128xi32, #tpu.memory_space<vmem>>) semaphore(%arg14 : memref<!tpu.dma_semaphore, #tpu.memory_space<semaphore_mem>>)
      %dma_wait3A_83 = arith.constant 0 : i32
      %dma_wait3A_84 = arith.constant 0 : i32
      %dma_wait3A_85 = tpu.memref_slice %arg2[%dma_wait3A_83, %dma_wait3A_84] : memref<10000x128xf32, #tpu.memory_space<hbm>> -> memref<128x128xf32, #tpu.memory_space<hbm>>
      %dma_wait3A_86 = arith.constant 0 : i32
      %dma_wait3A_87 = arith.constant 0 : i32
      %dma_wait3A_88 = tpu.memref_slice %arg2[%dma_wait3A_86, %dma_wait3A_87] : memref<10000x128xf32, #tpu.memory_space<hbm>> -> memref<128x128xf32, #tpu.memory_space<hbm>>
      tpu.wait_dma2 semaphore(%arg15 : memref<!tpu.dma_semaphore, #tpu.memory_space<semaphore_mem>>) src(%dma_wait3A_88 : memref<128x128xf32, #tpu.memory_space<hbm>>) dst(%arg12 : memref<128x128xf32, #tpu.memory_space<vmem>>)
      %dma_start3A_89 = arith.constant 128 : i32
      %dma_start3A_90 = tpu.memref_slice %arg9[%dma_start3A_89] : memref<1024xi32, #tpu.memory_space<vmem>> -> memref<128xi32, #tpu.memory_space<vmem>>
      %dma_start3A_91 = arith.constant 0 : i32
      %dma_start3A_92 = arith.constant 0 : i32
      %dma_start3A_93 = tpu.memref_slice %arg13[%dma_start3A_91, %dma_start3A_92] : memref<10112x128xf32, #tpu.memory_space<vmem_shared>> -> memref<10112x128xf32, #tpu.memory_space<vmem_shared>>
      tpu.enqueue_indirect_dma source(%arg12 : memref<128x128xf32, #tpu.memory_space<vmem>>) target(%dma_start3A_93 : memref<10112x128xf32, #tpu.memory_space<vmem_shared>>) offsets(%dma_start3A_90 : memref<128xi32, #tpu.memory_space<vmem>>) semaphore(%arg17 : memref<!tpu.dma_semaphore, #tpu.memory_space<semaphore_mem>>) {add = true}
      %dma_wait3A_94 = arith.constant 0 : i32
      %dma_wait3A_95 = arith.constant 0 : i32
      %dma_wait3A_96 = tpu.memref_slice %arg2[%dma_wait3A_94, %dma_wait3A_95] : memref<10000x128xf32, #tpu.memory_space<hbm>> -> memref<128x128xf32, #tpu.memory_space<hbm>>
      %dma_wait3A_97 = arith.constant 0 : i32
      %dma_wait3A_98 = arith.constant 0 : i32
      %dma_wait3A_99 = tpu.memref_slice %arg2[%dma_wait3A_97, %dma_wait3A_98] : memref<10000x128xf32, #tpu.memory_space<hbm>> -> memref<128x128xf32, #tpu.memory_space<hbm>>
      tpu.wait_dma2 semaphore(%arg17 : memref<!tpu.dma_semaphore, #tpu.memory_space<semaphore_mem>>) src(%dma_wait3A_99 : memref<128x128xf32, #tpu.memory_space<hbm>>) dst(%arg12 : memref<128x128xf32, #tpu.memory_space<vmem>>)
      %dma_start3A_100 = arith.constant 384 : i32
      %dma_start3A_101 = tpu.memref_slice %arg7[%dma_start3A_100] : memref<1024xi32, #tpu.memory_space<vmem>> -> memref<128xi32, #tpu.memory_space<vmem>>
      %dma_start3A_102 = arith.constant 0 : i32
      %dma_start3A_103 = arith.constant 0 : i32
      %dma_start3A_104 = tpu.memref_slice %arg2[%dma_start3A_102, %dma_start3A_103] : memref<10000x128xf32, #tpu.memory_space<hbm>> -> memref<10000x128xf32, #tpu.memory_space<hbm>>
      tpu.enqueue_indirect_dma source(%dma_start3A_104 : memref<10000x128xf32, #tpu.memory_space<hbm>>) target(%arg12 : memref<128x128xf32, #tpu.memory_space<vmem>>) offsets(%dma_start3A_101 : memref<128xi32, #tpu.memory_space<vmem>>) semaphore(%arg15 : memref<!tpu.dma_semaphore, #tpu.memory_space<semaphore_mem>>)
      %dma_wait3A_105 = arith.constant 0 : i32
      %dma_wait3A_106 = arith.constant 0 : i32
      %dma_wait3A_107 = tpu.memref_slice %arg2[%dma_wait3A_105, %dma_wait3A_106] : memref<10000x128xf32, #tpu.memory_space<hbm>> -> memref<128x128xf32, #tpu.memory_space<hbm>>
      %dma_wait3A_108 = arith.constant 0 : i32
      %dma_wait3A_109 = arith.constant 0 : i32
      %dma_wait3A_110 = tpu.memref_slice %arg2[%dma_wait3A_108, %dma_wait3A_109] : memref<10000x128xf32, #tpu.memory_space<hbm>> -> memref<128x128xf32, #tpu.memory_space<hbm>>
      tpu.wait_dma2 semaphore(%arg14 : memref<!tpu.dma_semaphore, #tpu.memory_space<semaphore_mem>>) src(%dma_wait3A_110 : memref<128x128xf32, #tpu.memory_space<hbm>>) dst(%arg11 : memref<128x128xf32, #tpu.memory_space<vmem>>)
      %dma_start3A_111 = arith.constant 256 : i32
      %dma_start3A_112 = tpu.memref_slice %arg9[%dma_start3A_111] : memref<1024xi32, #tpu.memory_space<vmem>> -> memref<128xi32, #tpu.memory_space<vmem>>
      %dma_start3A_113 = arith.constant 0 : i32
      %dma_start3A_114 = arith.constant 0 : i32
      %dma_start3A_115 = tpu.memref_slice %arg13[%dma_start3A_113, %dma_start3A_114] : memref<10112x128xf32, #tpu.memory_space<vmem_shared>> -> memref<10112x128xf32, #tpu.memory_space<vmem_shared>>
      tpu.enqueue_indirect_dma source(%arg11 : memref<128x128xf32, #tpu.memory_space<vmem>>) target(%dma_start3A_115 : memref<10112x128xf32, #tpu.memory_space<vmem_shared>>) offsets(%dma_start3A_112 : memref<128xi32, #tpu.memory_space<vmem>>) semaphore(%arg16 : memref<!tpu.dma_semaphore, #tpu.memory_space<semaphore_mem>>) {add = true}
      %dma_wait3A_116 = arith.constant 0 : i32
      %dma_wait3A_117 = arith.constant 0 : i32
      %dma_wait3A_118 = tpu.memref_slice %arg2[%dma_wait3A_116, %dma_wait3A_117] : memref<10000x128xf32, #tpu.memory_space<hbm>> -> memref<128x128xf32, #tpu.memory_space<hbm>>
      %dma_wait3A_119 = arith.constant 0 : i32
      %dma_wait3A_120 = arith.constant 0 : i32
      %dma_wait3A_121 = tpu.memref_slice %arg2[%dma_wait3A_119, %dma_wait3A_120] : memref<10000x128xf32, #tpu.memory_space<hbm>> -> memref<128x128xf32, #tpu.memory_space<hbm>>
      tpu.wait_dma2 semaphore(%arg16 : memref<!tpu.dma_semaphore, #tpu.memory_space<semaphore_mem>>) src(%dma_wait3A_121 : memref<128x128xf32, #tpu.memory_space<hbm>>) dst(%arg11 : memref<128x128xf32, #tpu.memory_space<vmem>>)
      %dma_start3A_122 = arith.constant 512 : i32
      %dma_start3A_123 = tpu.memref_slice %arg7[%dma_start3A_122] : memref<1024xi32, #tpu.memory_space<vmem>> -> memref<128xi32, #tpu.memory_space<vmem>>
      %dma_start3A_124 = arith.constant 0 : i32
      %dma_start3A_125 = arith.constant 0 : i32
      %dma_start3A_126 = tpu.memref_slice %arg2[%dma_start3A_124, %dma_start3A_125] : memref<10000x128xf32, #tpu.memory_space<hbm>> -> memref<10000x128xf32, #tpu.memory_space<hbm>>
      tpu.enqueue_indirect_dma source(%dma_start3A_126 : memref<10000x128xf32, #tpu.memory_space<hbm>>) target(%arg11 : memref<128x128xf32, #tpu.memory_space<vmem>>) offsets(%dma_start3A_123 : memref<128xi32, #tpu.memory_space<vmem>>) semaphore(%arg14 : memref<!tpu.dma_semaphore, #tpu.memory_space<semaphore_mem>>)
      %dma_wait3A_127 = arith.constant 0 : i32
      %dma_wait3A_128 = arith.constant 0 : i32
      %dma_wait3A_129 = tpu.memref_slice %arg2[%dma_wait3A_127, %dma_wait3A_128] : memref<10000x128xf32, #tpu.memory_space<hbm>> -> memref<128x128xf32, #tpu.memory_space<hbm>>
      %dma_wait3A_130 = arith.constant 0 : i32
      %dma_wait3A_131 = arith.constant 0 : i32
      %dma_wait3A_132 = tpu.memref_slice %arg2[%dma_wait3A_130, %dma_wait3A_131] : memref<10000x128xf32, #tpu.memory_space<hbm>> -> memref<128x128xf32, #tpu.memory_space<hbm>>
      tpu.wait_dma2 semaphore(%arg15 : memref<!tpu.dma_semaphore, #tpu.memory_space<semaphore_mem>>) src(%dma_wait3A_132 : memref<128x128xf32, #tpu.memory_space<hbm>>) dst(%arg12 : memref<128x128xf32, #tpu.memory_space<vmem>>)
      %dma_start3A_133 = arith.constant 384 : i32
      %dma_start3A_134 = tpu.memref_slice %arg9[%dma_start3A_133] : memref<1024xi32, #tpu.memory_space<vmem>> -> memref<128xi32, #tpu.memory_space<vmem>>
      %dma_start3A_135 = arith.constant 0 : i32
      %dma_start3A_136 = arith.constant 0 : i32
      %dma_start3A_137 = tpu.memref_slice %arg13[%dma_start3A_135, %dma_start3A_136] : memref<10112x128xf32, #tpu.memory_space<vmem_shared>> -> memref<10112x128xf32, #tpu.memory_space<vmem_shared>>
      tpu.enqueue_indirect_dma source(%arg12 : memref<128x128xf32, #tpu.memory_space<vmem>>) target(%dma_start3A_137 : memref<10112x128xf32, #tpu.memory_space<vmem_shared>>) offsets(%dma_start3A_134 : memref<128xi32, #tpu.memory_space<vmem>>) semaphore(%arg17 : memref<!tpu.dma_semaphore, #tpu.memory_space<semaphore_mem>>) {add = true}
      %dma_wait3A_138 = arith.constant 0 : i32
      %dma_wait3A_139 = arith.constant 0 : i32
      %dma_wait3A_140 = tpu.memref_slice %arg2[%dma_wait3A_138, %dma_wait3A_139] : memref<10000x128xf32, #tpu.memory_space<hbm>> -> memref<128x128xf32, #tpu.memory_space<hbm>>
      %dma_wait3A_141 = arith.constant 0 : i32
      %dma_wait3A_142 = arith.constant 0 : i32
      %dma_wait3A_143 = tpu.memref_slice %arg2[%dma_wait3A_141, %dma_wait3A_142] : memref<10000x128xf32, #tpu.memory_space<hbm>> -> memref<128x128xf32, #tpu.memory_space<hbm>>
      tpu.wait_dma2 semaphore(%arg17 : memref<!tpu.dma_semaphore, #tpu.memory_space<semaphore_mem>>) src(%dma_wait3A_143 : memref<128x128xf32, #tpu.memory_space<hbm>>) dst(%arg12 : memref<128x128xf32, #tpu.memory_space<vmem>>)
      %dma_start3A_144 = arith.constant 640 : i32
      %dma_start3A_145 = tpu.memref_slice %arg7[%dma_start3A_144] : memref<1024xi32, #tpu.memory_space<vmem>> -> memref<128xi32, #tpu.memory_space<vmem>>
      %dma_start3A_146 = arith.constant 0 : i32
      %dma_start3A_147 = arith.constant 0 : i32
      %dma_start3A_148 = tpu.memref_slice %arg2[%dma_start3A_146, %dma_start3A_147] : memref<10000x128xf32, #tpu.memory_space<hbm>> -> memref<10000x128xf32, #tpu.memory_space<hbm>>
      tpu.enqueue_indirect_dma source(%dma_start3A_148 : memref<10000x128xf32, #tpu.memory_space<hbm>>) target(%arg12 : memref<128x128xf32, #tpu.memory_space<vmem>>) offsets(%dma_start3A_145 : memref<128xi32, #tpu.memory_space<vmem>>) semaphore(%arg15 : memref<!tpu.dma_semaphore, #tpu.memory_space<semaphore_mem>>)
      %dma_wait3A_149 = arith.constant 0 : i32
      %dma_wait3A_150 = arith.constant 0 : i32
      %dma_wait3A_151 = tpu.memref_slice %arg2[%dma_wait3A_149, %dma_wait3A_150] : memref<10000x128xf32, #tpu.memory_space<hbm>> -> memref<128x128xf32, #tpu.memory_space<hbm>>
      %dma_wait3A_152 = arith.constant 0 : i32
      %dma_wait3A_153 = arith.constant 0 : i32
      %dma_wait3A_154 = tpu.memref_slice %arg2[%dma_wait3A_152, %dma_wait3A_153] : memref<10000x128xf32, #tpu.memory_space<hbm>> -> memref<128x128xf32, #tpu.memory_space<hbm>>
      tpu.wait_dma2 semaphore(%arg14 : memref<!tpu.dma_semaphore, #tpu.memory_space<semaphore_mem>>) src(%dma_wait3A_154 : memref<128x128xf32, #tpu.memory_space<hbm>>) dst(%arg11 : memref<128x128xf32, #tpu.memory_space<vmem>>)
      %dma_start3A_155 = arith.constant 512 : i32
      %dma_start3A_156 = tpu.memref_slice %arg9[%dma_start3A_155] : memref<1024xi32, #tpu.memory_space<vmem>> -> memref<128xi32, #tpu.memory_space<vmem>>
      %dma_start3A_157 = arith.constant 0 : i32
      %dma_start3A_158 = arith.constant 0 : i32
      %dma_start3A_159 = tpu.memref_slice %arg13[%dma_start3A_157, %dma_start3A_158] : memref<10112x128xf32, #tpu.memory_space<vmem_shared>> -> memref<10112x128xf32, #tpu.memory_space<vmem_shared>>
      tpu.enqueue_indirect_dma source(%arg11 : memref<128x128xf32, #tpu.memory_space<vmem>>) target(%dma_start3A_159 : memref<10112x128xf32, #tpu.memory_space<vmem_shared>>) offsets(%dma_start3A_156 : memref<128xi32, #tpu.memory_space<vmem>>) semaphore(%arg16 : memref<!tpu.dma_semaphore, #tpu.memory_space<semaphore_mem>>) {add = true}
      %dma_wait3A_160 = arith.constant 0 : i32
      %dma_wait3A_161 = arith.constant 0 : i32
      %dma_wait3A_162 = tpu.memref_slice %arg2[%dma_wait3A_160, %dma_wait3A_161] : memref<10000x128xf32, #tpu.memory_space<hbm>> -> memref<128x128xf32, #tpu.memory_space<hbm>>
      %dma_wait3A_163 = arith.constant 0 : i32
      %dma_wait3A_164 = arith.constant 0 : i32
      %dma_wait3A_165 = tpu.memref_slice %arg2[%dma_wait3A_163, %dma_wait3A_164] : memref<10000x128xf32, #tpu.memory_space<hbm>> -> memref<128x128xf32, #tpu.memory_space<hbm>>
      tpu.wait_dma2 semaphore(%arg16 : memref<!tpu.dma_semaphore, #tpu.memory_space<semaphore_mem>>) src(%dma_wait3A_165 : memref<128x128xf32, #tpu.memory_space<hbm>>) dst(%arg11 : memref<128x128xf32, #tpu.memory_space<vmem>>)
      %dma_start3A_166 = arith.constant 768 : i32
      %dma_start3A_167 = tpu.memref_slice %arg7[%dma_start3A_166] : memref<1024xi32, #tpu.memory_space<vmem>> -> memref<128xi32, #tpu.memory_space<vmem>>
      %dma_start3A_168 = arith.constant 0 : i32
      %dma_start3A_169 = arith.constant 0 : i32
      %dma_start3A_170 = tpu.memref_slice %arg2[%dma_start3A_168, %dma_start3A_169] : memref<10000x128xf32, #tpu.memory_space<hbm>> -> memref<10000x128xf32, #tpu.memory_space<hbm>>
      tpu.enqueue_indirect_dma source(%dma_start3A_170 : memref<10000x128xf32, #tpu.memory_space<hbm>>) target(%arg11 : memref<128x128xf32, #tpu.memory_space<vmem>>) offsets(%dma_start3A_167 : memref<128xi32, #tpu.memory_space<vmem>>) semaphore(%arg14 : memref<!tpu.dma_semaphore, #tpu.memory_space<semaphore_mem>>)
      %dma_wait3A_171 = arith.constant 0 : i32
      %dma_wait3A_172 = arith.constant 0 : i32
      %dma_wait3A_173 = tpu.memref_slice %arg2[%dma_wait3A_171, %dma_wait3A_172] : memref<10000x128xf32, #tpu.memory_space<hbm>> -> memref<128x128xf32, #tpu.memory_space<hbm>>
      %dma_wait3A_174 = arith.constant 0 : i32
      %dma_wait3A_175 = arith.constant 0 : i32
      %dma_wait3A_176 = tpu.memref_slice %arg2[%dma_wait3A_174, %dma_wait3A_175] : memref<10000x128xf32, #tpu.memory_space<hbm>> -> memref<128x128xf32, #tpu.memory_space<hbm>>
      tpu.wait_dma2 semaphore(%arg15 : memref<!tpu.dma_semaphore, #tpu.memory_space<semaphore_mem>>) src(%dma_wait3A_176 : memref<128x128xf32, #tpu.memory_space<hbm>>) dst(%arg12 : memref<128x128xf32, #tpu.memory_space<vmem>>)
      %dma_start3A_177 = arith.constant 640 : i32
      %dma_start3A_178 = tpu.memref_slice %arg9[%dma_start3A_177] : memref<1024xi32, #tpu.memory_space<vmem>> -> memref<128xi32, #tpu.memory_space<vmem>>
      %dma_start3A_179 = arith.constant 0 : i32
      %dma_start3A_180 = arith.constant 0 : i32
      %dma_start3A_181 = tpu.memref_slice %arg13[%dma_start3A_179, %dma_start3A_180] : memref<10112x128xf32, #tpu.memory_space<vmem_shared>> -> memref<10112x128xf32, #tpu.memory_space<vmem_shared>>
      tpu.enqueue_indirect_dma source(%arg12 : memref<128x128xf32, #tpu.memory_space<vmem>>) target(%dma_start3A_181 : memref<10112x128xf32, #tpu.memory_space<vmem_shared>>) offsets(%dma_start3A_178 : memref<128xi32, #tpu.memory_space<vmem>>) semaphore(%arg17 : memref<!tpu.dma_semaphore, #tpu.memory_space<semaphore_mem>>) {add = true}
      %dma_wait3A_182 = arith.constant 0 : i32
      %dma_wait3A_183 = arith.constant 0 : i32
      %dma_wait3A_184 = tpu.memref_slice %arg2[%dma_wait3A_182, %dma_wait3A_183] : memref<10000x128xf32, #tpu.memory_space<hbm>> -> memref<128x128xf32, #tpu.memory_space<hbm>>
      %dma_wait3A_185 = arith.constant 0 : i32
      %dma_wait3A_186 = arith.constant 0 : i32
      %dma_wait3A_187 = tpu.memref_slice %arg2[%dma_wait3A_185, %dma_wait3A_186] : memref<10000x128xf32, #tpu.memory_space<hbm>> -> memref<128x128xf32, #tpu.memory_space<hbm>>
      tpu.wait_dma2 semaphore(%arg17 : memref<!tpu.dma_semaphore, #tpu.memory_space<semaphore_mem>>) src(%dma_wait3A_187 : memref<128x128xf32, #tpu.memory_space<hbm>>) dst(%arg12 : memref<128x128xf32, #tpu.memory_space<vmem>>)
      %dma_start3A_188 = arith.constant 896 : i32
      %dma_start3A_189 = tpu.memref_slice %arg7[%dma_start3A_188] : memref<1024xi32, #tpu.memory_space<vmem>> -> memref<128xi32, #tpu.memory_space<vmem>>
      %dma_start3A_190 = arith.constant 0 : i32
      %dma_start3A_191 = arith.constant 0 : i32
      %dma_start3A_192 = tpu.memref_slice %arg2[%dma_start3A_190, %dma_start3A_191] : memref<10000x128xf32, #tpu.memory_space<hbm>> -> memref<10000x128xf32, #tpu.memory_space<hbm>>
      tpu.enqueue_indirect_dma source(%dma_start3A_192 : memref<10000x128xf32, #tpu.memory_space<hbm>>) target(%arg12 : memref<128x128xf32, #tpu.memory_space<vmem>>) offsets(%dma_start3A_189 : memref<128xi32, #tpu.memory_space<vmem>>) semaphore(%arg15 : memref<!tpu.dma_semaphore, #tpu.memory_space<semaphore_mem>>)
      %dma_wait3A_193 = arith.constant 0 : i32
      %dma_wait3A_194 = arith.constant 0 : i32
      %dma_wait3A_195 = tpu.memref_slice %arg2[%dma_wait3A_193, %dma_wait3A_194] : memref<10000x128xf32, #tpu.memory_space<hbm>> -> memref<128x128xf32, #tpu.memory_space<hbm>>
      %dma_wait3A_196 = arith.constant 0 : i32
      %dma_wait3A_197 = arith.constant 0 : i32
      %dma_wait3A_198 = tpu.memref_slice %arg2[%dma_wait3A_196, %dma_wait3A_197] : memref<10000x128xf32, #tpu.memory_space<hbm>> -> memref<128x128xf32, #tpu.memory_space<hbm>>
      tpu.wait_dma2 semaphore(%arg14 : memref<!tpu.dma_semaphore, #tpu.memory_space<semaphore_mem>>) src(%dma_wait3A_198 : memref<128x128xf32, #tpu.memory_space<hbm>>) dst(%arg11 : memref<128x128xf32, #tpu.memory_space<vmem>>)
      %dma_start3A_199 = arith.constant 768 : i32
      %dma_start3A_200 = tpu.memref_slice %arg9[%dma_start3A_199] : memref<1024xi32, #tpu.memory_space<vmem>> -> memref<128xi32, #tpu.memory_space<vmem>>
      %dma_start3A_201 = arith.constant 0 : i32
      %dma_start3A_202 = arith.constant 0 : i32
      %dma_start3A_203 = tpu.memref_slice %arg13[%dma_start3A_201, %dma_start3A_202] : memref<10112x128xf32, #tpu.memory_space<vmem_shared>> -> memref<10112x128xf32, #tpu.memory_space<vmem_shared>>
      tpu.enqueue_indirect_dma source(%arg11 : memref<128x128xf32, #tpu.memory_space<vmem>>) target(%dma_start3A_203 : memref<10112x128xf32, #tpu.memory_space<vmem_shared>>) offsets(%dma_start3A_200 : memref<128xi32, #tpu.memory_space<vmem>>) semaphore(%arg16 : memref<!tpu.dma_semaphore, #tpu.memory_space<semaphore_mem>>) {add = true}
      %dma_wait3A_204 = arith.constant 0 : i32
      %dma_wait3A_205 = arith.constant 0 : i32
      %dma_wait3A_206 = tpu.memref_slice %arg2[%dma_wait3A_204, %dma_wait3A_205] : memref<10000x128xf32, #tpu.memory_space<hbm>> -> memref<128x128xf32, #tpu.memory_space<hbm>>
      %dma_wait3A_207 = arith.constant 0 : i32
      %dma_wait3A_208 = arith.constant 0 : i32
      %dma_wait3A_209 = tpu.memref_slice %arg2[%dma_wait3A_207, %dma_wait3A_208] : memref<10000x128xf32, #tpu.memory_space<hbm>> -> memref<128x128xf32, #tpu.memory_space<hbm>>
      tpu.wait_dma2 semaphore(%arg15 : memref<!tpu.dma_semaphore, #tpu.memory_space<semaphore_mem>>) src(%dma_wait3A_209 : memref<128x128xf32, #tpu.memory_space<hbm>>) dst(%arg12 : memref<128x128xf32, #tpu.memory_space<vmem>>)
      %dma_start3A_210 = arith.constant 896 : i32
      %dma_start3A_211 = tpu.memref_slice %arg9[%dma_start3A_210] : memref<1024xi32, #tpu.memory_space<vmem>> -> memref<128xi32, #tpu.memory_space<vmem>>
      %dma_start3A_212 = arith.constant 0 : i32
      %dma_start3A_213 = arith.constant 0 : i32
      %dma_start3A_214 = tpu.memref_slice %arg13[%dma_start3A_212, %dma_start3A_213] : memref<10112x128xf32, #tpu.memory_space<vmem_shared>> -> memref<10112x128xf32, #tpu.memory_space<vmem_shared>>
      tpu.enqueue_indirect_dma source(%arg12 : memref<128x128xf32, #tpu.memory_space<vmem>>) target(%dma_start3A_214 : memref<10112x128xf32, #tpu.memory_space<vmem_shared>>) offsets(%dma_start3A_211 : memref<128xi32, #tpu.memory_space<vmem>>) semaphore(%arg17 : memref<!tpu.dma_semaphore, #tpu.memory_space<semaphore_mem>>) {add = true}
      %dma_wait3A_215 = arith.constant 0 : i32
      %dma_wait3A_216 = tpu.memref_slice %arg4[%dma_wait3A_215] : memref<10240xi32, #tpu.memory_space<hbm>> -> memref<1024xi32, #tpu.memory_space<hbm>>
      %dma_wait3A_217 = arith.constant 0 : i32
      %dma_wait3A_218 = tpu.memref_slice %arg4[%dma_wait3A_217] : memref<10240xi32, #tpu.memory_space<hbm>> -> memref<1024xi32, #tpu.memory_space<hbm>>
      tpu.wait_dma2 semaphore(%arg19 : memref<!tpu.dma_semaphore, #tpu.memory_space<semaphore_mem>>) src(%dma_wait3A_218 : memref<1024xi32, #tpu.memory_space<hbm>>) dst(%arg8 : memref<1024xi32, #tpu.memory_space<vmem>>)
      %dma_wait3A_219 = arith.constant 0 : i32
      %dma_wait3A_220 = tpu.memref_slice %arg4[%dma_wait3A_219] : memref<10240xi32, #tpu.memory_space<hbm>> -> memref<1024xi32, #tpu.memory_space<hbm>>
      %dma_wait3A_221 = arith.constant 0 : i32
      %dma_wait3A_222 = tpu.memref_slice %arg4[%dma_wait3A_221] : memref<10240xi32, #tpu.memory_space<hbm>> -> memref<1024xi32, #tpu.memory_space<hbm>>
      tpu.wait_dma2 semaphore(%arg19 : memref<!tpu.dma_semaphore, #tpu.memory_space<semaphore_mem>>) src(%dma_wait3A_222 : memref<1024xi32, #tpu.memory_space<hbm>>) dst(%arg10 : memref<1024xi32, #tpu.memory_space<vmem>>)
      %dma_wait3A_223 = arith.constant 0 : i32
      %dma_wait3A_224 = arith.constant 0 : i32
      %dma_wait3A_225 = tpu.memref_slice %arg2[%dma_wait3A_223, %dma_wait3A_224] : memref<10000x128xf32, #tpu.memory_space<hbm>> -> memref<128x128xf32, #tpu.memory_space<hbm>>
      %dma_wait3A_226 = arith.constant 0 : i32
      %dma_wait3A_227 = arith.constant 0 : i32
      %dma_wait3A_228 = tpu.memref_slice %arg2[%dma_wait3A_226, %dma_wait3A_227] : memref<10000x128xf32, #tpu.memory_space<hbm>> -> memref<128x128xf32, #tpu.memory_space<hbm>>
      tpu.wait_dma2 semaphore(%arg16 : memref<!tpu.dma_semaphore, #tpu.memory_space<semaphore_mem>>) src(%dma_wait3A_228 : memref<128x128xf32, #tpu.memory_space<hbm>>) dst(%arg11 : memref<128x128xf32, #tpu.memory_space<vmem>>)
      %dma_start3A_229 = arith.constant 0 : i32
      %dma_start3A_230 = tpu.memref_slice %arg8[%dma_start3A_229] : memref<1024xi32, #tpu.memory_space<vmem>> -> memref<128xi32, #tpu.memory_space<vmem>>
      %dma_start3A_231 = arith.constant 0 : i32
      %dma_start3A_232 = arith.constant 0 : i32
      %dma_start3A_233 = tpu.memref_slice %arg2[%dma_start3A_231, %dma_start3A_232] : memref<10000x128xf32, #tpu.memory_space<hbm>> -> memref<10000x128xf32, #tpu.memory_space<hbm>>
      tpu.enqueue_indirect_dma source(%dma_start3A_233 : memref<10000x128xf32, #tpu.memory_space<hbm>>) target(%arg11 : memref<128x128xf32, #tpu.memory_space<vmem>>) offsets(%dma_start3A_230 : memref<128xi32, #tpu.memory_space<vmem>>) semaphore(%arg14 : memref<!tpu.dma_semaphore, #tpu.memory_space<semaphore_mem>>)
      %dma_wait3A_234 = arith.constant 0 : i32
      %dma_wait3A_235 = arith.constant 0 : i32
      %dma_wait3A_236 = tpu.memref_slice %arg2[%dma_wait3A_234, %dma_wait3A_235] : memref<10000x128xf32, #tpu.memory_space<hbm>> -> memref<128x128xf32, #tpu.memory_space<hbm>>
      %dma_wait3A_237 = arith.constant 0 : i32
      %dma_wait3A_238 = arith.constant 0 : i32
      %dma_wait3A_239 = tpu.memref_slice %arg2[%dma_wait3A_237, %dma_wait3A_238] : memref<10000x128xf32, #tpu.memory_space<hbm>> -> memref<128x128xf32, #tpu.memory_space<hbm>>
      tpu.wait_dma2 semaphore(%arg17 : memref<!tpu.dma_semaphore, #tpu.memory_space<semaphore_mem>>) src(%dma_wait3A_239 : memref<128x128xf32, #tpu.memory_space<hbm>>) dst(%arg12 : memref<128x128xf32, #tpu.memory_space<vmem>>)
      %dma_start3A_240 = arith.constant 128 : i32
      %dma_start3A_241 = tpu.memref_slice %arg8[%dma_start3A_240] : memref<1024xi32, #tpu.memory_space<vmem>> -> memref<128xi32, #tpu.memory_space<vmem>>
      %dma_start3A_242 = arith.constant 0 : i32
      %dma_start3A_243 = arith.constant 0 : i32
      %dma_start3A_244 = tpu.memref_slice %arg2[%dma_start3A_242, %dma_start3A_243] : memref<10000x128xf32, #tpu.memory_space<hbm>> -> memref<10000x128xf32, #tpu.memory_space<hbm>>
      tpu.enqueue_indirect_dma source(%dma_start3A_244 : memref<10000x128xf32, #tpu.memory_space<hbm>>) target(%arg12 : memref<128x128xf32, #tpu.memory_space<vmem>>) offsets(%dma_start3A_241 : memref<128xi32, #tpu.memory_space<vmem>>) semaphore(%arg15 : memref<!tpu.dma_semaphore, #tpu.memory_space<semaphore_mem>>)
      %dma_wait3A_245 = arith.constant 0 : i32
      %dma_wait3A_246 = arith.constant 0 : i32
      %dma_wait3A_247 = tpu.memref_slice %arg2[%dma_wait3A_245, %dma_wait3A_246] : memref<10000x128xf32, #tpu.memory_space<hbm>> -> memref<128x128xf32, #tpu.memory_space<hbm>>
      %dma_wait3A_248 = arith.constant 0 : i32
      %dma_wait3A_249 = arith.constant 0 : i32
      %dma_wait3A_250 = tpu.memref_slice %arg2[%dma_wait3A_248, %dma_wait3A_249] : memref<10000x128xf32, #tpu.memory_space<hbm>> -> memref<128x128xf32, #tpu.memory_space<hbm>>
      tpu.wait_dma2 semaphore(%arg14 : memref<!tpu.dma_semaphore, #tpu.memory_space<semaphore_mem>>) src(%dma_wait3A_250 : memref<128x128xf32, #tpu.memory_space<hbm>>) dst(%arg11 : memref<128x128xf32, #tpu.memory_space<vmem>>)
      %dma_start3A_251 = arith.constant 0 : i32
      %dma_start3A_252 = tpu.memref_slice %arg10[%dma_start3A_251] : memref<1024xi32, #tpu.memory_space<vmem>> -> memref<128xi32, #tpu.memory_space<vmem>>
      %dma_start3A_253 = arith.constant 0 : i32
      %dma_start3A_254 = arith.constant 0 : i32
      %dma_start3A_255 = tpu.memref_slice %arg13[%dma_start3A_253, %dma_start3A_254] : memref<10112x128xf32, #tpu.memory_space<vmem_shared>> -> memref<10112x128xf32, #tpu.memory_space<vmem_shared>>
      tpu.enqueue_indirect_dma source(%arg11 : memref<128x128xf32, #tpu.memory_space<vmem>>) target(%dma_start3A_255 : memref<10112x128xf32, #tpu.memory_space<vmem_shared>>) offsets(%dma_start3A_252 : memref<128xi32, #tpu.memory_space<vmem>>) semaphore(%arg16 : memref<!tpu.dma_semaphore, #tpu.memory_space<semaphore_mem>>) {add = true}
      %dma_wait3A_256 = arith.constant 0 : i32
      %dma_wait3A_257 = arith.constant 0 : i32
      %dma_wait3A_258 = tpu.memref_slice %arg2[%dma_wait3A_256, %dma_wait3A_257] : memref<10000x128xf32, #tpu.memory_space<hbm>> -> memref<128x128xf32, #tpu.memory_space<hbm>>
      %dma_wait3A_259 = arith.constant 0 : i32
      %dma_wait3A_260 = arith.constant 0 : i32
      %dma_wait3A_261 = tpu.memref_slice %arg2[%dma_wait3A_259, %dma_wait3A_260] : memref<10000x128xf32, #tpu.memory_space<hbm>> -> memref<128x128xf32, #tpu.memory_space<hbm>>
      tpu.wait_dma2 semaphore(%arg16 : memref<!tpu.dma_semaphore, #tpu.memory_space<semaphore_mem>>) src(%dma_wait3A_261 : memref<128x128xf32, #tpu.memory_space<hbm>>) dst(%arg11 : memref<128x128xf32, #tpu.memory_space<vmem>>)
      %dma_start3A_262 = arith.constant 256 : i32
      %dma_start3A_263 = tpu.memref_slice %arg8[%dma_start3A_262] : memref<1024xi32, #tpu.memory_space<vmem>> -> memref<128xi32, #tpu.memory_space<vmem>>
      %dma_start3A_264 = arith.constant 0 : i32
      %dma_start3A_265 = arith.constant 0 : i32
      %dma_start3A_266 = tpu.memref_slice %arg2[%dma_start3A_264, %dma_start3A_265] : memref<10000x128xf32, #tpu.memory_space<hbm>> -> memref<10000x128xf32, #tpu.memory_space<hbm>>
      tpu.enqueue_indirect_dma source(%dma_start3A_266 : memref<10000x128xf32, #tpu.memory_space<hbm>>) target(%arg11 : memref<128x128xf32, #tpu.memory_space<vmem>>) offsets(%dma_start3A_263 : memref<128xi32, #tpu.memory_space<vmem>>) semaphore(%arg14 : memref<!tpu.dma_semaphore, #tpu.memory_space<semaphore_mem>>)
      %dma_wait3A_267 = arith.constant 0 : i32
      %dma_wait3A_268 = arith.constant 0 : i32
      %dma_wait3A_269 = tpu.memref_slice %arg2[%dma_wait3A_267, %dma_wait3A_268] : memref<10000x128xf32, #tpu.memory_space<hbm>> -> memref<128x128xf32, #tpu.memory_space<hbm>>
      %dma_wait3A_270 = arith.constant 0 : i32
      %dma_wait3A_271 = arith.constant 0 : i32
      %dma_wait3A_272 = tpu.memref_slice %arg2[%dma_wait3A_270, %dma_wait3A_271] : memref<10000x128xf32, #tpu.memory_space<hbm>> -> memref<128x128xf32, #tpu.memory_space<hbm>>
      tpu.wait_dma2 semaphore(%arg15 : memref<!tpu.dma_semaphore, #tpu.memory_space<semaphore_mem>>) src(%dma_wait3A_272 : memref<128x128xf32, #tpu.memory_space<hbm>>) dst(%arg12 : memref<128x128xf32, #tpu.memory_space<vmem>>)
      %dma_start3A_273 = arith.constant 128 : i32
      %dma_start3A_274 = tpu.memref_slice %arg10[%dma_start3A_273] : memref<1024xi32, #tpu.memory_space<vmem>> -> memref<128xi32, #tpu.memory_space<vmem>>
      %dma_start3A_275 = arith.constant 0 : i32
      %dma_start3A_276 = arith.constant 0 : i32
      %dma_start3A_277 = tpu.memref_slice %arg13[%dma_start3A_275, %dma_start3A_276] : memref<10112x128xf32, #tpu.memory_space<vmem_shared>> -> memref<10112x128xf32, #tpu.memory_space<vmem_shared>>
      tpu.enqueue_indirect_dma source(%arg12 : memref<128x128xf32, #tpu.memory_space<vmem>>) target(%dma_start3A_277 : memref<10112x128xf32, #tpu.memory_space<vmem_shared>>) offsets(%dma_start3A_274 : memref<128xi32, #tpu.memory_space<vmem>>) semaphore(%arg17 : memref<!tpu.dma_semaphore, #tpu.memory_space<semaphore_mem>>) {add = true}
      %dma_wait3A_278 = arith.constant 0 : i32
      %dma_wait3A_279 = arith.constant 0 : i32
      %dma_wait3A_280 = tpu.memref_slice %arg2[%dma_wait3A_278, %dma_wait3A_279] : memref<10000x128xf32, #tpu.memory_space<hbm>> -> memref<128x128xf32, #tpu.memory_space<hbm>>
      %dma_wait3A_281 = arith.constant 0 : i32
      %dma_wait3A_282 = arith.constant 0 : i32
      %dma_wait3A_283 = tpu.memref_slice %arg2[%dma_wait3A_281, %dma_wait3A_282] : memref<10000x128xf32, #tpu.memory_space<hbm>> -> memref<128x128xf32, #tpu.memory_space<hbm>>
      tpu.wait_dma2 semaphore(%arg17 : memref<!tpu.dma_semaphore, #tpu.memory_space<semaphore_mem>>) src(%dma_wait3A_283 : memref<128x128xf32, #tpu.memory_space<hbm>>) dst(%arg12 : memref<128x128xf32, #tpu.memory_space<vmem>>)
      %dma_start3A_284 = arith.constant 384 : i32
      %dma_start3A_285 = tpu.memref_slice %arg8[%dma_start3A_284] : memref<1024xi32, #tpu.memory_space<vmem>> -> memref<128xi32, #tpu.memory_space<vmem>>
      %dma_start3A_286 = arith.constant 0 : i32
      %dma_start3A_287 = arith.constant 0 : i32
      %dma_start3A_288 = tpu.memref_slice %arg2[%dma_start3A_286, %dma_start3A_287] : memref<10000x128xf32, #tpu.memory_space<hbm>> -> memref<10000x128xf32, #tpu.memory_space<hbm>>
      tpu.enqueue_indirect_dma source(%dma_start3A_288 : memref<10000x128xf32, #tpu.memory_space<hbm>>) target(%arg12 : memref<128x128xf32, #tpu.memory_space<vmem>>) offsets(%dma_start3A_285 : memref<128xi32, #tpu.memory_space<vmem>>) semaphore(%arg15 : memref<!tpu.dma_semaphore, #tpu.memory_space<semaphore_mem>>)
      %dma_wait3A_289 = arith.constant 0 : i32
      %dma_wait3A_290 = arith.constant 0 : i32
      %dma_wait3A_291 = tpu.memref_slice %arg2[%dma_wait3A_289, %dma_wait3A_290] : memref<10000x128xf32, #tpu.memory_space<hbm>> -> memref<128x128xf32, #tpu.memory_space<hbm>>
      %dma_wait3A_292 = arith.constant 0 : i32
      %dma_wait3A_293 = arith.constant 0 : i32
      %dma_wait3A_294 = tpu.memref_slice %arg2[%dma_wait3A_292, %dma_wait3A_293] : memref<10000x128xf32, #tpu.memory_space<hbm>> -> memref<128x128xf32, #tpu.memory_space<hbm>>
      tpu.wait_dma2 semaphore(%arg14 : memref<!tpu.dma_semaphore, #tpu.memory_space<semaphore_mem>>) src(%dma_wait3A_294 : memref<128x128xf32, #tpu.memory_space<hbm>>) dst(%arg11 : memref<128x128xf32, #tpu.memory_space<vmem>>)
      %dma_start3A_295 = arith.constant 256 : i32
      %dma_start3A_296 = tpu.memref_slice %arg10[%dma_start3A_295] : memref<1024xi32, #tpu.memory_space<vmem>> -> memref<128xi32, #tpu.memory_space<vmem>>
      %dma_start3A_297 = arith.constant 0 : i32
      %dma_start3A_298 = arith.constant 0 : i32
      %dma_start3A_299 = tpu.memref_slice %arg13[%dma_start3A_297, %dma_start3A_298] : memref<10112x128xf32, #tpu.memory_space<vmem_shared>> -> memref<10112x128xf32, #tpu.memory_space<vmem_shared>>
      tpu.enqueue_indirect_dma source(%arg11 : memref<128x128xf32, #tpu.memory_space<vmem>>) target(%dma_start3A_299 : memref<10112x128xf32, #tpu.memory_space<vmem_shared>>) offsets(%dma_start3A_296 : memref<128xi32, #tpu.memory_space<vmem>>) semaphore(%arg16 : memref<!tpu.dma_semaphore, #tpu.memory_space<semaphore_mem>>) {add = true}
      %dma_wait3A_300 = arith.constant 0 : i32
      %dma_wait3A_301 = arith.constant 0 : i32
      %dma_wait3A_302 = tpu.memref_slice %arg2[%dma_wait3A_300, %dma_wait3A_301] : memref<10000x128xf32, #tpu.memory_space<hbm>> -> memref<128x128xf32, #tpu.memory_space<hbm>>
      %dma_wait3A_303 = arith.constant 0 : i32
      %dma_wait3A_304 = arith.constant 0 : i32
      %dma_wait3A_305 = tpu.memref_slice %arg2[%dma_wait3A_303, %dma_wait3A_304] : memref<10000x128xf32, #tpu.memory_space<hbm>> -> memref<128x128xf32, #tpu.memory_space<hbm>>
      tpu.wait_dma2 semaphore(%arg16 : memref<!tpu.dma_semaphore, #tpu.memory_space<semaphore_mem>>) src(%dma_wait3A_305 : memref<128x128xf32, #tpu.memory_space<hbm>>) dst(%arg11 : memref<128x128xf32, #tpu.memory_space<vmem>>)
      %dma_start3A_306 = arith.constant 512 : i32
      %dma_start3A_307 = tpu.memref_slice %arg8[%dma_start3A_306] : memref<1024xi32, #tpu.memory_space<vmem>> -> memref<128xi32, #tpu.memory_space<vmem>>
      %dma_start3A_308 = arith.constant 0 : i32
      %dma_start3A_309 = arith.constant 0 : i32
      %dma_start3A_310 = tpu.memref_slice %arg2[%dma_start3A_308, %dma_start3A_309] : memref<10000x128xf32, #tpu.memory_space<hbm>> -> memref<10000x128xf32, #tpu.memory_space<hbm>>
      tpu.enqueue_indirect_dma source(%dma_start3A_310 : memref<10000x128xf32, #tpu.memory_space<hbm>>) target(%arg11 : memref<128x128xf32, #tpu.memory_space<vmem>>) offsets(%dma_start3A_307 : memref<128xi32, #tpu.memory_space<vmem>>) semaphore(%arg14 : memref<!tpu.dma_semaphore, #tpu.memory_space<semaphore_mem>>)
      %dma_wait3A_311 = arith.constant 0 : i32
      %dma_wait3A_312 = arith.constant 0 : i32
      %dma_wait3A_313 = tpu.memref_slice %arg2[%dma_wait3A_311, %dma_wait3A_312] : memref<10000x128xf32, #tpu.memory_space<hbm>> -> memref<128x128xf32, #tpu.memory_space<hbm>>
      %dma_wait3A_314 = arith.constant 0 : i32
      %dma_wait3A_315 = arith.constant 0 : i32
      %dma_wait3A_316 = tpu.memref_slice %arg2[%dma_wait3A_314, %dma_wait3A_315] : memref<10000x128xf32, #tpu.memory_space<hbm>> -> memref<128x128xf32, #tpu.memory_space<hbm>>
      tpu.wait_dma2 semaphore(%arg15 : memref<!tpu.dma_semaphore, #tpu.memory_space<semaphore_mem>>) src(%dma_wait3A_316 : memref<128x128xf32, #tpu.memory_space<hbm>>) dst(%arg12 : memref<128x128xf32, #tpu.memory_space<vmem>>)
      %dma_start3A_317 = arith.constant 384 : i32
      %dma_start3A_318 = tpu.memref_slice %arg10[%dma_start3A_317] : memref<1024xi32, #tpu.memory_space<vmem>> -> memref<128xi32, #tpu.memory_space<vmem>>
      %dma_start3A_319 = arith.constant 0 : i32
      %dma_start3A_320 = arith.constant 0 : i32
      %dma_start3A_321 = tpu.memref_slice %arg13[%dma_start3A_319, %dma_start3A_320] : memref<10112x128xf32, #tpu.memory_space<vmem_shared>> -> memref<10112x128xf32, #tpu.memory_space<vmem_shared>>
      tpu.enqueue_indirect_dma source(%arg12 : memref<128x128xf32, #tpu.memory_space<vmem>>) target(%dma_start3A_321 : memref<10112x128xf32, #tpu.memory_space<vmem_shared>>) offsets(%dma_start3A_318 : memref<128xi32, #tpu.memory_space<vmem>>) semaphore(%arg17 : memref<!tpu.dma_semaphore, #tpu.memory_space<semaphore_mem>>) {add = true}
      %dma_wait3A_322 = arith.constant 0 : i32
      %dma_wait3A_323 = arith.constant 0 : i32
      %dma_wait3A_324 = tpu.memref_slice %arg2[%dma_wait3A_322, %dma_wait3A_323] : memref<10000x128xf32, #tpu.memory_space<hbm>> -> memref<128x128xf32, #tpu.memory_space<hbm>>
      %dma_wait3A_325 = arith.constant 0 : i32
      %dma_wait3A_326 = arith.constant 0 : i32
      %dma_wait3A_327 = tpu.memref_slice %arg2[%dma_wait3A_325, %dma_wait3A_326] : memref<10000x128xf32, #tpu.memory_space<hbm>> -> memref<128x128xf32, #tpu.memory_space<hbm>>
      tpu.wait_dma2 semaphore(%arg17 : memref<!tpu.dma_semaphore, #tpu.memory_space<semaphore_mem>>) src(%dma_wait3A_327 : memref<128x128xf32, #tpu.memory_space<hbm>>) dst(%arg12 : memref<128x128xf32, #tpu.memory_space<vmem>>)
      %dma_start3A_328 = arith.constant 640 : i32
      %dma_start3A_329 = tpu.memref_slice %arg8[%dma_start3A_328] : memref<1024xi32, #tpu.memory_space<vmem>> -> memref<128xi32, #tpu.memory_space<vmem>>
      %dma_start3A_330 = arith.constant 0 : i32
      %dma_start3A_331 = arith.constant 0 : i32
      %dma_start3A_332 = tpu.memref_slice %arg2[%dma_start3A_330, %dma_start3A_331] : memref<10000x128xf32, #tpu.memory_space<hbm>> -> memref<10000x128xf32, #tpu.memory_space<hbm>>
      tpu.enqueue_indirect_dma source(%dma_start3A_332 : memref<10000x128xf32, #tpu.memory_space<hbm>>) target(%arg12 : memref<128x128xf32, #tpu.memory_space<vmem>>) offsets(%dma_start3A_329 : memref<128xi32, #tpu.memory_space<vmem>>) semaphore(%arg15 : memref<!tpu.dma_semaphore, #tpu.memory_space<semaphore_mem>>)
      %dma_wait3A_333 = arith.constant 0 : i32
      %dma_wait3A_334 = arith.constant 0 : i32
      %dma_wait3A_335 = tpu.memref_slice %arg2[%dma_wait3A_333, %dma_wait3A_334] : memref<10000x128xf32, #tpu.memory_space<hbm>> -> memref<128x128xf32, #tpu.memory_space<hbm>>
      %dma_wait3A_336 = arith.constant 0 : i32
      %dma_wait3A_337 = arith.constant 0 : i32
      %dma_wait3A_338 = tpu.memref_slice %arg2[%dma_wait3A_336, %dma_wait3A_337] : memref<10000x128xf32, #tpu.memory_space<hbm>> -> memref<128x128xf32, #tpu.memory_space<hbm>>
      tpu.wait_dma2 semaphore(%arg14 : memref<!tpu.dma_semaphore, #tpu.memory_space<semaphore_mem>>) src(%dma_wait3A_338 : memref<128x128xf32, #tpu.memory_space<hbm>>) dst(%arg11 : memref<128x128xf32, #tpu.memory_space<vmem>>)
      %dma_start3A_339 = arith.constant 512 : i32
      %dma_start3A_340 = tpu.memref_slice %arg10[%dma_start3A_339] : memref<1024xi32, #tpu.memory_space<vmem>> -> memref<128xi32, #tpu.memory_space<vmem>>
      %dma_start3A_341 = arith.constant 0 : i32
      %dma_start3A_342 = arith.constant 0 : i32
      %dma_start3A_343 = tpu.memref_slice %arg13[%dma_start3A_341, %dma_start3A_342] : memref<10112x128xf32, #tpu.memory_space<vmem_shared>> -> memref<10112x128xf32, #tpu.memory_space<vmem_shared>>
      tpu.enqueue_indirect_dma source(%arg11 : memref<128x128xf32, #tpu.memory_space<vmem>>) target(%dma_start3A_343 : memref<10112x128xf32, #tpu.memory_space<vmem_shared>>) offsets(%dma_start3A_340 : memref<128xi32, #tpu.memory_space<vmem>>) semaphore(%arg16 : memref<!tpu.dma_semaphore, #tpu.memory_space<semaphore_mem>>) {add = true}
      %dma_wait3A_344 = arith.constant 0 : i32
      %dma_wait3A_345 = arith.constant 0 : i32
      %dma_wait3A_346 = tpu.memref_slice %arg2[%dma_wait3A_344, %dma_wait3A_345] : memref<10000x128xf32, #tpu.memory_space<hbm>> -> memref<128x128xf32, #tpu.memory_space<hbm>>
      %dma_wait3A_347 = arith.constant 0 : i32
      %dma_wait3A_348 = arith.constant 0 : i32
      %dma_wait3A_349 = tpu.memref_slice %arg2[%dma_wait3A_347, %dma_wait3A_348] : memref<10000x128xf32, #tpu.memory_space<hbm>> -> memref<128x128xf32, #tpu.memory_space<hbm>>
      tpu.wait_dma2 semaphore(%arg16 : memref<!tpu.dma_semaphore, #tpu.memory_space<semaphore_mem>>) src(%dma_wait3A_349 : memref<128x128xf32, #tpu.memory_space<hbm>>) dst(%arg11 : memref<128x128xf32, #tpu.memory_space<vmem>>)
      %dma_start3A_350 = arith.constant 768 : i32
      %dma_start3A_351 = tpu.memref_slice %arg8[%dma_start3A_350] : memref<1024xi32, #tpu.memory_space<vmem>> -> memref<128xi32, #tpu.memory_space<vmem>>
      %dma_start3A_352 = arith.constant 0 : i32
      %dma_start3A_353 = arith.constant 0 : i32
      %dma_start3A_354 = tpu.memref_slice %arg2[%dma_start3A_352, %dma_start3A_353] : memref<10000x128xf32, #tpu.memory_space<hbm>> -> memref<10000x128xf32, #tpu.memory_space<hbm>>
      tpu.enqueue_indirect_dma source(%dma_start3A_354 : memref<10000x128xf32, #tpu.memory_space<hbm>>) target(%arg11 : memref<128x128xf32, #tpu.memory_space<vmem>>) offsets(%dma_start3A_351 : memref<128xi32, #tpu.memory_space<vmem>>) semaphore(%arg14 : memref<!tpu.dma_semaphore, #tpu.memory_space<semaphore_mem>>)
      %dma_wait3A_355 = arith.constant 0 : i32
      %dma_wait3A_356 = arith.constant 0 : i32
      %dma_wait3A_357 = tpu.memref_slice %arg2[%dma_wait3A_355, %dma_wait3A_356] : memref<10000x128xf32, #tpu.memory_space<hbm>> -> memref<128x128xf32, #tpu.memory_space<hbm>>
      %dma_wait3A_358 = arith.constant 0 : i32
      %dma_wait3A_359 = arith.constant 0 : i32
      %dma_wait3A_360 = tpu.memref_slice %arg2[%dma_wait3A_358, %dma_wait3A_359] : memref<10000x128xf32, #tpu.memory_space<hbm>> -> memref<128x128xf32, #tpu.memory_space<hbm>>
      tpu.wait_dma2 semaphore(%arg15 : memref<!tpu.dma_semaphore, #tpu.memory_space<semaphore_mem>>) src(%dma_wait3A_360 : memref<128x128xf32, #tpu.memory_space<hbm>>) dst(%arg12 : memref<128x128xf32, #tpu.memory_space<vmem>>)
      %dma_start3A_361 = arith.constant 640 : i32
      %dma_start3A_362 = tpu.memref_slice %arg10[%dma_start3A_361] : memref<1024xi32, #tpu.memory_space<vmem>> -> memref<128xi32, #tpu.memory_space<vmem>>
      %dma_start3A_363 = arith.constant 0 : i32
      %dma_start3A_364 = arith.constant 0 : i32
      %dma_start3A_365 = tpu.memref_slice %arg13[%dma_start3A_363, %dma_start3A_364] : memref<10112x128xf32, #tpu.memory_space<vmem_shared>> -> memref<10112x128xf32, #tpu.memory_space<vmem_shared>>
      tpu.enqueue_indirect_dma source(%arg12 : memref<128x128xf32, #tpu.memory_space<vmem>>) target(%dma_start3A_365 : memref<10112x128xf32, #tpu.memory_space<vmem_shared>>) offsets(%dma_start3A_362 : memref<128xi32, #tpu.memory_space<vmem>>) semaphore(%arg17 : memref<!tpu.dma_semaphore, #tpu.memory_space<semaphore_mem>>) {add = true}
      %dma_wait3A_366 = arith.constant 0 : i32
      %dma_wait3A_367 = arith.constant 0 : i32
      %dma_wait3A_368 = tpu.memref_slice %arg2[%dma_wait3A_366, %dma_wait3A_367] : memref<10000x128xf32, #tpu.memory_space<hbm>> -> memref<128x128xf32, #tpu.memory_space<hbm>>
      %dma_wait3A_369 = arith.constant 0 : i32
      %dma_wait3A_370 = arith.constant 0 : i32
      %dma_wait3A_371 = tpu.memref_slice %arg2[%dma_wait3A_369, %dma_wait3A_370] : memref<10000x128xf32, #tpu.memory_space<hbm>> -> memref<128x128xf32, #tpu.memory_space<hbm>>
      tpu.wait_dma2 semaphore(%arg17 : memref<!tpu.dma_semaphore, #tpu.memory_space<semaphore_mem>>) src(%dma_wait3A_371 : memref<128x128xf32, #tpu.memory_space<hbm>>) dst(%arg12 : memref<128x128xf32, #tpu.memory_space<vmem>>)
      %dma_start3A_372 = arith.constant 896 : i32
      %dma_start3A_373 = tpu.memref_slice %arg8[%dma_start3A_372] : memref<1024xi32, #tpu.memory_space<vmem>> -> memref<128xi32, #tpu.memory_space<vmem>>
      %dma_start3A_374 = arith.constant 0 : i32
      %dma_start3A_375 = arith.constant 0 : i32
      %dma_start3A_376 = tpu.memref_slice %arg2[%dma_start3A_374, %dma_start3A_375] : memref<10000x128xf32, #tpu.memory_space<hbm>> -> memref<10000x128xf32, #tpu.memory_space<hbm>>
      tpu.enqueue_indirect_dma source(%dma_start3A_376 : memref<10000x128xf32, #tpu.memory_space<hbm>>) target(%arg12 : memref<128x128xf32, #tpu.memory_space<vmem>>) offsets(%dma_start3A_373 : memref<128xi32, #tpu.memory_space<vmem>>) semaphore(%arg15 : memref<!tpu.dma_semaphore, #tpu.memory_space<semaphore_mem>>)
      %dma_wait3A_377 = arith.constant 0 : i32
      %dma_wait3A_378 = arith.constant 0 : i32
      %dma_wait3A_379 = tpu.memref_slice %arg2[%dma_wait3A_377, %dma_wait3A_378] : memref<10000x128xf32, #tpu.memory_space<hbm>> -> memref<128x128xf32, #tpu.memory_space<hbm>>
      %dma_wait3A_380 = arith.constant 0 : i32
      %dma_wait3A_381 = arith.constant 0 : i32
      %dma_wait3A_382 = tpu.memref_slice %arg2[%dma_wait3A_380, %dma_wait3A_381] : memref<10000x128xf32, #tpu.memory_space<hbm>> -> memref<128x128xf32, #tpu.memory_space<hbm>>
      tpu.wait_dma2 semaphore(%arg14 : memref<!tpu.dma_semaphore, #tpu.memory_space<semaphore_mem>>) src(%dma_wait3A_382 : memref<128x128xf32, #tpu.memory_space<hbm>>) dst(%arg11 : memref<128x128xf32, #tpu.memory_space<vmem>>)
      %dma_start3A_383 = arith.constant 768 : i32
      %dma_start3A_384 = tpu.memref_slice %arg10[%dma_start3A_383] : memref<1024xi32, #tpu.memory_space<vmem>> -> memref<128xi32, #tpu.memory_space<vmem>>
      %dma_start3A_385 = arith.constant 0 : i32
      %dma_start3A_386 = arith.constant 0 : i32
      %dma_start3A_387 = tpu.memref_slice %arg13[%dma_start3A_385, %dma_start3A_386] : memref<10112x128xf32, #tpu.memory_space<vmem_shared>> -> memref<10112x128xf32, #tpu.memory_space<vmem_shared>>
      tpu.enqueue_indirect_dma source(%arg11 : memref<128x128xf32, #tpu.memory_space<vmem>>) target(%dma_start3A_387 : memref<10112x128xf32, #tpu.memory_space<vmem_shared>>) offsets(%dma_start3A_384 : memref<128xi32, #tpu.memory_space<vmem>>) semaphore(%arg16 : memref<!tpu.dma_semaphore, #tpu.memory_space<semaphore_mem>>) {add = true}
      %dma_wait3A_388 = arith.constant 0 : i32
      %dma_wait3A_389 = arith.constant 0 : i32
      %dma_wait3A_390 = tpu.memref_slice %arg2[%dma_wait3A_388, %dma_wait3A_389] : memref<10000x128xf32, #tpu.memory_space<hbm>> -> memref<128x128xf32, #tpu.memory_space<hbm>>
      %dma_wait3A_391 = arith.constant 0 : i32
      %dma_wait3A_392 = arith.constant 0 : i32
      %dma_wait3A_393 = tpu.memref_slice %arg2[%dma_wait3A_391, %dma_wait3A_392] : memref<10000x128xf32, #tpu.memory_space<hbm>> -> memref<128x128xf32, #tpu.memory_space<hbm>>
      tpu.wait_dma2 semaphore(%arg15 : memref<!tpu.dma_semaphore, #tpu.memory_space<semaphore_mem>>) src(%dma_wait3A_393 : memref<128x128xf32, #tpu.memory_space<hbm>>) dst(%arg12 : memref<128x128xf32, #tpu.memory_space<vmem>>)
      %dma_start3A_394 = arith.constant 896 : i32
      %dma_start3A_395 = tpu.memref_slice %arg10[%dma_start3A_394] : memref<1024xi32, #tpu.memory_space<vmem>> -> memref<128xi32, #tpu.memory_space<vmem>>
      %dma_start3A_396 = arith.constant 0 : i32
      %dma_start3A_397 = arith.constant 0 : i32
      %dma_start3A_398 = tpu.memref_slice %arg13[%dma_start3A_396, %dma_start3A_397] : memref<10112x128xf32, #tpu.memory_space<vmem_shared>> -> memref<10112x128xf32, #tpu.memory_space<vmem_shared>>
      tpu.enqueue_indirect_dma source(%arg12 : memref<128x128xf32, #tpu.memory_space<vmem>>) target(%dma_start3A_398 : memref<10112x128xf32, #tpu.memory_space<vmem_shared>>) offsets(%dma_start3A_395 : memref<128xi32, #tpu.memory_space<vmem>>) semaphore(%arg17 : memref<!tpu.dma_semaphore, #tpu.memory_space<semaphore_mem>>) {add = true}
      %dma_wait3A_399 = arith.constant 0 : i32
      %dma_wait3A_400 = arith.constant 0 : i32
      %dma_wait3A_401 = tpu.memref_slice %arg2[%dma_wait3A_399, %dma_wait3A_400] : memref<10000x128xf32, #tpu.memory_space<hbm>> -> memref<128x128xf32, #tpu.memory_space<hbm>>
      %dma_wait3A_402 = arith.constant 0 : i32
      %dma_wait3A_403 = arith.constant 0 : i32
      %dma_wait3A_404 = tpu.memref_slice %arg2[%dma_wait3A_402, %dma_wait3A_403] : memref<10000x128xf32, #tpu.memory_space<hbm>> -> memref<128x128xf32, #tpu.memory_space<hbm>>
      tpu.wait_dma2 semaphore(%arg16 : memref<!tpu.dma_semaphore, #tpu.memory_space<semaphore_mem>>) src(%dma_wait3A_404 : memref<128x128xf32, #tpu.memory_space<hbm>>) dst(%arg11 : memref<128x128xf32, #tpu.memory_space<vmem>>)
      %dma_wait3A_405 = arith.constant 0 : i32
      %dma_wait3A_406 = arith.constant 0 : i32
      %dma_wait3A_407 = tpu.memref_slice %arg2[%dma_wait3A_405, %dma_wait3A_406] : memref<10000x128xf32, #tpu.memory_space<hbm>> -> memref<128x128xf32, #tpu.memory_space<hbm>>
      %dma_wait3A_408 = arith.constant 0 : i32
      %dma_wait3A_409 = arith.constant 0 : i32
      %dma_wait3A_410 = tpu.memref_slice %arg2[%dma_wait3A_408, %dma_wait3A_409] : memref<10000x128xf32, #tpu.memory_space<hbm>> -> memref<128x128xf32, #tpu.memory_space<hbm>>
      tpu.wait_dma2 semaphore(%arg17 : memref<!tpu.dma_semaphore, #tpu.memory_space<semaphore_mem>>) src(%dma_wait3A_410 : memref<128x128xf32, #tpu.memory_space<hbm>>) dst(%arg12 : memref<128x128xf32, #tpu.memory_space<vmem>>)
      %lt3A_411 = arith.constant 4 : i32
      %lt3A_412 = arith.cmpi slt, %scan3A_44, %lt3A_411 : i32
      %convert_element_type3A_413 = arith.extui %lt3A_412 : i1 to i32
      %cond3A_414 = arith.constant 0 : i32
      %cond3A_415 = arith.cmpi ne, %convert_element_type3A_413, %cond3A_414 : i32
      scf.if %cond3A_415 {
        %mul3A_416 = arith.constant 2 : i32
        %mul3A_417 = arith.muli %mul3A_416, %scan3A_44 : i32
        %add3A_418 = arith.constant 2 : i32
        %add3A_419 = arith.addi %mul3A_417, %add3A_418 : i32
        %lt3A_420 = arith.constant 31 : i32
        %lt3A_421 = arith.cmpi slt, %add3A, %lt3A_420 : i32
        %convert_element_type3A_422 = arith.extui %lt3A_421 : i1 to i32
        %cond3A_423 = arith.constant 0 : i32
        %cond3A_424 = arith.cmpi ne, %convert_element_type3A_422, %cond3A_423 : i32
        scf.if %cond3A_424 {
          %mul3A_444 = arith.constant 10240 : i32
          %mul3A_445 = arith.muli %add3A, %mul3A_444 : i32
          %mul3A_446 = arith.constant 1024 : i32
          %mul3A_447 = arith.muli %add3A_419, %mul3A_446 : i32
          %add3A_448 = arith.addi %mul3A_445, %mul3A_447 : i32
          %dma_start3A_449 = arith.constant 0 : i32
          %dma_start3A_450 = tpu.memref_slice %arg3[%dma_start3A_449, %add3A_448] : memref<2x320000xi32, #tpu.memory_space<hbm>> -> memref<1x1024xi32, #tpu.memory_space<hbm>>
          %dma_start3A_451 = tpu.memref_squeeze %dma_start3A_450 : memref<1x1024xi32, #tpu.memory_space<hbm>> -> memref<1024xi32, #tpu.memory_space<hbm>>
          %dma_start3A_452 = tpu.memref_slice %arg3[%dma_start3A_449, %add3A_448] : memref<2x320000xi32, #tpu.memory_space<hbm>> -> memref<1x1024xi32, #tpu.memory_space<hbm>>
          %dma_start3A_453 = tpu.memref_squeeze %dma_start3A_452 : memref<1x1024xi32, #tpu.memory_space<hbm>> -> memref<1024xi32, #tpu.memory_space<hbm>>
          tpu.enqueue_dma source(%dma_start3A_453 : memref<1024xi32, #tpu.memory_space<hbm>>) target(%arg7 : memref<1024xi32, #tpu.memory_space<vmem>>) target_semaphore(%arg18 : memref<!tpu.dma_semaphore, #tpu.memory_space<semaphore_mem>>)
          %dma_start3A_454 = arith.constant 1 : i32
          %dma_start3A_455 = tpu.memref_slice %arg3[%dma_start3A_454, %add3A_448] : memref<2x320000xi32, #tpu.memory_space<hbm>> -> memref<1x1024xi32, #tpu.memory_space<hbm>>
          %dma_start3A_456 = tpu.memref_squeeze %dma_start3A_455 : memref<1x1024xi32, #tpu.memory_space<hbm>> -> memref<1024xi32, #tpu.memory_space<hbm>>
          %dma_start3A_457 = tpu.memref_slice %arg3[%dma_start3A_454, %add3A_448] : memref<2x320000xi32, #tpu.memory_space<hbm>> -> memref<1x1024xi32, #tpu.memory_space<hbm>>
          %dma_start3A_458 = tpu.memref_squeeze %dma_start3A_457 : memref<1x1024xi32, #tpu.memory_space<hbm>> -> memref<1024xi32, #tpu.memory_space<hbm>>
          tpu.enqueue_dma source(%dma_start3A_458 : memref<1024xi32, #tpu.memory_space<hbm>>) target(%arg9 : memref<1024xi32, #tpu.memory_space<vmem>>) target_semaphore(%arg18 : memref<!tpu.dma_semaphore, #tpu.memory_space<semaphore_mem>>)
        } else {
        }
        %ge3A_425 = arith.constant 31 : i32
        %ge3A_426 = arith.cmpi sge, %add3A, %ge3A_425 : i32
        %convert_element_type3A_427 = arith.extui %ge3A_426 : i1 to i32
        %cond3A_428 = arith.constant 0 : i32
        %cond3A_429 = arith.cmpi ne, %convert_element_type3A_427, %cond3A_428 : i32
        scf.if %cond3A_429 {
          %sub3A = arith.constant 31 : i32
          %sub3A_444 = arith.subi %add3A, %sub3A : i32
          %mul3A_445 = arith.constant 10240 : i32
          %mul3A_446 = arith.muli %sub3A_444, %mul3A_445 : i32
          %mul3A_447 = arith.constant 1024 : i32
          %mul3A_448 = arith.muli %add3A_419, %mul3A_447 : i32
          %add3A_449 = arith.addi %mul3A_446, %mul3A_448 : i32
          %dma_start3A_450 = tpu.memref_slice %arg4[%add3A_449] : memref<10240xi32, #tpu.memory_space<hbm>> -> memref<1024xi32, #tpu.memory_space<hbm>>
          %dma_start3A_451 = tpu.memref_slice %arg4[%add3A_449] : memref<10240xi32, #tpu.memory_space<hbm>> -> memref<1024xi32, #tpu.memory_space<hbm>>
          tpu.enqueue_dma source(%dma_start3A_451 : memref<1024xi32, #tpu.memory_space<hbm>>) target(%arg7 : memref<1024xi32, #tpu.memory_space<vmem>>) target_semaphore(%arg18 : memref<!tpu.dma_semaphore, #tpu.memory_space<semaphore_mem>>)
          %dma_start3A_452 = tpu.memref_slice %arg5[%add3A_449] : memref<10240xi32, #tpu.memory_space<hbm>> -> memref<1024xi32, #tpu.memory_space<hbm>>
          %dma_start3A_453 = tpu.memref_slice %arg5[%add3A_449] : memref<10240xi32, #tpu.memory_space<hbm>> -> memref<1024xi32, #tpu.memory_space<hbm>>
          tpu.enqueue_dma source(%dma_start3A_453 : memref<1024xi32, #tpu.memory_space<hbm>>) target(%arg9 : memref<1024xi32, #tpu.memory_space<vmem>>) target_semaphore(%arg18 : memref<!tpu.dma_semaphore, #tpu.memory_space<semaphore_mem>>)
        } else {
        }
        %mul3A_430 = arith.constant 2 : i32
        %mul3A_431 = arith.muli %mul3A_430, %scan3A_44 : i32
        %add3A_432 = arith.constant 3 : i32
        %add3A_433 = arith.addi %mul3A_431, %add3A_432 : i32
        %lt3A_434 = arith.constant 31 : i32
        %lt3A_435 = arith.cmpi slt, %add3A, %lt3A_434 : i32
        %convert_element_type3A_436 = arith.extui %lt3A_435 : i1 to i32
        %cond3A_437 = arith.constant 0 : i32
        %cond3A_438 = arith.cmpi ne, %convert_element_type3A_436, %cond3A_437 : i32
        scf.if %cond3A_438 {
          %mul3A_444 = arith.constant 10240 : i32
          %mul3A_445 = arith.muli %add3A, %mul3A_444 : i32
          %mul3A_446 = arith.constant 1024 : i32
          %mul3A_447 = arith.muli %add3A_433, %mul3A_446 : i32
          %add3A_448 = arith.addi %mul3A_445, %mul3A_447 : i32
          %dma_start3A_449 = arith.constant 0 : i32
          %dma_start3A_450 = tpu.memref_slice %arg3[%dma_start3A_449, %add3A_448] : memref<2x320000xi32, #tpu.memory_space<hbm>> -> memref<1x1024xi32, #tpu.memory_space<hbm>>
          %dma_start3A_451 = tpu.memref_squeeze %dma_start3A_450 : memref<1x1024xi32, #tpu.memory_space<hbm>> -> memref<1024xi32, #tpu.memory_space<hbm>>
          %dma_start3A_452 = tpu.memref_slice %arg3[%dma_start3A_449, %add3A_448] : memref<2x320000xi32, #tpu.memory_space<hbm>> -> memref<1x1024xi32, #tpu.memory_space<hbm>>
          %dma_start3A_453 = tpu.memref_squeeze %dma_start3A_452 : memref<1x1024xi32, #tpu.memory_space<hbm>> -> memref<1024xi32, #tpu.memory_space<hbm>>
          tpu.enqueue_dma source(%dma_start3A_453 : memref<1024xi32, #tpu.memory_space<hbm>>) target(%arg8 : memref<1024xi32, #tpu.memory_space<vmem>>) target_semaphore(%arg19 : memref<!tpu.dma_semaphore, #tpu.memory_space<semaphore_mem>>)
          %dma_start3A_454 = arith.constant 1 : i32
          %dma_start3A_455 = tpu.memref_slice %arg3[%dma_start3A_454, %add3A_448] : memref<2x320000xi32, #tpu.memory_space<hbm>> -> memref<1x1024xi32, #tpu.memory_space<hbm>>
          %dma_start3A_456 = tpu.memref_squeeze %dma_start3A_455 : memref<1x1024xi32, #tpu.memory_space<hbm>> -> memref<1024xi32, #tpu.memory_space<hbm>>
          %dma_start3A_457 = tpu.memref_slice %arg3[%dma_start3A_454, %add3A_448] : memref<2x320000xi32, #tpu.memory_space<hbm>> -> memref<1x1024xi32, #tpu.memory_space<hbm>>
          %dma_start3A_458 = tpu.memref_squeeze %dma_start3A_457 : memref<1x1024xi32, #tpu.memory_space<hbm>> -> memref<1024xi32, #tpu.memory_space<hbm>>
          tpu.enqueue_dma source(%dma_start3A_458 : memref<1024xi32, #tpu.memory_space<hbm>>) target(%arg10 : memref<1024xi32, #tpu.memory_space<vmem>>) target_semaphore(%arg19 : memref<!tpu.dma_semaphore, #tpu.memory_space<semaphore_mem>>)
        } else {
        }
        %ge3A_439 = arith.constant 31 : i32
        %ge3A_440 = arith.cmpi sge, %add3A, %ge3A_439 : i32
        %convert_element_type3A_441 = arith.extui %ge3A_440 : i1 to i32
        %cond3A_442 = arith.constant 0 : i32
        %cond3A_443 = arith.cmpi ne, %convert_element_type3A_441, %cond3A_442 : i32
        scf.if %cond3A_443 {
          %sub3A = arith.constant 31 : i32
          %sub3A_444 = arith.subi %add3A, %sub3A : i32
          %mul3A_445 = arith.constant 10240 : i32
          %mul3A_446 = arith.muli %sub3A_444, %mul3A_445 : i32
          %mul3A_447 = arith.constant 1024 : i32
          %mul3A_448 = arith.muli %add3A_433, %mul3A_447 : i32
          %add3A_449 = arith.addi %mul3A_446, %mul3A_448 : i32
          %dma_start3A_450 = tpu.memref_slice %arg4[%add3A_449] : memref<10240xi32, #tpu.memory_space<hbm>> -> memref<1024xi32, #tpu.memory_space<hbm>>
          %dma_start3A_451 = tpu.memref_slice %arg4[%add3A_449] : memref<10240xi32, #tpu.memory_space<hbm>> -> memref<1024xi32, #tpu.memory_space<hbm>>
          tpu.enqueue_dma source(%dma_start3A_451 : memref<1024xi32, #tpu.memory_space<hbm>>) target(%arg8 : memref<1024xi32, #tpu.memory_space<vmem>>) target_semaphore(%arg19 : memref<!tpu.dma_semaphore, #tpu.memory_space<semaphore_mem>>)
          %dma_start3A_452 = tpu.memref_slice %arg5[%add3A_449] : memref<10240xi32, #tpu.memory_space<hbm>> -> memref<1024xi32, #tpu.memory_space<hbm>>
          %dma_start3A_453 = tpu.memref_slice %arg5[%add3A_449] : memref<10240xi32, #tpu.memory_space<hbm>> -> memref<1024xi32, #tpu.memory_space<hbm>>
          tpu.enqueue_dma source(%dma_start3A_453 : memref<1024xi32, #tpu.memory_space<hbm>>) target(%arg10 : memref<1024xi32, #tpu.memory_space<vmem>>) target_semaphore(%arg19 : memref<!tpu.dma_semaphore, #tpu.memory_space<semaphore_mem>>)
        } else {
        }
      } else {
      }
    }
    %scan3A_42 = arith.constant 5 : i32
    %barrier3A_43 = arith.constant 0 : index
    tpu.barrier barrier_id(%barrier3A_43)
    "tpu.region"() ({
      %run_scoped3A = tpu.sem_alloc : memref<!tpu.dma_semaphore, #tpu.memory_space<semaphore_mem>>
      %dma_start3A = arith.constant 0 : i32
      %dma_start3A_44 = tpu.memref_slice %arg6[%arg0, %mul3A_2, %dma_start3A] : memref<2x10112x128xf32, #tpu.memory_space<hbm>> -> memref<1x632x128xf32, #tpu.memory_space<hbm>>
      %dma_start3A_45 = tpu.memref_squeeze %dma_start3A_44 : memref<1x632x128xf32, #tpu.memory_space<hbm>> -> memref<632x128xf32, #tpu.memory_space<hbm>>
      %dma_start3A_46 = arith.constant 0 : i32
      %dma_start3A_47 = tpu.memref_slice %arg13[%mul3A_2, %dma_start3A_46] : memref<10112x128xf32, #tpu.memory_space<vmem_shared>> -> memref<632x128xf32, #tpu.memory_space<vmem_shared>>
      tpu.enqueue_dma source(%dma_start3A_47 : memref<632x128xf32, #tpu.memory_space<vmem_shared>>) target(%dma_start3A_45 : memref<632x128xf32, #tpu.memory_space<hbm>>) target_semaphore(%run_scoped3A : memref<!tpu.dma_semaphore, #tpu.memory_space<semaphore_mem>>)
      %dma_wait3A = arith.constant 0 : i32
      %dma_wait3A_48 = tpu.memref_slice %arg6[%arg0, %mul3A_2, %dma_wait3A] : memref<2x10112x128xf32, #tpu.memory_space<hbm>> -> memref<1x632x128xf32, #tpu.memory_space<hbm>>
      %dma_wait3A_49 = tpu.memref_squeeze %dma_wait3A_48 : memref<1x632x128xf32, #tpu.memory_space<hbm>> -> memref<632x128xf32, #tpu.memory_space<hbm>>
      %dma_wait3A_50 = arith.constant 0 : i32
      %dma_wait3A_51 = tpu.memref_slice %arg13[%mul3A_2, %dma_wait3A_50] : memref<10112x128xf32, #tpu.memory_space<vmem_shared>> -> memref<632x128xf32, #tpu.memory_space<vmem_shared>>
      tpu.wait_dma2 semaphore(%run_scoped3A : memref<!tpu.dma_semaphore, #tpu.memory_space<semaphore_mem>>) src(%dma_wait3A_51 : memref<632x128xf32, #tpu.memory_space<vmem_shared>>) dst(%dma_wait3A_49 : memref<632x128xf32, #tpu.memory_space<hbm>>)
      tpu.yield
    }) : () -> ()
    return
  }
}

#map = affine_map<(d0, d1) -> (0, 0)>
#map1 = affine_map<(d0, d1) -> (0)>
#map2 = affine_map<(d0, d1) -> (0, 0, 0)>
module attributes {stable_mosaic.version = 14 : i64} {
  func.func @agg(%arg0: i32, %arg1: i32, %arg2: memref<10000x128xf32, #tpu.memory_space<hbm>>, %arg3: memref<2x320000xi32, #tpu.memory_space<hbm>>, %arg4: memref<10240xi32, #tpu.memory_space<hbm>>, %arg5: memref<10240xi32, #tpu.memory_space<hbm>>, %arg6: memref<2x10112x128xf32, #tpu.memory_space<hbm>>, %arg7: memref<32x80x128xf32, #tpu.memory_space<hbm>>, %arg8: memref<1024xi32, #tpu.memory_space<vmem>>, %arg9: memref<1024xi32, #tpu.memory_space<vmem>>, %arg10: memref<1024xi32, #tpu.memory_space<vmem>>, %arg11: memref<1024xi32, #tpu.memory_space<vmem>>, %arg12: memref<128x128xf32, #tpu.memory_space<vmem>>, %arg13: memref<128x128xf32, #tpu.memory_space<vmem>>, %arg14: memref<10112x128xf32, #tpu.memory_space<vmem_shared>>, %arg15: memref<!tpu.dma_semaphore, #tpu.memory_space<semaphore_mem>>, %arg16: memref<!tpu.dma_semaphore, #tpu.memory_space<semaphore_mem>>, %arg17: memref<!tpu.dma_semaphore, #tpu.memory_space<semaphore_mem>>, %arg18: memref<!tpu.dma_semaphore, #tpu.memory_space<semaphore_mem>>, %arg19: memref<!tpu.dma_semaphore, #tpu.memory_space<semaphore_mem>>, %arg20: memref<!tpu.dma_semaphore, #tpu.memory_space<semaphore_mem>>, %arg21: memref<80x128xf32, #tpu.memory_space<vmem>>) attributes {dimension_semantics = [#tpu.dimension_semantics<core_parallel>, #tpu.dimension_semantics<subcore_parallel>], iteration_bounds = array<i64: 2, 16>, scalar_prefetch = 0 : i64, scratch_operands = 14 : i64, tpu.core_type = #tpu.core_type<sc_vector_subcore>, window_params = [{transform_indices = #map}, {transform_indices = #map}, {transform_indices = #map1}, {transform_indices = #map1}, {transform_indices = #map2}, {transform_indices = #map2}]} {
    %mul3A = arith.constant 2 : i32
    %mul3A_0 = arith.muli %arg1, %mul3A : i32
    %add3A = arith.addi %mul3A_0, %arg0 : i32
    %mul3A_1 = arith.constant 632 : i32
    %mul3A_2 = arith.muli %arg1, %mul3A_1 : i32
    %broadcast_in_dim3A = arith.constant 0.000000e+00 : f32
    %broadcast_in_dim3A_3 = vector.broadcast %broadcast_in_dim3A : f32 to vector<16xf32>
    %broadcast_in_dim3A_4 = arith.constant 1.000000e+00 : f32
    %broadcast_in_dim3A_5 = vector.broadcast %broadcast_in_dim3A_4 : f32 to vector<16xf32>
    %scan3A = arith.constant 0 : i32
    %scan3A_6 = arith.constant 0 : i32
    %scan3A_7 = arith.constant 128 : i32
    %scan3A_8 = arith.addi %scan3A_6, %scan3A_7 : i32
    %scan3A_9 = arith.constant 1 : i32
    scf.for %scan3A_50 = %scan3A_6 to %scan3A_8 step %scan3A_9  : i32 {
      %swap3A = arith.index_cast %scan3A_50 : i32 to index
      %swap3A_51 = arith.constant 0 : index
      %swap3A_52 = tpu.vector_load %arg12[%swap3A, %swap3A_51] {strides = array<i32>} : memref<128x128xf32, #tpu.memory_space<vmem>>, vector<16xf32>,
      tpu.vector_store %arg12[%swap3A, %swap3A_51], %broadcast_in_dim3A_3 {strides = array<i32>} : memref<128x128xf32, #tpu.memory_space<vmem>>, vector<16xf32>,
      %swap3A_53 = arith.index_cast %scan3A_50 : i32 to index
      %swap3A_54 = arith.constant 16 : index
      %swap3A_55 = tpu.vector_load %arg12[%swap3A_53, %swap3A_54] {strides = array<i32>} : memref<128x128xf32, #tpu.memory_space<vmem>>, vector<16xf32>,
      tpu.vector_store %arg12[%swap3A_53, %swap3A_54], %broadcast_in_dim3A_3 {strides = array<i32>} : memref<128x128xf32, #tpu.memory_space<vmem>>, vector<16xf32>,
      %swap3A_56 = arith.index_cast %scan3A_50 : i32 to index
      %swap3A_57 = arith.constant 32 : index
      %swap3A_58 = tpu.vector_load %arg12[%swap3A_56, %swap3A_57] {strides = array<i32>} : memref<128x128xf32, #tpu.memory_space<vmem>>, vector<16xf32>,
      tpu.vector_store %arg12[%swap3A_56, %swap3A_57], %broadcast_in_dim3A_3 {strides = array<i32>} : memref<128x128xf32, #tpu.memory_space<vmem>>, vector<16xf32>,
      %swap3A_59 = arith.index_cast %scan3A_50 : i32 to index
      %swap3A_60 = arith.constant 48 : index
      %swap3A_61 = tpu.vector_load %arg12[%swap3A_59, %swap3A_60] {strides = array<i32>} : memref<128x128xf32, #tpu.memory_space<vmem>>, vector<16xf32>,
      tpu.vector_store %arg12[%swap3A_59, %swap3A_60], %broadcast_in_dim3A_3 {strides = array<i32>} : memref<128x128xf32, #tpu.memory_space<vmem>>, vector<16xf32>,
      %swap3A_62 = arith.index_cast %scan3A_50 : i32 to index
      %swap3A_63 = arith.constant 64 : index
      %swap3A_64 = tpu.vector_load %arg12[%swap3A_62, %swap3A_63] {strides = array<i32>} : memref<128x128xf32, #tpu.memory_space<vmem>>, vector<16xf32>,
      tpu.vector_store %arg12[%swap3A_62, %swap3A_63], %broadcast_in_dim3A_3 {strides = array<i32>} : memref<128x128xf32, #tpu.memory_space<vmem>>, vector<16xf32>,
      %swap3A_65 = arith.index_cast %scan3A_50 : i32 to index
      %swap3A_66 = arith.constant 80 : index
      %swap3A_67 = tpu.vector_load %arg12[%swap3A_65, %swap3A_66] {strides = array<i32>} : memref<128x128xf32, #tpu.memory_space<vmem>>, vector<16xf32>,
      tpu.vector_store %arg12[%swap3A_65, %swap3A_66], %broadcast_in_dim3A_3 {strides = array<i32>} : memref<128x128xf32, #tpu.memory_space<vmem>>, vector<16xf32>,
      %swap3A_68 = arith.index_cast %scan3A_50 : i32 to index
      %swap3A_69 = arith.constant 96 : index
      %swap3A_70 = tpu.vector_load %arg12[%swap3A_68, %swap3A_69] {strides = array<i32>} : memref<128x128xf32, #tpu.memory_space<vmem>>, vector<16xf32>,
      tpu.vector_store %arg12[%swap3A_68, %swap3A_69], %broadcast_in_dim3A_3 {strides = array<i32>} : memref<128x128xf32, #tpu.memory_space<vmem>>, vector<16xf32>,
      %swap3A_71 = arith.index_cast %scan3A_50 : i32 to index
      %swap3A_72 = arith.constant 112 : index
      %swap3A_73 = tpu.vector_load %arg12[%swap3A_71, %swap3A_72] {strides = array<i32>} : memref<128x128xf32, #tpu.memory_space<vmem>>, vector<16xf32>,
      tpu.vector_store %arg12[%swap3A_71, %swap3A_72], %broadcast_in_dim3A_3 {strides = array<i32>} : memref<128x128xf32, #tpu.memory_space<vmem>>, vector<16xf32>,
    }
    %scan3A_10 = arith.constant 128 : i32
    %add3A_11 = arith.constant 0 : i32
    %add3A_12 = arith.addi %mul3A_2, %add3A_11 : i32
    "tpu.region"() ({
      %run_scoped3A = tpu.sem_alloc : memref<!tpu.dma_semaphore, #tpu.memory_space<semaphore_mem>>
      %dma_start3A = arith.constant 0 : i32
      %dma_start3A_50 = tpu.memref_slice %arg14[%add3A_12, %dma_start3A] : memref<10112x128xf32, #tpu.memory_space<vmem_shared>> -> memref<128x128xf32, #tpu.memory_space<vmem_shared>>
      %dma_start3A_51 = arith.constant 0 : i32
      %dma_start3A_52 = tpu.memref_slice %arg14[%add3A_12, %dma_start3A_51] : memref<10112x128xf32, #tpu.memory_space<vmem_shared>> -> memref<128x128xf32, #tpu.memory_space<vmem_shared>>
      tpu.enqueue_dma source(%arg12 : memref<128x128xf32, #tpu.memory_space<vmem>>) target(%dma_start3A_52 : memref<128x128xf32, #tpu.memory_space<vmem_shared>>) target_semaphore(%run_scoped3A : memref<!tpu.dma_semaphore, #tpu.memory_space<semaphore_mem>>)
      %dma_wait3A = arith.constant 0 : i32
      %dma_wait3A_53 = tpu.memref_slice %arg14[%add3A_12, %dma_wait3A] : memref<10112x128xf32, #tpu.memory_space<vmem_shared>> -> memref<128x128xf32, #tpu.memory_space<vmem_shared>>
      %dma_wait3A_54 = arith.constant 0 : i32
      %dma_wait3A_55 = tpu.memref_slice %arg14[%add3A_12, %dma_wait3A_54] : memref<10112x128xf32, #tpu.memory_space<vmem_shared>> -> memref<128x128xf32, #tpu.memory_space<vmem_shared>>
      tpu.wait_dma2 semaphore(%run_scoped3A : memref<!tpu.dma_semaphore, #tpu.memory_space<semaphore_mem>>) src(%arg12 : memref<128x128xf32, #tpu.memory_space<vmem>>) dst(%dma_wait3A_55 : memref<128x128xf32, #tpu.memory_space<vmem_shared>>)
      tpu.yield
    }) : () -> ()
    %add3A_13 = arith.constant 128 : i32
    %add3A_14 = arith.addi %mul3A_2, %add3A_13 : i32
    "tpu.region"() ({
      %run_scoped3A = tpu.sem_alloc : memref<!tpu.dma_semaphore, #tpu.memory_space<semaphore_mem>>
      %dma_start3A = arith.constant 0 : i32
      %dma_start3A_50 = tpu.memref_slice %arg14[%add3A_14, %dma_start3A] : memref<10112x128xf32, #tpu.memory_space<vmem_shared>> -> memref<128x128xf32, #tpu.memory_space<vmem_shared>>
      %dma_start3A_51 = arith.constant 0 : i32
      %dma_start3A_52 = tpu.memref_slice %arg14[%add3A_14, %dma_start3A_51] : memref<10112x128xf32, #tpu.memory_space<vmem_shared>> -> memref<128x128xf32, #tpu.memory_space<vmem_shared>>
      tpu.enqueue_dma source(%arg12 : memref<128x128xf32, #tpu.memory_space<vmem>>) target(%dma_start3A_52 : memref<128x128xf32, #tpu.memory_space<vmem_shared>>) target_semaphore(%run_scoped3A : memref<!tpu.dma_semaphore, #tpu.memory_space<semaphore_mem>>)
      %dma_wait3A = arith.constant 0 : i32
      %dma_wait3A_53 = tpu.memref_slice %arg14[%add3A_14, %dma_wait3A] : memref<10112x128xf32, #tpu.memory_space<vmem_shared>> -> memref<128x128xf32, #tpu.memory_space<vmem_shared>>
      %dma_wait3A_54 = arith.constant 0 : i32
      %dma_wait3A_55 = tpu.memref_slice %arg14[%add3A_14, %dma_wait3A_54] : memref<10112x128xf32, #tpu.memory_space<vmem_shared>> -> memref<128x128xf32, #tpu.memory_space<vmem_shared>>
      tpu.wait_dma2 semaphore(%run_scoped3A : memref<!tpu.dma_semaphore, #tpu.memory_space<semaphore_mem>>) src(%arg12 : memref<128x128xf32, #tpu.memory_space<vmem>>) dst(%dma_wait3A_55 : memref<128x128xf32, #tpu.memory_space<vmem_shared>>)
      tpu.yield
    }) : () -> ()
    %add3A_15 = arith.constant 256 : i32
    %add3A_16 = arith.addi %mul3A_2, %add3A_15 : i32
    "tpu.region"() ({
      %run_scoped3A = tpu.sem_alloc : memref<!tpu.dma_semaphore, #tpu.memory_space<semaphore_mem>>
      %dma_start3A = arith.constant 0 : i32
      %dma_start3A_50 = tpu.memref_slice %arg14[%add3A_16, %dma_start3A] : memref<10112x128xf32, #tpu.memory_space<vmem_shared>> -> memref<128x128xf32, #tpu.memory_space<vmem_shared>>
      %dma_start3A_51 = arith.constant 0 : i32
      %dma_start3A_52 = tpu.memref_slice %arg14[%add3A_16, %dma_start3A_51] : memref<10112x128xf32, #tpu.memory_space<vmem_shared>> -> memref<128x128xf32, #tpu.memory_space<vmem_shared>>
      tpu.enqueue_dma source(%arg12 : memref<128x128xf32, #tpu.memory_space<vmem>>) target(%dma_start3A_52 : memref<128x128xf32, #tpu.memory_space<vmem_shared>>) target_semaphore(%run_scoped3A : memref<!tpu.dma_semaphore, #tpu.memory_space<semaphore_mem>>)
      %dma_wait3A = arith.constant 0 : i32
      %dma_wait3A_53 = tpu.memref_slice %arg14[%add3A_16, %dma_wait3A] : memref<10112x128xf32, #tpu.memory_space<vmem_shared>> -> memref<128x128xf32, #tpu.memory_space<vmem_shared>>
      %dma_wait3A_54 = arith.constant 0 : i32
      %dma_wait3A_55 = tpu.memref_slice %arg14[%add3A_16, %dma_wait3A_54] : memref<10112x128xf32, #tpu.memory_space<vmem_shared>> -> memref<128x128xf32, #tpu.memory_space<vmem_shared>>
      tpu.wait_dma2 semaphore(%run_scoped3A : memref<!tpu.dma_semaphore, #tpu.memory_space<semaphore_mem>>) src(%arg12 : memref<128x128xf32, #tpu.memory_space<vmem>>) dst(%dma_wait3A_55 : memref<128x128xf32, #tpu.memory_space<vmem_shared>>)
      tpu.yield
    }) : () -> ()
    %add3A_17 = arith.constant 384 : i32
    %add3A_18 = arith.addi %mul3A_2, %add3A_17 : i32
    "tpu.region"() ({
      %run_scoped3A = tpu.sem_alloc : memref<!tpu.dma_semaphore, #tpu.memory_space<semaphore_mem>>
      %dma_start3A = arith.constant 0 : i32
      %dma_start3A_50 = tpu.memref_slice %arg14[%add3A_18, %dma_start3A] : memref<10112x128xf32, #tpu.memory_space<vmem_shared>> -> memref<128x128xf32, #tpu.memory_space<vmem_shared>>
      %dma_start3A_51 = arith.constant 0 : i32
      %dma_start3A_52 = tpu.memref_slice %arg14[%add3A_18, %dma_start3A_51] : memref<10112x128xf32, #tpu.memory_space<vmem_shared>> -> memref<128x128xf32, #tpu.memory_space<vmem_shared>>
      tpu.enqueue_dma source(%arg12 : memref<128x128xf32, #tpu.memory_space<vmem>>) target(%dma_start3A_52 : memref<128x128xf32, #tpu.memory_space<vmem_shared>>) target_semaphore(%run_scoped3A : memref<!tpu.dma_semaphore, #tpu.memory_space<semaphore_mem>>)
      %dma_wait3A = arith.constant 0 : i32
      %dma_wait3A_53 = tpu.memref_slice %arg14[%add3A_18, %dma_wait3A] : memref<10112x128xf32, #tpu.memory_space<vmem_shared>> -> memref<128x128xf32, #tpu.memory_space<vmem_shared>>
      %dma_wait3A_54 = arith.constant 0 : i32
      %dma_wait3A_55 = tpu.memref_slice %arg14[%add3A_18, %dma_wait3A_54] : memref<10112x128xf32, #tpu.memory_space<vmem_shared>> -> memref<128x128xf32, #tpu.memory_space<vmem_shared>>
      tpu.wait_dma2 semaphore(%run_scoped3A : memref<!tpu.dma_semaphore, #tpu.memory_space<semaphore_mem>>) src(%arg12 : memref<128x128xf32, #tpu.memory_space<vmem>>) dst(%dma_wait3A_55 : memref<128x128xf32, #tpu.memory_space<vmem_shared>>)
      tpu.yield
    }) : () -> ()
    %add3A_19 = arith.constant 512 : i32
    %add3A_20 = arith.addi %mul3A_2, %add3A_19 : i32
    "tpu.region"() ({
      %run_scoped3A = tpu.sem_alloc : memref<!tpu.dma_semaphore, #tpu.memory_space<semaphore_mem>>
      %dma_start3A = arith.constant 0 : i32
      %dma_start3A_50 = arith.constant 0 : i32
      %dma_start3A_51 = tpu.memref_slice %arg12[%dma_start3A, %dma_start3A_50] : memref<128x128xf32, #tpu.memory_space<vmem>> -> memref<120x128xf32, #tpu.memory_space<vmem>>
      %dma_start3A_52 = arith.constant 0 : i32
      %dma_start3A_53 = tpu.memref_slice %arg14[%add3A_20, %dma_start3A_52] : memref<10112x128xf32, #tpu.memory_space<vmem_shared>> -> memref<120x128xf32, #tpu.memory_space<vmem_shared>>
      %dma_start3A_54 = arith.constant 0 : i32
      %dma_start3A_55 = tpu.memref_slice %arg14[%add3A_20, %dma_start3A_54] : memref<10112x128xf32, #tpu.memory_space<vmem_shared>> -> memref<120x128xf32, #tpu.memory_space<vmem_shared>>
      %dma_start3A_56 = arith.constant 0 : i32
      %dma_start3A_57 = arith.constant 0 : i32
      %dma_start3A_58 = tpu.memref_slice %arg12[%dma_start3A_56, %dma_start3A_57] : memref<128x128xf32, #tpu.memory_space<vmem>> -> memref<120x128xf32, #tpu.memory_space<vmem>>
      tpu.enqueue_dma source(%dma_start3A_58 : memref<120x128xf32, #tpu.memory_space<vmem>>) target(%dma_start3A_55 : memref<120x128xf32, #tpu.memory_space<vmem_shared>>) target_semaphore(%run_scoped3A : memref<!tpu.dma_semaphore, #tpu.memory_space<semaphore_mem>>)
      %dma_wait3A = arith.constant 0 : i32
      %dma_wait3A_59 = arith.constant 0 : i32
      %dma_wait3A_60 = tpu.memref_slice %arg12[%dma_wait3A, %dma_wait3A_59] : memref<128x128xf32, #tpu.memory_space<vmem>> -> memref<120x128xf32, #tpu.memory_space<vmem>>
      %dma_wait3A_61 = arith.constant 0 : i32
      %dma_wait3A_62 = tpu.memref_slice %arg14[%add3A_20, %dma_wait3A_61] : memref<10112x128xf32, #tpu.memory_space<vmem_shared>> -> memref<120x128xf32, #tpu.memory_space<vmem_shared>>
      %dma_wait3A_63 = arith.constant 0 : i32
      %dma_wait3A_64 = tpu.memref_slice %arg14[%add3A_20, %dma_wait3A_63] : memref<10112x128xf32, #tpu.memory_space<vmem_shared>> -> memref<120x128xf32, #tpu.memory_space<vmem_shared>>
      %dma_wait3A_65 = arith.constant 0 : i32
      %dma_wait3A_66 = arith.constant 0 : i32
      %dma_wait3A_67 = tpu.memref_slice %arg12[%dma_wait3A_65, %dma_wait3A_66] : memref<128x128xf32, #tpu.memory_space<vmem>> -> memref<120x128xf32, #tpu.memory_space<vmem>>
      tpu.wait_dma2 semaphore(%run_scoped3A : memref<!tpu.dma_semaphore, #tpu.memory_space<semaphore_mem>>) src(%dma_wait3A_67 : memref<120x128xf32, #tpu.memory_space<vmem>>) dst(%dma_wait3A_64 : memref<120x128xf32, #tpu.memory_space<vmem_shared>>)
      tpu.yield
    }) : () -> ()
    %scan3A_21 = arith.constant 0 : i32
    %scan3A_22 = arith.constant 0 : i32
    %scan3A_23 = arith.constant 80 : i32
    %scan3A_24 = arith.addi %scan3A_22, %scan3A_23 : i32
    %scan3A_25 = arith.constant 1 : i32
    scf.for %scan3A_50 = %scan3A_22 to %scan3A_24 step %scan3A_25  : i32 {
      %swap3A = arith.index_cast %scan3A_50 : i32 to index
      %swap3A_51 = arith.constant 0 : index
      %swap3A_52 = tpu.vector_load %arg21[%swap3A, %swap3A_51] {strides = array<i32>} : memref<80x128xf32, #tpu.memory_space<vmem>>, vector<16xf32>,
      tpu.vector_store %arg21[%swap3A, %swap3A_51], %broadcast_in_dim3A_3 {strides = array<i32>} : memref<80x128xf32, #tpu.memory_space<vmem>>, vector<16xf32>,
      %swap3A_53 = arith.index_cast %scan3A_50 : i32 to index
      %swap3A_54 = arith.constant 16 : index
      %swap3A_55 = tpu.vector_load %arg21[%swap3A_53, %swap3A_54] {strides = array<i32>} : memref<80x128xf32, #tpu.memory_space<vmem>>, vector<16xf32>,
      tpu.vector_store %arg21[%swap3A_53, %swap3A_54], %broadcast_in_dim3A_3 {strides = array<i32>} : memref<80x128xf32, #tpu.memory_space<vmem>>, vector<16xf32>,
      %swap3A_56 = arith.index_cast %scan3A_50 : i32 to index
      %swap3A_57 = arith.constant 32 : index
      %swap3A_58 = tpu.vector_load %arg21[%swap3A_56, %swap3A_57] {strides = array<i32>} : memref<80x128xf32, #tpu.memory_space<vmem>>, vector<16xf32>,
      tpu.vector_store %arg21[%swap3A_56, %swap3A_57], %broadcast_in_dim3A_3 {strides = array<i32>} : memref<80x128xf32, #tpu.memory_space<vmem>>, vector<16xf32>,
      %swap3A_59 = arith.index_cast %scan3A_50 : i32 to index
      %swap3A_60 = arith.constant 48 : index
      %swap3A_61 = tpu.vector_load %arg21[%swap3A_59, %swap3A_60] {strides = array<i32>} : memref<80x128xf32, #tpu.memory_space<vmem>>, vector<16xf32>,
      tpu.vector_store %arg21[%swap3A_59, %swap3A_60], %broadcast_in_dim3A_3 {strides = array<i32>} : memref<80x128xf32, #tpu.memory_space<vmem>>, vector<16xf32>,
      %swap3A_62 = arith.index_cast %scan3A_50 : i32 to index
      %swap3A_63 = arith.constant 64 : index
      %swap3A_64 = tpu.vector_load %arg21[%swap3A_62, %swap3A_63] {strides = array<i32>} : memref<80x128xf32, #tpu.memory_space<vmem>>, vector<16xf32>,
      tpu.vector_store %arg21[%swap3A_62, %swap3A_63], %broadcast_in_dim3A_3 {strides = array<i32>} : memref<80x128xf32, #tpu.memory_space<vmem>>, vector<16xf32>,
      %swap3A_65 = arith.index_cast %scan3A_50 : i32 to index
      %swap3A_66 = arith.constant 80 : index
      %swap3A_67 = tpu.vector_load %arg21[%swap3A_65, %swap3A_66] {strides = array<i32>} : memref<80x128xf32, #tpu.memory_space<vmem>>, vector<16xf32>,
      tpu.vector_store %arg21[%swap3A_65, %swap3A_66], %broadcast_in_dim3A_3 {strides = array<i32>} : memref<80x128xf32, #tpu.memory_space<vmem>>, vector<16xf32>,
      %swap3A_68 = arith.index_cast %scan3A_50 : i32 to index
      %swap3A_69 = arith.constant 96 : index
      %swap3A_70 = tpu.vector_load %arg21[%swap3A_68, %swap3A_69] {strides = array<i32>} : memref<80x128xf32, #tpu.memory_space<vmem>>, vector<16xf32>,
      tpu.vector_store %arg21[%swap3A_68, %swap3A_69], %broadcast_in_dim3A_3 {strides = array<i32>} : memref<80x128xf32, #tpu.memory_space<vmem>>, vector<16xf32>,
      %swap3A_71 = arith.index_cast %scan3A_50 : i32 to index
      %swap3A_72 = arith.constant 112 : index
      %swap3A_73 = tpu.vector_load %arg21[%swap3A_71, %swap3A_72] {strides = array<i32>} : memref<80x128xf32, #tpu.memory_space<vmem>>, vector<16xf32>,
      tpu.vector_store %arg21[%swap3A_71, %swap3A_72], %broadcast_in_dim3A_3 {strides = array<i32>} : memref<80x128xf32, #tpu.memory_space<vmem>>, vector<16xf32>,
    }
    %scan3A_26 = arith.constant 80 : i32
    %barrier3A = arith.constant 0 : index
    tpu.barrier barrier_id(%barrier3A)
    %lt3A = arith.constant 31 : i32
    %lt3A_27 = arith.cmpi slt, %add3A, %lt3A : i32
    %convert_element_type3A = arith.extui %lt3A_27 : i1 to i32
    %cond3A = arith.constant 0 : i32
    %cond3A_28 = arith.cmpi ne, %convert_element_type3A, %cond3A : i32
    scf.if %cond3A_28 {
      %mul3A_50 = arith.constant 10240 : i32
      %mul3A_51 = arith.muli %add3A, %mul3A_50 : i32
      %add3A_52 = arith.constant 0 : i32
      %add3A_53 = arith.addi %mul3A_51, %add3A_52 : i32
      %dma_start3A = arith.constant 0 : i32
      %dma_start3A_54 = tpu.memref_slice %arg3[%dma_start3A, %add3A_53] : memref<2x320000xi32, #tpu.memory_space<hbm>> -> memref<1x1024xi32, #tpu.memory_space<hbm>>
      %dma_start3A_55 = tpu.memref_squeeze %dma_start3A_54 : memref<1x1024xi32, #tpu.memory_space<hbm>> -> memref<1024xi32, #tpu.memory_space<hbm>>
      %dma_start3A_56 = tpu.memref_slice %arg3[%dma_start3A, %add3A_53] : memref<2x320000xi32, #tpu.memory_space<hbm>> -> memref<1x1024xi32, #tpu.memory_space<hbm>>
      %dma_start3A_57 = tpu.memref_squeeze %dma_start3A_56 : memref<1x1024xi32, #tpu.memory_space<hbm>> -> memref<1024xi32, #tpu.memory_space<hbm>>
      tpu.enqueue_dma source(%dma_start3A_57 : memref<1024xi32, #tpu.memory_space<hbm>>) target(%arg8 : memref<1024xi32, #tpu.memory_space<vmem>>) target_semaphore(%arg19 : memref<!tpu.dma_semaphore, #tpu.memory_space<semaphore_mem>>)
      %dma_start3A_58 = arith.constant 1 : i32
      %dma_start3A_59 = tpu.memref_slice %arg3[%dma_start3A_58, %add3A_53] : memref<2x320000xi32, #tpu.memory_space<hbm>> -> memref<1x1024xi32, #tpu.memory_space<hbm>>
      %dma_start3A_60 = tpu.memref_squeeze %dma_start3A_59 : memref<1x1024xi32, #tpu.memory_space<hbm>> -> memref<1024xi32, #tpu.memory_space<hbm>>
      %dma_start3A_61 = tpu.memref_slice %arg3[%dma_start3A_58, %add3A_53] : memref<2x320000xi32, #tpu.memory_space<hbm>> -> memref<1x1024xi32, #tpu.memory_space<hbm>>
      %dma_start3A_62 = tpu.memref_squeeze %dma_start3A_61 : memref<1x1024xi32, #tpu.memory_space<hbm>> -> memref<1024xi32, #tpu.memory_space<hbm>>
      tpu.enqueue_dma source(%dma_start3A_62 : memref<1024xi32, #tpu.memory_space<hbm>>) target(%arg10 : memref<1024xi32, #tpu.memory_space<vmem>>) target_semaphore(%arg19 : memref<!tpu.dma_semaphore, #tpu.memory_space<semaphore_mem>>)
    } else {
    }
    %ge3A = arith.constant 31 : i32
    %ge3A_29 = arith.cmpi sge, %add3A, %ge3A : i32
    %convert_element_type3A_30 = arith.extui %ge3A_29 : i1 to i32
    %cond3A_31 = arith.constant 0 : i32
    %cond3A_32 = arith.cmpi ne, %convert_element_type3A_30, %cond3A_31 : i32
    scf.if %cond3A_32 {
      %sub3A = arith.constant 31 : i32
      %sub3A_50 = arith.subi %add3A, %sub3A : i32
      %mul3A_51 = arith.constant 10240 : i32
      %mul3A_52 = arith.muli %sub3A_50, %mul3A_51 : i32
      %add3A_53 = arith.constant 0 : i32
      %add3A_54 = arith.addi %mul3A_52, %add3A_53 : i32
      %dma_start3A = tpu.memref_slice %arg4[%add3A_54] : memref<10240xi32, #tpu.memory_space<hbm>> -> memref<1024xi32, #tpu.memory_space<hbm>>
      %dma_start3A_55 = tpu.memref_slice %arg4[%add3A_54] : memref<10240xi32, #tpu.memory_space<hbm>> -> memref<1024xi32, #tpu.memory_space<hbm>>
      tpu.enqueue_dma source(%dma_start3A_55 : memref<1024xi32, #tpu.memory_space<hbm>>) target(%arg8 : memref<1024xi32, #tpu.memory_space<vmem>>) target_semaphore(%arg19 : memref<!tpu.dma_semaphore, #tpu.memory_space<semaphore_mem>>)
      %dma_start3A_56 = tpu.memref_slice %arg5[%add3A_54] : memref<10240xi32, #tpu.memory_space<hbm>> -> memref<1024xi32, #tpu.memory_space<hbm>>
      %dma_start3A_57 = tpu.memref_slice %arg5[%add3A_54] : memref<10240xi32, #tpu.memory_space<hbm>> -> memref<1024xi32, #tpu.memory_space<hbm>>
      tpu.enqueue_dma source(%dma_start3A_57 : memref<1024xi32, #tpu.memory_space<hbm>>) target(%arg10 : memref<1024xi32, #tpu.memory_space<vmem>>) target_semaphore(%arg19 : memref<!tpu.dma_semaphore, #tpu.memory_space<semaphore_mem>>)
    } else {
    }
    %lt3A_33 = arith.constant 31 : i32
    %lt3A_34 = arith.cmpi slt, %add3A, %lt3A_33 : i32
    %convert_element_type3A_35 = arith.extui %lt3A_34 : i1 to i32
    %cond3A_36 = arith.constant 0 : i32
    %cond3A_37 = arith.cmpi ne, %convert_element_type3A_35, %cond3A_36 : i32
    scf.if %cond3A_37 {
      %mul3A_50 = arith.constant 10240 : i32
      %mul3A_51 = arith.muli %add3A, %mul3A_50 : i32
      %add3A_52 = arith.constant 1024 : i32
      %add3A_53 = arith.addi %mul3A_51, %add3A_52 : i32
      %dma_start3A = arith.constant 0 : i32
      %dma_start3A_54 = tpu.memref_slice %arg3[%dma_start3A, %add3A_53] : memref<2x320000xi32, #tpu.memory_space<hbm>> -> memref<1x1024xi32, #tpu.memory_space<hbm>>
      %dma_start3A_55 = tpu.memref_squeeze %dma_start3A_54 : memref<1x1024xi32, #tpu.memory_space<hbm>> -> memref<1024xi32, #tpu.memory_space<hbm>>
      %dma_start3A_56 = tpu.memref_slice %arg3[%dma_start3A, %add3A_53] : memref<2x320000xi32, #tpu.memory_space<hbm>> -> memref<1x1024xi32, #tpu.memory_space<hbm>>
      %dma_start3A_57 = tpu.memref_squeeze %dma_start3A_56 : memref<1x1024xi32, #tpu.memory_space<hbm>> -> memref<1024xi32, #tpu.memory_space<hbm>>
      tpu.enqueue_dma source(%dma_start3A_57 : memref<1024xi32, #tpu.memory_space<hbm>>) target(%arg9 : memref<1024xi32, #tpu.memory_space<vmem>>) target_semaphore(%arg20 : memref<!tpu.dma_semaphore, #tpu.memory_space<semaphore_mem>>)
      %dma_start3A_58 = arith.constant 1 : i32
      %dma_start3A_59 = tpu.memref_slice %arg3[%dma_start3A_58, %add3A_53] : memref<2x320000xi32, #tpu.memory_space<hbm>> -> memref<1x1024xi32, #tpu.memory_space<hbm>>
      %dma_start3A_60 = tpu.memref_squeeze %dma_start3A_59 : memref<1x1024xi32, #tpu.memory_space<hbm>> -> memref<1024xi32, #tpu.memory_space<hbm>>
      %dma_start3A_61 = tpu.memref_slice %arg3[%dma_start3A_58, %add3A_53] : memref<2x320000xi32, #tpu.memory_space<hbm>> -> memref<1x1024xi32, #tpu.memory_space<hbm>>
      %dma_start3A_62 = tpu.memref_squeeze %dma_start3A_61 : memref<1x1024xi32, #tpu.memory_space<hbm>> -> memref<1024xi32, #tpu.memory_space<hbm>>
      tpu.enqueue_dma source(%dma_start3A_62 : memref<1024xi32, #tpu.memory_space<hbm>>) target(%arg11 : memref<1024xi32, #tpu.memory_space<vmem>>) target_semaphore(%arg20 : memref<!tpu.dma_semaphore, #tpu.memory_space<semaphore_mem>>)
    } else {
    }
    %ge3A_38 = arith.constant 31 : i32
    %ge3A_39 = arith.cmpi sge, %add3A, %ge3A_38 : i32
    %convert_element_type3A_40 = arith.extui %ge3A_39 : i1 to i32
    %cond3A_41 = arith.constant 0 : i32
    %cond3A_42 = arith.cmpi ne, %convert_element_type3A_40, %cond3A_41 : i32
    scf.if %cond3A_42 {
      %sub3A = arith.constant 31 : i32
      %sub3A_50 = arith.subi %add3A, %sub3A : i32
      %mul3A_51 = arith.constant 10240 : i32
      %mul3A_52 = arith.muli %sub3A_50, %mul3A_51 : i32
      %add3A_53 = arith.constant 1024 : i32
      %add3A_54 = arith.addi %mul3A_52, %add3A_53 : i32
      %dma_start3A = tpu.memref_slice %arg4[%add3A_54] : memref<10240xi32, #tpu.memory_space<hbm>> -> memref<1024xi32, #tpu.memory_space<hbm>>
      %dma_start3A_55 = tpu.memref_slice %arg4[%add3A_54] : memref<10240xi32, #tpu.memory_space<hbm>> -> memref<1024xi32, #tpu.memory_space<hbm>>
      tpu.enqueue_dma source(%dma_start3A_55 : memref<1024xi32, #tpu.memory_space<hbm>>) target(%arg9 : memref<1024xi32, #tpu.memory_space<vmem>>) target_semaphore(%arg20 : memref<!tpu.dma_semaphore, #tpu.memory_space<semaphore_mem>>)
      %dma_start3A_56 = tpu.memref_slice %arg5[%add3A_54] : memref<10240xi32, #tpu.memory_space<hbm>> -> memref<1024xi32, #tpu.memory_space<hbm>>
      %dma_start3A_57 = tpu.memref_slice %arg5[%add3A_54] : memref<10240xi32, #tpu.memory_space<hbm>> -> memref<1024xi32, #tpu.memory_space<hbm>>
      tpu.enqueue_dma source(%dma_start3A_57 : memref<1024xi32, #tpu.memory_space<hbm>>) target(%arg11 : memref<1024xi32, #tpu.memory_space<vmem>>) target_semaphore(%arg20 : memref<!tpu.dma_semaphore, #tpu.memory_space<semaphore_mem>>)
    } else {
    }
    %scan3A_43 = arith.constant 0 : i32
    %scan3A_44 = arith.constant 0 : i32
    %scan3A_45 = arith.constant 5 : i32
    %scan3A_46 = arith.addi %scan3A_44, %scan3A_45 : i32
    %scan3A_47 = arith.constant 1 : i32
    scf.for %scan3A_50 = %scan3A_44 to %scan3A_46 step %scan3A_47  : i32 {
      %dma_wait3A = arith.constant 0 : i32
      %dma_wait3A_51 = tpu.memref_slice %arg4[%dma_wait3A] : memref<10240xi32, #tpu.memory_space<hbm>> -> memref<1024xi32, #tpu.memory_space<hbm>>
      %dma_wait3A_52 = arith.constant 0 : i32
      %dma_wait3A_53 = tpu.memref_slice %arg4[%dma_wait3A_52] : memref<10240xi32, #tpu.memory_space<hbm>> -> memref<1024xi32, #tpu.memory_space<hbm>>
      tpu.wait_dma2 semaphore(%arg19 : memref<!tpu.dma_semaphore, #tpu.memory_space<semaphore_mem>>) src(%dma_wait3A_53 : memref<1024xi32, #tpu.memory_space<hbm>>) dst(%arg8 : memref<1024xi32, #tpu.memory_space<vmem>>)
      %dma_wait3A_54 = arith.constant 0 : i32
      %dma_wait3A_55 = tpu.memref_slice %arg4[%dma_wait3A_54] : memref<10240xi32, #tpu.memory_space<hbm>> -> memref<1024xi32, #tpu.memory_space<hbm>>
      %dma_wait3A_56 = arith.constant 0 : i32
      %dma_wait3A_57 = tpu.memref_slice %arg4[%dma_wait3A_56] : memref<10240xi32, #tpu.memory_space<hbm>> -> memref<1024xi32, #tpu.memory_space<hbm>>
      tpu.wait_dma2 semaphore(%arg19 : memref<!tpu.dma_semaphore, #tpu.memory_space<semaphore_mem>>) src(%dma_wait3A_57 : memref<1024xi32, #tpu.memory_space<hbm>>) dst(%arg10 : memref<1024xi32, #tpu.memory_space<vmem>>)
      %dma_start3A = arith.constant 0 : i32
      %dma_start3A_58 = tpu.memref_slice %arg8[%dma_start3A] : memref<1024xi32, #tpu.memory_space<vmem>> -> memref<128xi32, #tpu.memory_space<vmem>>
      %dma_start3A_59 = arith.constant 0 : i32
      %dma_start3A_60 = arith.constant 0 : i32
      %dma_start3A_61 = tpu.memref_slice %arg2[%dma_start3A_59, %dma_start3A_60] : memref<10000x128xf32, #tpu.memory_space<hbm>> -> memref<10000x128xf32, #tpu.memory_space<hbm>>
      tpu.enqueue_indirect_dma source(%dma_start3A_61 : memref<10000x128xf32, #tpu.memory_space<hbm>>) target(%arg12 : memref<128x128xf32, #tpu.memory_space<vmem>>) offsets(%dma_start3A_58 : memref<128xi32, #tpu.memory_space<vmem>>) semaphore(%arg15 : memref<!tpu.dma_semaphore, #tpu.memory_space<semaphore_mem>>)
      %dma_start3A_62 = arith.constant 128 : i32
      %dma_start3A_63 = tpu.memref_slice %arg8[%dma_start3A_62] : memref<1024xi32, #tpu.memory_space<vmem>> -> memref<128xi32, #tpu.memory_space<vmem>>
      %dma_start3A_64 = arith.constant 0 : i32
      %dma_start3A_65 = arith.constant 0 : i32
      %dma_start3A_66 = tpu.memref_slice %arg2[%dma_start3A_64, %dma_start3A_65] : memref<10000x128xf32, #tpu.memory_space<hbm>> -> memref<10000x128xf32, #tpu.memory_space<hbm>>
      tpu.enqueue_indirect_dma source(%dma_start3A_66 : memref<10000x128xf32, #tpu.memory_space<hbm>>) target(%arg13 : memref<128x128xf32, #tpu.memory_space<vmem>>) offsets(%dma_start3A_63 : memref<128xi32, #tpu.memory_space<vmem>>) semaphore(%arg16 : memref<!tpu.dma_semaphore, #tpu.memory_space<semaphore_mem>>)
      %get3A = arith.constant 0 : index
      %get3A_67 = tpu.vector_load %arg10[%get3A] {strides = array<i32>} : memref<1024xi32, #tpu.memory_space<vmem>>, vector<16xi32>,
      %shift_right_logical3A = arith.constant 7 : i32
      %shift_right_logical3A_68 = vector.broadcast %shift_right_logical3A : i32 to vector<16xi32>
      %shift_right_logical3A_69 = arith.shrui %get3A_67, %shift_right_logical3A_68 : vector<16xi32>
      %and3A = arith.constant 127 : i32
      %and3A_70 = vector.broadcast %and3A : i32 to vector<16xi32>
      %and3A_71 = arith.andi %get3A_67, %and3A_70 : vector<16xi32>
      tpu.vector_store_idx %arg21[%shift_right_logical3A_69, %and3A_71], %broadcast_in_dim3A_5 {add = true} : memref<80x128xf32, #tpu.memory_space<vmem>>[vector<16xi32>, vector<16xi32>], vector<16xf32>,
      %get3A_72 = arith.constant 16 : index
      %get3A_73 = tpu.vector_load %arg10[%get3A_72] {strides = array<i32>} : memref<1024xi32, #tpu.memory_space<vmem>>, vector<16xi32>,
      %shift_right_logical3A_74 = arith.constant 7 : i32
      %shift_right_logical3A_75 = vector.broadcast %shift_right_logical3A_74 : i32 to vector<16xi32>
      %shift_right_logical3A_76 = arith.shrui %get3A_73, %shift_right_logical3A_75 : vector<16xi32>
      %and3A_77 = arith.constant 127 : i32
      %and3A_78 = vector.broadcast %and3A_77 : i32 to vector<16xi32>
      %and3A_79 = arith.andi %get3A_73, %and3A_78 : vector<16xi32>
      tpu.vector_store_idx %arg21[%shift_right_logical3A_76, %and3A_79], %broadcast_in_dim3A_5 {add = true} : memref<80x128xf32, #tpu.memory_space<vmem>>[vector<16xi32>, vector<16xi32>], vector<16xf32>,
      %get3A_80 = arith.constant 32 : index
      %get3A_81 = tpu.vector_load %arg10[%get3A_80] {strides = array<i32>} : memref<1024xi32, #tpu.memory_space<vmem>>, vector<16xi32>,
      %shift_right_logical3A_82 = arith.constant 7 : i32
      %shift_right_logical3A_83 = vector.broadcast %shift_right_logical3A_82 : i32 to vector<16xi32>
      %shift_right_logical3A_84 = arith.shrui %get3A_81, %shift_right_logical3A_83 : vector<16xi32>
      %and3A_85 = arith.constant 127 : i32
      %and3A_86 = vector.broadcast %and3A_85 : i32 to vector<16xi32>
      %and3A_87 = arith.andi %get3A_81, %and3A_86 : vector<16xi32>
      tpu.vector_store_idx %arg21[%shift_right_logical3A_84, %and3A_87], %broadcast_in_dim3A_5 {add = true} : memref<80x128xf32, #tpu.memory_space<vmem>>[vector<16xi32>, vector<16xi32>], vector<16xf32>,
      %get3A_88 = arith.constant 48 : index
      %get3A_89 = tpu.vector_load %arg10[%get3A_88] {strides = array<i32>} : memref<1024xi32, #tpu.memory_space<vmem>>, vector<16xi32>,
      %shift_right_logical3A_90 = arith.constant 7 : i32
      %shift_right_logical3A_91 = vector.broadcast %shift_right_logical3A_90 : i32 to vector<16xi32>
      %shift_right_logical3A_92 = arith.shrui %get3A_89, %shift_right_logical3A_91 : vector<16xi32>
      %and3A_93 = arith.constant 127 : i32
      %and3A_94 = vector.broadcast %and3A_93 : i32 to vector<16xi32>
      %and3A_95 = arith.andi %get3A_89, %and3A_94 : vector<16xi32>
      tpu.vector_store_idx %arg21[%shift_right_logical3A_92, %and3A_95], %broadcast_in_dim3A_5 {add = true} : memref<80x128xf32, #tpu.memory_space<vmem>>[vector<16xi32>, vector<16xi32>], vector<16xf32>,
      %get3A_96 = arith.constant 64 : index
      %get3A_97 = tpu.vector_load %arg10[%get3A_96] {strides = array<i32>} : memref<1024xi32, #tpu.memory_space<vmem>>, vector<16xi32>,
      %shift_right_logical3A_98 = arith.constant 7 : i32
      %shift_right_logical3A_99 = vector.broadcast %shift_right_logical3A_98 : i32 to vector<16xi32>
      %shift_right_logical3A_100 = arith.shrui %get3A_97, %shift_right_logical3A_99 : vector<16xi32>
      %and3A_101 = arith.constant 127 : i32
      %and3A_102 = vector.broadcast %and3A_101 : i32 to vector<16xi32>
      %and3A_103 = arith.andi %get3A_97, %and3A_102 : vector<16xi32>
      tpu.vector_store_idx %arg21[%shift_right_logical3A_100, %and3A_103], %broadcast_in_dim3A_5 {add = true} : memref<80x128xf32, #tpu.memory_space<vmem>>[vector<16xi32>, vector<16xi32>], vector<16xf32>,
      %get3A_104 = arith.constant 80 : index
      %get3A_105 = tpu.vector_load %arg10[%get3A_104] {strides = array<i32>} : memref<1024xi32, #tpu.memory_space<vmem>>, vector<16xi32>,
      %shift_right_logical3A_106 = arith.constant 7 : i32
      %shift_right_logical3A_107 = vector.broadcast %shift_right_logical3A_106 : i32 to vector<16xi32>
      %shift_right_logical3A_108 = arith.shrui %get3A_105, %shift_right_logical3A_107 : vector<16xi32>
      %and3A_109 = arith.constant 127 : i32
      %and3A_110 = vector.broadcast %and3A_109 : i32 to vector<16xi32>
      %and3A_111 = arith.andi %get3A_105, %and3A_110 : vector<16xi32>
      tpu.vector_store_idx %arg21[%shift_right_logical3A_108, %and3A_111], %broadcast_in_dim3A_5 {add = true} : memref<80x128xf32, #tpu.memory_space<vmem>>[vector<16xi32>, vector<16xi32>], vector<16xf32>,
      %get3A_112 = arith.constant 96 : index
      %get3A_113 = tpu.vector_load %arg10[%get3A_112] {strides = array<i32>} : memref<1024xi32, #tpu.memory_space<vmem>>, vector<16xi32>,
      %shift_right_logical3A_114 = arith.constant 7 : i32
      %shift_right_logical3A_115 = vector.broadcast %shift_right_logical3A_114 : i32 to vector<16xi32>
      %shift_right_logical3A_116 = arith.shrui %get3A_113, %shift_right_logical3A_115 : vector<16xi32>
      %and3A_117 = arith.constant 127 : i32
      %and3A_118 = vector.broadcast %and3A_117 : i32 to vector<16xi32>
      %and3A_119 = arith.andi %get3A_113, %and3A_118 : vector<16xi32>
      tpu.vector_store_idx %arg21[%shift_right_logical3A_116, %and3A_119], %broadcast_in_dim3A_5 {add = true} : memref<80x128xf32, #tpu.memory_space<vmem>>[vector<16xi32>, vector<16xi32>], vector<16xf32>,
      %get3A_120 = arith.constant 112 : index
      %get3A_121 = tpu.vector_load %arg10[%get3A_120] {strides = array<i32>} : memref<1024xi32, #tpu.memory_space<vmem>>, vector<16xi32>,
      %shift_right_logical3A_122 = arith.constant 7 : i32
      %shift_right_logical3A_123 = vector.broadcast %shift_right_logical3A_122 : i32 to vector<16xi32>
      %shift_right_logical3A_124 = arith.shrui %get3A_121, %shift_right_logical3A_123 : vector<16xi32>
      %and3A_125 = arith.constant 127 : i32
      %and3A_126 = vector.broadcast %and3A_125 : i32 to vector<16xi32>
      %and3A_127 = arith.andi %get3A_121, %and3A_126 : vector<16xi32>
      tpu.vector_store_idx %arg21[%shift_right_logical3A_124, %and3A_127], %broadcast_in_dim3A_5 {add = true} : memref<80x128xf32, #tpu.memory_space<vmem>>[vector<16xi32>, vector<16xi32>], vector<16xf32>,
      %get3A_128 = arith.constant 128 : index
      %get3A_129 = tpu.vector_load %arg10[%get3A_128] {strides = array<i32>} : memref<1024xi32, #tpu.memory_space<vmem>>, vector<16xi32>,
      %shift_right_logical3A_130 = arith.constant 7 : i32
      %shift_right_logical3A_131 = vector.broadcast %shift_right_logical3A_130 : i32 to vector<16xi32>
      %shift_right_logical3A_132 = arith.shrui %get3A_129, %shift_right_logical3A_131 : vector<16xi32>
      %and3A_133 = arith.constant 127 : i32
      %and3A_134 = vector.broadcast %and3A_133 : i32 to vector<16xi32>
      %and3A_135 = arith.andi %get3A_129, %and3A_134 : vector<16xi32>
      tpu.vector_store_idx %arg21[%shift_right_logical3A_132, %and3A_135], %broadcast_in_dim3A_5 {add = true} : memref<80x128xf32, #tpu.memory_space<vmem>>[vector<16xi32>, vector<16xi32>], vector<16xf32>,
      %get3A_136 = arith.constant 144 : index
      %get3A_137 = tpu.vector_load %arg10[%get3A_136] {strides = array<i32>} : memref<1024xi32, #tpu.memory_space<vmem>>, vector<16xi32>,
      %shift_right_logical3A_138 = arith.constant 7 : i32
      %shift_right_logical3A_139 = vector.broadcast %shift_right_logical3A_138 : i32 to vector<16xi32>
      %shift_right_logical3A_140 = arith.shrui %get3A_137, %shift_right_logical3A_139 : vector<16xi32>
      %and3A_141 = arith.constant 127 : i32
      %and3A_142 = vector.broadcast %and3A_141 : i32 to vector<16xi32>
      %and3A_143 = arith.andi %get3A_137, %and3A_142 : vector<16xi32>
      tpu.vector_store_idx %arg21[%shift_right_logical3A_140, %and3A_143], %broadcast_in_dim3A_5 {add = true} : memref<80x128xf32, #tpu.memory_space<vmem>>[vector<16xi32>, vector<16xi32>], vector<16xf32>,
      %get3A_144 = arith.constant 160 : index
      %get3A_145 = tpu.vector_load %arg10[%get3A_144] {strides = array<i32>} : memref<1024xi32, #tpu.memory_space<vmem>>, vector<16xi32>,
      %shift_right_logical3A_146 = arith.constant 7 : i32
      %shift_right_logical3A_147 = vector.broadcast %shift_right_logical3A_146 : i32 to vector<16xi32>
      %shift_right_logical3A_148 = arith.shrui %get3A_145, %shift_right_logical3A_147 : vector<16xi32>
      %and3A_149 = arith.constant 127 : i32
      %and3A_150 = vector.broadcast %and3A_149 : i32 to vector<16xi32>
      %and3A_151 = arith.andi %get3A_145, %and3A_150 : vector<16xi32>
      tpu.vector_store_idx %arg21[%shift_right_logical3A_148, %and3A_151], %broadcast_in_dim3A_5 {add = true} : memref<80x128xf32, #tpu.memory_space<vmem>>[vector<16xi32>, vector<16xi32>], vector<16xf32>,
      %get3A_152 = arith.constant 176 : index
      %get3A_153 = tpu.vector_load %arg10[%get3A_152] {strides = array<i32>} : memref<1024xi32, #tpu.memory_space<vmem>>, vector<16xi32>,
      %shift_right_logical3A_154 = arith.constant 7 : i32
      %shift_right_logical3A_155 = vector.broadcast %shift_right_logical3A_154 : i32 to vector<16xi32>
      %shift_right_logical3A_156 = arith.shrui %get3A_153, %shift_right_logical3A_155 : vector<16xi32>
      %and3A_157 = arith.constant 127 : i32
      %and3A_158 = vector.broadcast %and3A_157 : i32 to vector<16xi32>
      %and3A_159 = arith.andi %get3A_153, %and3A_158 : vector<16xi32>
      tpu.vector_store_idx %arg21[%shift_right_logical3A_156, %and3A_159], %broadcast_in_dim3A_5 {add = true} : memref<80x128xf32, #tpu.memory_space<vmem>>[vector<16xi32>, vector<16xi32>], vector<16xf32>,
      %get3A_160 = arith.constant 192 : index
      %get3A_161 = tpu.vector_load %arg10[%get3A_160] {strides = array<i32>} : memref<1024xi32, #tpu.memory_space<vmem>>, vector<16xi32>,
      %shift_right_logical3A_162 = arith.constant 7 : i32
      %shift_right_logical3A_163 = vector.broadcast %shift_right_logical3A_162 : i32 to vector<16xi32>
      %shift_right_logical3A_164 = arith.shrui %get3A_161, %shift_right_logical3A_163 : vector<16xi32>
      %and3A_165 = arith.constant 127 : i32
      %and3A_166 = vector.broadcast %and3A_165 : i32 to vector<16xi32>
      %and3A_167 = arith.andi %get3A_161, %and3A_166 : vector<16xi32>
      tpu.vector_store_idx %arg21[%shift_right_logical3A_164, %and3A_167], %broadcast_in_dim3A_5 {add = true} : memref<80x128xf32, #tpu.memory_space<vmem>>[vector<16xi32>, vector<16xi32>], vector<16xf32>,
      %get3A_168 = arith.constant 208 : index
      %get3A_169 = tpu.vector_load %arg10[%get3A_168] {strides = array<i32>} : memref<1024xi32, #tpu.memory_space<vmem>>, vector<16xi32>,
      %shift_right_logical3A_170 = arith.constant 7 : i32
      %shift_right_logical3A_171 = vector.broadcast %shift_right_logical3A_170 : i32 to vector<16xi32>
      %shift_right_logical3A_172 = arith.shrui %get3A_169, %shift_right_logical3A_171 : vector<16xi32>
      %and3A_173 = arith.constant 127 : i32
      %and3A_174 = vector.broadcast %and3A_173 : i32 to vector<16xi32>
      %and3A_175 = arith.andi %get3A_169, %and3A_174 : vector<16xi32>
      tpu.vector_store_idx %arg21[%shift_right_logical3A_172, %and3A_175], %broadcast_in_dim3A_5 {add = true} : memref<80x128xf32, #tpu.memory_space<vmem>>[vector<16xi32>, vector<16xi32>], vector<16xf32>,
      %get3A_176 = arith.constant 224 : index
      %get3A_177 = tpu.vector_load %arg10[%get3A_176] {strides = array<i32>} : memref<1024xi32, #tpu.memory_space<vmem>>, vector<16xi32>,
      %shift_right_logical3A_178 = arith.constant 7 : i32
      %shift_right_logical3A_179 = vector.broadcast %shift_right_logical3A_178 : i32 to vector<16xi32>
      %shift_right_logical3A_180 = arith.shrui %get3A_177, %shift_right_logical3A_179 : vector<16xi32>
      %and3A_181 = arith.constant 127 : i32
      %and3A_182 = vector.broadcast %and3A_181 : i32 to vector<16xi32>
      %and3A_183 = arith.andi %get3A_177, %and3A_182 : vector<16xi32>
      tpu.vector_store_idx %arg21[%shift_right_logical3A_180, %and3A_183], %broadcast_in_dim3A_5 {add = true} : memref<80x128xf32, #tpu.memory_space<vmem>>[vector<16xi32>, vector<16xi32>], vector<16xf32>,
      %get3A_184 = arith.constant 240 : index
      %get3A_185 = tpu.vector_load %arg10[%get3A_184] {strides = array<i32>} : memref<1024xi32, #tpu.memory_space<vmem>>, vector<16xi32>,
      %shift_right_logical3A_186 = arith.constant 7 : i32
      %shift_right_logical3A_187 = vector.broadcast %shift_right_logical3A_186 : i32 to vector<16xi32>
      %shift_right_logical3A_188 = arith.shrui %get3A_185, %shift_right_logical3A_187 : vector<16xi32>
      %and3A_189 = arith.constant 127 : i32
      %and3A_190 = vector.broadcast %and3A_189 : i32 to vector<16xi32>
      %and3A_191 = arith.andi %get3A_185, %and3A_190 : vector<16xi32>
      tpu.vector_store_idx %arg21[%shift_right_logical3A_188, %and3A_191], %broadcast_in_dim3A_5 {add = true} : memref<80x128xf32, #tpu.memory_space<vmem>>[vector<16xi32>, vector<16xi32>], vector<16xf32>,
      %get3A_192 = arith.constant 256 : index
      %get3A_193 = tpu.vector_load %arg10[%get3A_192] {strides = array<i32>} : memref<1024xi32, #tpu.memory_space<vmem>>, vector<16xi32>,
      %shift_right_logical3A_194 = arith.constant 7 : i32
      %shift_right_logical3A_195 = vector.broadcast %shift_right_logical3A_194 : i32 to vector<16xi32>
      %shift_right_logical3A_196 = arith.shrui %get3A_193, %shift_right_logical3A_195 : vector<16xi32>
      %and3A_197 = arith.constant 127 : i32
      %and3A_198 = vector.broadcast %and3A_197 : i32 to vector<16xi32>
      %and3A_199 = arith.andi %get3A_193, %and3A_198 : vector<16xi32>
      tpu.vector_store_idx %arg21[%shift_right_logical3A_196, %and3A_199], %broadcast_in_dim3A_5 {add = true} : memref<80x128xf32, #tpu.memory_space<vmem>>[vector<16xi32>, vector<16xi32>], vector<16xf32>,
      %get3A_200 = arith.constant 272 : index
      %get3A_201 = tpu.vector_load %arg10[%get3A_200] {strides = array<i32>} : memref<1024xi32, #tpu.memory_space<vmem>>, vector<16xi32>,
      %shift_right_logical3A_202 = arith.constant 7 : i32
      %shift_right_logical3A_203 = vector.broadcast %shift_right_logical3A_202 : i32 to vector<16xi32>
      %shift_right_logical3A_204 = arith.shrui %get3A_201, %shift_right_logical3A_203 : vector<16xi32>
      %and3A_205 = arith.constant 127 : i32
      %and3A_206 = vector.broadcast %and3A_205 : i32 to vector<16xi32>
      %and3A_207 = arith.andi %get3A_201, %and3A_206 : vector<16xi32>
      tpu.vector_store_idx %arg21[%shift_right_logical3A_204, %and3A_207], %broadcast_in_dim3A_5 {add = true} : memref<80x128xf32, #tpu.memory_space<vmem>>[vector<16xi32>, vector<16xi32>], vector<16xf32>,
      %get3A_208 = arith.constant 288 : index
      %get3A_209 = tpu.vector_load %arg10[%get3A_208] {strides = array<i32>} : memref<1024xi32, #tpu.memory_space<vmem>>, vector<16xi32>,
      %shift_right_logical3A_210 = arith.constant 7 : i32
      %shift_right_logical3A_211 = vector.broadcast %shift_right_logical3A_210 : i32 to vector<16xi32>
      %shift_right_logical3A_212 = arith.shrui %get3A_209, %shift_right_logical3A_211 : vector<16xi32>
      %and3A_213 = arith.constant 127 : i32
      %and3A_214 = vector.broadcast %and3A_213 : i32 to vector<16xi32>
      %and3A_215 = arith.andi %get3A_209, %and3A_214 : vector<16xi32>
      tpu.vector_store_idx %arg21[%shift_right_logical3A_212, %and3A_215], %broadcast_in_dim3A_5 {add = true} : memref<80x128xf32, #tpu.memory_space<vmem>>[vector<16xi32>, vector<16xi32>], vector<16xf32>,
      %get3A_216 = arith.constant 304 : index
      %get3A_217 = tpu.vector_load %arg10[%get3A_216] {strides = array<i32>} : memref<1024xi32, #tpu.memory_space<vmem>>, vector<16xi32>,
      %shift_right_logical3A_218 = arith.constant 7 : i32
      %shift_right_logical3A_219 = vector.broadcast %shift_right_logical3A_218 : i32 to vector<16xi32>
      %shift_right_logical3A_220 = arith.shrui %get3A_217, %shift_right_logical3A_219 : vector<16xi32>
      %and3A_221 = arith.constant 127 : i32
      %and3A_222 = vector.broadcast %and3A_221 : i32 to vector<16xi32>
      %and3A_223 = arith.andi %get3A_217, %and3A_222 : vector<16xi32>
      tpu.vector_store_idx %arg21[%shift_right_logical3A_220, %and3A_223], %broadcast_in_dim3A_5 {add = true} : memref<80x128xf32, #tpu.memory_space<vmem>>[vector<16xi32>, vector<16xi32>], vector<16xf32>,
      %get3A_224 = arith.constant 320 : index
      %get3A_225 = tpu.vector_load %arg10[%get3A_224] {strides = array<i32>} : memref<1024xi32, #tpu.memory_space<vmem>>, vector<16xi32>,
      %shift_right_logical3A_226 = arith.constant 7 : i32
      %shift_right_logical3A_227 = vector.broadcast %shift_right_logical3A_226 : i32 to vector<16xi32>
      %shift_right_logical3A_228 = arith.shrui %get3A_225, %shift_right_logical3A_227 : vector<16xi32>
      %and3A_229 = arith.constant 127 : i32
      %and3A_230 = vector.broadcast %and3A_229 : i32 to vector<16xi32>
      %and3A_231 = arith.andi %get3A_225, %and3A_230 : vector<16xi32>
      tpu.vector_store_idx %arg21[%shift_right_logical3A_228, %and3A_231], %broadcast_in_dim3A_5 {add = true} : memref<80x128xf32, #tpu.memory_space<vmem>>[vector<16xi32>, vector<16xi32>], vector<16xf32>,
      %get3A_232 = arith.constant 336 : index
      %get3A_233 = tpu.vector_load %arg10[%get3A_232] {strides = array<i32>} : memref<1024xi32, #tpu.memory_space<vmem>>, vector<16xi32>,
      %shift_right_logical3A_234 = arith.constant 7 : i32
      %shift_right_logical3A_235 = vector.broadcast %shift_right_logical3A_234 : i32 to vector<16xi32>
      %shift_right_logical3A_236 = arith.shrui %get3A_233, %shift_right_logical3A_235 : vector<16xi32>
      %and3A_237 = arith.constant 127 : i32
      %and3A_238 = vector.broadcast %and3A_237 : i32 to vector<16xi32>
      %and3A_239 = arith.andi %get3A_233, %and3A_238 : vector<16xi32>
      tpu.vector_store_idx %arg21[%shift_right_logical3A_236, %and3A_239], %broadcast_in_dim3A_5 {add = true} : memref<80x128xf32, #tpu.memory_space<vmem>>[vector<16xi32>, vector<16xi32>], vector<16xf32>,
      %get3A_240 = arith.constant 352 : index
      %get3A_241 = tpu.vector_load %arg10[%get3A_240] {strides = array<i32>} : memref<1024xi32, #tpu.memory_space<vmem>>, vector<16xi32>,
      %shift_right_logical3A_242 = arith.constant 7 : i32
      %shift_right_logical3A_243 = vector.broadcast %shift_right_logical3A_242 : i32 to vector<16xi32>
      %shift_right_logical3A_244 = arith.shrui %get3A_241, %shift_right_logical3A_243 : vector<16xi32>
      %and3A_245 = arith.constant 127 : i32
      %and3A_246 = vector.broadcast %and3A_245 : i32 to vector<16xi32>
      %and3A_247 = arith.andi %get3A_241, %and3A_246 : vector<16xi32>
      tpu.vector_store_idx %arg21[%shift_right_logical3A_244, %and3A_247], %broadcast_in_dim3A_5 {add = true} : memref<80x128xf32, #tpu.memory_space<vmem>>[vector<16xi32>, vector<16xi32>], vector<16xf32>,
      %get3A_248 = arith.constant 368 : index
      %get3A_249 = tpu.vector_load %arg10[%get3A_248] {strides = array<i32>} : memref<1024xi32, #tpu.memory_space<vmem>>, vector<16xi32>,
      %shift_right_logical3A_250 = arith.constant 7 : i32
      %shift_right_logical3A_251 = vector.broadcast %shift_right_logical3A_250 : i32 to vector<16xi32>
      %shift_right_logical3A_252 = arith.shrui %get3A_249, %shift_right_logical3A_251 : vector<16xi32>
      %and3A_253 = arith.constant 127 : i32
      %and3A_254 = vector.broadcast %and3A_253 : i32 to vector<16xi32>
      %and3A_255 = arith.andi %get3A_249, %and3A_254 : vector<16xi32>
      tpu.vector_store_idx %arg21[%shift_right_logical3A_252, %and3A_255], %broadcast_in_dim3A_5 {add = true} : memref<80x128xf32, #tpu.memory_space<vmem>>[vector<16xi32>, vector<16xi32>], vector<16xf32>,
      %get3A_256 = arith.constant 384 : index
      %get3A_257 = tpu.vector_load %arg10[%get3A_256] {strides = array<i32>} : memref<1024xi32, #tpu.memory_space<vmem>>, vector<16xi32>,
      %shift_right_logical3A_258 = arith.constant 7 : i32
      %shift_right_logical3A_259 = vector.broadcast %shift_right_logical3A_258 : i32 to vector<16xi32>
      %shift_right_logical3A_260 = arith.shrui %get3A_257, %shift_right_logical3A_259 : vector<16xi32>
      %and3A_261 = arith.constant 127 : i32
      %and3A_262 = vector.broadcast %and3A_261 : i32 to vector<16xi32>
      %and3A_263 = arith.andi %get3A_257, %and3A_262 : vector<16xi32>
      tpu.vector_store_idx %arg21[%shift_right_logical3A_260, %and3A_263], %broadcast_in_dim3A_5 {add = true} : memref<80x128xf32, #tpu.memory_space<vmem>>[vector<16xi32>, vector<16xi32>], vector<16xf32>,
      %get3A_264 = arith.constant 400 : index
      %get3A_265 = tpu.vector_load %arg10[%get3A_264] {strides = array<i32>} : memref<1024xi32, #tpu.memory_space<vmem>>, vector<16xi32>,
      %shift_right_logical3A_266 = arith.constant 7 : i32
      %shift_right_logical3A_267 = vector.broadcast %shift_right_logical3A_266 : i32 to vector<16xi32>
      %shift_right_logical3A_268 = arith.shrui %get3A_265, %shift_right_logical3A_267 : vector<16xi32>
      %and3A_269 = arith.constant 127 : i32
      %and3A_270 = vector.broadcast %and3A_269 : i32 to vector<16xi32>
      %and3A_271 = arith.andi %get3A_265, %and3A_270 : vector<16xi32>
      tpu.vector_store_idx %arg21[%shift_right_logical3A_268, %and3A_271], %broadcast_in_dim3A_5 {add = true} : memref<80x128xf32, #tpu.memory_space<vmem>>[vector<16xi32>, vector<16xi32>], vector<16xf32>,
      %get3A_272 = arith.constant 416 : index
      %get3A_273 = tpu.vector_load %arg10[%get3A_272] {strides = array<i32>} : memref<1024xi32, #tpu.memory_space<vmem>>, vector<16xi32>,
      %shift_right_logical3A_274 = arith.constant 7 : i32
      %shift_right_logical3A_275 = vector.broadcast %shift_right_logical3A_274 : i32 to vector<16xi32>
      %shift_right_logical3A_276 = arith.shrui %get3A_273, %shift_right_logical3A_275 : vector<16xi32>
      %and3A_277 = arith.constant 127 : i32
      %and3A_278 = vector.broadcast %and3A_277 : i32 to vector<16xi32>
      %and3A_279 = arith.andi %get3A_273, %and3A_278 : vector<16xi32>
      tpu.vector_store_idx %arg21[%shift_right_logical3A_276, %and3A_279], %broadcast_in_dim3A_5 {add = true} : memref<80x128xf32, #tpu.memory_space<vmem>>[vector<16xi32>, vector<16xi32>], vector<16xf32>,
      %get3A_280 = arith.constant 432 : index
      %get3A_281 = tpu.vector_load %arg10[%get3A_280] {strides = array<i32>} : memref<1024xi32, #tpu.memory_space<vmem>>, vector<16xi32>,
      %shift_right_logical3A_282 = arith.constant 7 : i32
      %shift_right_logical3A_283 = vector.broadcast %shift_right_logical3A_282 : i32 to vector<16xi32>
      %shift_right_logical3A_284 = arith.shrui %get3A_281, %shift_right_logical3A_283 : vector<16xi32>
      %and3A_285 = arith.constant 127 : i32
      %and3A_286 = vector.broadcast %and3A_285 : i32 to vector<16xi32>
      %and3A_287 = arith.andi %get3A_281, %and3A_286 : vector<16xi32>
      tpu.vector_store_idx %arg21[%shift_right_logical3A_284, %and3A_287], %broadcast_in_dim3A_5 {add = true} : memref<80x128xf32, #tpu.memory_space<vmem>>[vector<16xi32>, vector<16xi32>], vector<16xf32>,
      %get3A_288 = arith.constant 448 : index
      %get3A_289 = tpu.vector_load %arg10[%get3A_288] {strides = array<i32>} : memref<1024xi32, #tpu.memory_space<vmem>>, vector<16xi32>,
      %shift_right_logical3A_290 = arith.constant 7 : i32
      %shift_right_logical3A_291 = vector.broadcast %shift_right_logical3A_290 : i32 to vector<16xi32>
      %shift_right_logical3A_292 = arith.shrui %get3A_289, %shift_right_logical3A_291 : vector<16xi32>
      %and3A_293 = arith.constant 127 : i32
      %and3A_294 = vector.broadcast %and3A_293 : i32 to vector<16xi32>
      %and3A_295 = arith.andi %get3A_289, %and3A_294 : vector<16xi32>
      tpu.vector_store_idx %arg21[%shift_right_logical3A_292, %and3A_295], %broadcast_in_dim3A_5 {add = true} : memref<80x128xf32, #tpu.memory_space<vmem>>[vector<16xi32>, vector<16xi32>], vector<16xf32>,
      %get3A_296 = arith.constant 464 : index
      %get3A_297 = tpu.vector_load %arg10[%get3A_296] {strides = array<i32>} : memref<1024xi32, #tpu.memory_space<vmem>>, vector<16xi32>,
      %shift_right_logical3A_298 = arith.constant 7 : i32
      %shift_right_logical3A_299 = vector.broadcast %shift_right_logical3A_298 : i32 to vector<16xi32>
      %shift_right_logical3A_300 = arith.shrui %get3A_297, %shift_right_logical3A_299 : vector<16xi32>
      %and3A_301 = arith.constant 127 : i32
      %and3A_302 = vector.broadcast %and3A_301 : i32 to vector<16xi32>
      %and3A_303 = arith.andi %get3A_297, %and3A_302 : vector<16xi32>
      tpu.vector_store_idx %arg21[%shift_right_logical3A_300, %and3A_303], %broadcast_in_dim3A_5 {add = true} : memref<80x128xf32, #tpu.memory_space<vmem>>[vector<16xi32>, vector<16xi32>], vector<16xf32>,
      %get3A_304 = arith.constant 480 : index
      %get3A_305 = tpu.vector_load %arg10[%get3A_304] {strides = array<i32>} : memref<1024xi32, #tpu.memory_space<vmem>>, vector<16xi32>,
      %shift_right_logical3A_306 = arith.constant 7 : i32
      %shift_right_logical3A_307 = vector.broadcast %shift_right_logical3A_306 : i32 to vector<16xi32>
      %shift_right_logical3A_308 = arith.shrui %get3A_305, %shift_right_logical3A_307 : vector<16xi32>
      %and3A_309 = arith.constant 127 : i32
      %and3A_310 = vector.broadcast %and3A_309 : i32 to vector<16xi32>
      %and3A_311 = arith.andi %get3A_305, %and3A_310 : vector<16xi32>
      tpu.vector_store_idx %arg21[%shift_right_logical3A_308, %and3A_311], %broadcast_in_dim3A_5 {add = true} : memref<80x128xf32, #tpu.memory_space<vmem>>[vector<16xi32>, vector<16xi32>], vector<16xf32>,
      %get3A_312 = arith.constant 496 : index
      %get3A_313 = tpu.vector_load %arg10[%get3A_312] {strides = array<i32>} : memref<1024xi32, #tpu.memory_space<vmem>>, vector<16xi32>,
      %shift_right_logical3A_314 = arith.constant 7 : i32
      %shift_right_logical3A_315 = vector.broadcast %shift_right_logical3A_314 : i32 to vector<16xi32>
      %shift_right_logical3A_316 = arith.shrui %get3A_313, %shift_right_logical3A_315 : vector<16xi32>
      %and3A_317 = arith.constant 127 : i32
      %and3A_318 = vector.broadcast %and3A_317 : i32 to vector<16xi32>
      %and3A_319 = arith.andi %get3A_313, %and3A_318 : vector<16xi32>
      tpu.vector_store_idx %arg21[%shift_right_logical3A_316, %and3A_319], %broadcast_in_dim3A_5 {add = true} : memref<80x128xf32, #tpu.memory_space<vmem>>[vector<16xi32>, vector<16xi32>], vector<16xf32>,
      %get3A_320 = arith.constant 512 : index
      %get3A_321 = tpu.vector_load %arg10[%get3A_320] {strides = array<i32>} : memref<1024xi32, #tpu.memory_space<vmem>>, vector<16xi32>,
      %shift_right_logical3A_322 = arith.constant 7 : i32
      %shift_right_logical3A_323 = vector.broadcast %shift_right_logical3A_322 : i32 to vector<16xi32>
      %shift_right_logical3A_324 = arith.shrui %get3A_321, %shift_right_logical3A_323 : vector<16xi32>
      %and3A_325 = arith.constant 127 : i32
      %and3A_326 = vector.broadcast %and3A_325 : i32 to vector<16xi32>
      %and3A_327 = arith.andi %get3A_321, %and3A_326 : vector<16xi32>
      tpu.vector_store_idx %arg21[%shift_right_logical3A_324, %and3A_327], %broadcast_in_dim3A_5 {add = true} : memref<80x128xf32, #tpu.memory_space<vmem>>[vector<16xi32>, vector<16xi32>], vector<16xf32>,
      %get3A_328 = arith.constant 528 : index
      %get3A_329 = tpu.vector_load %arg10[%get3A_328] {strides = array<i32>} : memref<1024xi32, #tpu.memory_space<vmem>>, vector<16xi32>,
      %shift_right_logical3A_330 = arith.constant 7 : i32
      %shift_right_logical3A_331 = vector.broadcast %shift_right_logical3A_330 : i32 to vector<16xi32>
      %shift_right_logical3A_332 = arith.shrui %get3A_329, %shift_right_logical3A_331 : vector<16xi32>
      %and3A_333 = arith.constant 127 : i32
      %and3A_334 = vector.broadcast %and3A_333 : i32 to vector<16xi32>
      %and3A_335 = arith.andi %get3A_329, %and3A_334 : vector<16xi32>
      tpu.vector_store_idx %arg21[%shift_right_logical3A_332, %and3A_335], %broadcast_in_dim3A_5 {add = true} : memref<80x128xf32, #tpu.memory_space<vmem>>[vector<16xi32>, vector<16xi32>], vector<16xf32>,
      %get3A_336 = arith.constant 544 : index
      %get3A_337 = tpu.vector_load %arg10[%get3A_336] {strides = array<i32>} : memref<1024xi32, #tpu.memory_space<vmem>>, vector<16xi32>,
      %shift_right_logical3A_338 = arith.constant 7 : i32
      %shift_right_logical3A_339 = vector.broadcast %shift_right_logical3A_338 : i32 to vector<16xi32>
      %shift_right_logical3A_340 = arith.shrui %get3A_337, %shift_right_logical3A_339 : vector<16xi32>
      %and3A_341 = arith.constant 127 : i32
      %and3A_342 = vector.broadcast %and3A_341 : i32 to vector<16xi32>
      %and3A_343 = arith.andi %get3A_337, %and3A_342 : vector<16xi32>
      tpu.vector_store_idx %arg21[%shift_right_logical3A_340, %and3A_343], %broadcast_in_dim3A_5 {add = true} : memref<80x128xf32, #tpu.memory_space<vmem>>[vector<16xi32>, vector<16xi32>], vector<16xf32>,
      %get3A_344 = arith.constant 560 : index
      %get3A_345 = tpu.vector_load %arg10[%get3A_344] {strides = array<i32>} : memref<1024xi32, #tpu.memory_space<vmem>>, vector<16xi32>,
      %shift_right_logical3A_346 = arith.constant 7 : i32
      %shift_right_logical3A_347 = vector.broadcast %shift_right_logical3A_346 : i32 to vector<16xi32>
      %shift_right_logical3A_348 = arith.shrui %get3A_345, %shift_right_logical3A_347 : vector<16xi32>
      %and3A_349 = arith.constant 127 : i32
      %and3A_350 = vector.broadcast %and3A_349 : i32 to vector<16xi32>
      %and3A_351 = arith.andi %get3A_345, %and3A_350 : vector<16xi32>
      tpu.vector_store_idx %arg21[%shift_right_logical3A_348, %and3A_351], %broadcast_in_dim3A_5 {add = true} : memref<80x128xf32, #tpu.memory_space<vmem>>[vector<16xi32>, vector<16xi32>], vector<16xf32>,
      %get3A_352 = arith.constant 576 : index
      %get3A_353 = tpu.vector_load %arg10[%get3A_352] {strides = array<i32>} : memref<1024xi32, #tpu.memory_space<vmem>>, vector<16xi32>,
      %shift_right_logical3A_354 = arith.constant 7 : i32
      %shift_right_logical3A_355 = vector.broadcast %shift_right_logical3A_354 : i32 to vector<16xi32>
      %shift_right_logical3A_356 = arith.shrui %get3A_353, %shift_right_logical3A_355 : vector<16xi32>
      %and3A_357 = arith.constant 127 : i32
      %and3A_358 = vector.broadcast %and3A_357 : i32 to vector<16xi32>
      %and3A_359 = arith.andi %get3A_353, %and3A_358 : vector<16xi32>
      tpu.vector_store_idx %arg21[%shift_right_logical3A_356, %and3A_359], %broadcast_in_dim3A_5 {add = true} : memref<80x128xf32, #tpu.memory_space<vmem>>[vector<16xi32>, vector<16xi32>], vector<16xf32>,
      %get3A_360 = arith.constant 592 : index
      %get3A_361 = tpu.vector_load %arg10[%get3A_360] {strides = array<i32>} : memref<1024xi32, #tpu.memory_space<vmem>>, vector<16xi32>,
      %shift_right_logical3A_362 = arith.constant 7 : i32
      %shift_right_logical3A_363 = vector.broadcast %shift_right_logical3A_362 : i32 to vector<16xi32>
      %shift_right_logical3A_364 = arith.shrui %get3A_361, %shift_right_logical3A_363 : vector<16xi32>
      %and3A_365 = arith.constant 127 : i32
      %and3A_366 = vector.broadcast %and3A_365 : i32 to vector<16xi32>
      %and3A_367 = arith.andi %get3A_361, %and3A_366 : vector<16xi32>
      tpu.vector_store_idx %arg21[%shift_right_logical3A_364, %and3A_367], %broadcast_in_dim3A_5 {add = true} : memref<80x128xf32, #tpu.memory_space<vmem>>[vector<16xi32>, vector<16xi32>], vector<16xf32>,
      %get3A_368 = arith.constant 608 : index
      %get3A_369 = tpu.vector_load %arg10[%get3A_368] {strides = array<i32>} : memref<1024xi32, #tpu.memory_space<vmem>>, vector<16xi32>,
      %shift_right_logical3A_370 = arith.constant 7 : i32
      %shift_right_logical3A_371 = vector.broadcast %shift_right_logical3A_370 : i32 to vector<16xi32>
      %shift_right_logical3A_372 = arith.shrui %get3A_369, %shift_right_logical3A_371 : vector<16xi32>
      %and3A_373 = arith.constant 127 : i32
      %and3A_374 = vector.broadcast %and3A_373 : i32 to vector<16xi32>
      %and3A_375 = arith.andi %get3A_369, %and3A_374 : vector<16xi32>
      tpu.vector_store_idx %arg21[%shift_right_logical3A_372, %and3A_375], %broadcast_in_dim3A_5 {add = true} : memref<80x128xf32, #tpu.memory_space<vmem>>[vector<16xi32>, vector<16xi32>], vector<16xf32>,
      %get3A_376 = arith.constant 624 : index
      %get3A_377 = tpu.vector_load %arg10[%get3A_376] {strides = array<i32>} : memref<1024xi32, #tpu.memory_space<vmem>>, vector<16xi32>,
      %shift_right_logical3A_378 = arith.constant 7 : i32
      %shift_right_logical3A_379 = vector.broadcast %shift_right_logical3A_378 : i32 to vector<16xi32>
      %shift_right_logical3A_380 = arith.shrui %get3A_377, %shift_right_logical3A_379 : vector<16xi32>
      %and3A_381 = arith.constant 127 : i32
      %and3A_382 = vector.broadcast %and3A_381 : i32 to vector<16xi32>
      %and3A_383 = arith.andi %get3A_377, %and3A_382 : vector<16xi32>
      tpu.vector_store_idx %arg21[%shift_right_logical3A_380, %and3A_383], %broadcast_in_dim3A_5 {add = true} : memref<80x128xf32, #tpu.memory_space<vmem>>[vector<16xi32>, vector<16xi32>], vector<16xf32>,
      %get3A_384 = arith.constant 640 : index
      %get3A_385 = tpu.vector_load %arg10[%get3A_384] {strides = array<i32>} : memref<1024xi32, #tpu.memory_space<vmem>>, vector<16xi32>,
      %shift_right_logical3A_386 = arith.constant 7 : i32
      %shift_right_logical3A_387 = vector.broadcast %shift_right_logical3A_386 : i32 to vector<16xi32>
      %shift_right_logical3A_388 = arith.shrui %get3A_385, %shift_right_logical3A_387 : vector<16xi32>
      %and3A_389 = arith.constant 127 : i32
      %and3A_390 = vector.broadcast %and3A_389 : i32 to vector<16xi32>
      %and3A_391 = arith.andi %get3A_385, %and3A_390 : vector<16xi32>
      tpu.vector_store_idx %arg21[%shift_right_logical3A_388, %and3A_391], %broadcast_in_dim3A_5 {add = true} : memref<80x128xf32, #tpu.memory_space<vmem>>[vector<16xi32>, vector<16xi32>], vector<16xf32>,
      %get3A_392 = arith.constant 656 : index
      %get3A_393 = tpu.vector_load %arg10[%get3A_392] {strides = array<i32>} : memref<1024xi32, #tpu.memory_space<vmem>>, vector<16xi32>,
      %shift_right_logical3A_394 = arith.constant 7 : i32
      %shift_right_logical3A_395 = vector.broadcast %shift_right_logical3A_394 : i32 to vector<16xi32>
      %shift_right_logical3A_396 = arith.shrui %get3A_393, %shift_right_logical3A_395 : vector<16xi32>
      %and3A_397 = arith.constant 127 : i32
      %and3A_398 = vector.broadcast %and3A_397 : i32 to vector<16xi32>
      %and3A_399 = arith.andi %get3A_393, %and3A_398 : vector<16xi32>
      tpu.vector_store_idx %arg21[%shift_right_logical3A_396, %and3A_399], %broadcast_in_dim3A_5 {add = true} : memref<80x128xf32, #tpu.memory_space<vmem>>[vector<16xi32>, vector<16xi32>], vector<16xf32>,
      %get3A_400 = arith.constant 672 : index
      %get3A_401 = tpu.vector_load %arg10[%get3A_400] {strides = array<i32>} : memref<1024xi32, #tpu.memory_space<vmem>>, vector<16xi32>,
      %shift_right_logical3A_402 = arith.constant 7 : i32
      %shift_right_logical3A_403 = vector.broadcast %shift_right_logical3A_402 : i32 to vector<16xi32>
      %shift_right_logical3A_404 = arith.shrui %get3A_401, %shift_right_logical3A_403 : vector<16xi32>
      %and3A_405 = arith.constant 127 : i32
      %and3A_406 = vector.broadcast %and3A_405 : i32 to vector<16xi32>
      %and3A_407 = arith.andi %get3A_401, %and3A_406 : vector<16xi32>
      tpu.vector_store_idx %arg21[%shift_right_logical3A_404, %and3A_407], %broadcast_in_dim3A_5 {add = true} : memref<80x128xf32, #tpu.memory_space<vmem>>[vector<16xi32>, vector<16xi32>], vector<16xf32>,
      %get3A_408 = arith.constant 688 : index
      %get3A_409 = tpu.vector_load %arg10[%get3A_408] {strides = array<i32>} : memref<1024xi32, #tpu.memory_space<vmem>>, vector<16xi32>,
      %shift_right_logical3A_410 = arith.constant 7 : i32
      %shift_right_logical3A_411 = vector.broadcast %shift_right_logical3A_410 : i32 to vector<16xi32>
      %shift_right_logical3A_412 = arith.shrui %get3A_409, %shift_right_logical3A_411 : vector<16xi32>
      %and3A_413 = arith.constant 127 : i32
      %and3A_414 = vector.broadcast %and3A_413 : i32 to vector<16xi32>
      %and3A_415 = arith.andi %get3A_409, %and3A_414 : vector<16xi32>
      tpu.vector_store_idx %arg21[%shift_right_logical3A_412, %and3A_415], %broadcast_in_dim3A_5 {add = true} : memref<80x128xf32, #tpu.memory_space<vmem>>[vector<16xi32>, vector<16xi32>], vector<16xf32>,
      %get3A_416 = arith.constant 704 : index
      %get3A_417 = tpu.vector_load %arg10[%get3A_416] {strides = array<i32>} : memref<1024xi32, #tpu.memory_space<vmem>>, vector<16xi32>,
      %shift_right_logical3A_418 = arith.constant 7 : i32
      %shift_right_logical3A_419 = vector.broadcast %shift_right_logical3A_418 : i32 to vector<16xi32>
      %shift_right_logical3A_420 = arith.shrui %get3A_417, %shift_right_logical3A_419 : vector<16xi32>
      %and3A_421 = arith.constant 127 : i32
      %and3A_422 = vector.broadcast %and3A_421 : i32 to vector<16xi32>
      %and3A_423 = arith.andi %get3A_417, %and3A_422 : vector<16xi32>
      tpu.vector_store_idx %arg21[%shift_right_logical3A_420, %and3A_423], %broadcast_in_dim3A_5 {add = true} : memref<80x128xf32, #tpu.memory_space<vmem>>[vector<16xi32>, vector<16xi32>], vector<16xf32>,
      %get3A_424 = arith.constant 720 : index
      %get3A_425 = tpu.vector_load %arg10[%get3A_424] {strides = array<i32>} : memref<1024xi32, #tpu.memory_space<vmem>>, vector<16xi32>,
      %shift_right_logical3A_426 = arith.constant 7 : i32
      %shift_right_logical3A_427 = vector.broadcast %shift_right_logical3A_426 : i32 to vector<16xi32>
      %shift_right_logical3A_428 = arith.shrui %get3A_425, %shift_right_logical3A_427 : vector<16xi32>
      %and3A_429 = arith.constant 127 : i32
      %and3A_430 = vector.broadcast %and3A_429 : i32 to vector<16xi32>
      %and3A_431 = arith.andi %get3A_425, %and3A_430 : vector<16xi32>
      tpu.vector_store_idx %arg21[%shift_right_logical3A_428, %and3A_431], %broadcast_in_dim3A_5 {add = true} : memref<80x128xf32, #tpu.memory_space<vmem>>[vector<16xi32>, vector<16xi32>], vector<16xf32>,
      %get3A_432 = arith.constant 736 : index
      %get3A_433 = tpu.vector_load %arg10[%get3A_432] {strides = array<i32>} : memref<1024xi32, #tpu.memory_space<vmem>>, vector<16xi32>,
      %shift_right_logical3A_434 = arith.constant 7 : i32
      %shift_right_logical3A_435 = vector.broadcast %shift_right_logical3A_434 : i32 to vector<16xi32>
      %shift_right_logical3A_436 = arith.shrui %get3A_433, %shift_right_logical3A_435 : vector<16xi32>
      %and3A_437 = arith.constant 127 : i32
      %and3A_438 = vector.broadcast %and3A_437 : i32 to vector<16xi32>
      %and3A_439 = arith.andi %get3A_433, %and3A_438 : vector<16xi32>
      tpu.vector_store_idx %arg21[%shift_right_logical3A_436, %and3A_439], %broadcast_in_dim3A_5 {add = true} : memref<80x128xf32, #tpu.memory_space<vmem>>[vector<16xi32>, vector<16xi32>], vector<16xf32>,
      %get3A_440 = arith.constant 752 : index
      %get3A_441 = tpu.vector_load %arg10[%get3A_440] {strides = array<i32>} : memref<1024xi32, #tpu.memory_space<vmem>>, vector<16xi32>,
      %shift_right_logical3A_442 = arith.constant 7 : i32
      %shift_right_logical3A_443 = vector.broadcast %shift_right_logical3A_442 : i32 to vector<16xi32>
      %shift_right_logical3A_444 = arith.shrui %get3A_441, %shift_right_logical3A_443 : vector<16xi32>
      %and3A_445 = arith.constant 127 : i32
      %and3A_446 = vector.broadcast %and3A_445 : i32 to vector<16xi32>
      %and3A_447 = arith.andi %get3A_441, %and3A_446 : vector<16xi32>
      tpu.vector_store_idx %arg21[%shift_right_logical3A_444, %and3A_447], %broadcast_in_dim3A_5 {add = true} : memref<80x128xf32, #tpu.memory_space<vmem>>[vector<16xi32>, vector<16xi32>], vector<16xf32>,
      %get3A_448 = arith.constant 768 : index
      %get3A_449 = tpu.vector_load %arg10[%get3A_448] {strides = array<i32>} : memref<1024xi32, #tpu.memory_space<vmem>>, vector<16xi32>,
      %shift_right_logical3A_450 = arith.constant 7 : i32
      %shift_right_logical3A_451 = vector.broadcast %shift_right_logical3A_450 : i32 to vector<16xi32>
      %shift_right_logical3A_452 = arith.shrui %get3A_449, %shift_right_logical3A_451 : vector<16xi32>
      %and3A_453 = arith.constant 127 : i32
      %and3A_454 = vector.broadcast %and3A_453 : i32 to vector<16xi32>
      %and3A_455 = arith.andi %get3A_449, %and3A_454 : vector<16xi32>
      tpu.vector_store_idx %arg21[%shift_right_logical3A_452, %and3A_455], %broadcast_in_dim3A_5 {add = true} : memref<80x128xf32, #tpu.memory_space<vmem>>[vector<16xi32>, vector<16xi32>], vector<16xf32>,
      %get3A_456 = arith.constant 784 : index
      %get3A_457 = tpu.vector_load %arg10[%get3A_456] {strides = array<i32>} : memref<1024xi32, #tpu.memory_space<vmem>>, vector<16xi32>,
      %shift_right_logical3A_458 = arith.constant 7 : i32
      %shift_right_logical3A_459 = vector.broadcast %shift_right_logical3A_458 : i32 to vector<16xi32>
      %shift_right_logical3A_460 = arith.shrui %get3A_457, %shift_right_logical3A_459 : vector<16xi32>
      %and3A_461 = arith.constant 127 : i32
      %and3A_462 = vector.broadcast %and3A_461 : i32 to vector<16xi32>
      %and3A_463 = arith.andi %get3A_457, %and3A_462 : vector<16xi32>
      tpu.vector_store_idx %arg21[%shift_right_logical3A_460, %and3A_463], %broadcast_in_dim3A_5 {add = true} : memref<80x128xf32, #tpu.memory_space<vmem>>[vector<16xi32>, vector<16xi32>], vector<16xf32>,
      %get3A_464 = arith.constant 800 : index
      %get3A_465 = tpu.vector_load %arg10[%get3A_464] {strides = array<i32>} : memref<1024xi32, #tpu.memory_space<vmem>>, vector<16xi32>,
      %shift_right_logical3A_466 = arith.constant 7 : i32
      %shift_right_logical3A_467 = vector.broadcast %shift_right_logical3A_466 : i32 to vector<16xi32>
      %shift_right_logical3A_468 = arith.shrui %get3A_465, %shift_right_logical3A_467 : vector<16xi32>
      %and3A_469 = arith.constant 127 : i32
      %and3A_470 = vector.broadcast %and3A_469 : i32 to vector<16xi32>
      %and3A_471 = arith.andi %get3A_465, %and3A_470 : vector<16xi32>
      tpu.vector_store_idx %arg21[%shift_right_logical3A_468, %and3A_471], %broadcast_in_dim3A_5 {add = true} : memref<80x128xf32, #tpu.memory_space<vmem>>[vector<16xi32>, vector<16xi32>], vector<16xf32>,
      %get3A_472 = arith.constant 816 : index
      %get3A_473 = tpu.vector_load %arg10[%get3A_472] {strides = array<i32>} : memref<1024xi32, #tpu.memory_space<vmem>>, vector<16xi32>,
      %shift_right_logical3A_474 = arith.constant 7 : i32
      %shift_right_logical3A_475 = vector.broadcast %shift_right_logical3A_474 : i32 to vector<16xi32>
      %shift_right_logical3A_476 = arith.shrui %get3A_473, %shift_right_logical3A_475 : vector<16xi32>
      %and3A_477 = arith.constant 127 : i32
      %and3A_478 = vector.broadcast %and3A_477 : i32 to vector<16xi32>
      %and3A_479 = arith.andi %get3A_473, %and3A_478 : vector<16xi32>
      tpu.vector_store_idx %arg21[%shift_right_logical3A_476, %and3A_479], %broadcast_in_dim3A_5 {add = true} : memref<80x128xf32, #tpu.memory_space<vmem>>[vector<16xi32>, vector<16xi32>], vector<16xf32>,
      %get3A_480 = arith.constant 832 : index
      %get3A_481 = tpu.vector_load %arg10[%get3A_480] {strides = array<i32>} : memref<1024xi32, #tpu.memory_space<vmem>>, vector<16xi32>,
      %shift_right_logical3A_482 = arith.constant 7 : i32
      %shift_right_logical3A_483 = vector.broadcast %shift_right_logical3A_482 : i32 to vector<16xi32>
      %shift_right_logical3A_484 = arith.shrui %get3A_481, %shift_right_logical3A_483 : vector<16xi32>
      %and3A_485 = arith.constant 127 : i32
      %and3A_486 = vector.broadcast %and3A_485 : i32 to vector<16xi32>
      %and3A_487 = arith.andi %get3A_481, %and3A_486 : vector<16xi32>
      tpu.vector_store_idx %arg21[%shift_right_logical3A_484, %and3A_487], %broadcast_in_dim3A_5 {add = true} : memref<80x128xf32, #tpu.memory_space<vmem>>[vector<16xi32>, vector<16xi32>], vector<16xf32>,
      %get3A_488 = arith.constant 848 : index
      %get3A_489 = tpu.vector_load %arg10[%get3A_488] {strides = array<i32>} : memref<1024xi32, #tpu.memory_space<vmem>>, vector<16xi32>,
      %shift_right_logical3A_490 = arith.constant 7 : i32
      %shift_right_logical3A_491 = vector.broadcast %shift_right_logical3A_490 : i32 to vector<16xi32>
      %shift_right_logical3A_492 = arith.shrui %get3A_489, %shift_right_logical3A_491 : vector<16xi32>
      %and3A_493 = arith.constant 127 : i32
      %and3A_494 = vector.broadcast %and3A_493 : i32 to vector<16xi32>
      %and3A_495 = arith.andi %get3A_489, %and3A_494 : vector<16xi32>
      tpu.vector_store_idx %arg21[%shift_right_logical3A_492, %and3A_495], %broadcast_in_dim3A_5 {add = true} : memref<80x128xf32, #tpu.memory_space<vmem>>[vector<16xi32>, vector<16xi32>], vector<16xf32>,
      %get3A_496 = arith.constant 864 : index
      %get3A_497 = tpu.vector_load %arg10[%get3A_496] {strides = array<i32>} : memref<1024xi32, #tpu.memory_space<vmem>>, vector<16xi32>,
      %shift_right_logical3A_498 = arith.constant 7 : i32
      %shift_right_logical3A_499 = vector.broadcast %shift_right_logical3A_498 : i32 to vector<16xi32>
      %shift_right_logical3A_500 = arith.shrui %get3A_497, %shift_right_logical3A_499 : vector<16xi32>
      %and3A_501 = arith.constant 127 : i32
      %and3A_502 = vector.broadcast %and3A_501 : i32 to vector<16xi32>
      %and3A_503 = arith.andi %get3A_497, %and3A_502 : vector<16xi32>
      tpu.vector_store_idx %arg21[%shift_right_logical3A_500, %and3A_503], %broadcast_in_dim3A_5 {add = true} : memref<80x128xf32, #tpu.memory_space<vmem>>[vector<16xi32>, vector<16xi32>], vector<16xf32>,
      %get3A_504 = arith.constant 880 : index
      %get3A_505 = tpu.vector_load %arg10[%get3A_504] {strides = array<i32>} : memref<1024xi32, #tpu.memory_space<vmem>>, vector<16xi32>,
      %shift_right_logical3A_506 = arith.constant 7 : i32
      %shift_right_logical3A_507 = vector.broadcast %shift_right_logical3A_506 : i32 to vector<16xi32>
      %shift_right_logical3A_508 = arith.shrui %get3A_505, %shift_right_logical3A_507 : vector<16xi32>
      %and3A_509 = arith.constant 127 : i32
      %and3A_510 = vector.broadcast %and3A_509 : i32 to vector<16xi32>
      %and3A_511 = arith.andi %get3A_505, %and3A_510 : vector<16xi32>
      tpu.vector_store_idx %arg21[%shift_right_logical3A_508, %and3A_511], %broadcast_in_dim3A_5 {add = true} : memref<80x128xf32, #tpu.memory_space<vmem>>[vector<16xi32>, vector<16xi32>], vector<16xf32>,
      %get3A_512 = arith.constant 896 : index
      %get3A_513 = tpu.vector_load %arg10[%get3A_512] {strides = array<i32>} : memref<1024xi32, #tpu.memory_space<vmem>>, vector<16xi32>,
      %shift_right_logical3A_514 = arith.constant 7 : i32
      %shift_right_logical3A_515 = vector.broadcast %shift_right_logical3A_514 : i32 to vector<16xi32>
      %shift_right_logical3A_516 = arith.shrui %get3A_513, %shift_right_logical3A_515 : vector<16xi32>
      %and3A_517 = arith.constant 127 : i32
      %and3A_518 = vector.broadcast %and3A_517 : i32 to vector<16xi32>
      %and3A_519 = arith.andi %get3A_513, %and3A_518 : vector<16xi32>
      tpu.vector_store_idx %arg21[%shift_right_logical3A_516, %and3A_519], %broadcast_in_dim3A_5 {add = true} : memref<80x128xf32, #tpu.memory_space<vmem>>[vector<16xi32>, vector<16xi32>], vector<16xf32>,
      %get3A_520 = arith.constant 912 : index
      %get3A_521 = tpu.vector_load %arg10[%get3A_520] {strides = array<i32>} : memref<1024xi32, #tpu.memory_space<vmem>>, vector<16xi32>,
      %shift_right_logical3A_522 = arith.constant 7 : i32
      %shift_right_logical3A_523 = vector.broadcast %shift_right_logical3A_522 : i32 to vector<16xi32>
      %shift_right_logical3A_524 = arith.shrui %get3A_521, %shift_right_logical3A_523 : vector<16xi32>
      %and3A_525 = arith.constant 127 : i32
      %and3A_526 = vector.broadcast %and3A_525 : i32 to vector<16xi32>
      %and3A_527 = arith.andi %get3A_521, %and3A_526 : vector<16xi32>
      tpu.vector_store_idx %arg21[%shift_right_logical3A_524, %and3A_527], %broadcast_in_dim3A_5 {add = true} : memref<80x128xf32, #tpu.memory_space<vmem>>[vector<16xi32>, vector<16xi32>], vector<16xf32>,
      %get3A_528 = arith.constant 928 : index
      %get3A_529 = tpu.vector_load %arg10[%get3A_528] {strides = array<i32>} : memref<1024xi32, #tpu.memory_space<vmem>>, vector<16xi32>,
      %shift_right_logical3A_530 = arith.constant 7 : i32
      %shift_right_logical3A_531 = vector.broadcast %shift_right_logical3A_530 : i32 to vector<16xi32>
      %shift_right_logical3A_532 = arith.shrui %get3A_529, %shift_right_logical3A_531 : vector<16xi32>
      %and3A_533 = arith.constant 127 : i32
      %and3A_534 = vector.broadcast %and3A_533 : i32 to vector<16xi32>
      %and3A_535 = arith.andi %get3A_529, %and3A_534 : vector<16xi32>
      tpu.vector_store_idx %arg21[%shift_right_logical3A_532, %and3A_535], %broadcast_in_dim3A_5 {add = true} : memref<80x128xf32, #tpu.memory_space<vmem>>[vector<16xi32>, vector<16xi32>], vector<16xf32>,
      %get3A_536 = arith.constant 944 : index
      %get3A_537 = tpu.vector_load %arg10[%get3A_536] {strides = array<i32>} : memref<1024xi32, #tpu.memory_space<vmem>>, vector<16xi32>,
      %shift_right_logical3A_538 = arith.constant 7 : i32
      %shift_right_logical3A_539 = vector.broadcast %shift_right_logical3A_538 : i32 to vector<16xi32>
      %shift_right_logical3A_540 = arith.shrui %get3A_537, %shift_right_logical3A_539 : vector<16xi32>
      %and3A_541 = arith.constant 127 : i32
      %and3A_542 = vector.broadcast %and3A_541 : i32 to vector<16xi32>
      %and3A_543 = arith.andi %get3A_537, %and3A_542 : vector<16xi32>
      tpu.vector_store_idx %arg21[%shift_right_logical3A_540, %and3A_543], %broadcast_in_dim3A_5 {add = true} : memref<80x128xf32, #tpu.memory_space<vmem>>[vector<16xi32>, vector<16xi32>], vector<16xf32>,
      %get3A_544 = arith.constant 960 : index
      %get3A_545 = tpu.vector_load %arg10[%get3A_544] {strides = array<i32>} : memref<1024xi32, #tpu.memory_space<vmem>>, vector<16xi32>,
      %shift_right_logical3A_546 = arith.constant 7 : i32
      %shift_right_logical3A_547 = vector.broadcast %shift_right_logical3A_546 : i32 to vector<16xi32>
      %shift_right_logical3A_548 = arith.shrui %get3A_545, %shift_right_logical3A_547 : vector<16xi32>
      %and3A_549 = arith.constant 127 : i32
      %and3A_550 = vector.broadcast %and3A_549 : i32 to vector<16xi32>
      %and3A_551 = arith.andi %get3A_545, %and3A_550 : vector<16xi32>
      tpu.vector_store_idx %arg21[%shift_right_logical3A_548, %and3A_551], %broadcast_in_dim3A_5 {add = true} : memref<80x128xf32, #tpu.memory_space<vmem>>[vector<16xi32>, vector<16xi32>], vector<16xf32>,
      %get3A_552 = arith.constant 976 : index
      %get3A_553 = tpu.vector_load %arg10[%get3A_552] {strides = array<i32>} : memref<1024xi32, #tpu.memory_space<vmem>>, vector<16xi32>,
      %shift_right_logical3A_554 = arith.constant 7 : i32
      %shift_right_logical3A_555 = vector.broadcast %shift_right_logical3A_554 : i32 to vector<16xi32>
      %shift_right_logical3A_556 = arith.shrui %get3A_553, %shift_right_logical3A_555 : vector<16xi32>
      %and3A_557 = arith.constant 127 : i32
      %and3A_558 = vector.broadcast %and3A_557 : i32 to vector<16xi32>
      %and3A_559 = arith.andi %get3A_553, %and3A_558 : vector<16xi32>
      tpu.vector_store_idx %arg21[%shift_right_logical3A_556, %and3A_559], %broadcast_in_dim3A_5 {add = true} : memref<80x128xf32, #tpu.memory_space<vmem>>[vector<16xi32>, vector<16xi32>], vector<16xf32>,
      %get3A_560 = arith.constant 992 : index
      %get3A_561 = tpu.vector_load %arg10[%get3A_560] {strides = array<i32>} : memref<1024xi32, #tpu.memory_space<vmem>>, vector<16xi32>,
      %shift_right_logical3A_562 = arith.constant 7 : i32
      %shift_right_logical3A_563 = vector.broadcast %shift_right_logical3A_562 : i32 to vector<16xi32>
      %shift_right_logical3A_564 = arith.shrui %get3A_561, %shift_right_logical3A_563 : vector<16xi32>
      %and3A_565 = arith.constant 127 : i32
      %and3A_566 = vector.broadcast %and3A_565 : i32 to vector<16xi32>
      %and3A_567 = arith.andi %get3A_561, %and3A_566 : vector<16xi32>
      tpu.vector_store_idx %arg21[%shift_right_logical3A_564, %and3A_567], %broadcast_in_dim3A_5 {add = true} : memref<80x128xf32, #tpu.memory_space<vmem>>[vector<16xi32>, vector<16xi32>], vector<16xf32>,
      %get3A_568 = arith.constant 1008 : index
      %get3A_569 = tpu.vector_load %arg10[%get3A_568] {strides = array<i32>} : memref<1024xi32, #tpu.memory_space<vmem>>, vector<16xi32>,
      %shift_right_logical3A_570 = arith.constant 7 : i32
      %shift_right_logical3A_571 = vector.broadcast %shift_right_logical3A_570 : i32 to vector<16xi32>
      %shift_right_logical3A_572 = arith.shrui %get3A_569, %shift_right_logical3A_571 : vector<16xi32>
      %and3A_573 = arith.constant 127 : i32
      %and3A_574 = vector.broadcast %and3A_573 : i32 to vector<16xi32>
      %and3A_575 = arith.andi %get3A_569, %and3A_574 : vector<16xi32>
      tpu.vector_store_idx %arg21[%shift_right_logical3A_572, %and3A_575], %broadcast_in_dim3A_5 {add = true} : memref<80x128xf32, #tpu.memory_space<vmem>>[vector<16xi32>, vector<16xi32>], vector<16xf32>,
      %dma_wait3A_576 = arith.constant 0 : i32
      %dma_wait3A_577 = arith.constant 0 : i32
      %dma_wait3A_578 = tpu.memref_slice %arg2[%dma_wait3A_576, %dma_wait3A_577] : memref<10000x128xf32, #tpu.memory_space<hbm>> -> memref<128x128xf32, #tpu.memory_space<hbm>>
      %dma_wait3A_579 = arith.constant 0 : i32
      %dma_wait3A_580 = arith.constant 0 : i32
      %dma_wait3A_581 = tpu.memref_slice %arg2[%dma_wait3A_579, %dma_wait3A_580] : memref<10000x128xf32, #tpu.memory_space<hbm>> -> memref<128x128xf32, #tpu.memory_space<hbm>>
      tpu.wait_dma2 semaphore(%arg15 : memref<!tpu.dma_semaphore, #tpu.memory_space<semaphore_mem>>) src(%dma_wait3A_581 : memref<128x128xf32, #tpu.memory_space<hbm>>) dst(%arg12 : memref<128x128xf32, #tpu.memory_space<vmem>>)
      %dma_start3A_582 = arith.constant 0 : i32
      %dma_start3A_583 = tpu.memref_slice %arg10[%dma_start3A_582] : memref<1024xi32, #tpu.memory_space<vmem>> -> memref<128xi32, #tpu.memory_space<vmem>>
      %dma_start3A_584 = arith.constant 0 : i32
      %dma_start3A_585 = arith.constant 0 : i32
      %dma_start3A_586 = tpu.memref_slice %arg14[%dma_start3A_584, %dma_start3A_585] : memref<10112x128xf32, #tpu.memory_space<vmem_shared>> -> memref<10112x128xf32, #tpu.memory_space<vmem_shared>>
      tpu.enqueue_indirect_dma source(%arg12 : memref<128x128xf32, #tpu.memory_space<vmem>>) target(%dma_start3A_586 : memref<10112x128xf32, #tpu.memory_space<vmem_shared>>) offsets(%dma_start3A_583 : memref<128xi32, #tpu.memory_space<vmem>>) semaphore(%arg17 : memref<!tpu.dma_semaphore, #tpu.memory_space<semaphore_mem>>) {add = true}
      %dma_wait3A_587 = arith.constant 0 : i32
      %dma_wait3A_588 = arith.constant 0 : i32
      %dma_wait3A_589 = tpu.memref_slice %arg2[%dma_wait3A_587, %dma_wait3A_588] : memref<10000x128xf32, #tpu.memory_space<hbm>> -> memref<128x128xf32, #tpu.memory_space<hbm>>
      %dma_wait3A_590 = arith.constant 0 : i32
      %dma_wait3A_591 = arith.constant 0 : i32
      %dma_wait3A_592 = tpu.memref_slice %arg2[%dma_wait3A_590, %dma_wait3A_591] : memref<10000x128xf32, #tpu.memory_space<hbm>> -> memref<128x128xf32, #tpu.memory_space<hbm>>
      tpu.wait_dma2 semaphore(%arg17 : memref<!tpu.dma_semaphore, #tpu.memory_space<semaphore_mem>>) src(%dma_wait3A_592 : memref<128x128xf32, #tpu.memory_space<hbm>>) dst(%arg12 : memref<128x128xf32, #tpu.memory_space<vmem>>)
      %dma_start3A_593 = arith.constant 256 : i32
      %dma_start3A_594 = tpu.memref_slice %arg8[%dma_start3A_593] : memref<1024xi32, #tpu.memory_space<vmem>> -> memref<128xi32, #tpu.memory_space<vmem>>
      %dma_start3A_595 = arith.constant 0 : i32
      %dma_start3A_596 = arith.constant 0 : i32
      %dma_start3A_597 = tpu.memref_slice %arg2[%dma_start3A_595, %dma_start3A_596] : memref<10000x128xf32, #tpu.memory_space<hbm>> -> memref<10000x128xf32, #tpu.memory_space<hbm>>
      tpu.enqueue_indirect_dma source(%dma_start3A_597 : memref<10000x128xf32, #tpu.memory_space<hbm>>) target(%arg12 : memref<128x128xf32, #tpu.memory_space<vmem>>) offsets(%dma_start3A_594 : memref<128xi32, #tpu.memory_space<vmem>>) semaphore(%arg15 : memref<!tpu.dma_semaphore, #tpu.memory_space<semaphore_mem>>)
      %dma_wait3A_598 = arith.constant 0 : i32
      %dma_wait3A_599 = arith.constant 0 : i32
      %dma_wait3A_600 = tpu.memref_slice %arg2[%dma_wait3A_598, %dma_wait3A_599] : memref<10000x128xf32, #tpu.memory_space<hbm>> -> memref<128x128xf32, #tpu.memory_space<hbm>>
      %dma_wait3A_601 = arith.constant 0 : i32
      %dma_wait3A_602 = arith.constant 0 : i32
      %dma_wait3A_603 = tpu.memref_slice %arg2[%dma_wait3A_601, %dma_wait3A_602] : memref<10000x128xf32, #tpu.memory_space<hbm>> -> memref<128x128xf32, #tpu.memory_space<hbm>>
      tpu.wait_dma2 semaphore(%arg16 : memref<!tpu.dma_semaphore, #tpu.memory_space<semaphore_mem>>) src(%dma_wait3A_603 : memref<128x128xf32, #tpu.memory_space<hbm>>) dst(%arg13 : memref<128x128xf32, #tpu.memory_space<vmem>>)
      %dma_start3A_604 = arith.constant 128 : i32
      %dma_start3A_605 = tpu.memref_slice %arg10[%dma_start3A_604] : memref<1024xi32, #tpu.memory_space<vmem>> -> memref<128xi32, #tpu.memory_space<vmem>>
      %dma_start3A_606 = arith.constant 0 : i32
      %dma_start3A_607 = arith.constant 0 : i32
      %dma_start3A_608 = tpu.memref_slice %arg14[%dma_start3A_606, %dma_start3A_607] : memref<10112x128xf32, #tpu.memory_space<vmem_shared>> -> memref<10112x128xf32, #tpu.memory_space<vmem_shared>>
      tpu.enqueue_indirect_dma source(%arg13 : memref<128x128xf32, #tpu.memory_space<vmem>>) target(%dma_start3A_608 : memref<10112x128xf32, #tpu.memory_space<vmem_shared>>) offsets(%dma_start3A_605 : memref<128xi32, #tpu.memory_space<vmem>>) semaphore(%arg18 : memref<!tpu.dma_semaphore, #tpu.memory_space<semaphore_mem>>) {add = true}
      %dma_wait3A_609 = arith.constant 0 : i32
      %dma_wait3A_610 = arith.constant 0 : i32
      %dma_wait3A_611 = tpu.memref_slice %arg2[%dma_wait3A_609, %dma_wait3A_610] : memref<10000x128xf32, #tpu.memory_space<hbm>> -> memref<128x128xf32, #tpu.memory_space<hbm>>
      %dma_wait3A_612 = arith.constant 0 : i32
      %dma_wait3A_613 = arith.constant 0 : i32
      %dma_wait3A_614 = tpu.memref_slice %arg2[%dma_wait3A_612, %dma_wait3A_613] : memref<10000x128xf32, #tpu.memory_space<hbm>> -> memref<128x128xf32, #tpu.memory_space<hbm>>
      tpu.wait_dma2 semaphore(%arg18 : memref<!tpu.dma_semaphore, #tpu.memory_space<semaphore_mem>>) src(%dma_wait3A_614 : memref<128x128xf32, #tpu.memory_space<hbm>>) dst(%arg13 : memref<128x128xf32, #tpu.memory_space<vmem>>)
      %dma_start3A_615 = arith.constant 384 : i32
      %dma_start3A_616 = tpu.memref_slice %arg8[%dma_start3A_615] : memref<1024xi32, #tpu.memory_space<vmem>> -> memref<128xi32, #tpu.memory_space<vmem>>
      %dma_start3A_617 = arith.constant 0 : i32
      %dma_start3A_618 = arith.constant 0 : i32
      %dma_start3A_619 = tpu.memref_slice %arg2[%dma_start3A_617, %dma_start3A_618] : memref<10000x128xf32, #tpu.memory_space<hbm>> -> memref<10000x128xf32, #tpu.memory_space<hbm>>
      tpu.enqueue_indirect_dma source(%dma_start3A_619 : memref<10000x128xf32, #tpu.memory_space<hbm>>) target(%arg13 : memref<128x128xf32, #tpu.memory_space<vmem>>) offsets(%dma_start3A_616 : memref<128xi32, #tpu.memory_space<vmem>>) semaphore(%arg16 : memref<!tpu.dma_semaphore, #tpu.memory_space<semaphore_mem>>)
      %dma_wait3A_620 = arith.constant 0 : i32
      %dma_wait3A_621 = arith.constant 0 : i32
      %dma_wait3A_622 = tpu.memref_slice %arg2[%dma_wait3A_620, %dma_wait3A_621] : memref<10000x128xf32, #tpu.memory_space<hbm>> -> memref<128x128xf32, #tpu.memory_space<hbm>>
      %dma_wait3A_623 = arith.constant 0 : i32
      %dma_wait3A_624 = arith.constant 0 : i32
      %dma_wait3A_625 = tpu.memref_slice %arg2[%dma_wait3A_623, %dma_wait3A_624] : memref<10000x128xf32, #tpu.memory_space<hbm>> -> memref<128x128xf32, #tpu.memory_space<hbm>>
      tpu.wait_dma2 semaphore(%arg15 : memref<!tpu.dma_semaphore, #tpu.memory_space<semaphore_mem>>) src(%dma_wait3A_625 : memref<128x128xf32, #tpu.memory_space<hbm>>) dst(%arg12 : memref<128x128xf32, #tpu.memory_space<vmem>>)
      %dma_start3A_626 = arith.constant 256 : i32
      %dma_start3A_627 = tpu.memref_slice %arg10[%dma_start3A_626] : memref<1024xi32, #tpu.memory_space<vmem>> -> memref<128xi32, #tpu.memory_space<vmem>>
      %dma_start3A_628 = arith.constant 0 : i32
      %dma_start3A_629 = arith.constant 0 : i32
      %dma_start3A_630 = tpu.memref_slice %arg14[%dma_start3A_628, %dma_start3A_629] : memref<10112x128xf32, #tpu.memory_space<vmem_shared>> -> memref<10112x128xf32, #tpu.memory_space<vmem_shared>>
      tpu.enqueue_indirect_dma source(%arg12 : memref<128x128xf32, #tpu.memory_space<vmem>>) target(%dma_start3A_630 : memref<10112x128xf32, #tpu.memory_space<vmem_shared>>) offsets(%dma_start3A_627 : memref<128xi32, #tpu.memory_space<vmem>>) semaphore(%arg17 : memref<!tpu.dma_semaphore, #tpu.memory_space<semaphore_mem>>) {add = true}
      %dma_wait3A_631 = arith.constant 0 : i32
      %dma_wait3A_632 = arith.constant 0 : i32
      %dma_wait3A_633 = tpu.memref_slice %arg2[%dma_wait3A_631, %dma_wait3A_632] : memref<10000x128xf32, #tpu.memory_space<hbm>> -> memref<128x128xf32, #tpu.memory_space<hbm>>
      %dma_wait3A_634 = arith.constant 0 : i32
      %dma_wait3A_635 = arith.constant 0 : i32
      %dma_wait3A_636 = tpu.memref_slice %arg2[%dma_wait3A_634, %dma_wait3A_635] : memref<10000x128xf32, #tpu.memory_space<hbm>> -> memref<128x128xf32, #tpu.memory_space<hbm>>
      tpu.wait_dma2 semaphore(%arg17 : memref<!tpu.dma_semaphore, #tpu.memory_space<semaphore_mem>>) src(%dma_wait3A_636 : memref<128x128xf32, #tpu.memory_space<hbm>>) dst(%arg12 : memref<128x128xf32, #tpu.memory_space<vmem>>)
      %dma_start3A_637 = arith.constant 512 : i32
      %dma_start3A_638 = tpu.memref_slice %arg8[%dma_start3A_637] : memref<1024xi32, #tpu.memory_space<vmem>> -> memref<128xi32, #tpu.memory_space<vmem>>
      %dma_start3A_639 = arith.constant 0 : i32
      %dma_start3A_640 = arith.constant 0 : i32
      %dma_start3A_641 = tpu.memref_slice %arg2[%dma_start3A_639, %dma_start3A_640] : memref<10000x128xf32, #tpu.memory_space<hbm>> -> memref<10000x128xf32, #tpu.memory_space<hbm>>
      tpu.enqueue_indirect_dma source(%dma_start3A_641 : memref<10000x128xf32, #tpu.memory_space<hbm>>) target(%arg12 : memref<128x128xf32, #tpu.memory_space<vmem>>) offsets(%dma_start3A_638 : memref<128xi32, #tpu.memory_space<vmem>>) semaphore(%arg15 : memref<!tpu.dma_semaphore, #tpu.memory_space<semaphore_mem>>)
      %dma_wait3A_642 = arith.constant 0 : i32
      %dma_wait3A_643 = arith.constant 0 : i32
      %dma_wait3A_644 = tpu.memref_slice %arg2[%dma_wait3A_642, %dma_wait3A_643] : memref<10000x128xf32, #tpu.memory_space<hbm>> -> memref<128x128xf32, #tpu.memory_space<hbm>>
      %dma_wait3A_645 = arith.constant 0 : i32
      %dma_wait3A_646 = arith.constant 0 : i32
      %dma_wait3A_647 = tpu.memref_slice %arg2[%dma_wait3A_645, %dma_wait3A_646] : memref<10000x128xf32, #tpu.memory_space<hbm>> -> memref<128x128xf32, #tpu.memory_space<hbm>>
      tpu.wait_dma2 semaphore(%arg16 : memref<!tpu.dma_semaphore, #tpu.memory_space<semaphore_mem>>) src(%dma_wait3A_647 : memref<128x128xf32, #tpu.memory_space<hbm>>) dst(%arg13 : memref<128x128xf32, #tpu.memory_space<vmem>>)
      %dma_start3A_648 = arith.constant 384 : i32
      %dma_start3A_649 = tpu.memref_slice %arg10[%dma_start3A_648] : memref<1024xi32, #tpu.memory_space<vmem>> -> memref<128xi32, #tpu.memory_space<vmem>>
      %dma_start3A_650 = arith.constant 0 : i32
      %dma_start3A_651 = arith.constant 0 : i32
      %dma_start3A_652 = tpu.memref_slice %arg14[%dma_start3A_650, %dma_start3A_651] : memref<10112x128xf32, #tpu.memory_space<vmem_shared>> -> memref<10112x128xf32, #tpu.memory_space<vmem_shared>>
      tpu.enqueue_indirect_dma source(%arg13 : memref<128x128xf32, #tpu.memory_space<vmem>>) target(%dma_start3A_652 : memref<10112x128xf32, #tpu.memory_space<vmem_shared>>) offsets(%dma_start3A_649 : memref<128xi32, #tpu.memory_space<vmem>>) semaphore(%arg18 : memref<!tpu.dma_semaphore, #tpu.memory_space<semaphore_mem>>) {add = true}
      %dma_wait3A_653 = arith.constant 0 : i32
      %dma_wait3A_654 = arith.constant 0 : i32
      %dma_wait3A_655 = tpu.memref_slice %arg2[%dma_wait3A_653, %dma_wait3A_654] : memref<10000x128xf32, #tpu.memory_space<hbm>> -> memref<128x128xf32, #tpu.memory_space<hbm>>
      %dma_wait3A_656 = arith.constant 0 : i32
      %dma_wait3A_657 = arith.constant 0 : i32
      %dma_wait3A_658 = tpu.memref_slice %arg2[%dma_wait3A_656, %dma_wait3A_657] : memref<10000x128xf32, #tpu.memory_space<hbm>> -> memref<128x128xf32, #tpu.memory_space<hbm>>
      tpu.wait_dma2 semaphore(%arg18 : memref<!tpu.dma_semaphore, #tpu.memory_space<semaphore_mem>>) src(%dma_wait3A_658 : memref<128x128xf32, #tpu.memory_space<hbm>>) dst(%arg13 : memref<128x128xf32, #tpu.memory_space<vmem>>)
      %dma_start3A_659 = arith.constant 640 : i32
      %dma_start3A_660 = tpu.memref_slice %arg8[%dma_start3A_659] : memref<1024xi32, #tpu.memory_space<vmem>> -> memref<128xi32, #tpu.memory_space<vmem>>
      %dma_start3A_661 = arith.constant 0 : i32
      %dma_start3A_662 = arith.constant 0 : i32
      %dma_start3A_663 = tpu.memref_slice %arg2[%dma_start3A_661, %dma_start3A_662] : memref<10000x128xf32, #tpu.memory_space<hbm>> -> memref<10000x128xf32, #tpu.memory_space<hbm>>
      tpu.enqueue_indirect_dma source(%dma_start3A_663 : memref<10000x128xf32, #tpu.memory_space<hbm>>) target(%arg13 : memref<128x128xf32, #tpu.memory_space<vmem>>) offsets(%dma_start3A_660 : memref<128xi32, #tpu.memory_space<vmem>>) semaphore(%arg16 : memref<!tpu.dma_semaphore, #tpu.memory_space<semaphore_mem>>)
      %dma_wait3A_664 = arith.constant 0 : i32
      %dma_wait3A_665 = arith.constant 0 : i32
      %dma_wait3A_666 = tpu.memref_slice %arg2[%dma_wait3A_664, %dma_wait3A_665] : memref<10000x128xf32, #tpu.memory_space<hbm>> -> memref<128x128xf32, #tpu.memory_space<hbm>>
      %dma_wait3A_667 = arith.constant 0 : i32
      %dma_wait3A_668 = arith.constant 0 : i32
      %dma_wait3A_669 = tpu.memref_slice %arg2[%dma_wait3A_667, %dma_wait3A_668] : memref<10000x128xf32, #tpu.memory_space<hbm>> -> memref<128x128xf32, #tpu.memory_space<hbm>>
      tpu.wait_dma2 semaphore(%arg15 : memref<!tpu.dma_semaphore, #tpu.memory_space<semaphore_mem>>) src(%dma_wait3A_669 : memref<128x128xf32, #tpu.memory_space<hbm>>) dst(%arg12 : memref<128x128xf32, #tpu.memory_space<vmem>>)
      %dma_start3A_670 = arith.constant 512 : i32
      %dma_start3A_671 = tpu.memref_slice %arg10[%dma_start3A_670] : memref<1024xi32, #tpu.memory_space<vmem>> -> memref<128xi32, #tpu.memory_space<vmem>>
      %dma_start3A_672 = arith.constant 0 : i32
      %dma_start3A_673 = arith.constant 0 : i32
      %dma_start3A_674 = tpu.memref_slice %arg14[%dma_start3A_672, %dma_start3A_673] : memref<10112x128xf32, #tpu.memory_space<vmem_shared>> -> memref<10112x128xf32, #tpu.memory_space<vmem_shared>>
      tpu.enqueue_indirect_dma source(%arg12 : memref<128x128xf32, #tpu.memory_space<vmem>>) target(%dma_start3A_674 : memref<10112x128xf32, #tpu.memory_space<vmem_shared>>) offsets(%dma_start3A_671 : memref<128xi32, #tpu.memory_space<vmem>>) semaphore(%arg17 : memref<!tpu.dma_semaphore, #tpu.memory_space<semaphore_mem>>) {add = true}
      %dma_wait3A_675 = arith.constant 0 : i32
      %dma_wait3A_676 = arith.constant 0 : i32
      %dma_wait3A_677 = tpu.memref_slice %arg2[%dma_wait3A_675, %dma_wait3A_676] : memref<10000x128xf32, #tpu.memory_space<hbm>> -> memref<128x128xf32, #tpu.memory_space<hbm>>
      %dma_wait3A_678 = arith.constant 0 : i32
      %dma_wait3A_679 = arith.constant 0 : i32
      %dma_wait3A_680 = tpu.memref_slice %arg2[%dma_wait3A_678, %dma_wait3A_679] : memref<10000x128xf32, #tpu.memory_space<hbm>> -> memref<128x128xf32, #tpu.memory_space<hbm>>
      tpu.wait_dma2 semaphore(%arg17 : memref<!tpu.dma_semaphore, #tpu.memory_space<semaphore_mem>>) src(%dma_wait3A_680 : memref<128x128xf32, #tpu.memory_space<hbm>>) dst(%arg12 : memref<128x128xf32, #tpu.memory_space<vmem>>)
      %dma_start3A_681 = arith.constant 768 : i32
      %dma_start3A_682 = tpu.memref_slice %arg8[%dma_start3A_681] : memref<1024xi32, #tpu.memory_space<vmem>> -> memref<128xi32, #tpu.memory_space<vmem>>
      %dma_start3A_683 = arith.constant 0 : i32
      %dma_start3A_684 = arith.constant 0 : i32
      %dma_start3A_685 = tpu.memref_slice %arg2[%dma_start3A_683, %dma_start3A_684] : memref<10000x128xf32, #tpu.memory_space<hbm>> -> memref<10000x128xf32, #tpu.memory_space<hbm>>
      tpu.enqueue_indirect_dma source(%dma_start3A_685 : memref<10000x128xf32, #tpu.memory_space<hbm>>) target(%arg12 : memref<128x128xf32, #tpu.memory_space<vmem>>) offsets(%dma_start3A_682 : memref<128xi32, #tpu.memory_space<vmem>>) semaphore(%arg15 : memref<!tpu.dma_semaphore, #tpu.memory_space<semaphore_mem>>)
      %dma_wait3A_686 = arith.constant 0 : i32
      %dma_wait3A_687 = arith.constant 0 : i32
      %dma_wait3A_688 = tpu.memref_slice %arg2[%dma_wait3A_686, %dma_wait3A_687] : memref<10000x128xf32, #tpu.memory_space<hbm>> -> memref<128x128xf32, #tpu.memory_space<hbm>>
      %dma_wait3A_689 = arith.constant 0 : i32
      %dma_wait3A_690 = arith.constant 0 : i32
      %dma_wait3A_691 = tpu.memref_slice %arg2[%dma_wait3A_689, %dma_wait3A_690] : memref<10000x128xf32, #tpu.memory_space<hbm>> -> memref<128x128xf32, #tpu.memory_space<hbm>>
      tpu.wait_dma2 semaphore(%arg16 : memref<!tpu.dma_semaphore, #tpu.memory_space<semaphore_mem>>) src(%dma_wait3A_691 : memref<128x128xf32, #tpu.memory_space<hbm>>) dst(%arg13 : memref<128x128xf32, #tpu.memory_space<vmem>>)
      %dma_start3A_692 = arith.constant 640 : i32
      %dma_start3A_693 = tpu.memref_slice %arg10[%dma_start3A_692] : memref<1024xi32, #tpu.memory_space<vmem>> -> memref<128xi32, #tpu.memory_space<vmem>>
      %dma_start3A_694 = arith.constant 0 : i32
      %dma_start3A_695 = arith.constant 0 : i32
      %dma_start3A_696 = tpu.memref_slice %arg14[%dma_start3A_694, %dma_start3A_695] : memref<10112x128xf32, #tpu.memory_space<vmem_shared>> -> memref<10112x128xf32, #tpu.memory_space<vmem_shared>>
      tpu.enqueue_indirect_dma source(%arg13 : memref<128x128xf32, #tpu.memory_space<vmem>>) target(%dma_start3A_696 : memref<10112x128xf32, #tpu.memory_space<vmem_shared>>) offsets(%dma_start3A_693 : memref<128xi32, #tpu.memory_space<vmem>>) semaphore(%arg18 : memref<!tpu.dma_semaphore, #tpu.memory_space<semaphore_mem>>) {add = true}
      %dma_wait3A_697 = arith.constant 0 : i32
      %dma_wait3A_698 = arith.constant 0 : i32
      %dma_wait3A_699 = tpu.memref_slice %arg2[%dma_wait3A_697, %dma_wait3A_698] : memref<10000x128xf32, #tpu.memory_space<hbm>> -> memref<128x128xf32, #tpu.memory_space<hbm>>
      %dma_wait3A_700 = arith.constant 0 : i32
      %dma_wait3A_701 = arith.constant 0 : i32
      %dma_wait3A_702 = tpu.memref_slice %arg2[%dma_wait3A_700, %dma_wait3A_701] : memref<10000x128xf32, #tpu.memory_space<hbm>> -> memref<128x128xf32, #tpu.memory_space<hbm>>
      tpu.wait_dma2 semaphore(%arg18 : memref<!tpu.dma_semaphore, #tpu.memory_space<semaphore_mem>>) src(%dma_wait3A_702 : memref<128x128xf32, #tpu.memory_space<hbm>>) dst(%arg13 : memref<128x128xf32, #tpu.memory_space<vmem>>)
      %dma_start3A_703 = arith.constant 896 : i32
      %dma_start3A_704 = tpu.memref_slice %arg8[%dma_start3A_703] : memref<1024xi32, #tpu.memory_space<vmem>> -> memref<128xi32, #tpu.memory_space<vmem>>
      %dma_start3A_705 = arith.constant 0 : i32
      %dma_start3A_706 = arith.constant 0 : i32
      %dma_start3A_707 = tpu.memref_slice %arg2[%dma_start3A_705, %dma_start3A_706] : memref<10000x128xf32, #tpu.memory_space<hbm>> -> memref<10000x128xf32, #tpu.memory_space<hbm>>
      tpu.enqueue_indirect_dma source(%dma_start3A_707 : memref<10000x128xf32, #tpu.memory_space<hbm>>) target(%arg13 : memref<128x128xf32, #tpu.memory_space<vmem>>) offsets(%dma_start3A_704 : memref<128xi32, #tpu.memory_space<vmem>>) semaphore(%arg16 : memref<!tpu.dma_semaphore, #tpu.memory_space<semaphore_mem>>)
      %dma_wait3A_708 = arith.constant 0 : i32
      %dma_wait3A_709 = arith.constant 0 : i32
      %dma_wait3A_710 = tpu.memref_slice %arg2[%dma_wait3A_708, %dma_wait3A_709] : memref<10000x128xf32, #tpu.memory_space<hbm>> -> memref<128x128xf32, #tpu.memory_space<hbm>>
      %dma_wait3A_711 = arith.constant 0 : i32
      %dma_wait3A_712 = arith.constant 0 : i32
      %dma_wait3A_713 = tpu.memref_slice %arg2[%dma_wait3A_711, %dma_wait3A_712] : memref<10000x128xf32, #tpu.memory_space<hbm>> -> memref<128x128xf32, #tpu.memory_space<hbm>>
      tpu.wait_dma2 semaphore(%arg15 : memref<!tpu.dma_semaphore, #tpu.memory_space<semaphore_mem>>) src(%dma_wait3A_713 : memref<128x128xf32, #tpu.memory_space<hbm>>) dst(%arg12 : memref<128x128xf32, #tpu.memory_space<vmem>>)
      %dma_start3A_714 = arith.constant 768 : i32
      %dma_start3A_715 = tpu.memref_slice %arg10[%dma_start3A_714] : memref<1024xi32, #tpu.memory_space<vmem>> -> memref<128xi32, #tpu.memory_space<vmem>>
      %dma_start3A_716 = arith.constant 0 : i32
      %dma_start3A_717 = arith.constant 0 : i32
      %dma_start3A_718 = tpu.memref_slice %arg14[%dma_start3A_716, %dma_start3A_717] : memref<10112x128xf32, #tpu.memory_space<vmem_shared>> -> memref<10112x128xf32, #tpu.memory_space<vmem_shared>>
      tpu.enqueue_indirect_dma source(%arg12 : memref<128x128xf32, #tpu.memory_space<vmem>>) target(%dma_start3A_718 : memref<10112x128xf32, #tpu.memory_space<vmem_shared>>) offsets(%dma_start3A_715 : memref<128xi32, #tpu.memory_space<vmem>>) semaphore(%arg17 : memref<!tpu.dma_semaphore, #tpu.memory_space<semaphore_mem>>) {add = true}
      %dma_wait3A_719 = arith.constant 0 : i32
      %dma_wait3A_720 = arith.constant 0 : i32
      %dma_wait3A_721 = tpu.memref_slice %arg2[%dma_wait3A_719, %dma_wait3A_720] : memref<10000x128xf32, #tpu.memory_space<hbm>> -> memref<128x128xf32, #tpu.memory_space<hbm>>
      %dma_wait3A_722 = arith.constant 0 : i32
      %dma_wait3A_723 = arith.constant 0 : i32
      %dma_wait3A_724 = tpu.memref_slice %arg2[%dma_wait3A_722, %dma_wait3A_723] : memref<10000x128xf32, #tpu.memory_space<hbm>> -> memref<128x128xf32, #tpu.memory_space<hbm>>
      tpu.wait_dma2 semaphore(%arg16 : memref<!tpu.dma_semaphore, #tpu.memory_space<semaphore_mem>>) src(%dma_wait3A_724 : memref<128x128xf32, #tpu.memory_space<hbm>>) dst(%arg13 : memref<128x128xf32, #tpu.memory_space<vmem>>)
      %dma_start3A_725 = arith.constant 896 : i32
      %dma_start3A_726 = tpu.memref_slice %arg10[%dma_start3A_725] : memref<1024xi32, #tpu.memory_space<vmem>> -> memref<128xi32, #tpu.memory_space<vmem>>
      %dma_start3A_727 = arith.constant 0 : i32
      %dma_start3A_728 = arith.constant 0 : i32
      %dma_start3A_729 = tpu.memref_slice %arg14[%dma_start3A_727, %dma_start3A_728] : memref<10112x128xf32, #tpu.memory_space<vmem_shared>> -> memref<10112x128xf32, #tpu.memory_space<vmem_shared>>
      tpu.enqueue_indirect_dma source(%arg13 : memref<128x128xf32, #tpu.memory_space<vmem>>) target(%dma_start3A_729 : memref<10112x128xf32, #tpu.memory_space<vmem_shared>>) offsets(%dma_start3A_726 : memref<128xi32, #tpu.memory_space<vmem>>) semaphore(%arg18 : memref<!tpu.dma_semaphore, #tpu.memory_space<semaphore_mem>>) {add = true}
      %dma_wait3A_730 = arith.constant 0 : i32
      %dma_wait3A_731 = tpu.memref_slice %arg4[%dma_wait3A_730] : memref<10240xi32, #tpu.memory_space<hbm>> -> memref<1024xi32, #tpu.memory_space<hbm>>
      %dma_wait3A_732 = arith.constant 0 : i32
      %dma_wait3A_733 = tpu.memref_slice %arg4[%dma_wait3A_732] : memref<10240xi32, #tpu.memory_space<hbm>> -> memref<1024xi32, #tpu.memory_space<hbm>>
      tpu.wait_dma2 semaphore(%arg20 : memref<!tpu.dma_semaphore, #tpu.memory_space<semaphore_mem>>) src(%dma_wait3A_733 : memref<1024xi32, #tpu.memory_space<hbm>>) dst(%arg9 : memref<1024xi32, #tpu.memory_space<vmem>>)
      %dma_wait3A_734 = arith.constant 0 : i32
      %dma_wait3A_735 = tpu.memref_slice %arg4[%dma_wait3A_734] : memref<10240xi32, #tpu.memory_space<hbm>> -> memref<1024xi32, #tpu.memory_space<hbm>>
      %dma_wait3A_736 = arith.constant 0 : i32
      %dma_wait3A_737 = tpu.memref_slice %arg4[%dma_wait3A_736] : memref<10240xi32, #tpu.memory_space<hbm>> -> memref<1024xi32, #tpu.memory_space<hbm>>
      tpu.wait_dma2 semaphore(%arg20 : memref<!tpu.dma_semaphore, #tpu.memory_space<semaphore_mem>>) src(%dma_wait3A_737 : memref<1024xi32, #tpu.memory_space<hbm>>) dst(%arg11 : memref<1024xi32, #tpu.memory_space<vmem>>)
      %dma_wait3A_738 = arith.constant 0 : i32
      %dma_wait3A_739 = arith.constant 0 : i32
      %dma_wait3A_740 = tpu.memref_slice %arg2[%dma_wait3A_738, %dma_wait3A_739] : memref<10000x128xf32, #tpu.memory_space<hbm>> -> memref<128x128xf32, #tpu.memory_space<hbm>>
      %dma_wait3A_741 = arith.constant 0 : i32
      %dma_wait3A_742 = arith.constant 0 : i32
      %dma_wait3A_743 = tpu.memref_slice %arg2[%dma_wait3A_741, %dma_wait3A_742] : memref<10000x128xf32, #tpu.memory_space<hbm>> -> memref<128x128xf32, #tpu.memory_space<hbm>>
      tpu.wait_dma2 semaphore(%arg17 : memref<!tpu.dma_semaphore, #tpu.memory_space<semaphore_mem>>) src(%dma_wait3A_743 : memref<128x128xf32, #tpu.memory_space<hbm>>) dst(%arg12 : memref<128x128xf32, #tpu.memory_space<vmem>>)
      %dma_start3A_744 = arith.constant 0 : i32
      %dma_start3A_745 = tpu.memref_slice %arg9[%dma_start3A_744] : memref<1024xi32, #tpu.memory_space<vmem>> -> memref<128xi32, #tpu.memory_space<vmem>>
      %dma_start3A_746 = arith.constant 0 : i32
      %dma_start3A_747 = arith.constant 0 : i32
      %dma_start3A_748 = tpu.memref_slice %arg2[%dma_start3A_746, %dma_start3A_747] : memref<10000x128xf32, #tpu.memory_space<hbm>> -> memref<10000x128xf32, #tpu.memory_space<hbm>>
      tpu.enqueue_indirect_dma source(%dma_start3A_748 : memref<10000x128xf32, #tpu.memory_space<hbm>>) target(%arg12 : memref<128x128xf32, #tpu.memory_space<vmem>>) offsets(%dma_start3A_745 : memref<128xi32, #tpu.memory_space<vmem>>) semaphore(%arg15 : memref<!tpu.dma_semaphore, #tpu.memory_space<semaphore_mem>>)
      %dma_wait3A_749 = arith.constant 0 : i32
      %dma_wait3A_750 = arith.constant 0 : i32
      %dma_wait3A_751 = tpu.memref_slice %arg2[%dma_wait3A_749, %dma_wait3A_750] : memref<10000x128xf32, #tpu.memory_space<hbm>> -> memref<128x128xf32, #tpu.memory_space<hbm>>
      %dma_wait3A_752 = arith.constant 0 : i32
      %dma_wait3A_753 = arith.constant 0 : i32
      %dma_wait3A_754 = tpu.memref_slice %arg2[%dma_wait3A_752, %dma_wait3A_753] : memref<10000x128xf32, #tpu.memory_space<hbm>> -> memref<128x128xf32, #tpu.memory_space<hbm>>
      tpu.wait_dma2 semaphore(%arg18 : memref<!tpu.dma_semaphore, #tpu.memory_space<semaphore_mem>>) src(%dma_wait3A_754 : memref<128x128xf32, #tpu.memory_space<hbm>>) dst(%arg13 : memref<128x128xf32, #tpu.memory_space<vmem>>)
      %dma_start3A_755 = arith.constant 128 : i32
      %dma_start3A_756 = tpu.memref_slice %arg9[%dma_start3A_755] : memref<1024xi32, #tpu.memory_space<vmem>> -> memref<128xi32, #tpu.memory_space<vmem>>
      %dma_start3A_757 = arith.constant 0 : i32
      %dma_start3A_758 = arith.constant 0 : i32
      %dma_start3A_759 = tpu.memref_slice %arg2[%dma_start3A_757, %dma_start3A_758] : memref<10000x128xf32, #tpu.memory_space<hbm>> -> memref<10000x128xf32, #tpu.memory_space<hbm>>
      tpu.enqueue_indirect_dma source(%dma_start3A_759 : memref<10000x128xf32, #tpu.memory_space<hbm>>) target(%arg13 : memref<128x128xf32, #tpu.memory_space<vmem>>) offsets(%dma_start3A_756 : memref<128xi32, #tpu.memory_space<vmem>>) semaphore(%arg16 : memref<!tpu.dma_semaphore, #tpu.memory_space<semaphore_mem>>)
      %get3A_760 = arith.constant 0 : index
      %get3A_761 = tpu.vector_load %arg11[%get3A_760] {strides = array<i32>} : memref<1024xi32, #tpu.memory_space<vmem>>, vector<16xi32>,
      %shift_right_logical3A_762 = arith.constant 7 : i32
      %shift_right_logical3A_763 = vector.broadcast %shift_right_logical3A_762 : i32 to vector<16xi32>
      %shift_right_logical3A_764 = arith.shrui %get3A_761, %shift_right_logical3A_763 : vector<16xi32>
      %and3A_765 = arith.constant 127 : i32
      %and3A_766 = vector.broadcast %and3A_765 : i32 to vector<16xi32>
      %and3A_767 = arith.andi %get3A_761, %and3A_766 : vector<16xi32>
      tpu.vector_store_idx %arg21[%shift_right_logical3A_764, %and3A_767], %broadcast_in_dim3A_5 {add = true} : memref<80x128xf32, #tpu.memory_space<vmem>>[vector<16xi32>, vector<16xi32>], vector<16xf32>,
      %get3A_768 = arith.constant 16 : index
      %get3A_769 = tpu.vector_load %arg11[%get3A_768] {strides = array<i32>} : memref<1024xi32, #tpu.memory_space<vmem>>, vector<16xi32>,
      %shift_right_logical3A_770 = arith.constant 7 : i32
      %shift_right_logical3A_771 = vector.broadcast %shift_right_logical3A_770 : i32 to vector<16xi32>
      %shift_right_logical3A_772 = arith.shrui %get3A_769, %shift_right_logical3A_771 : vector<16xi32>
      %and3A_773 = arith.constant 127 : i32
      %and3A_774 = vector.broadcast %and3A_773 : i32 to vector<16xi32>
      %and3A_775 = arith.andi %get3A_769, %and3A_774 : vector<16xi32>
      tpu.vector_store_idx %arg21[%shift_right_logical3A_772, %and3A_775], %broadcast_in_dim3A_5 {add = true} : memref<80x128xf32, #tpu.memory_space<vmem>>[vector<16xi32>, vector<16xi32>], vector<16xf32>,
      %get3A_776 = arith.constant 32 : index
      %get3A_777 = tpu.vector_load %arg11[%get3A_776] {strides = array<i32>} : memref<1024xi32, #tpu.memory_space<vmem>>, vector<16xi32>,
      %shift_right_logical3A_778 = arith.constant 7 : i32
      %shift_right_logical3A_779 = vector.broadcast %shift_right_logical3A_778 : i32 to vector<16xi32>
      %shift_right_logical3A_780 = arith.shrui %get3A_777, %shift_right_logical3A_779 : vector<16xi32>
      %and3A_781 = arith.constant 127 : i32
      %and3A_782 = vector.broadcast %and3A_781 : i32 to vector<16xi32>
      %and3A_783 = arith.andi %get3A_777, %and3A_782 : vector<16xi32>
      tpu.vector_store_idx %arg21[%shift_right_logical3A_780, %and3A_783], %broadcast_in_dim3A_5 {add = true} : memref<80x128xf32, #tpu.memory_space<vmem>>[vector<16xi32>, vector<16xi32>], vector<16xf32>,
      %get3A_784 = arith.constant 48 : index
      %get3A_785 = tpu.vector_load %arg11[%get3A_784] {strides = array<i32>} : memref<1024xi32, #tpu.memory_space<vmem>>, vector<16xi32>,
      %shift_right_logical3A_786 = arith.constant 7 : i32
      %shift_right_logical3A_787 = vector.broadcast %shift_right_logical3A_786 : i32 to vector<16xi32>
      %shift_right_logical3A_788 = arith.shrui %get3A_785, %shift_right_logical3A_787 : vector<16xi32>
      %and3A_789 = arith.constant 127 : i32
      %and3A_790 = vector.broadcast %and3A_789 : i32 to vector<16xi32>
      %and3A_791 = arith.andi %get3A_785, %and3A_790 : vector<16xi32>
      tpu.vector_store_idx %arg21[%shift_right_logical3A_788, %and3A_791], %broadcast_in_dim3A_5 {add = true} : memref<80x128xf32, #tpu.memory_space<vmem>>[vector<16xi32>, vector<16xi32>], vector<16xf32>,
      %get3A_792 = arith.constant 64 : index
      %get3A_793 = tpu.vector_load %arg11[%get3A_792] {strides = array<i32>} : memref<1024xi32, #tpu.memory_space<vmem>>, vector<16xi32>,
      %shift_right_logical3A_794 = arith.constant 7 : i32
      %shift_right_logical3A_795 = vector.broadcast %shift_right_logical3A_794 : i32 to vector<16xi32>
      %shift_right_logical3A_796 = arith.shrui %get3A_793, %shift_right_logical3A_795 : vector<16xi32>
      %and3A_797 = arith.constant 127 : i32
      %and3A_798 = vector.broadcast %and3A_797 : i32 to vector<16xi32>
      %and3A_799 = arith.andi %get3A_793, %and3A_798 : vector<16xi32>
      tpu.vector_store_idx %arg21[%shift_right_logical3A_796, %and3A_799], %broadcast_in_dim3A_5 {add = true} : memref<80x128xf32, #tpu.memory_space<vmem>>[vector<16xi32>, vector<16xi32>], vector<16xf32>,
      %get3A_800 = arith.constant 80 : index
      %get3A_801 = tpu.vector_load %arg11[%get3A_800] {strides = array<i32>} : memref<1024xi32, #tpu.memory_space<vmem>>, vector<16xi32>,
      %shift_right_logical3A_802 = arith.constant 7 : i32
      %shift_right_logical3A_803 = vector.broadcast %shift_right_logical3A_802 : i32 to vector<16xi32>
      %shift_right_logical3A_804 = arith.shrui %get3A_801, %shift_right_logical3A_803 : vector<16xi32>
      %and3A_805 = arith.constant 127 : i32
      %and3A_806 = vector.broadcast %and3A_805 : i32 to vector<16xi32>
      %and3A_807 = arith.andi %get3A_801, %and3A_806 : vector<16xi32>
      tpu.vector_store_idx %arg21[%shift_right_logical3A_804, %and3A_807], %broadcast_in_dim3A_5 {add = true} : memref<80x128xf32, #tpu.memory_space<vmem>>[vector<16xi32>, vector<16xi32>], vector<16xf32>,
      %get3A_808 = arith.constant 96 : index
      %get3A_809 = tpu.vector_load %arg11[%get3A_808] {strides = array<i32>} : memref<1024xi32, #tpu.memory_space<vmem>>, vector<16xi32>,
      %shift_right_logical3A_810 = arith.constant 7 : i32
      %shift_right_logical3A_811 = vector.broadcast %shift_right_logical3A_810 : i32 to vector<16xi32>
      %shift_right_logical3A_812 = arith.shrui %get3A_809, %shift_right_logical3A_811 : vector<16xi32>
      %and3A_813 = arith.constant 127 : i32
      %and3A_814 = vector.broadcast %and3A_813 : i32 to vector<16xi32>
      %and3A_815 = arith.andi %get3A_809, %and3A_814 : vector<16xi32>
      tpu.vector_store_idx %arg21[%shift_right_logical3A_812, %and3A_815], %broadcast_in_dim3A_5 {add = true} : memref<80x128xf32, #tpu.memory_space<vmem>>[vector<16xi32>, vector<16xi32>], vector<16xf32>,
      %get3A_816 = arith.constant 112 : index
      %get3A_817 = tpu.vector_load %arg11[%get3A_816] {strides = array<i32>} : memref<1024xi32, #tpu.memory_space<vmem>>, vector<16xi32>,
      %shift_right_logical3A_818 = arith.constant 7 : i32
      %shift_right_logical3A_819 = vector.broadcast %shift_right_logical3A_818 : i32 to vector<16xi32>
      %shift_right_logical3A_820 = arith.shrui %get3A_817, %shift_right_logical3A_819 : vector<16xi32>
      %and3A_821 = arith.constant 127 : i32
      %and3A_822 = vector.broadcast %and3A_821 : i32 to vector<16xi32>
      %and3A_823 = arith.andi %get3A_817, %and3A_822 : vector<16xi32>
      tpu.vector_store_idx %arg21[%shift_right_logical3A_820, %and3A_823], %broadcast_in_dim3A_5 {add = true} : memref<80x128xf32, #tpu.memory_space<vmem>>[vector<16xi32>, vector<16xi32>], vector<16xf32>,
      %get3A_824 = arith.constant 128 : index
      %get3A_825 = tpu.vector_load %arg11[%get3A_824] {strides = array<i32>} : memref<1024xi32, #tpu.memory_space<vmem>>, vector<16xi32>,
      %shift_right_logical3A_826 = arith.constant 7 : i32
      %shift_right_logical3A_827 = vector.broadcast %shift_right_logical3A_826 : i32 to vector<16xi32>
      %shift_right_logical3A_828 = arith.shrui %get3A_825, %shift_right_logical3A_827 : vector<16xi32>
      %and3A_829 = arith.constant 127 : i32
      %and3A_830 = vector.broadcast %and3A_829 : i32 to vector<16xi32>
      %and3A_831 = arith.andi %get3A_825, %and3A_830 : vector<16xi32>
      tpu.vector_store_idx %arg21[%shift_right_logical3A_828, %and3A_831], %broadcast_in_dim3A_5 {add = true} : memref<80x128xf32, #tpu.memory_space<vmem>>[vector<16xi32>, vector<16xi32>], vector<16xf32>,
      %get3A_832 = arith.constant 144 : index
      %get3A_833 = tpu.vector_load %arg11[%get3A_832] {strides = array<i32>} : memref<1024xi32, #tpu.memory_space<vmem>>, vector<16xi32>,
      %shift_right_logical3A_834 = arith.constant 7 : i32
      %shift_right_logical3A_835 = vector.broadcast %shift_right_logical3A_834 : i32 to vector<16xi32>
      %shift_right_logical3A_836 = arith.shrui %get3A_833, %shift_right_logical3A_835 : vector<16xi32>
      %and3A_837 = arith.constant 127 : i32
      %and3A_838 = vector.broadcast %and3A_837 : i32 to vector<16xi32>
      %and3A_839 = arith.andi %get3A_833, %and3A_838 : vector<16xi32>
      tpu.vector_store_idx %arg21[%shift_right_logical3A_836, %and3A_839], %broadcast_in_dim3A_5 {add = true} : memref<80x128xf32, #tpu.memory_space<vmem>>[vector<16xi32>, vector<16xi32>], vector<16xf32>,
      %get3A_840 = arith.constant 160 : index
      %get3A_841 = tpu.vector_load %arg11[%get3A_840] {strides = array<i32>} : memref<1024xi32, #tpu.memory_space<vmem>>, vector<16xi32>,
      %shift_right_logical3A_842 = arith.constant 7 : i32
      %shift_right_logical3A_843 = vector.broadcast %shift_right_logical3A_842 : i32 to vector<16xi32>
      %shift_right_logical3A_844 = arith.shrui %get3A_841, %shift_right_logical3A_843 : vector<16xi32>
      %and3A_845 = arith.constant 127 : i32
      %and3A_846 = vector.broadcast %and3A_845 : i32 to vector<16xi32>
      %and3A_847 = arith.andi %get3A_841, %and3A_846 : vector<16xi32>
      tpu.vector_store_idx %arg21[%shift_right_logical3A_844, %and3A_847], %broadcast_in_dim3A_5 {add = true} : memref<80x128xf32, #tpu.memory_space<vmem>>[vector<16xi32>, vector<16xi32>], vector<16xf32>,
      %get3A_848 = arith.constant 176 : index
      %get3A_849 = tpu.vector_load %arg11[%get3A_848] {strides = array<i32>} : memref<1024xi32, #tpu.memory_space<vmem>>, vector<16xi32>,
      %shift_right_logical3A_850 = arith.constant 7 : i32
      %shift_right_logical3A_851 = vector.broadcast %shift_right_logical3A_850 : i32 to vector<16xi32>
      %shift_right_logical3A_852 = arith.shrui %get3A_849, %shift_right_logical3A_851 : vector<16xi32>
      %and3A_853 = arith.constant 127 : i32
      %and3A_854 = vector.broadcast %and3A_853 : i32 to vector<16xi32>
      %and3A_855 = arith.andi %get3A_849, %and3A_854 : vector<16xi32>
      tpu.vector_store_idx %arg21[%shift_right_logical3A_852, %and3A_855], %broadcast_in_dim3A_5 {add = true} : memref<80x128xf32, #tpu.memory_space<vmem>>[vector<16xi32>, vector<16xi32>], vector<16xf32>,
      %get3A_856 = arith.constant 192 : index
      %get3A_857 = tpu.vector_load %arg11[%get3A_856] {strides = array<i32>} : memref<1024xi32, #tpu.memory_space<vmem>>, vector<16xi32>,
      %shift_right_logical3A_858 = arith.constant 7 : i32
      %shift_right_logical3A_859 = vector.broadcast %shift_right_logical3A_858 : i32 to vector<16xi32>
      %shift_right_logical3A_860 = arith.shrui %get3A_857, %shift_right_logical3A_859 : vector<16xi32>
      %and3A_861 = arith.constant 127 : i32
      %and3A_862 = vector.broadcast %and3A_861 : i32 to vector<16xi32>
      %and3A_863 = arith.andi %get3A_857, %and3A_862 : vector<16xi32>
      tpu.vector_store_idx %arg21[%shift_right_logical3A_860, %and3A_863], %broadcast_in_dim3A_5 {add = true} : memref<80x128xf32, #tpu.memory_space<vmem>>[vector<16xi32>, vector<16xi32>], vector<16xf32>,
      %get3A_864 = arith.constant 208 : index
      %get3A_865 = tpu.vector_load %arg11[%get3A_864] {strides = array<i32>} : memref<1024xi32, #tpu.memory_space<vmem>>, vector<16xi32>,
      %shift_right_logical3A_866 = arith.constant 7 : i32
      %shift_right_logical3A_867 = vector.broadcast %shift_right_logical3A_866 : i32 to vector<16xi32>
      %shift_right_logical3A_868 = arith.shrui %get3A_865, %shift_right_logical3A_867 : vector<16xi32>
      %and3A_869 = arith.constant 127 : i32
      %and3A_870 = vector.broadcast %and3A_869 : i32 to vector<16xi32>
      %and3A_871 = arith.andi %get3A_865, %and3A_870 : vector<16xi32>
      tpu.vector_store_idx %arg21[%shift_right_logical3A_868, %and3A_871], %broadcast_in_dim3A_5 {add = true} : memref<80x128xf32, #tpu.memory_space<vmem>>[vector<16xi32>, vector<16xi32>], vector<16xf32>,
      %get3A_872 = arith.constant 224 : index
      %get3A_873 = tpu.vector_load %arg11[%get3A_872] {strides = array<i32>} : memref<1024xi32, #tpu.memory_space<vmem>>, vector<16xi32>,
      %shift_right_logical3A_874 = arith.constant 7 : i32
      %shift_right_logical3A_875 = vector.broadcast %shift_right_logical3A_874 : i32 to vector<16xi32>
      %shift_right_logical3A_876 = arith.shrui %get3A_873, %shift_right_logical3A_875 : vector<16xi32>
      %and3A_877 = arith.constant 127 : i32
      %and3A_878 = vector.broadcast %and3A_877 : i32 to vector<16xi32>
      %and3A_879 = arith.andi %get3A_873, %and3A_878 : vector<16xi32>
      tpu.vector_store_idx %arg21[%shift_right_logical3A_876, %and3A_879], %broadcast_in_dim3A_5 {add = true} : memref<80x128xf32, #tpu.memory_space<vmem>>[vector<16xi32>, vector<16xi32>], vector<16xf32>,
      %get3A_880 = arith.constant 240 : index
      %get3A_881 = tpu.vector_load %arg11[%get3A_880] {strides = array<i32>} : memref<1024xi32, #tpu.memory_space<vmem>>, vector<16xi32>,
      %shift_right_logical3A_882 = arith.constant 7 : i32
      %shift_right_logical3A_883 = vector.broadcast %shift_right_logical3A_882 : i32 to vector<16xi32>
      %shift_right_logical3A_884 = arith.shrui %get3A_881, %shift_right_logical3A_883 : vector<16xi32>
      %and3A_885 = arith.constant 127 : i32
      %and3A_886 = vector.broadcast %and3A_885 : i32 to vector<16xi32>
      %and3A_887 = arith.andi %get3A_881, %and3A_886 : vector<16xi32>
      tpu.vector_store_idx %arg21[%shift_right_logical3A_884, %and3A_887], %broadcast_in_dim3A_5 {add = true} : memref<80x128xf32, #tpu.memory_space<vmem>>[vector<16xi32>, vector<16xi32>], vector<16xf32>,
      %get3A_888 = arith.constant 256 : index
      %get3A_889 = tpu.vector_load %arg11[%get3A_888] {strides = array<i32>} : memref<1024xi32, #tpu.memory_space<vmem>>, vector<16xi32>,
      %shift_right_logical3A_890 = arith.constant 7 : i32
      %shift_right_logical3A_891 = vector.broadcast %shift_right_logical3A_890 : i32 to vector<16xi32>
      %shift_right_logical3A_892 = arith.shrui %get3A_889, %shift_right_logical3A_891 : vector<16xi32>
      %and3A_893 = arith.constant 127 : i32
      %and3A_894 = vector.broadcast %and3A_893 : i32 to vector<16xi32>
      %and3A_895 = arith.andi %get3A_889, %and3A_894 : vector<16xi32>
      tpu.vector_store_idx %arg21[%shift_right_logical3A_892, %and3A_895], %broadcast_in_dim3A_5 {add = true} : memref<80x128xf32, #tpu.memory_space<vmem>>[vector<16xi32>, vector<16xi32>], vector<16xf32>,
      %get3A_896 = arith.constant 272 : index
      %get3A_897 = tpu.vector_load %arg11[%get3A_896] {strides = array<i32>} : memref<1024xi32, #tpu.memory_space<vmem>>, vector<16xi32>,
      %shift_right_logical3A_898 = arith.constant 7 : i32
      %shift_right_logical3A_899 = vector.broadcast %shift_right_logical3A_898 : i32 to vector<16xi32>
      %shift_right_logical3A_900 = arith.shrui %get3A_897, %shift_right_logical3A_899 : vector<16xi32>
      %and3A_901 = arith.constant 127 : i32
      %and3A_902 = vector.broadcast %and3A_901 : i32 to vector<16xi32>
      %and3A_903 = arith.andi %get3A_897, %and3A_902 : vector<16xi32>
      tpu.vector_store_idx %arg21[%shift_right_logical3A_900, %and3A_903], %broadcast_in_dim3A_5 {add = true} : memref<80x128xf32, #tpu.memory_space<vmem>>[vector<16xi32>, vector<16xi32>], vector<16xf32>,
      %get3A_904 = arith.constant 288 : index
      %get3A_905 = tpu.vector_load %arg11[%get3A_904] {strides = array<i32>} : memref<1024xi32, #tpu.memory_space<vmem>>, vector<16xi32>,
      %shift_right_logical3A_906 = arith.constant 7 : i32
      %shift_right_logical3A_907 = vector.broadcast %shift_right_logical3A_906 : i32 to vector<16xi32>
      %shift_right_logical3A_908 = arith.shrui %get3A_905, %shift_right_logical3A_907 : vector<16xi32>
      %and3A_909 = arith.constant 127 : i32
      %and3A_910 = vector.broadcast %and3A_909 : i32 to vector<16xi32>
      %and3A_911 = arith.andi %get3A_905, %and3A_910 : vector<16xi32>
      tpu.vector_store_idx %arg21[%shift_right_logical3A_908, %and3A_911], %broadcast_in_dim3A_5 {add = true} : memref<80x128xf32, #tpu.memory_space<vmem>>[vector<16xi32>, vector<16xi32>], vector<16xf32>,
      %get3A_912 = arith.constant 304 : index
      %get3A_913 = tpu.vector_load %arg11[%get3A_912] {strides = array<i32>} : memref<1024xi32, #tpu.memory_space<vmem>>, vector<16xi32>,
      %shift_right_logical3A_914 = arith.constant 7 : i32
      %shift_right_logical3A_915 = vector.broadcast %shift_right_logical3A_914 : i32 to vector<16xi32>
      %shift_right_logical3A_916 = arith.shrui %get3A_913, %shift_right_logical3A_915 : vector<16xi32>
      %and3A_917 = arith.constant 127 : i32
      %and3A_918 = vector.broadcast %and3A_917 : i32 to vector<16xi32>
      %and3A_919 = arith.andi %get3A_913, %and3A_918 : vector<16xi32>
      tpu.vector_store_idx %arg21[%shift_right_logical3A_916, %and3A_919], %broadcast_in_dim3A_5 {add = true} : memref<80x128xf32, #tpu.memory_space<vmem>>[vector<16xi32>, vector<16xi32>], vector<16xf32>,
      %get3A_920 = arith.constant 320 : index
      %get3A_921 = tpu.vector_load %arg11[%get3A_920] {strides = array<i32>} : memref<1024xi32, #tpu.memory_space<vmem>>, vector<16xi32>,
      %shift_right_logical3A_922 = arith.constant 7 : i32
      %shift_right_logical3A_923 = vector.broadcast %shift_right_logical3A_922 : i32 to vector<16xi32>
      %shift_right_logical3A_924 = arith.shrui %get3A_921, %shift_right_logical3A_923 : vector<16xi32>
      %and3A_925 = arith.constant 127 : i32
      %and3A_926 = vector.broadcast %and3A_925 : i32 to vector<16xi32>
      %and3A_927 = arith.andi %get3A_921, %and3A_926 : vector<16xi32>
      tpu.vector_store_idx %arg21[%shift_right_logical3A_924, %and3A_927], %broadcast_in_dim3A_5 {add = true} : memref<80x128xf32, #tpu.memory_space<vmem>>[vector<16xi32>, vector<16xi32>], vector<16xf32>,
      %get3A_928 = arith.constant 336 : index
      %get3A_929 = tpu.vector_load %arg11[%get3A_928] {strides = array<i32>} : memref<1024xi32, #tpu.memory_space<vmem>>, vector<16xi32>,
      %shift_right_logical3A_930 = arith.constant 7 : i32
      %shift_right_logical3A_931 = vector.broadcast %shift_right_logical3A_930 : i32 to vector<16xi32>
      %shift_right_logical3A_932 = arith.shrui %get3A_929, %shift_right_logical3A_931 : vector<16xi32>
      %and3A_933 = arith.constant 127 : i32
      %and3A_934 = vector.broadcast %and3A_933 : i32 to vector<16xi32>
      %and3A_935 = arith.andi %get3A_929, %and3A_934 : vector<16xi32>
      tpu.vector_store_idx %arg21[%shift_right_logical3A_932, %and3A_935], %broadcast_in_dim3A_5 {add = true} : memref<80x128xf32, #tpu.memory_space<vmem>>[vector<16xi32>, vector<16xi32>], vector<16xf32>,
      %get3A_936 = arith.constant 352 : index
      %get3A_937 = tpu.vector_load %arg11[%get3A_936] {strides = array<i32>} : memref<1024xi32, #tpu.memory_space<vmem>>, vector<16xi32>,
      %shift_right_logical3A_938 = arith.constant 7 : i32
      %shift_right_logical3A_939 = vector.broadcast %shift_right_logical3A_938 : i32 to vector<16xi32>
      %shift_right_logical3A_940 = arith.shrui %get3A_937, %shift_right_logical3A_939 : vector<16xi32>
      %and3A_941 = arith.constant 127 : i32
      %and3A_942 = vector.broadcast %and3A_941 : i32 to vector<16xi32>
      %and3A_943 = arith.andi %get3A_937, %and3A_942 : vector<16xi32>
      tpu.vector_store_idx %arg21[%shift_right_logical3A_940, %and3A_943], %broadcast_in_dim3A_5 {add = true} : memref<80x128xf32, #tpu.memory_space<vmem>>[vector<16xi32>, vector<16xi32>], vector<16xf32>,
      %get3A_944 = arith.constant 368 : index
      %get3A_945 = tpu.vector_load %arg11[%get3A_944] {strides = array<i32>} : memref<1024xi32, #tpu.memory_space<vmem>>, vector<16xi32>,
      %shift_right_logical3A_946 = arith.constant 7 : i32
      %shift_right_logical3A_947 = vector.broadcast %shift_right_logical3A_946 : i32 to vector<16xi32>
      %shift_right_logical3A_948 = arith.shrui %get3A_945, %shift_right_logical3A_947 : vector<16xi32>
      %and3A_949 = arith.constant 127 : i32
      %and3A_950 = vector.broadcast %and3A_949 : i32 to vector<16xi32>
      %and3A_951 = arith.andi %get3A_945, %and3A_950 : vector<16xi32>
      tpu.vector_store_idx %arg21[%shift_right_logical3A_948, %and3A_951], %broadcast_in_dim3A_5 {add = true} : memref<80x128xf32, #tpu.memory_space<vmem>>[vector<16xi32>, vector<16xi32>], vector<16xf32>,
      %get3A_952 = arith.constant 384 : index
      %get3A_953 = tpu.vector_load %arg11[%get3A_952] {strides = array<i32>} : memref<1024xi32, #tpu.memory_space<vmem>>, vector<16xi32>,
      %shift_right_logical3A_954 = arith.constant 7 : i32
      %shift_right_logical3A_955 = vector.broadcast %shift_right_logical3A_954 : i32 to vector<16xi32>
      %shift_right_logical3A_956 = arith.shrui %get3A_953, %shift_right_logical3A_955 : vector<16xi32>
      %and3A_957 = arith.constant 127 : i32
      %and3A_958 = vector.broadcast %and3A_957 : i32 to vector<16xi32>
      %and3A_959 = arith.andi %get3A_953, %and3A_958 : vector<16xi32>
      tpu.vector_store_idx %arg21[%shift_right_logical3A_956, %and3A_959], %broadcast_in_dim3A_5 {add = true} : memref<80x128xf32, #tpu.memory_space<vmem>>[vector<16xi32>, vector<16xi32>], vector<16xf32>,
      %get3A_960 = arith.constant 400 : index
      %get3A_961 = tpu.vector_load %arg11[%get3A_960] {strides = array<i32>} : memref<1024xi32, #tpu.memory_space<vmem>>, vector<16xi32>,
      %shift_right_logical3A_962 = arith.constant 7 : i32
      %shift_right_logical3A_963 = vector.broadcast %shift_right_logical3A_962 : i32 to vector<16xi32>
      %shift_right_logical3A_964 = arith.shrui %get3A_961, %shift_right_logical3A_963 : vector<16xi32>
      %and3A_965 = arith.constant 127 : i32
      %and3A_966 = vector.broadcast %and3A_965 : i32 to vector<16xi32>
      %and3A_967 = arith.andi %get3A_961, %and3A_966 : vector<16xi32>
      tpu.vector_store_idx %arg21[%shift_right_logical3A_964, %and3A_967], %broadcast_in_dim3A_5 {add = true} : memref<80x128xf32, #tpu.memory_space<vmem>>[vector<16xi32>, vector<16xi32>], vector<16xf32>,
      %get3A_968 = arith.constant 416 : index
      %get3A_969 = tpu.vector_load %arg11[%get3A_968] {strides = array<i32>} : memref<1024xi32, #tpu.memory_space<vmem>>, vector<16xi32>,
      %shift_right_logical3A_970 = arith.constant 7 : i32
      %shift_right_logical3A_971 = vector.broadcast %shift_right_logical3A_970 : i32 to vector<16xi32>
      %shift_right_logical3A_972 = arith.shrui %get3A_969, %shift_right_logical3A_971 : vector<16xi32>
      %and3A_973 = arith.constant 127 : i32
      %and3A_974 = vector.broadcast %and3A_973 : i32 to vector<16xi32>
      %and3A_975 = arith.andi %get3A_969, %and3A_974 : vector<16xi32>
      tpu.vector_store_idx %arg21[%shift_right_logical3A_972, %and3A_975], %broadcast_in_dim3A_5 {add = true} : memref<80x128xf32, #tpu.memory_space<vmem>>[vector<16xi32>, vector<16xi32>], vector<16xf32>,
      %get3A_976 = arith.constant 432 : index
      %get3A_977 = tpu.vector_load %arg11[%get3A_976] {strides = array<i32>} : memref<1024xi32, #tpu.memory_space<vmem>>, vector<16xi32>,
      %shift_right_logical3A_978 = arith.constant 7 : i32
      %shift_right_logical3A_979 = vector.broadcast %shift_right_logical3A_978 : i32 to vector<16xi32>
      %shift_right_logical3A_980 = arith.shrui %get3A_977, %shift_right_logical3A_979 : vector<16xi32>
      %and3A_981 = arith.constant 127 : i32
      %and3A_982 = vector.broadcast %and3A_981 : i32 to vector<16xi32>
      %and3A_983 = arith.andi %get3A_977, %and3A_982 : vector<16xi32>
      tpu.vector_store_idx %arg21[%shift_right_logical3A_980, %and3A_983], %broadcast_in_dim3A_5 {add = true} : memref<80x128xf32, #tpu.memory_space<vmem>>[vector<16xi32>, vector<16xi32>], vector<16xf32>,
      %get3A_984 = arith.constant 448 : index
      %get3A_985 = tpu.vector_load %arg11[%get3A_984] {strides = array<i32>} : memref<1024xi32, #tpu.memory_space<vmem>>, vector<16xi32>,
      %shift_right_logical3A_986 = arith.constant 7 : i32
      %shift_right_logical3A_987 = vector.broadcast %shift_right_logical3A_986 : i32 to vector<16xi32>
      %shift_right_logical3A_988 = arith.shrui %get3A_985, %shift_right_logical3A_987 : vector<16xi32>
      %and3A_989 = arith.constant 127 : i32
      %and3A_990 = vector.broadcast %and3A_989 : i32 to vector<16xi32>
      %and3A_991 = arith.andi %get3A_985, %and3A_990 : vector<16xi32>
      tpu.vector_store_idx %arg21[%shift_right_logical3A_988, %and3A_991], %broadcast_in_dim3A_5 {add = true} : memref<80x128xf32, #tpu.memory_space<vmem>>[vector<16xi32>, vector<16xi32>], vector<16xf32>,
      %get3A_992 = arith.constant 464 : index
      %get3A_993 = tpu.vector_load %arg11[%get3A_992] {strides = array<i32>} : memref<1024xi32, #tpu.memory_space<vmem>>, vector<16xi32>,
      %shift_right_logical3A_994 = arith.constant 7 : i32
      %shift_right_logical3A_995 = vector.broadcast %shift_right_logical3A_994 : i32 to vector<16xi32>
      %shift_right_logical3A_996 = arith.shrui %get3A_993, %shift_right_logical3A_995 : vector<16xi32>
      %and3A_997 = arith.constant 127 : i32
      %and3A_998 = vector.broadcast %and3A_997 : i32 to vector<16xi32>
      %and3A_999 = arith.andi %get3A_993, %and3A_998 : vector<16xi32>
      tpu.vector_store_idx %arg21[%shift_right_logical3A_996, %and3A_999], %broadcast_in_dim3A_5 {add = true} : memref<80x128xf32, #tpu.memory_space<vmem>>[vector<16xi32>, vector<16xi32>], vector<16xf32>,
      %get3A_1000 = arith.constant 480 : index
      %get3A_1001 = tpu.vector_load %arg11[%get3A_1000] {strides = array<i32>} : memref<1024xi32, #tpu.memory_space<vmem>>, vector<16xi32>,
      %shift_right_logical3A_1002 = arith.constant 7 : i32
      %shift_right_logical3A_1003 = vector.broadcast %shift_right_logical3A_1002 : i32 to vector<16xi32>
      %shift_right_logical3A_1004 = arith.shrui %get3A_1001, %shift_right_logical3A_1003 : vector<16xi32>
      %and3A_1005 = arith.constant 127 : i32
      %and3A_1006 = vector.broadcast %and3A_1005 : i32 to vector<16xi32>
      %and3A_1007 = arith.andi %get3A_1001, %and3A_1006 : vector<16xi32>
      tpu.vector_store_idx %arg21[%shift_right_logical3A_1004, %and3A_1007], %broadcast_in_dim3A_5 {add = true} : memref<80x128xf32, #tpu.memory_space<vmem>>[vector<16xi32>, vector<16xi32>], vector<16xf32>,
      %get3A_1008 = arith.constant 496 : index
      %get3A_1009 = tpu.vector_load %arg11[%get3A_1008] {strides = array<i32>} : memref<1024xi32, #tpu.memory_space<vmem>>, vector<16xi32>,
      %shift_right_logical3A_1010 = arith.constant 7 : i32
      %shift_right_logical3A_1011 = vector.broadcast %shift_right_logical3A_1010 : i32 to vector<16xi32>
      %shift_right_logical3A_1012 = arith.shrui %get3A_1009, %shift_right_logical3A_1011 : vector<16xi32>
      %and3A_1013 = arith.constant 127 : i32
      %and3A_1014 = vector.broadcast %and3A_1013 : i32 to vector<16xi32>
      %and3A_1015 = arith.andi %get3A_1009, %and3A_1014 : vector<16xi32>
      tpu.vector_store_idx %arg21[%shift_right_logical3A_1012, %and3A_1015], %broadcast_in_dim3A_5 {add = true} : memref<80x128xf32, #tpu.memory_space<vmem>>[vector<16xi32>, vector<16xi32>], vector<16xf32>,
      %get3A_1016 = arith.constant 512 : index
      %get3A_1017 = tpu.vector_load %arg11[%get3A_1016] {strides = array<i32>} : memref<1024xi32, #tpu.memory_space<vmem>>, vector<16xi32>,
      %shift_right_logical3A_1018 = arith.constant 7 : i32
      %shift_right_logical3A_1019 = vector.broadcast %shift_right_logical3A_1018 : i32 to vector<16xi32>
      %shift_right_logical3A_1020 = arith.shrui %get3A_1017, %shift_right_logical3A_1019 : vector<16xi32>
      %and3A_1021 = arith.constant 127 : i32
      %and3A_1022 = vector.broadcast %and3A_1021 : i32 to vector<16xi32>
      %and3A_1023 = arith.andi %get3A_1017, %and3A_1022 : vector<16xi32>
      tpu.vector_store_idx %arg21[%shift_right_logical3A_1020, %and3A_1023], %broadcast_in_dim3A_5 {add = true} : memref<80x128xf32, #tpu.memory_space<vmem>>[vector<16xi32>, vector<16xi32>], vector<16xf32>,
      %get3A_1024 = arith.constant 528 : index
      %get3A_1025 = tpu.vector_load %arg11[%get3A_1024] {strides = array<i32>} : memref<1024xi32, #tpu.memory_space<vmem>>, vector<16xi32>,
      %shift_right_logical3A_1026 = arith.constant 7 : i32
      %shift_right_logical3A_1027 = vector.broadcast %shift_right_logical3A_1026 : i32 to vector<16xi32>
      %shift_right_logical3A_1028 = arith.shrui %get3A_1025, %shift_right_logical3A_1027 : vector<16xi32>
      %and3A_1029 = arith.constant 127 : i32
      %and3A_1030 = vector.broadcast %and3A_1029 : i32 to vector<16xi32>
      %and3A_1031 = arith.andi %get3A_1025, %and3A_1030 : vector<16xi32>
      tpu.vector_store_idx %arg21[%shift_right_logical3A_1028, %and3A_1031], %broadcast_in_dim3A_5 {add = true} : memref<80x128xf32, #tpu.memory_space<vmem>>[vector<16xi32>, vector<16xi32>], vector<16xf32>,
      %get3A_1032 = arith.constant 544 : index
      %get3A_1033 = tpu.vector_load %arg11[%get3A_1032] {strides = array<i32>} : memref<1024xi32, #tpu.memory_space<vmem>>, vector<16xi32>,
      %shift_right_logical3A_1034 = arith.constant 7 : i32
      %shift_right_logical3A_1035 = vector.broadcast %shift_right_logical3A_1034 : i32 to vector<16xi32>
      %shift_right_logical3A_1036 = arith.shrui %get3A_1033, %shift_right_logical3A_1035 : vector<16xi32>
      %and3A_1037 = arith.constant 127 : i32
      %and3A_1038 = vector.broadcast %and3A_1037 : i32 to vector<16xi32>
      %and3A_1039 = arith.andi %get3A_1033, %and3A_1038 : vector<16xi32>
      tpu.vector_store_idx %arg21[%shift_right_logical3A_1036, %and3A_1039], %broadcast_in_dim3A_5 {add = true} : memref<80x128xf32, #tpu.memory_space<vmem>>[vector<16xi32>, vector<16xi32>], vector<16xf32>,
      %get3A_1040 = arith.constant 560 : index
      %get3A_1041 = tpu.vector_load %arg11[%get3A_1040] {strides = array<i32>} : memref<1024xi32, #tpu.memory_space<vmem>>, vector<16xi32>,
      %shift_right_logical3A_1042 = arith.constant 7 : i32
      %shift_right_logical3A_1043 = vector.broadcast %shift_right_logical3A_1042 : i32 to vector<16xi32>
      %shift_right_logical3A_1044 = arith.shrui %get3A_1041, %shift_right_logical3A_1043 : vector<16xi32>
      %and3A_1045 = arith.constant 127 : i32
      %and3A_1046 = vector.broadcast %and3A_1045 : i32 to vector<16xi32>
      %and3A_1047 = arith.andi %get3A_1041, %and3A_1046 : vector<16xi32>
      tpu.vector_store_idx %arg21[%shift_right_logical3A_1044, %and3A_1047], %broadcast_in_dim3A_5 {add = true} : memref<80x128xf32, #tpu.memory_space<vmem>>[vector<16xi32>, vector<16xi32>], vector<16xf32>,
      %get3A_1048 = arith.constant 576 : index
      %get3A_1049 = tpu.vector_load %arg11[%get3A_1048] {strides = array<i32>} : memref<1024xi32, #tpu.memory_space<vmem>>, vector<16xi32>,
      %shift_right_logical3A_1050 = arith.constant 7 : i32
      %shift_right_logical3A_1051 = vector.broadcast %shift_right_logical3A_1050 : i32 to vector<16xi32>
      %shift_right_logical3A_1052 = arith.shrui %get3A_1049, %shift_right_logical3A_1051 : vector<16xi32>
      %and3A_1053 = arith.constant 127 : i32
      %and3A_1054 = vector.broadcast %and3A_1053 : i32 to vector<16xi32>
      %and3A_1055 = arith.andi %get3A_1049, %and3A_1054 : vector<16xi32>
      tpu.vector_store_idx %arg21[%shift_right_logical3A_1052, %and3A_1055], %broadcast_in_dim3A_5 {add = true} : memref<80x128xf32, #tpu.memory_space<vmem>>[vector<16xi32>, vector<16xi32>], vector<16xf32>,
      %get3A_1056 = arith.constant 592 : index
      %get3A_1057 = tpu.vector_load %arg11[%get3A_1056] {strides = array<i32>} : memref<1024xi32, #tpu.memory_space<vmem>>, vector<16xi32>,
      %shift_right_logical3A_1058 = arith.constant 7 : i32
      %shift_right_logical3A_1059 = vector.broadcast %shift_right_logical3A_1058 : i32 to vector<16xi32>
      %shift_right_logical3A_1060 = arith.shrui %get3A_1057, %shift_right_logical3A_1059 : vector<16xi32>
      %and3A_1061 = arith.constant 127 : i32
      %and3A_1062 = vector.broadcast %and3A_1061 : i32 to vector<16xi32>
      %and3A_1063 = arith.andi %get3A_1057, %and3A_1062 : vector<16xi32>
      tpu.vector_store_idx %arg21[%shift_right_logical3A_1060, %and3A_1063], %broadcast_in_dim3A_5 {add = true} : memref<80x128xf32, #tpu.memory_space<vmem>>[vector<16xi32>, vector<16xi32>], vector<16xf32>,
      %get3A_1064 = arith.constant 608 : index
      %get3A_1065 = tpu.vector_load %arg11[%get3A_1064] {strides = array<i32>} : memref<1024xi32, #tpu.memory_space<vmem>>, vector<16xi32>,
      %shift_right_logical3A_1066 = arith.constant 7 : i32
      %shift_right_logical3A_1067 = vector.broadcast %shift_right_logical3A_1066 : i32 to vector<16xi32>
      %shift_right_logical3A_1068 = arith.shrui %get3A_1065, %shift_right_logical3A_1067 : vector<16xi32>
      %and3A_1069 = arith.constant 127 : i32
      %and3A_1070 = vector.broadcast %and3A_1069 : i32 to vector<16xi32>
      %and3A_1071 = arith.andi %get3A_1065, %and3A_1070 : vector<16xi32>
      tpu.vector_store_idx %arg21[%shift_right_logical3A_1068, %and3A_1071], %broadcast_in_dim3A_5 {add = true} : memref<80x128xf32, #tpu.memory_space<vmem>>[vector<16xi32>, vector<16xi32>], vector<16xf32>,
      %get3A_1072 = arith.constant 624 : index
      %get3A_1073 = tpu.vector_load %arg11[%get3A_1072] {strides = array<i32>} : memref<1024xi32, #tpu.memory_space<vmem>>, vector<16xi32>,
      %shift_right_logical3A_1074 = arith.constant 7 : i32
      %shift_right_logical3A_1075 = vector.broadcast %shift_right_logical3A_1074 : i32 to vector<16xi32>
      %shift_right_logical3A_1076 = arith.shrui %get3A_1073, %shift_right_logical3A_1075 : vector<16xi32>
      %and3A_1077 = arith.constant 127 : i32
      %and3A_1078 = vector.broadcast %and3A_1077 : i32 to vector<16xi32>
      %and3A_1079 = arith.andi %get3A_1073, %and3A_1078 : vector<16xi32>
      tpu.vector_store_idx %arg21[%shift_right_logical3A_1076, %and3A_1079], %broadcast_in_dim3A_5 {add = true} : memref<80x128xf32, #tpu.memory_space<vmem>>[vector<16xi32>, vector<16xi32>], vector<16xf32>,
      %get3A_1080 = arith.constant 640 : index
      %get3A_1081 = tpu.vector_load %arg11[%get3A_1080] {strides = array<i32>} : memref<1024xi32, #tpu.memory_space<vmem>>, vector<16xi32>,
      %shift_right_logical3A_1082 = arith.constant 7 : i32
      %shift_right_logical3A_1083 = vector.broadcast %shift_right_logical3A_1082 : i32 to vector<16xi32>
      %shift_right_logical3A_1084 = arith.shrui %get3A_1081, %shift_right_logical3A_1083 : vector<16xi32>
      %and3A_1085 = arith.constant 127 : i32
      %and3A_1086 = vector.broadcast %and3A_1085 : i32 to vector<16xi32>
      %and3A_1087 = arith.andi %get3A_1081, %and3A_1086 : vector<16xi32>
      tpu.vector_store_idx %arg21[%shift_right_logical3A_1084, %and3A_1087], %broadcast_in_dim3A_5 {add = true} : memref<80x128xf32, #tpu.memory_space<vmem>>[vector<16xi32>, vector<16xi32>], vector<16xf32>,
      %get3A_1088 = arith.constant 656 : index
      %get3A_1089 = tpu.vector_load %arg11[%get3A_1088] {strides = array<i32>} : memref<1024xi32, #tpu.memory_space<vmem>>, vector<16xi32>,
      %shift_right_logical3A_1090 = arith.constant 7 : i32
      %shift_right_logical3A_1091 = vector.broadcast %shift_right_logical3A_1090 : i32 to vector<16xi32>
      %shift_right_logical3A_1092 = arith.shrui %get3A_1089, %shift_right_logical3A_1091 : vector<16xi32>
      %and3A_1093 = arith.constant 127 : i32
      %and3A_1094 = vector.broadcast %and3A_1093 : i32 to vector<16xi32>
      %and3A_1095 = arith.andi %get3A_1089, %and3A_1094 : vector<16xi32>
      tpu.vector_store_idx %arg21[%shift_right_logical3A_1092, %and3A_1095], %broadcast_in_dim3A_5 {add = true} : memref<80x128xf32, #tpu.memory_space<vmem>>[vector<16xi32>, vector<16xi32>], vector<16xf32>,
      %get3A_1096 = arith.constant 672 : index
      %get3A_1097 = tpu.vector_load %arg11[%get3A_1096] {strides = array<i32>} : memref<1024xi32, #tpu.memory_space<vmem>>, vector<16xi32>,
      %shift_right_logical3A_1098 = arith.constant 7 : i32
      %shift_right_logical3A_1099 = vector.broadcast %shift_right_logical3A_1098 : i32 to vector<16xi32>
      %shift_right_logical3A_1100 = arith.shrui %get3A_1097, %shift_right_logical3A_1099 : vector<16xi32>
      %and3A_1101 = arith.constant 127 : i32
      %and3A_1102 = vector.broadcast %and3A_1101 : i32 to vector<16xi32>
      %and3A_1103 = arith.andi %get3A_1097, %and3A_1102 : vector<16xi32>
      tpu.vector_store_idx %arg21[%shift_right_logical3A_1100, %and3A_1103], %broadcast_in_dim3A_5 {add = true} : memref<80x128xf32, #tpu.memory_space<vmem>>[vector<16xi32>, vector<16xi32>], vector<16xf32>,
      %get3A_1104 = arith.constant 688 : index
      %get3A_1105 = tpu.vector_load %arg11[%get3A_1104] {strides = array<i32>} : memref<1024xi32, #tpu.memory_space<vmem>>, vector<16xi32>,
      %shift_right_logical3A_1106 = arith.constant 7 : i32
      %shift_right_logical3A_1107 = vector.broadcast %shift_right_logical3A_1106 : i32 to vector<16xi32>
      %shift_right_logical3A_1108 = arith.shrui %get3A_1105, %shift_right_logical3A_1107 : vector<16xi32>
      %and3A_1109 = arith.constant 127 : i32
      %and3A_1110 = vector.broadcast %and3A_1109 : i32 to vector<16xi32>
      %and3A_1111 = arith.andi %get3A_1105, %and3A_1110 : vector<16xi32>
      tpu.vector_store_idx %arg21[%shift_right_logical3A_1108, %and3A_1111], %broadcast_in_dim3A_5 {add = true} : memref<80x128xf32, #tpu.memory_space<vmem>>[vector<16xi32>, vector<16xi32>], vector<16xf32>,
      %get3A_1112 = arith.constant 704 : index
      %get3A_1113 = tpu.vector_load %arg11[%get3A_1112] {strides = array<i32>} : memref<1024xi32, #tpu.memory_space<vmem>>, vector<16xi32>,
      %shift_right_logical3A_1114 = arith.constant 7 : i32
      %shift_right_logical3A_1115 = vector.broadcast %shift_right_logical3A_1114 : i32 to vector<16xi32>
      %shift_right_logical3A_1116 = arith.shrui %get3A_1113, %shift_right_logical3A_1115 : vector<16xi32>
      %and3A_1117 = arith.constant 127 : i32
      %and3A_1118 = vector.broadcast %and3A_1117 : i32 to vector<16xi32>
      %and3A_1119 = arith.andi %get3A_1113, %and3A_1118 : vector<16xi32>
      tpu.vector_store_idx %arg21[%shift_right_logical3A_1116, %and3A_1119], %broadcast_in_dim3A_5 {add = true} : memref<80x128xf32, #tpu.memory_space<vmem>>[vector<16xi32>, vector<16xi32>], vector<16xf32>,
      %get3A_1120 = arith.constant 720 : index
      %get3A_1121 = tpu.vector_load %arg11[%get3A_1120] {strides = array<i32>} : memref<1024xi32, #tpu.memory_space<vmem>>, vector<16xi32>,
      %shift_right_logical3A_1122 = arith.constant 7 : i32
      %shift_right_logical3A_1123 = vector.broadcast %shift_right_logical3A_1122 : i32 to vector<16xi32>
      %shift_right_logical3A_1124 = arith.shrui %get3A_1121, %shift_right_logical3A_1123 : vector<16xi32>
      %and3A_1125 = arith.constant 127 : i32
      %and3A_1126 = vector.broadcast %and3A_1125 : i32 to vector<16xi32>
      %and3A_1127 = arith.andi %get3A_1121, %and3A_1126 : vector<16xi32>
      tpu.vector_store_idx %arg21[%shift_right_logical3A_1124, %and3A_1127], %broadcast_in_dim3A_5 {add = true} : memref<80x128xf32, #tpu.memory_space<vmem>>[vector<16xi32>, vector<16xi32>], vector<16xf32>,
      %get3A_1128 = arith.constant 736 : index
      %get3A_1129 = tpu.vector_load %arg11[%get3A_1128] {strides = array<i32>} : memref<1024xi32, #tpu.memory_space<vmem>>, vector<16xi32>,
      %shift_right_logical3A_1130 = arith.constant 7 : i32
      %shift_right_logical3A_1131 = vector.broadcast %shift_right_logical3A_1130 : i32 to vector<16xi32>
      %shift_right_logical3A_1132 = arith.shrui %get3A_1129, %shift_right_logical3A_1131 : vector<16xi32>
      %and3A_1133 = arith.constant 127 : i32
      %and3A_1134 = vector.broadcast %and3A_1133 : i32 to vector<16xi32>
      %and3A_1135 = arith.andi %get3A_1129, %and3A_1134 : vector<16xi32>
      tpu.vector_store_idx %arg21[%shift_right_logical3A_1132, %and3A_1135], %broadcast_in_dim3A_5 {add = true} : memref<80x128xf32, #tpu.memory_space<vmem>>[vector<16xi32>, vector<16xi32>], vector<16xf32>,
      %get3A_1136 = arith.constant 752 : index
      %get3A_1137 = tpu.vector_load %arg11[%get3A_1136] {strides = array<i32>} : memref<1024xi32, #tpu.memory_space<vmem>>, vector<16xi32>,
      %shift_right_logical3A_1138 = arith.constant 7 : i32
      %shift_right_logical3A_1139 = vector.broadcast %shift_right_logical3A_1138 : i32 to vector<16xi32>
      %shift_right_logical3A_1140 = arith.shrui %get3A_1137, %shift_right_logical3A_1139 : vector<16xi32>
      %and3A_1141 = arith.constant 127 : i32
      %and3A_1142 = vector.broadcast %and3A_1141 : i32 to vector<16xi32>
      %and3A_1143 = arith.andi %get3A_1137, %and3A_1142 : vector<16xi32>
      tpu.vector_store_idx %arg21[%shift_right_logical3A_1140, %and3A_1143], %broadcast_in_dim3A_5 {add = true} : memref<80x128xf32, #tpu.memory_space<vmem>>[vector<16xi32>, vector<16xi32>], vector<16xf32>,
      %get3A_1144 = arith.constant 768 : index
      %get3A_1145 = tpu.vector_load %arg11[%get3A_1144] {strides = array<i32>} : memref<1024xi32, #tpu.memory_space<vmem>>, vector<16xi32>,
      %shift_right_logical3A_1146 = arith.constant 7 : i32
      %shift_right_logical3A_1147 = vector.broadcast %shift_right_logical3A_1146 : i32 to vector<16xi32>
      %shift_right_logical3A_1148 = arith.shrui %get3A_1145, %shift_right_logical3A_1147 : vector<16xi32>
      %and3A_1149 = arith.constant 127 : i32
      %and3A_1150 = vector.broadcast %and3A_1149 : i32 to vector<16xi32>
      %and3A_1151 = arith.andi %get3A_1145, %and3A_1150 : vector<16xi32>
      tpu.vector_store_idx %arg21[%shift_right_logical3A_1148, %and3A_1151], %broadcast_in_dim3A_5 {add = true} : memref<80x128xf32, #tpu.memory_space<vmem>>[vector<16xi32>, vector<16xi32>], vector<16xf32>,
      %get3A_1152 = arith.constant 784 : index
      %get3A_1153 = tpu.vector_load %arg11[%get3A_1152] {strides = array<i32>} : memref<1024xi32, #tpu.memory_space<vmem>>, vector<16xi32>,
      %shift_right_logical3A_1154 = arith.constant 7 : i32
      %shift_right_logical3A_1155 = vector.broadcast %shift_right_logical3A_1154 : i32 to vector<16xi32>
      %shift_right_logical3A_1156 = arith.shrui %get3A_1153, %shift_right_logical3A_1155 : vector<16xi32>
      %and3A_1157 = arith.constant 127 : i32
      %and3A_1158 = vector.broadcast %and3A_1157 : i32 to vector<16xi32>
      %and3A_1159 = arith.andi %get3A_1153, %and3A_1158 : vector<16xi32>
      tpu.vector_store_idx %arg21[%shift_right_logical3A_1156, %and3A_1159], %broadcast_in_dim3A_5 {add = true} : memref<80x128xf32, #tpu.memory_space<vmem>>[vector<16xi32>, vector<16xi32>], vector<16xf32>,
      %get3A_1160 = arith.constant 800 : index
      %get3A_1161 = tpu.vector_load %arg11[%get3A_1160] {strides = array<i32>} : memref<1024xi32, #tpu.memory_space<vmem>>, vector<16xi32>,
      %shift_right_logical3A_1162 = arith.constant 7 : i32
      %shift_right_logical3A_1163 = vector.broadcast %shift_right_logical3A_1162 : i32 to vector<16xi32>
      %shift_right_logical3A_1164 = arith.shrui %get3A_1161, %shift_right_logical3A_1163 : vector<16xi32>
      %and3A_1165 = arith.constant 127 : i32
      %and3A_1166 = vector.broadcast %and3A_1165 : i32 to vector<16xi32>
      %and3A_1167 = arith.andi %get3A_1161, %and3A_1166 : vector<16xi32>
      tpu.vector_store_idx %arg21[%shift_right_logical3A_1164, %and3A_1167], %broadcast_in_dim3A_5 {add = true} : memref<80x128xf32, #tpu.memory_space<vmem>>[vector<16xi32>, vector<16xi32>], vector<16xf32>,
      %get3A_1168 = arith.constant 816 : index
      %get3A_1169 = tpu.vector_load %arg11[%get3A_1168] {strides = array<i32>} : memref<1024xi32, #tpu.memory_space<vmem>>, vector<16xi32>,
      %shift_right_logical3A_1170 = arith.constant 7 : i32
      %shift_right_logical3A_1171 = vector.broadcast %shift_right_logical3A_1170 : i32 to vector<16xi32>
      %shift_right_logical3A_1172 = arith.shrui %get3A_1169, %shift_right_logical3A_1171 : vector<16xi32>
      %and3A_1173 = arith.constant 127 : i32
      %and3A_1174 = vector.broadcast %and3A_1173 : i32 to vector<16xi32>
      %and3A_1175 = arith.andi %get3A_1169, %and3A_1174 : vector<16xi32>
      tpu.vector_store_idx %arg21[%shift_right_logical3A_1172, %and3A_1175], %broadcast_in_dim3A_5 {add = true} : memref<80x128xf32, #tpu.memory_space<vmem>>[vector<16xi32>, vector<16xi32>], vector<16xf32>,
      %get3A_1176 = arith.constant 832 : index
      %get3A_1177 = tpu.vector_load %arg11[%get3A_1176] {strides = array<i32>} : memref<1024xi32, #tpu.memory_space<vmem>>, vector<16xi32>,
      %shift_right_logical3A_1178 = arith.constant 7 : i32
      %shift_right_logical3A_1179 = vector.broadcast %shift_right_logical3A_1178 : i32 to vector<16xi32>
      %shift_right_logical3A_1180 = arith.shrui %get3A_1177, %shift_right_logical3A_1179 : vector<16xi32>
      %and3A_1181 = arith.constant 127 : i32
      %and3A_1182 = vector.broadcast %and3A_1181 : i32 to vector<16xi32>
      %and3A_1183 = arith.andi %get3A_1177, %and3A_1182 : vector<16xi32>
      tpu.vector_store_idx %arg21[%shift_right_logical3A_1180, %and3A_1183], %broadcast_in_dim3A_5 {add = true} : memref<80x128xf32, #tpu.memory_space<vmem>>[vector<16xi32>, vector<16xi32>], vector<16xf32>,
      %get3A_1184 = arith.constant 848 : index
      %get3A_1185 = tpu.vector_load %arg11[%get3A_1184] {strides = array<i32>} : memref<1024xi32, #tpu.memory_space<vmem>>, vector<16xi32>,
      %shift_right_logical3A_1186 = arith.constant 7 : i32
      %shift_right_logical3A_1187 = vector.broadcast %shift_right_logical3A_1186 : i32 to vector<16xi32>
      %shift_right_logical3A_1188 = arith.shrui %get3A_1185, %shift_right_logical3A_1187 : vector<16xi32>
      %and3A_1189 = arith.constant 127 : i32
      %and3A_1190 = vector.broadcast %and3A_1189 : i32 to vector<16xi32>
      %and3A_1191 = arith.andi %get3A_1185, %and3A_1190 : vector<16xi32>
      tpu.vector_store_idx %arg21[%shift_right_logical3A_1188, %and3A_1191], %broadcast_in_dim3A_5 {add = true} : memref<80x128xf32, #tpu.memory_space<vmem>>[vector<16xi32>, vector<16xi32>], vector<16xf32>,
      %get3A_1192 = arith.constant 864 : index
      %get3A_1193 = tpu.vector_load %arg11[%get3A_1192] {strides = array<i32>} : memref<1024xi32, #tpu.memory_space<vmem>>, vector<16xi32>,
      %shift_right_logical3A_1194 = arith.constant 7 : i32
      %shift_right_logical3A_1195 = vector.broadcast %shift_right_logical3A_1194 : i32 to vector<16xi32>
      %shift_right_logical3A_1196 = arith.shrui %get3A_1193, %shift_right_logical3A_1195 : vector<16xi32>
      %and3A_1197 = arith.constant 127 : i32
      %and3A_1198 = vector.broadcast %and3A_1197 : i32 to vector<16xi32>
      %and3A_1199 = arith.andi %get3A_1193, %and3A_1198 : vector<16xi32>
      tpu.vector_store_idx %arg21[%shift_right_logical3A_1196, %and3A_1199], %broadcast_in_dim3A_5 {add = true} : memref<80x128xf32, #tpu.memory_space<vmem>>[vector<16xi32>, vector<16xi32>], vector<16xf32>,
      %get3A_1200 = arith.constant 880 : index
      %get3A_1201 = tpu.vector_load %arg11[%get3A_1200] {strides = array<i32>} : memref<1024xi32, #tpu.memory_space<vmem>>, vector<16xi32>,
      %shift_right_logical3A_1202 = arith.constant 7 : i32
      %shift_right_logical3A_1203 = vector.broadcast %shift_right_logical3A_1202 : i32 to vector<16xi32>
      %shift_right_logical3A_1204 = arith.shrui %get3A_1201, %shift_right_logical3A_1203 : vector<16xi32>
      %and3A_1205 = arith.constant 127 : i32
      %and3A_1206 = vector.broadcast %and3A_1205 : i32 to vector<16xi32>
      %and3A_1207 = arith.andi %get3A_1201, %and3A_1206 : vector<16xi32>
      tpu.vector_store_idx %arg21[%shift_right_logical3A_1204, %and3A_1207], %broadcast_in_dim3A_5 {add = true} : memref<80x128xf32, #tpu.memory_space<vmem>>[vector<16xi32>, vector<16xi32>], vector<16xf32>,
      %get3A_1208 = arith.constant 896 : index
      %get3A_1209 = tpu.vector_load %arg11[%get3A_1208] {strides = array<i32>} : memref<1024xi32, #tpu.memory_space<vmem>>, vector<16xi32>,
      %shift_right_logical3A_1210 = arith.constant 7 : i32
      %shift_right_logical3A_1211 = vector.broadcast %shift_right_logical3A_1210 : i32 to vector<16xi32>
      %shift_right_logical3A_1212 = arith.shrui %get3A_1209, %shift_right_logical3A_1211 : vector<16xi32>
      %and3A_1213 = arith.constant 127 : i32
      %and3A_1214 = vector.broadcast %and3A_1213 : i32 to vector<16xi32>
      %and3A_1215 = arith.andi %get3A_1209, %and3A_1214 : vector<16xi32>
      tpu.vector_store_idx %arg21[%shift_right_logical3A_1212, %and3A_1215], %broadcast_in_dim3A_5 {add = true} : memref<80x128xf32, #tpu.memory_space<vmem>>[vector<16xi32>, vector<16xi32>], vector<16xf32>,
      %get3A_1216 = arith.constant 912 : index
      %get3A_1217 = tpu.vector_load %arg11[%get3A_1216] {strides = array<i32>} : memref<1024xi32, #tpu.memory_space<vmem>>, vector<16xi32>,
      %shift_right_logical3A_1218 = arith.constant 7 : i32
      %shift_right_logical3A_1219 = vector.broadcast %shift_right_logical3A_1218 : i32 to vector<16xi32>
      %shift_right_logical3A_1220 = arith.shrui %get3A_1217, %shift_right_logical3A_1219 : vector<16xi32>
      %and3A_1221 = arith.constant 127 : i32
      %and3A_1222 = vector.broadcast %and3A_1221 : i32 to vector<16xi32>
      %and3A_1223 = arith.andi %get3A_1217, %and3A_1222 : vector<16xi32>
      tpu.vector_store_idx %arg21[%shift_right_logical3A_1220, %and3A_1223], %broadcast_in_dim3A_5 {add = true} : memref<80x128xf32, #tpu.memory_space<vmem>>[vector<16xi32>, vector<16xi32>], vector<16xf32>,
      %get3A_1224 = arith.constant 928 : index
      %get3A_1225 = tpu.vector_load %arg11[%get3A_1224] {strides = array<i32>} : memref<1024xi32, #tpu.memory_space<vmem>>, vector<16xi32>,
      %shift_right_logical3A_1226 = arith.constant 7 : i32
      %shift_right_logical3A_1227 = vector.broadcast %shift_right_logical3A_1226 : i32 to vector<16xi32>
      %shift_right_logical3A_1228 = arith.shrui %get3A_1225, %shift_right_logical3A_1227 : vector<16xi32>
      %and3A_1229 = arith.constant 127 : i32
      %and3A_1230 = vector.broadcast %and3A_1229 : i32 to vector<16xi32>
      %and3A_1231 = arith.andi %get3A_1225, %and3A_1230 : vector<16xi32>
      tpu.vector_store_idx %arg21[%shift_right_logical3A_1228, %and3A_1231], %broadcast_in_dim3A_5 {add = true} : memref<80x128xf32, #tpu.memory_space<vmem>>[vector<16xi32>, vector<16xi32>], vector<16xf32>,
      %get3A_1232 = arith.constant 944 : index
      %get3A_1233 = tpu.vector_load %arg11[%get3A_1232] {strides = array<i32>} : memref<1024xi32, #tpu.memory_space<vmem>>, vector<16xi32>,
      %shift_right_logical3A_1234 = arith.constant 7 : i32
      %shift_right_logical3A_1235 = vector.broadcast %shift_right_logical3A_1234 : i32 to vector<16xi32>
      %shift_right_logical3A_1236 = arith.shrui %get3A_1233, %shift_right_logical3A_1235 : vector<16xi32>
      %and3A_1237 = arith.constant 127 : i32
      %and3A_1238 = vector.broadcast %and3A_1237 : i32 to vector<16xi32>
      %and3A_1239 = arith.andi %get3A_1233, %and3A_1238 : vector<16xi32>
      tpu.vector_store_idx %arg21[%shift_right_logical3A_1236, %and3A_1239], %broadcast_in_dim3A_5 {add = true} : memref<80x128xf32, #tpu.memory_space<vmem>>[vector<16xi32>, vector<16xi32>], vector<16xf32>,
      %get3A_1240 = arith.constant 960 : index
      %get3A_1241 = tpu.vector_load %arg11[%get3A_1240] {strides = array<i32>} : memref<1024xi32, #tpu.memory_space<vmem>>, vector<16xi32>,
      %shift_right_logical3A_1242 = arith.constant 7 : i32
      %shift_right_logical3A_1243 = vector.broadcast %shift_right_logical3A_1242 : i32 to vector<16xi32>
      %shift_right_logical3A_1244 = arith.shrui %get3A_1241, %shift_right_logical3A_1243 : vector<16xi32>
      %and3A_1245 = arith.constant 127 : i32
      %and3A_1246 = vector.broadcast %and3A_1245 : i32 to vector<16xi32>
      %and3A_1247 = arith.andi %get3A_1241, %and3A_1246 : vector<16xi32>
      tpu.vector_store_idx %arg21[%shift_right_logical3A_1244, %and3A_1247], %broadcast_in_dim3A_5 {add = true} : memref<80x128xf32, #tpu.memory_space<vmem>>[vector<16xi32>, vector<16xi32>], vector<16xf32>,
      %get3A_1248 = arith.constant 976 : index
      %get3A_1249 = tpu.vector_load %arg11[%get3A_1248] {strides = array<i32>} : memref<1024xi32, #tpu.memory_space<vmem>>, vector<16xi32>,
      %shift_right_logical3A_1250 = arith.constant 7 : i32
      %shift_right_logical3A_1251 = vector.broadcast %shift_right_logical3A_1250 : i32 to vector<16xi32>
      %shift_right_logical3A_1252 = arith.shrui %get3A_1249, %shift_right_logical3A_1251 : vector<16xi32>
      %and3A_1253 = arith.constant 127 : i32
      %and3A_1254 = vector.broadcast %and3A_1253 : i32 to vector<16xi32>
      %and3A_1255 = arith.andi %get3A_1249, %and3A_1254 : vector<16xi32>
      tpu.vector_store_idx %arg21[%shift_right_logical3A_1252, %and3A_1255], %broadcast_in_dim3A_5 {add = true} : memref<80x128xf32, #tpu.memory_space<vmem>>[vector<16xi32>, vector<16xi32>], vector<16xf32>,
      %get3A_1256 = arith.constant 992 : index
      %get3A_1257 = tpu.vector_load %arg11[%get3A_1256] {strides = array<i32>} : memref<1024xi32, #tpu.memory_space<vmem>>, vector<16xi32>,
      %shift_right_logical3A_1258 = arith.constant 7 : i32
      %shift_right_logical3A_1259 = vector.broadcast %shift_right_logical3A_1258 : i32 to vector<16xi32>
      %shift_right_logical3A_1260 = arith.shrui %get3A_1257, %shift_right_logical3A_1259 : vector<16xi32>
      %and3A_1261 = arith.constant 127 : i32
      %and3A_1262 = vector.broadcast %and3A_1261 : i32 to vector<16xi32>
      %and3A_1263 = arith.andi %get3A_1257, %and3A_1262 : vector<16xi32>
      tpu.vector_store_idx %arg21[%shift_right_logical3A_1260, %and3A_1263], %broadcast_in_dim3A_5 {add = true} : memref<80x128xf32, #tpu.memory_space<vmem>>[vector<16xi32>, vector<16xi32>], vector<16xf32>,
      %get3A_1264 = arith.constant 1008 : index
      %get3A_1265 = tpu.vector_load %arg11[%get3A_1264] {strides = array<i32>} : memref<1024xi32, #tpu.memory_space<vmem>>, vector<16xi32>,
      %shift_right_logical3A_1266 = arith.constant 7 : i32
      %shift_right_logical3A_1267 = vector.broadcast %shift_right_logical3A_1266 : i32 to vector<16xi32>
      %shift_right_logical3A_1268 = arith.shrui %get3A_1265, %shift_right_logical3A_1267 : vector<16xi32>
      %and3A_1269 = arith.constant 127 : i32
      %and3A_1270 = vector.broadcast %and3A_1269 : i32 to vector<16xi32>
      %and3A_1271 = arith.andi %get3A_1265, %and3A_1270 : vector<16xi32>
      tpu.vector_store_idx %arg21[%shift_right_logical3A_1268, %and3A_1271], %broadcast_in_dim3A_5 {add = true} : memref<80x128xf32, #tpu.memory_space<vmem>>[vector<16xi32>, vector<16xi32>], vector<16xf32>,
      %dma_wait3A_1272 = arith.constant 0 : i32
      %dma_wait3A_1273 = arith.constant 0 : i32
      %dma_wait3A_1274 = tpu.memref_slice %arg2[%dma_wait3A_1272, %dma_wait3A_1273] : memref<10000x128xf32, #tpu.memory_space<hbm>> -> memref<128x128xf32, #tpu.memory_space<hbm>>
      %dma_wait3A_1275 = arith.constant 0 : i32
      %dma_wait3A_1276 = arith.constant 0 : i32
      %dma_wait3A_1277 = tpu.memref_slice %arg2[%dma_wait3A_1275, %dma_wait3A_1276] : memref<10000x128xf32, #tpu.memory_space<hbm>> -> memref<128x128xf32, #tpu.memory_space<hbm>>
      tpu.wait_dma2 semaphore(%arg15 : memref<!tpu.dma_semaphore, #tpu.memory_space<semaphore_mem>>) src(%dma_wait3A_1277 : memref<128x128xf32, #tpu.memory_space<hbm>>) dst(%arg12 : memref<128x128xf32, #tpu.memory_space<vmem>>)
      %dma_start3A_1278 = arith.constant 0 : i32
      %dma_start3A_1279 = tpu.memref_slice %arg11[%dma_start3A_1278] : memref<1024xi32, #tpu.memory_space<vmem>> -> memref<128xi32, #tpu.memory_space<vmem>>
      %dma_start3A_1280 = arith.constant 0 : i32
      %dma_start3A_1281 = arith.constant 0 : i32
      %dma_start3A_1282 = tpu.memref_slice %arg14[%dma_start3A_1280, %dma_start3A_1281] : memref<10112x128xf32, #tpu.memory_space<vmem_shared>> -> memref<10112x128xf32, #tpu.memory_space<vmem_shared>>
      tpu.enqueue_indirect_dma source(%arg12 : memref<128x128xf32, #tpu.memory_space<vmem>>) target(%dma_start3A_1282 : memref<10112x128xf32, #tpu.memory_space<vmem_shared>>) offsets(%dma_start3A_1279 : memref<128xi32, #tpu.memory_space<vmem>>) semaphore(%arg17 : memref<!tpu.dma_semaphore, #tpu.memory_space<semaphore_mem>>) {add = true}
      %dma_wait3A_1283 = arith.constant 0 : i32
      %dma_wait3A_1284 = arith.constant 0 : i32
      %dma_wait3A_1285 = tpu.memref_slice %arg2[%dma_wait3A_1283, %dma_wait3A_1284] : memref<10000x128xf32, #tpu.memory_space<hbm>> -> memref<128x128xf32, #tpu.memory_space<hbm>>
      %dma_wait3A_1286 = arith.constant 0 : i32
      %dma_wait3A_1287 = arith.constant 0 : i32
      %dma_wait3A_1288 = tpu.memref_slice %arg2[%dma_wait3A_1286, %dma_wait3A_1287] : memref<10000x128xf32, #tpu.memory_space<hbm>> -> memref<128x128xf32, #tpu.memory_space<hbm>>
      tpu.wait_dma2 semaphore(%arg17 : memref<!tpu.dma_semaphore, #tpu.memory_space<semaphore_mem>>) src(%dma_wait3A_1288 : memref<128x128xf32, #tpu.memory_space<hbm>>) dst(%arg12 : memref<128x128xf32, #tpu.memory_space<vmem>>)
      %dma_start3A_1289 = arith.constant 256 : i32
      %dma_start3A_1290 = tpu.memref_slice %arg9[%dma_start3A_1289] : memref<1024xi32, #tpu.memory_space<vmem>> -> memref<128xi32, #tpu.memory_space<vmem>>
      %dma_start3A_1291 = arith.constant 0 : i32
      %dma_start3A_1292 = arith.constant 0 : i32
      %dma_start3A_1293 = tpu.memref_slice %arg2[%dma_start3A_1291, %dma_start3A_1292] : memref<10000x128xf32, #tpu.memory_space<hbm>> -> memref<10000x128xf32, #tpu.memory_space<hbm>>
      tpu.enqueue_indirect_dma source(%dma_start3A_1293 : memref<10000x128xf32, #tpu.memory_space<hbm>>) target(%arg12 : memref<128x128xf32, #tpu.memory_space<vmem>>) offsets(%dma_start3A_1290 : memref<128xi32, #tpu.memory_space<vmem>>) semaphore(%arg15 : memref<!tpu.dma_semaphore, #tpu.memory_space<semaphore_mem>>)
      %dma_wait3A_1294 = arith.constant 0 : i32
      %dma_wait3A_1295 = arith.constant 0 : i32
      %dma_wait3A_1296 = tpu.memref_slice %arg2[%dma_wait3A_1294, %dma_wait3A_1295] : memref<10000x128xf32, #tpu.memory_space<hbm>> -> memref<128x128xf32, #tpu.memory_space<hbm>>
      %dma_wait3A_1297 = arith.constant 0 : i32
      %dma_wait3A_1298 = arith.constant 0 : i32
      %dma_wait3A_1299 = tpu.memref_slice %arg2[%dma_wait3A_1297, %dma_wait3A_1298] : memref<10000x128xf32, #tpu.memory_space<hbm>> -> memref<128x128xf32, #tpu.memory_space<hbm>>
      tpu.wait_dma2 semaphore(%arg16 : memref<!tpu.dma_semaphore, #tpu.memory_space<semaphore_mem>>) src(%dma_wait3A_1299 : memref<128x128xf32, #tpu.memory_space<hbm>>) dst(%arg13 : memref<128x128xf32, #tpu.memory_space<vmem>>)
      %dma_start3A_1300 = arith.constant 128 : i32
      %dma_start3A_1301 = tpu.memref_slice %arg11[%dma_start3A_1300] : memref<1024xi32, #tpu.memory_space<vmem>> -> memref<128xi32, #tpu.memory_space<vmem>>
      %dma_start3A_1302 = arith.constant 0 : i32
      %dma_start3A_1303 = arith.constant 0 : i32
      %dma_start3A_1304 = tpu.memref_slice %arg14[%dma_start3A_1302, %dma_start3A_1303] : memref<10112x128xf32, #tpu.memory_space<vmem_shared>> -> memref<10112x128xf32, #tpu.memory_space<vmem_shared>>
      tpu.enqueue_indirect_dma source(%arg13 : memref<128x128xf32, #tpu.memory_space<vmem>>) target(%dma_start3A_1304 : memref<10112x128xf32, #tpu.memory_space<vmem_shared>>) offsets(%dma_start3A_1301 : memref<128xi32, #tpu.memory_space<vmem>>) semaphore(%arg18 : memref<!tpu.dma_semaphore, #tpu.memory_space<semaphore_mem>>) {add = true}
      %dma_wait3A_1305 = arith.constant 0 : i32
      %dma_wait3A_1306 = arith.constant 0 : i32
      %dma_wait3A_1307 = tpu.memref_slice %arg2[%dma_wait3A_1305, %dma_wait3A_1306] : memref<10000x128xf32, #tpu.memory_space<hbm>> -> memref<128x128xf32, #tpu.memory_space<hbm>>
      %dma_wait3A_1308 = arith.constant 0 : i32
      %dma_wait3A_1309 = arith.constant 0 : i32
      %dma_wait3A_1310 = tpu.memref_slice %arg2[%dma_wait3A_1308, %dma_wait3A_1309] : memref<10000x128xf32, #tpu.memory_space<hbm>> -> memref<128x128xf32, #tpu.memory_space<hbm>>
      tpu.wait_dma2 semaphore(%arg18 : memref<!tpu.dma_semaphore, #tpu.memory_space<semaphore_mem>>) src(%dma_wait3A_1310 : memref<128x128xf32, #tpu.memory_space<hbm>>) dst(%arg13 : memref<128x128xf32, #tpu.memory_space<vmem>>)
      %dma_start3A_1311 = arith.constant 384 : i32
      %dma_start3A_1312 = tpu.memref_slice %arg9[%dma_start3A_1311] : memref<1024xi32, #tpu.memory_space<vmem>> -> memref<128xi32, #tpu.memory_space<vmem>>
      %dma_start3A_1313 = arith.constant 0 : i32
      %dma_start3A_1314 = arith.constant 0 : i32
      %dma_start3A_1315 = tpu.memref_slice %arg2[%dma_start3A_1313, %dma_start3A_1314] : memref<10000x128xf32, #tpu.memory_space<hbm>> -> memref<10000x128xf32, #tpu.memory_space<hbm>>
      tpu.enqueue_indirect_dma source(%dma_start3A_1315 : memref<10000x128xf32, #tpu.memory_space<hbm>>) target(%arg13 : memref<128x128xf32, #tpu.memory_space<vmem>>) offsets(%dma_start3A_1312 : memref<128xi32, #tpu.memory_space<vmem>>) semaphore(%arg16 : memref<!tpu.dma_semaphore, #tpu.memory_space<semaphore_mem>>)
      %dma_wait3A_1316 = arith.constant 0 : i32
      %dma_wait3A_1317 = arith.constant 0 : i32
      %dma_wait3A_1318 = tpu.memref_slice %arg2[%dma_wait3A_1316, %dma_wait3A_1317] : memref<10000x128xf32, #tpu.memory_space<hbm>> -> memref<128x128xf32, #tpu.memory_space<hbm>>
      %dma_wait3A_1319 = arith.constant 0 : i32
      %dma_wait3A_1320 = arith.constant 0 : i32
      %dma_wait3A_1321 = tpu.memref_slice %arg2[%dma_wait3A_1319, %dma_wait3A_1320] : memref<10000x128xf32, #tpu.memory_space<hbm>> -> memref<128x128xf32, #tpu.memory_space<hbm>>
      tpu.wait_dma2 semaphore(%arg15 : memref<!tpu.dma_semaphore, #tpu.memory_space<semaphore_mem>>) src(%dma_wait3A_1321 : memref<128x128xf32, #tpu.memory_space<hbm>>) dst(%arg12 : memref<128x128xf32, #tpu.memory_space<vmem>>)
      %dma_start3A_1322 = arith.constant 256 : i32
      %dma_start3A_1323 = tpu.memref_slice %arg11[%dma_start3A_1322] : memref<1024xi32, #tpu.memory_space<vmem>> -> memref<128xi32, #tpu.memory_space<vmem>>
      %dma_start3A_1324 = arith.constant 0 : i32
      %dma_start3A_1325 = arith.constant 0 : i32
      %dma_start3A_1326 = tpu.memref_slice %arg14[%dma_start3A_1324, %dma_start3A_1325] : memref<10112x128xf32, #tpu.memory_space<vmem_shared>> -> memref<10112x128xf32, #tpu.memory_space<vmem_shared>>
      tpu.enqueue_indirect_dma source(%arg12 : memref<128x128xf32, #tpu.memory_space<vmem>>) target(%dma_start3A_1326 : memref<10112x128xf32, #tpu.memory_space<vmem_shared>>) offsets(%dma_start3A_1323 : memref<128xi32, #tpu.memory_space<vmem>>) semaphore(%arg17 : memref<!tpu.dma_semaphore, #tpu.memory_space<semaphore_mem>>) {add = true}
      %dma_wait3A_1327 = arith.constant 0 : i32
      %dma_wait3A_1328 = arith.constant 0 : i32
      %dma_wait3A_1329 = tpu.memref_slice %arg2[%dma_wait3A_1327, %dma_wait3A_1328] : memref<10000x128xf32, #tpu.memory_space<hbm>> -> memref<128x128xf32, #tpu.memory_space<hbm>>
      %dma_wait3A_1330 = arith.constant 0 : i32
      %dma_wait3A_1331 = arith.constant 0 : i32
      %dma_wait3A_1332 = tpu.memref_slice %arg2[%dma_wait3A_1330, %dma_wait3A_1331] : memref<10000x128xf32, #tpu.memory_space<hbm>> -> memref<128x128xf32, #tpu.memory_space<hbm>>
      tpu.wait_dma2 semaphore(%arg17 : memref<!tpu.dma_semaphore, #tpu.memory_space<semaphore_mem>>) src(%dma_wait3A_1332 : memref<128x128xf32, #tpu.memory_space<hbm>>) dst(%arg12 : memref<128x128xf32, #tpu.memory_space<vmem>>)
      %dma_start3A_1333 = arith.constant 512 : i32
      %dma_start3A_1334 = tpu.memref_slice %arg9[%dma_start3A_1333] : memref<1024xi32, #tpu.memory_space<vmem>> -> memref<128xi32, #tpu.memory_space<vmem>>
      %dma_start3A_1335 = arith.constant 0 : i32
      %dma_start3A_1336 = arith.constant 0 : i32
      %dma_start3A_1337 = tpu.memref_slice %arg2[%dma_start3A_1335, %dma_start3A_1336] : memref<10000x128xf32, #tpu.memory_space<hbm>> -> memref<10000x128xf32, #tpu.memory_space<hbm>>
      tpu.enqueue_indirect_dma source(%dma_start3A_1337 : memref<10000x128xf32, #tpu.memory_space<hbm>>) target(%arg12 : memref<128x128xf32, #tpu.memory_space<vmem>>) offsets(%dma_start3A_1334 : memref<128xi32, #tpu.memory_space<vmem>>) semaphore(%arg15 : memref<!tpu.dma_semaphore, #tpu.memory_space<semaphore_mem>>)
      %dma_wait3A_1338 = arith.constant 0 : i32
      %dma_wait3A_1339 = arith.constant 0 : i32
      %dma_wait3A_1340 = tpu.memref_slice %arg2[%dma_wait3A_1338, %dma_wait3A_1339] : memref<10000x128xf32, #tpu.memory_space<hbm>> -> memref<128x128xf32, #tpu.memory_space<hbm>>
      %dma_wait3A_1341 = arith.constant 0 : i32
      %dma_wait3A_1342 = arith.constant 0 : i32
      %dma_wait3A_1343 = tpu.memref_slice %arg2[%dma_wait3A_1341, %dma_wait3A_1342] : memref<10000x128xf32, #tpu.memory_space<hbm>> -> memref<128x128xf32, #tpu.memory_space<hbm>>
      tpu.wait_dma2 semaphore(%arg16 : memref<!tpu.dma_semaphore, #tpu.memory_space<semaphore_mem>>) src(%dma_wait3A_1343 : memref<128x128xf32, #tpu.memory_space<hbm>>) dst(%arg13 : memref<128x128xf32, #tpu.memory_space<vmem>>)
      %dma_start3A_1344 = arith.constant 384 : i32
      %dma_start3A_1345 = tpu.memref_slice %arg11[%dma_start3A_1344] : memref<1024xi32, #tpu.memory_space<vmem>> -> memref<128xi32, #tpu.memory_space<vmem>>
      %dma_start3A_1346 = arith.constant 0 : i32
      %dma_start3A_1347 = arith.constant 0 : i32
      %dma_start3A_1348 = tpu.memref_slice %arg14[%dma_start3A_1346, %dma_start3A_1347] : memref<10112x128xf32, #tpu.memory_space<vmem_shared>> -> memref<10112x128xf32, #tpu.memory_space<vmem_shared>>
      tpu.enqueue_indirect_dma source(%arg13 : memref<128x128xf32, #tpu.memory_space<vmem>>) target(%dma_start3A_1348 : memref<10112x128xf32, #tpu.memory_space<vmem_shared>>) offsets(%dma_start3A_1345 : memref<128xi32, #tpu.memory_space<vmem>>) semaphore(%arg18 : memref<!tpu.dma_semaphore, #tpu.memory_space<semaphore_mem>>) {add = true}
      %dma_wait3A_1349 = arith.constant 0 : i32
      %dma_wait3A_1350 = arith.constant 0 : i32
      %dma_wait3A_1351 = tpu.memref_slice %arg2[%dma_wait3A_1349, %dma_wait3A_1350] : memref<10000x128xf32, #tpu.memory_space<hbm>> -> memref<128x128xf32, #tpu.memory_space<hbm>>
      %dma_wait3A_1352 = arith.constant 0 : i32
      %dma_wait3A_1353 = arith.constant 0 : i32
      %dma_wait3A_1354 = tpu.memref_slice %arg2[%dma_wait3A_1352, %dma_wait3A_1353] : memref<10000x128xf32, #tpu.memory_space<hbm>> -> memref<128x128xf32, #tpu.memory_space<hbm>>
      tpu.wait_dma2 semaphore(%arg18 : memref<!tpu.dma_semaphore, #tpu.memory_space<semaphore_mem>>) src(%dma_wait3A_1354 : memref<128x128xf32, #tpu.memory_space<hbm>>) dst(%arg13 : memref<128x128xf32, #tpu.memory_space<vmem>>)
      %dma_start3A_1355 = arith.constant 640 : i32
      %dma_start3A_1356 = tpu.memref_slice %arg9[%dma_start3A_1355] : memref<1024xi32, #tpu.memory_space<vmem>> -> memref<128xi32, #tpu.memory_space<vmem>>
      %dma_start3A_1357 = arith.constant 0 : i32
      %dma_start3A_1358 = arith.constant 0 : i32
      %dma_start3A_1359 = tpu.memref_slice %arg2[%dma_start3A_1357, %dma_start3A_1358] : memref<10000x128xf32, #tpu.memory_space<hbm>> -> memref<10000x128xf32, #tpu.memory_space<hbm>>
      tpu.enqueue_indirect_dma source(%dma_start3A_1359 : memref<10000x128xf32, #tpu.memory_space<hbm>>) target(%arg13 : memref<128x128xf32, #tpu.memory_space<vmem>>) offsets(%dma_start3A_1356 : memref<128xi32, #tpu.memory_space<vmem>>) semaphore(%arg16 : memref<!tpu.dma_semaphore, #tpu.memory_space<semaphore_mem>>)
      %dma_wait3A_1360 = arith.constant 0 : i32
      %dma_wait3A_1361 = arith.constant 0 : i32
      %dma_wait3A_1362 = tpu.memref_slice %arg2[%dma_wait3A_1360, %dma_wait3A_1361] : memref<10000x128xf32, #tpu.memory_space<hbm>> -> memref<128x128xf32, #tpu.memory_space<hbm>>
      %dma_wait3A_1363 = arith.constant 0 : i32
      %dma_wait3A_1364 = arith.constant 0 : i32
      %dma_wait3A_1365 = tpu.memref_slice %arg2[%dma_wait3A_1363, %dma_wait3A_1364] : memref<10000x128xf32, #tpu.memory_space<hbm>> -> memref<128x128xf32, #tpu.memory_space<hbm>>
      tpu.wait_dma2 semaphore(%arg15 : memref<!tpu.dma_semaphore, #tpu.memory_space<semaphore_mem>>) src(%dma_wait3A_1365 : memref<128x128xf32, #tpu.memory_space<hbm>>) dst(%arg12 : memref<128x128xf32, #tpu.memory_space<vmem>>)
      %dma_start3A_1366 = arith.constant 512 : i32
      %dma_start3A_1367 = tpu.memref_slice %arg11[%dma_start3A_1366] : memref<1024xi32, #tpu.memory_space<vmem>> -> memref<128xi32, #tpu.memory_space<vmem>>
      %dma_start3A_1368 = arith.constant 0 : i32
      %dma_start3A_1369 = arith.constant 0 : i32
      %dma_start3A_1370 = tpu.memref_slice %arg14[%dma_start3A_1368, %dma_start3A_1369] : memref<10112x128xf32, #tpu.memory_space<vmem_shared>> -> memref<10112x128xf32, #tpu.memory_space<vmem_shared>>
      tpu.enqueue_indirect_dma source(%arg12 : memref<128x128xf32, #tpu.memory_space<vmem>>) target(%dma_start3A_1370 : memref<10112x128xf32, #tpu.memory_space<vmem_shared>>) offsets(%dma_start3A_1367 : memref<128xi32, #tpu.memory_space<vmem>>) semaphore(%arg17 : memref<!tpu.dma_semaphore, #tpu.memory_space<semaphore_mem>>) {add = true}
      %dma_wait3A_1371 = arith.constant 0 : i32
      %dma_wait3A_1372 = arith.constant 0 : i32
      %dma_wait3A_1373 = tpu.memref_slice %arg2[%dma_wait3A_1371, %dma_wait3A_1372] : memref<10000x128xf32, #tpu.memory_space<hbm>> -> memref<128x128xf32, #tpu.memory_space<hbm>>
      %dma_wait3A_1374 = arith.constant 0 : i32
      %dma_wait3A_1375 = arith.constant 0 : i32
      %dma_wait3A_1376 = tpu.memref_slice %arg2[%dma_wait3A_1374, %dma_wait3A_1375] : memref<10000x128xf32, #tpu.memory_space<hbm>> -> memref<128x128xf32, #tpu.memory_space<hbm>>
      tpu.wait_dma2 semaphore(%arg17 : memref<!tpu.dma_semaphore, #tpu.memory_space<semaphore_mem>>) src(%dma_wait3A_1376 : memref<128x128xf32, #tpu.memory_space<hbm>>) dst(%arg12 : memref<128x128xf32, #tpu.memory_space<vmem>>)
      %dma_start3A_1377 = arith.constant 768 : i32
      %dma_start3A_1378 = tpu.memref_slice %arg9[%dma_start3A_1377] : memref<1024xi32, #tpu.memory_space<vmem>> -> memref<128xi32, #tpu.memory_space<vmem>>
      %dma_start3A_1379 = arith.constant 0 : i32
      %dma_start3A_1380 = arith.constant 0 : i32
      %dma_start3A_1381 = tpu.memref_slice %arg2[%dma_start3A_1379, %dma_start3A_1380] : memref<10000x128xf32, #tpu.memory_space<hbm>> -> memref<10000x128xf32, #tpu.memory_space<hbm>>
      tpu.enqueue_indirect_dma source(%dma_start3A_1381 : memref<10000x128xf32, #tpu.memory_space<hbm>>) target(%arg12 : memref<128x128xf32, #tpu.memory_space<vmem>>) offsets(%dma_start3A_1378 : memref<128xi32, #tpu.memory_space<vmem>>) semaphore(%arg15 : memref<!tpu.dma_semaphore, #tpu.memory_space<semaphore_mem>>)
      %dma_wait3A_1382 = arith.constant 0 : i32
      %dma_wait3A_1383 = arith.constant 0 : i32
      %dma_wait3A_1384 = tpu.memref_slice %arg2[%dma_wait3A_1382, %dma_wait3A_1383] : memref<10000x128xf32, #tpu.memory_space<hbm>> -> memref<128x128xf32, #tpu.memory_space<hbm>>
      %dma_wait3A_1385 = arith.constant 0 : i32
      %dma_wait3A_1386 = arith.constant 0 : i32
      %dma_wait3A_1387 = tpu.memref_slice %arg2[%dma_wait3A_1385, %dma_wait3A_1386] : memref<10000x128xf32, #tpu.memory_space<hbm>> -> memref<128x128xf32, #tpu.memory_space<hbm>>
      tpu.wait_dma2 semaphore(%arg16 : memref<!tpu.dma_semaphore, #tpu.memory_space<semaphore_mem>>) src(%dma_wait3A_1387 : memref<128x128xf32, #tpu.memory_space<hbm>>) dst(%arg13 : memref<128x128xf32, #tpu.memory_space<vmem>>)
      %dma_start3A_1388 = arith.constant 640 : i32
      %dma_start3A_1389 = tpu.memref_slice %arg11[%dma_start3A_1388] : memref<1024xi32, #tpu.memory_space<vmem>> -> memref<128xi32, #tpu.memory_space<vmem>>
      %dma_start3A_1390 = arith.constant 0 : i32
      %dma_start3A_1391 = arith.constant 0 : i32
      %dma_start3A_1392 = tpu.memref_slice %arg14[%dma_start3A_1390, %dma_start3A_1391] : memref<10112x128xf32, #tpu.memory_space<vmem_shared>> -> memref<10112x128xf32, #tpu.memory_space<vmem_shared>>
      tpu.enqueue_indirect_dma source(%arg13 : memref<128x128xf32, #tpu.memory_space<vmem>>) target(%dma_start3A_1392 : memref<10112x128xf32, #tpu.memory_space<vmem_shared>>) offsets(%dma_start3A_1389 : memref<128xi32, #tpu.memory_space<vmem>>) semaphore(%arg18 : memref<!tpu.dma_semaphore, #tpu.memory_space<semaphore_mem>>) {add = true}
      %dma_wait3A_1393 = arith.constant 0 : i32
      %dma_wait3A_1394 = arith.constant 0 : i32
      %dma_wait3A_1395 = tpu.memref_slice %arg2[%dma_wait3A_1393, %dma_wait3A_1394] : memref<10000x128xf32, #tpu.memory_space<hbm>> -> memref<128x128xf32, #tpu.memory_space<hbm>>
      %dma_wait3A_1396 = arith.constant 0 : i32
      %dma_wait3A_1397 = arith.constant 0 : i32
      %dma_wait3A_1398 = tpu.memref_slice %arg2[%dma_wait3A_1396, %dma_wait3A_1397] : memref<10000x128xf32, #tpu.memory_space<hbm>> -> memref<128x128xf32, #tpu.memory_space<hbm>>
      tpu.wait_dma2 semaphore(%arg18 : memref<!tpu.dma_semaphore, #tpu.memory_space<semaphore_mem>>) src(%dma_wait3A_1398 : memref<128x128xf32, #tpu.memory_space<hbm>>) dst(%arg13 : memref<128x128xf32, #tpu.memory_space<vmem>>)
      %dma_start3A_1399 = arith.constant 896 : i32
      %dma_start3A_1400 = tpu.memref_slice %arg9[%dma_start3A_1399] : memref<1024xi32, #tpu.memory_space<vmem>> -> memref<128xi32, #tpu.memory_space<vmem>>
      %dma_start3A_1401 = arith.constant 0 : i32
      %dma_start3A_1402 = arith.constant 0 : i32
      %dma_start3A_1403 = tpu.memref_slice %arg2[%dma_start3A_1401, %dma_start3A_1402] : memref<10000x128xf32, #tpu.memory_space<hbm>> -> memref<10000x128xf32, #tpu.memory_space<hbm>>
      tpu.enqueue_indirect_dma source(%dma_start3A_1403 : memref<10000x128xf32, #tpu.memory_space<hbm>>) target(%arg13 : memref<128x128xf32, #tpu.memory_space<vmem>>) offsets(%dma_start3A_1400 : memref<128xi32, #tpu.memory_space<vmem>>) semaphore(%arg16 : memref<!tpu.dma_semaphore, #tpu.memory_space<semaphore_mem>>)
      %dma_wait3A_1404 = arith.constant 0 : i32
      %dma_wait3A_1405 = arith.constant 0 : i32
      %dma_wait3A_1406 = tpu.memref_slice %arg2[%dma_wait3A_1404, %dma_wait3A_1405] : memref<10000x128xf32, #tpu.memory_space<hbm>> -> memref<128x128xf32, #tpu.memory_space<hbm>>
      %dma_wait3A_1407 = arith.constant 0 : i32
      %dma_wait3A_1408 = arith.constant 0 : i32
      %dma_wait3A_1409 = tpu.memref_slice %arg2[%dma_wait3A_1407, %dma_wait3A_1408] : memref<10000x128xf32, #tpu.memory_space<hbm>> -> memref<128x128xf32, #tpu.memory_space<hbm>>
      tpu.wait_dma2 semaphore(%arg15 : memref<!tpu.dma_semaphore, #tpu.memory_space<semaphore_mem>>) src(%dma_wait3A_1409 : memref<128x128xf32, #tpu.memory_space<hbm>>) dst(%arg12 : memref<128x128xf32, #tpu.memory_space<vmem>>)
      %dma_start3A_1410 = arith.constant 768 : i32
      %dma_start3A_1411 = tpu.memref_slice %arg11[%dma_start3A_1410] : memref<1024xi32, #tpu.memory_space<vmem>> -> memref<128xi32, #tpu.memory_space<vmem>>
      %dma_start3A_1412 = arith.constant 0 : i32
      %dma_start3A_1413 = arith.constant 0 : i32
      %dma_start3A_1414 = tpu.memref_slice %arg14[%dma_start3A_1412, %dma_start3A_1413] : memref<10112x128xf32, #tpu.memory_space<vmem_shared>> -> memref<10112x128xf32, #tpu.memory_space<vmem_shared>>
      tpu.enqueue_indirect_dma source(%arg12 : memref<128x128xf32, #tpu.memory_space<vmem>>) target(%dma_start3A_1414 : memref<10112x128xf32, #tpu.memory_space<vmem_shared>>) offsets(%dma_start3A_1411 : memref<128xi32, #tpu.memory_space<vmem>>) semaphore(%arg17 : memref<!tpu.dma_semaphore, #tpu.memory_space<semaphore_mem>>) {add = true}
      %dma_wait3A_1415 = arith.constant 0 : i32
      %dma_wait3A_1416 = arith.constant 0 : i32
      %dma_wait3A_1417 = tpu.memref_slice %arg2[%dma_wait3A_1415, %dma_wait3A_1416] : memref<10000x128xf32, #tpu.memory_space<hbm>> -> memref<128x128xf32, #tpu.memory_space<hbm>>
      %dma_wait3A_1418 = arith.constant 0 : i32
      %dma_wait3A_1419 = arith.constant 0 : i32
      %dma_wait3A_1420 = tpu.memref_slice %arg2[%dma_wait3A_1418, %dma_wait3A_1419] : memref<10000x128xf32, #tpu.memory_space<hbm>> -> memref<128x128xf32, #tpu.memory_space<hbm>>
      tpu.wait_dma2 semaphore(%arg16 : memref<!tpu.dma_semaphore, #tpu.memory_space<semaphore_mem>>) src(%dma_wait3A_1420 : memref<128x128xf32, #tpu.memory_space<hbm>>) dst(%arg13 : memref<128x128xf32, #tpu.memory_space<vmem>>)
      %dma_start3A_1421 = arith.constant 896 : i32
      %dma_start3A_1422 = tpu.memref_slice %arg11[%dma_start3A_1421] : memref<1024xi32, #tpu.memory_space<vmem>> -> memref<128xi32, #tpu.memory_space<vmem>>
      %dma_start3A_1423 = arith.constant 0 : i32
      %dma_start3A_1424 = arith.constant 0 : i32
      %dma_start3A_1425 = tpu.memref_slice %arg14[%dma_start3A_1423, %dma_start3A_1424] : memref<10112x128xf32, #tpu.memory_space<vmem_shared>> -> memref<10112x128xf32, #tpu.memory_space<vmem_shared>>
      tpu.enqueue_indirect_dma source(%arg13 : memref<128x128xf32, #tpu.memory_space<vmem>>) target(%dma_start3A_1425 : memref<10112x128xf32, #tpu.memory_space<vmem_shared>>) offsets(%dma_start3A_1422 : memref<128xi32, #tpu.memory_space<vmem>>) semaphore(%arg18 : memref<!tpu.dma_semaphore, #tpu.memory_space<semaphore_mem>>) {add = true}
      %dma_wait3A_1426 = arith.constant 0 : i32
      %dma_wait3A_1427 = arith.constant 0 : i32
      %dma_wait3A_1428 = tpu.memref_slice %arg2[%dma_wait3A_1426, %dma_wait3A_1427] : memref<10000x128xf32, #tpu.memory_space<hbm>> -> memref<128x128xf32, #tpu.memory_space<hbm>>
      %dma_wait3A_1429 = arith.constant 0 : i32
      %dma_wait3A_1430 = arith.constant 0 : i32
      %dma_wait3A_1431 = tpu.memref_slice %arg2[%dma_wait3A_1429, %dma_wait3A_1430] : memref<10000x128xf32, #tpu.memory_space<hbm>> -> memref<128x128xf32, #tpu.memory_space<hbm>>
      tpu.wait_dma2 semaphore(%arg17 : memref<!tpu.dma_semaphore, #tpu.memory_space<semaphore_mem>>) src(%dma_wait3A_1431 : memref<128x128xf32, #tpu.memory_space<hbm>>) dst(%arg12 : memref<128x128xf32, #tpu.memory_space<vmem>>)
      %dma_wait3A_1432 = arith.constant 0 : i32
      %dma_wait3A_1433 = arith.constant 0 : i32
      %dma_wait3A_1434 = tpu.memref_slice %arg2[%dma_wait3A_1432, %dma_wait3A_1433] : memref<10000x128xf32, #tpu.memory_space<hbm>> -> memref<128x128xf32, #tpu.memory_space<hbm>>
      %dma_wait3A_1435 = arith.constant 0 : i32
      %dma_wait3A_1436 = arith.constant 0 : i32
      %dma_wait3A_1437 = tpu.memref_slice %arg2[%dma_wait3A_1435, %dma_wait3A_1436] : memref<10000x128xf32, #tpu.memory_space<hbm>> -> memref<128x128xf32, #tpu.memory_space<hbm>>
      tpu.wait_dma2 semaphore(%arg18 : memref<!tpu.dma_semaphore, #tpu.memory_space<semaphore_mem>>) src(%dma_wait3A_1437 : memref<128x128xf32, #tpu.memory_space<hbm>>) dst(%arg13 : memref<128x128xf32, #tpu.memory_space<vmem>>)
      %lt3A_1438 = arith.constant 4 : i32
      %lt3A_1439 = arith.cmpi slt, %scan3A_50, %lt3A_1438 : i32
      %convert_element_type3A_1440 = arith.extui %lt3A_1439 : i1 to i32
      %cond3A_1441 = arith.constant 0 : i32
      %cond3A_1442 = arith.cmpi ne, %convert_element_type3A_1440, %cond3A_1441 : i32
      scf.if %cond3A_1442 {
        %mul3A_1443 = arith.constant 2 : i32
        %mul3A_1444 = arith.muli %mul3A_1443, %scan3A_50 : i32
        %add3A_1445 = arith.constant 2 : i32
        %add3A_1446 = arith.addi %mul3A_1444, %add3A_1445 : i32
        %lt3A_1447 = arith.constant 31 : i32
        %lt3A_1448 = arith.cmpi slt, %add3A, %lt3A_1447 : i32
        %convert_element_type3A_1449 = arith.extui %lt3A_1448 : i1 to i32
        %cond3A_1450 = arith.constant 0 : i32
        %cond3A_1451 = arith.cmpi ne, %convert_element_type3A_1449, %cond3A_1450 : i32
        scf.if %cond3A_1451 {
          %mul3A_1471 = arith.constant 10240 : i32
          %mul3A_1472 = arith.muli %add3A, %mul3A_1471 : i32
          %mul3A_1473 = arith.constant 1024 : i32
          %mul3A_1474 = arith.muli %add3A_1446, %mul3A_1473 : i32
          %add3A_1475 = arith.addi %mul3A_1472, %mul3A_1474 : i32
          %dma_start3A_1476 = arith.constant 0 : i32
          %dma_start3A_1477 = tpu.memref_slice %arg3[%dma_start3A_1476, %add3A_1475] : memref<2x320000xi32, #tpu.memory_space<hbm>> -> memref<1x1024xi32, #tpu.memory_space<hbm>>
          %dma_start3A_1478 = tpu.memref_squeeze %dma_start3A_1477 : memref<1x1024xi32, #tpu.memory_space<hbm>> -> memref<1024xi32, #tpu.memory_space<hbm>>
          %dma_start3A_1479 = tpu.memref_slice %arg3[%dma_start3A_1476, %add3A_1475] : memref<2x320000xi32, #tpu.memory_space<hbm>> -> memref<1x1024xi32, #tpu.memory_space<hbm>>
          %dma_start3A_1480 = tpu.memref_squeeze %dma_start3A_1479 : memref<1x1024xi32, #tpu.memory_space<hbm>> -> memref<1024xi32, #tpu.memory_space<hbm>>
          tpu.enqueue_dma source(%dma_start3A_1480 : memref<1024xi32, #tpu.memory_space<hbm>>) target(%arg8 : memref<1024xi32, #tpu.memory_space<vmem>>) target_semaphore(%arg19 : memref<!tpu.dma_semaphore, #tpu.memory_space<semaphore_mem>>)
          %dma_start3A_1481 = arith.constant 1 : i32
          %dma_start3A_1482 = tpu.memref_slice %arg3[%dma_start3A_1481, %add3A_1475] : memref<2x320000xi32, #tpu.memory_space<hbm>> -> memref<1x1024xi32, #tpu.memory_space<hbm>>
          %dma_start3A_1483 = tpu.memref_squeeze %dma_start3A_1482 : memref<1x1024xi32, #tpu.memory_space<hbm>> -> memref<1024xi32, #tpu.memory_space<hbm>>
          %dma_start3A_1484 = tpu.memref_slice %arg3[%dma_start3A_1481, %add3A_1475] : memref<2x320000xi32, #tpu.memory_space<hbm>> -> memref<1x1024xi32, #tpu.memory_space<hbm>>
          %dma_start3A_1485 = tpu.memref_squeeze %dma_start3A_1484 : memref<1x1024xi32, #tpu.memory_space<hbm>> -> memref<1024xi32, #tpu.memory_space<hbm>>
          tpu.enqueue_dma source(%dma_start3A_1485 : memref<1024xi32, #tpu.memory_space<hbm>>) target(%arg10 : memref<1024xi32, #tpu.memory_space<vmem>>) target_semaphore(%arg19 : memref<!tpu.dma_semaphore, #tpu.memory_space<semaphore_mem>>)
        } else {
        }
        %ge3A_1452 = arith.constant 31 : i32
        %ge3A_1453 = arith.cmpi sge, %add3A, %ge3A_1452 : i32
        %convert_element_type3A_1454 = arith.extui %ge3A_1453 : i1 to i32
        %cond3A_1455 = arith.constant 0 : i32
        %cond3A_1456 = arith.cmpi ne, %convert_element_type3A_1454, %cond3A_1455 : i32
        scf.if %cond3A_1456 {
          %sub3A = arith.constant 31 : i32
          %sub3A_1471 = arith.subi %add3A, %sub3A : i32
          %mul3A_1472 = arith.constant 10240 : i32
          %mul3A_1473 = arith.muli %sub3A_1471, %mul3A_1472 : i32
          %mul3A_1474 = arith.constant 1024 : i32
          %mul3A_1475 = arith.muli %add3A_1446, %mul3A_1474 : i32
          %add3A_1476 = arith.addi %mul3A_1473, %mul3A_1475 : i32
          %dma_start3A_1477 = tpu.memref_slice %arg4[%add3A_1476] : memref<10240xi32, #tpu.memory_space<hbm>> -> memref<1024xi32, #tpu.memory_space<hbm>>
          %dma_start3A_1478 = tpu.memref_slice %arg4[%add3A_1476] : memref<10240xi32, #tpu.memory_space<hbm>> -> memref<1024xi32, #tpu.memory_space<hbm>>
          tpu.enqueue_dma source(%dma_start3A_1478 : memref<1024xi32, #tpu.memory_space<hbm>>) target(%arg8 : memref<1024xi32, #tpu.memory_space<vmem>>) target_semaphore(%arg19 : memref<!tpu.dma_semaphore, #tpu.memory_space<semaphore_mem>>)
          %dma_start3A_1479 = tpu.memref_slice %arg5[%add3A_1476] : memref<10240xi32, #tpu.memory_space<hbm>> -> memref<1024xi32, #tpu.memory_space<hbm>>
          %dma_start3A_1480 = tpu.memref_slice %arg5[%add3A_1476] : memref<10240xi32, #tpu.memory_space<hbm>> -> memref<1024xi32, #tpu.memory_space<hbm>>
          tpu.enqueue_dma source(%dma_start3A_1480 : memref<1024xi32, #tpu.memory_space<hbm>>) target(%arg10 : memref<1024xi32, #tpu.memory_space<vmem>>) target_semaphore(%arg19 : memref<!tpu.dma_semaphore, #tpu.memory_space<semaphore_mem>>)
        } else {
        }
        %mul3A_1457 = arith.constant 2 : i32
        %mul3A_1458 = arith.muli %mul3A_1457, %scan3A_50 : i32
        %add3A_1459 = arith.constant 3 : i32
        %add3A_1460 = arith.addi %mul3A_1458, %add3A_1459 : i32
        %lt3A_1461 = arith.constant 31 : i32
        %lt3A_1462 = arith.cmpi slt, %add3A, %lt3A_1461 : i32
        %convert_element_type3A_1463 = arith.extui %lt3A_1462 : i1 to i32
        %cond3A_1464 = arith.constant 0 : i32
        %cond3A_1465 = arith.cmpi ne, %convert_element_type3A_1463, %cond3A_1464 : i32
        scf.if %cond3A_1465 {
          %mul3A_1471 = arith.constant 10240 : i32
          %mul3A_1472 = arith.muli %add3A, %mul3A_1471 : i32
          %mul3A_1473 = arith.constant 1024 : i32
          %mul3A_1474 = arith.muli %add3A_1460, %mul3A_1473 : i32
          %add3A_1475 = arith.addi %mul3A_1472, %mul3A_1474 : i32
          %dma_start3A_1476 = arith.constant 0 : i32
          %dma_start3A_1477 = tpu.memref_slice %arg3[%dma_start3A_1476, %add3A_1475] : memref<2x320000xi32, #tpu.memory_space<hbm>> -> memref<1x1024xi32, #tpu.memory_space<hbm>>
          %dma_start3A_1478 = tpu.memref_squeeze %dma_start3A_1477 : memref<1x1024xi32, #tpu.memory_space<hbm>> -> memref<1024xi32, #tpu.memory_space<hbm>>
          %dma_start3A_1479 = tpu.memref_slice %arg3[%dma_start3A_1476, %add3A_1475] : memref<2x320000xi32, #tpu.memory_space<hbm>> -> memref<1x1024xi32, #tpu.memory_space<hbm>>
          %dma_start3A_1480 = tpu.memref_squeeze %dma_start3A_1479 : memref<1x1024xi32, #tpu.memory_space<hbm>> -> memref<1024xi32, #tpu.memory_space<hbm>>
          tpu.enqueue_dma source(%dma_start3A_1480 : memref<1024xi32, #tpu.memory_space<hbm>>) target(%arg9 : memref<1024xi32, #tpu.memory_space<vmem>>) target_semaphore(%arg20 : memref<!tpu.dma_semaphore, #tpu.memory_space<semaphore_mem>>)
          %dma_start3A_1481 = arith.constant 1 : i32
          %dma_start3A_1482 = tpu.memref_slice %arg3[%dma_start3A_1481, %add3A_1475] : memref<2x320000xi32, #tpu.memory_space<hbm>> -> memref<1x1024xi32, #tpu.memory_space<hbm>>
          %dma_start3A_1483 = tpu.memref_squeeze %dma_start3A_1482 : memref<1x1024xi32, #tpu.memory_space<hbm>> -> memref<1024xi32, #tpu.memory_space<hbm>>
          %dma_start3A_1484 = tpu.memref_slice %arg3[%dma_start3A_1481, %add3A_1475] : memref<2x320000xi32, #tpu.memory_space<hbm>> -> memref<1x1024xi32, #tpu.memory_space<hbm>>
          %dma_start3A_1485 = tpu.memref_squeeze %dma_start3A_1484 : memref<1x1024xi32, #tpu.memory_space<hbm>> -> memref<1024xi32, #tpu.memory_space<hbm>>
          tpu.enqueue_dma source(%dma_start3A_1485 : memref<1024xi32, #tpu.memory_space<hbm>>) target(%arg11 : memref<1024xi32, #tpu.memory_space<vmem>>) target_semaphore(%arg20 : memref<!tpu.dma_semaphore, #tpu.memory_space<semaphore_mem>>)
        } else {
        }
        %ge3A_1466 = arith.constant 31 : i32
        %ge3A_1467 = arith.cmpi sge, %add3A, %ge3A_1466 : i32
        %convert_element_type3A_1468 = arith.extui %ge3A_1467 : i1 to i32
        %cond3A_1469 = arith.constant 0 : i32
        %cond3A_1470 = arith.cmpi ne, %convert_element_type3A_1468, %cond3A_1469 : i32
        scf.if %cond3A_1470 {
          %sub3A = arith.constant 31 : i32
          %sub3A_1471 = arith.subi %add3A, %sub3A : i32
          %mul3A_1472 = arith.constant 10240 : i32
          %mul3A_1473 = arith.muli %sub3A_1471, %mul3A_1472 : i32
          %mul3A_1474 = arith.constant 1024 : i32
          %mul3A_1475 = arith.muli %add3A_1460, %mul3A_1474 : i32
          %add3A_1476 = arith.addi %mul3A_1473, %mul3A_1475 : i32
          %dma_start3A_1477 = tpu.memref_slice %arg4[%add3A_1476] : memref<10240xi32, #tpu.memory_space<hbm>> -> memref<1024xi32, #tpu.memory_space<hbm>>
          %dma_start3A_1478 = tpu.memref_slice %arg4[%add3A_1476] : memref<10240xi32, #tpu.memory_space<hbm>> -> memref<1024xi32, #tpu.memory_space<hbm>>
          tpu.enqueue_dma source(%dma_start3A_1478 : memref<1024xi32, #tpu.memory_space<hbm>>) target(%arg9 : memref<1024xi32, #tpu.memory_space<vmem>>) target_semaphore(%arg20 : memref<!tpu.dma_semaphore, #tpu.memory_space<semaphore_mem>>)
          %dma_start3A_1479 = tpu.memref_slice %arg5[%add3A_1476] : memref<10240xi32, #tpu.memory_space<hbm>> -> memref<1024xi32, #tpu.memory_space<hbm>>
          %dma_start3A_1480 = tpu.memref_slice %arg5[%add3A_1476] : memref<10240xi32, #tpu.memory_space<hbm>> -> memref<1024xi32, #tpu.memory_space<hbm>>
          tpu.enqueue_dma source(%dma_start3A_1480 : memref<1024xi32, #tpu.memory_space<hbm>>) target(%arg11 : memref<1024xi32, #tpu.memory_space<vmem>>) target_semaphore(%arg20 : memref<!tpu.dma_semaphore, #tpu.memory_space<semaphore_mem>>)
        } else {
        }
      } else {
      }
    }
    %scan3A_48 = arith.constant 5 : i32
    %barrier3A_49 = arith.constant 0 : index
    tpu.barrier barrier_id(%barrier3A_49)
    "tpu.region"() ({
      %run_scoped3A = tpu.sem_alloc : memref<!tpu.dma_semaphore, #tpu.memory_space<semaphore_mem>>
      %dma_start3A = arith.constant 0 : i32
      %dma_start3A_50 = tpu.memref_slice %arg6[%arg0, %mul3A_2, %dma_start3A] : memref<2x10112x128xf32, #tpu.memory_space<hbm>> -> memref<1x632x128xf32, #tpu.memory_space<hbm>>
      %dma_start3A_51 = tpu.memref_squeeze %dma_start3A_50 : memref<1x632x128xf32, #tpu.memory_space<hbm>> -> memref<632x128xf32, #tpu.memory_space<hbm>>
      %dma_start3A_52 = arith.constant 0 : i32
      %dma_start3A_53 = tpu.memref_slice %arg14[%mul3A_2, %dma_start3A_52] : memref<10112x128xf32, #tpu.memory_space<vmem_shared>> -> memref<632x128xf32, #tpu.memory_space<vmem_shared>>
      tpu.enqueue_dma source(%dma_start3A_53 : memref<632x128xf32, #tpu.memory_space<vmem_shared>>) target(%dma_start3A_51 : memref<632x128xf32, #tpu.memory_space<hbm>>) target_semaphore(%run_scoped3A : memref<!tpu.dma_semaphore, #tpu.memory_space<semaphore_mem>>)
      %dma_wait3A = arith.constant 0 : i32
      %dma_wait3A_54 = tpu.memref_slice %arg6[%arg0, %mul3A_2, %dma_wait3A] : memref<2x10112x128xf32, #tpu.memory_space<hbm>> -> memref<1x632x128xf32, #tpu.memory_space<hbm>>
      %dma_wait3A_55 = tpu.memref_squeeze %dma_wait3A_54 : memref<1x632x128xf32, #tpu.memory_space<hbm>> -> memref<632x128xf32, #tpu.memory_space<hbm>>
      %dma_wait3A_56 = arith.constant 0 : i32
      %dma_wait3A_57 = tpu.memref_slice %arg14[%mul3A_2, %dma_wait3A_56] : memref<10112x128xf32, #tpu.memory_space<vmem_shared>> -> memref<632x128xf32, #tpu.memory_space<vmem_shared>>
      tpu.wait_dma2 semaphore(%run_scoped3A : memref<!tpu.dma_semaphore, #tpu.memory_space<semaphore_mem>>) src(%dma_wait3A_57 : memref<632x128xf32, #tpu.memory_space<vmem_shared>>) dst(%dma_wait3A_55 : memref<632x128xf32, #tpu.memory_space<hbm>>)
      tpu.yield
    }) : () -> ()
    "tpu.region"() ({
      %run_scoped3A = tpu.sem_alloc : memref<!tpu.dma_semaphore, #tpu.memory_space<semaphore_mem>>
      %dma_start3A = arith.constant 0 : i32
      %dma_start3A_50 = arith.constant 0 : i32
      %dma_start3A_51 = tpu.memref_slice %arg7[%add3A, %dma_start3A, %dma_start3A_50] : memref<32x80x128xf32, #tpu.memory_space<hbm>> -> memref<1x80x128xf32, #tpu.memory_space<hbm>>
      %dma_start3A_52 = tpu.memref_squeeze %dma_start3A_51 : memref<1x80x128xf32, #tpu.memory_space<hbm>> -> memref<80x128xf32, #tpu.memory_space<hbm>>
      %dma_start3A_53 = arith.constant 0 : i32
      %dma_start3A_54 = arith.constant 0 : i32
      %dma_start3A_55 = tpu.memref_slice %arg7[%add3A, %dma_start3A_53, %dma_start3A_54] : memref<32x80x128xf32, #tpu.memory_space<hbm>> -> memref<1x80x128xf32, #tpu.memory_space<hbm>>
      %dma_start3A_56 = tpu.memref_squeeze %dma_start3A_55 : memref<1x80x128xf32, #tpu.memory_space<hbm>> -> memref<80x128xf32, #tpu.memory_space<hbm>>
      tpu.enqueue_dma source(%arg21 : memref<80x128xf32, #tpu.memory_space<vmem>>) target(%dma_start3A_56 : memref<80x128xf32, #tpu.memory_space<hbm>>) target_semaphore(%run_scoped3A : memref<!tpu.dma_semaphore, #tpu.memory_space<semaphore_mem>>)
      %dma_wait3A = arith.constant 0 : i32
      %dma_wait3A_57 = arith.constant 0 : i32
      %dma_wait3A_58 = tpu.memref_slice %arg7[%add3A, %dma_wait3A, %dma_wait3A_57] : memref<32x80x128xf32, #tpu.memory_space<hbm>> -> memref<1x80x128xf32, #tpu.memory_space<hbm>>
      %dma_wait3A_59 = tpu.memref_squeeze %dma_wait3A_58 : memref<1x80x128xf32, #tpu.memory_space<hbm>> -> memref<80x128xf32, #tpu.memory_space<hbm>>
      %dma_wait3A_60 = arith.constant 0 : i32
      %dma_wait3A_61 = arith.constant 0 : i32
      %dma_wait3A_62 = tpu.memref_slice %arg7[%add3A, %dma_wait3A_60, %dma_wait3A_61] : memref<32x80x128xf32, #tpu.memory_space<hbm>> -> memref<1x80x128xf32, #tpu.memory_space<hbm>>
      %dma_wait3A_63 = tpu.memref_squeeze %dma_wait3A_62 : memref<1x80x128xf32, #tpu.memory_space<hbm>> -> memref<80x128xf32, #tpu.memory_space<hbm>>
      tpu.wait_dma2 semaphore(%run_scoped3A : memref<!tpu.dma_semaphore, #tpu.memory_space<semaphore_mem>>) src(%arg21 : memref<80x128xf32, #tpu.memory_space<vmem>>) dst(%dma_wait3A_63 : memref<80x128xf32, #tpu.memory_space<hbm>>)
      tpu.yield
    }) : () -> ()
    return
  }
}

module attributes {stable_mosaic.version = 14 : i64} {
  func.func @body(%arg0: i32, %arg1: memref<2x1024x128xf32, #tpu.memory_space<vmem>>, %arg2: memref<1024x1xf32, #tpu.memory_space<vmem>>, %arg3: memref<1024x128xf32, #tpu.memory_space<vmem>>, %arg4: memref<128x128xf32, #tpu.memory_space<vmem>>, %arg5: memref<1x128xf32, #tpu.memory_space<vmem>>, %arg6: memref<128x128xf32, #tpu.memory_space<vmem>>, %arg7: memref<1024x128xf32, #tpu.memory_space<vmem>>) attributes {dimension_semantics = [#tpu.dimension_semantics<arbitrary>], iteration_bounds = array<i64: 10>, scalar_prefetch = 0 : i64, scratch_operands = 0 : i64, tpu.core_type = #tpu.core_type<tc>, window_params = [{transform_indices = @transform_0, window_bounds = array<i64: 2, 1024, 128>}, {transform_indices = @transform_1, window_bounds = array<i64: 1024, 1>}, {transform_indices = @transform_2, window_bounds = array<i64: 1024, 128>}, {pipeline_mode = #tpu.pipeline_mode<synchronous>, transform_indices = @transform_3, window_bounds = array<i64: 128, 128>}, {pipeline_mode = #tpu.pipeline_mode<synchronous>, transform_indices = @transform_4, window_bounds = array<i64: 1, 128>}, {pipeline_mode = #tpu.pipeline_mode<synchronous>, transform_indices = @transform_5, window_bounds = array<i64: 128, 128>}, {transform_indices = @transform_6, window_bounds = array<i64: 1024, 128>}]} {
    %get3A = arith.constant 0 : index
    %get3A_0 = arith.constant 0 : index
    %get3A_1 = arith.constant 0 : index
    %get3A_2 = vector.load %arg1[%get3A, %get3A_0, %get3A_1] : memref<2x1024x128xf32, #tpu.memory_space<vmem>>, vector<1x1024x128xf32>
    %get3A_3 = vector.shape_cast %get3A_2 : vector<1x1024x128xf32> to vector<1024x128xf32>
    %get3A_4 = arith.constant 1 : index
    %get3A_5 = arith.constant 0 : index
    %get3A_6 = arith.constant 0 : index
    %get3A_7 = vector.load %arg1[%get3A_4, %get3A_5, %get3A_6] : memref<2x1024x128xf32, #tpu.memory_space<vmem>>, vector<1x1024x128xf32>
    %get3A_8 = vector.shape_cast %get3A_7 : vector<1x1024x128xf32> to vector<1024x128xf32>
    %add3A = arith.addf %get3A_3, %get3A_8 : vector<1024x128xf32>
    %get3A_9 = arith.constant 0 : index
    %get3A_10 = arith.constant 0 : index
    %get3A_11 = vector.load %arg2[%get3A_9, %get3A_10] : memref<1024x1xf32, #tpu.memory_space<vmem>>, vector<1024x1xf32>
    %max3A = arith.constant 1.000000e+00 : f32
    %max3A_12 = vector.broadcast %max3A : f32 to vector<1024x1xf32>
    %max3A_13 = arith.maximumf %get3A_11, %max3A_12 : vector<1024x1xf32>
    %div3A = vector.broadcast %max3A_13 : vector<1024x1xf32> to vector<1024x128xf32>
    %div3A_14 = arith.divf %add3A, %div3A : vector<1024x128xf32>
    %get3A_15 = arith.constant 0 : index
    %get3A_16 = arith.constant 0 : index
    %get3A_17 = vector.load %arg4[%get3A_15, %get3A_16] : memref<128x128xf32, #tpu.memory_space<vmem>>, vector<128x128xf32>
    %dot_general3A = arith.constant dense<0.000000e+00> : vector<1024x128xf32>
    %dot_general3A_18 = tpu.matmul %div3A_14, %get3A_17, %dot_general3A {dimension_numbers = #tpu.dot_dimension_numbers<[1], [1], [0], [0], [0, 0, 1, 0], [], []>, transpose_lhs_hint = false} : vector<1024x128xf32>, vector<128x128xf32>, vector<1024x128xf32> -> vector<1024x128xf32>
    %get3A_19 = arith.constant 0 : index
    %get3A_20 = arith.constant 0 : index
    %get3A_21 = vector.load %arg5[%get3A_19, %get3A_20] : memref<1x128xf32, #tpu.memory_space<vmem>>, vector<1x128xf32>
    %add3A_22 = vector.broadcast %get3A_21 : vector<1x128xf32> to vector<1024x128xf32>
    %add3A_23 = arith.addf %dot_general3A_18, %add3A_22 : vector<1024x128xf32>
    %get3A_24 = arith.constant 0 : index
    %get3A_25 = arith.constant 0 : index
    %get3A_26 = vector.load %arg3[%get3A_24, %get3A_25] : memref<1024x128xf32, #tpu.memory_space<vmem>>, vector<1024x128xf32>
    %get3A_27 = arith.constant 0 : index
    %get3A_28 = arith.constant 0 : index
    %get3A_29 = vector.load %arg6[%get3A_27, %get3A_28] : memref<128x128xf32, #tpu.memory_space<vmem>>, vector<128x128xf32>
    %dot_general3A_30 = arith.constant dense<0.000000e+00> : vector<1024x128xf32>
    %dot_general3A_31 = tpu.matmul %get3A_26, %get3A_29, %dot_general3A_30 {dimension_numbers = #tpu.dot_dimension_numbers<[1], [1], [0], [0], [0, 0, 1, 0], [], []>, transpose_lhs_hint = false} : vector<1024x128xf32>, vector<128x128xf32>, vector<1024x128xf32> -> vector<1024x128xf32>
    %add3A_32 = arith.addf %add3A_23, %dot_general3A_31 : vector<1024x128xf32>
    %swap3A = arith.constant 0 : index
    %swap3A_33 = arith.constant 0 : index
    %swap3A_34 = vector.load %arg7[%swap3A, %swap3A_33] : memref<1024x128xf32, #tpu.memory_space<vmem>>, vector<1024x128xf32>
    tpu.vector_store %arg7[%swap3A, %swap3A_33], %add3A_32 {strides = array<i32>} : memref<1024x128xf32, #tpu.memory_space<vmem>>, vector<1024x128xf32>,
    return
  }
  func.func @transform_0(%arg0: i32) -> (i32, i32, i32) {
    %c0_i32 = arith.constant 0 : i32
    %c0_i32_0 = arith.constant 0 : i32
    %c0_i32_1 = arith.constant 0 : i32
    return %c0_i32, %arg0, %c0_i32_0 : i32, i32, i32
  }
  func.func @transform_1(%arg0: i32) -> (i32, i32) {
    %c0_i32 = arith.constant 0 : i32
    %c0_i32_0 = arith.constant 0 : i32
    return %arg0, %c0_i32 : i32, i32
  }
  func.func @transform_2(%arg0: i32) -> (i32, i32) {
    %c0_i32 = arith.constant 0 : i32
    %c0_i32_0 = arith.constant 0 : i32
    return %arg0, %c0_i32 : i32, i32
  }
  func.func @transform_3(%arg0: i32) -> (i32, i32) {
    %c0_i32 = arith.constant 0 : i32
    %c0_i32_0 = arith.constant 0 : i32
    %c0_i32_1 = arith.constant 0 : i32
    return %c0_i32, %c0_i32_0 : i32, i32
  }
  func.func @transform_4(%arg0: i32) -> (i32, i32) {
    %c0_i32 = arith.constant 0 : i32
    %c0_i32_0 = arith.constant 0 : i32
    %c0_i32_1 = arith.constant 0 : i32
    return %c0_i32, %c0_i32_0 : i32, i32
  }
  func.func @transform_5(%arg0: i32) -> (i32, i32) {
    %c0_i32 = arith.constant 0 : i32
    %c0_i32_0 = arith.constant 0 : i32
    %c0_i32_1 = arith.constant 0 : i32
    return %c0_i32, %c0_i32_0 : i32, i32
  }
  func.func @transform_6(%arg0: i32) -> (i32, i32) {
    %c0_i32 = arith.constant 0 : i32
    %c0_i32_0 = arith.constant 0 : i32
    return %arg0, %c0_i32 : i32, i32
  }
}

module attributes {stable_mosaic.version = 14 : i64} {
  func.func @body(%arg0: i32, %arg1: memref<2x1024x128xf32, #tpu.memory_space<vmem>>, %arg2: memref<1024x1xf32, #tpu.memory_space<vmem>>, %arg3: memref<1024x128xf32, #tpu.memory_space<vmem>>, %arg4: memref<128x128xf32, #tpu.memory_space<vmem>>, %arg5: memref<1x128xf32, #tpu.memory_space<vmem>>, %arg6: memref<128x128xf32, #tpu.memory_space<vmem>>, %arg7: memref<1024x128xf32, #tpu.memory_space<vmem>>) attributes {dimension_semantics = [#tpu.dimension_semantics<arbitrary>], iteration_bounds = array<i64: 10>, scalar_prefetch = 0 : i64, scratch_operands = 0 : i64, tpu.core_type = #tpu.core_type<tc>, window_params = [{transform_indices = @transform_0, window_bounds = array<i64: 2, 1024, 128>}, {transform_indices = @transform_1, window_bounds = array<i64: 1024, 1>}, {transform_indices = @transform_2, window_bounds = array<i64: 1024, 128>}, {pipeline_mode = #tpu.pipeline_mode<synchronous>, transform_indices = @transform_3, window_bounds = array<i64: 128, 128>}, {pipeline_mode = #tpu.pipeline_mode<synchronous>, transform_indices = @transform_4, window_bounds = array<i64: 1, 128>}, {pipeline_mode = #tpu.pipeline_mode<synchronous>, transform_indices = @transform_5, window_bounds = array<i64: 128, 128>}, {transform_indices = @transform_6, window_bounds = array<i64: 1024, 128>}]} {
    %get3A = arith.constant 0 : index
    %get3A_0 = arith.constant 0 : index
    %get3A_1 = arith.constant 0 : index
    %get3A_2 = vector.load %arg1[%get3A, %get3A_0, %get3A_1] : memref<2x1024x128xf32, #tpu.memory_space<vmem>>, vector<1x1024x128xf32>
    %get3A_3 = vector.shape_cast %get3A_2 : vector<1x1024x128xf32> to vector<1024x128xf32>
    %get3A_4 = arith.constant 1 : index
    %get3A_5 = arith.constant 0 : index
    %get3A_6 = arith.constant 0 : index
    %get3A_7 = vector.load %arg1[%get3A_4, %get3A_5, %get3A_6] : memref<2x1024x128xf32, #tpu.memory_space<vmem>>, vector<1x1024x128xf32>
    %get3A_8 = vector.shape_cast %get3A_7 : vector<1x1024x128xf32> to vector<1024x128xf32>
    %add3A = arith.addf %get3A_3, %get3A_8 : vector<1024x128xf32>
    %get3A_9 = arith.constant 0 : index
    %get3A_10 = arith.constant 0 : index
    %get3A_11 = vector.load %arg2[%get3A_9, %get3A_10] : memref<1024x1xf32, #tpu.memory_space<vmem>>, vector<1024x1xf32>
    %max3A = arith.constant 1.000000e+00 : f32
    %max3A_12 = vector.broadcast %max3A : f32 to vector<1024x1xf32>
    %max3A_13 = arith.maximumf %get3A_11, %max3A_12 : vector<1024x1xf32>
    %div3A = vector.broadcast %max3A_13 : vector<1024x1xf32> to vector<1024x128xf32>
    %div3A_14 = arith.divf %add3A, %div3A : vector<1024x128xf32>
    %get3A_15 = arith.constant 0 : index
    %get3A_16 = arith.constant 0 : index
    %get3A_17 = vector.load %arg4[%get3A_15, %get3A_16] : memref<128x128xf32, #tpu.memory_space<vmem>>, vector<128x128xf32>
    %dot_general3A = arith.constant dense<0.000000e+00> : vector<1024x128xf32>
    %dot_general3A_18 = tpu.matmul %div3A_14, %get3A_17, %dot_general3A {dimension_numbers = #tpu.dot_dimension_numbers<[1], [1], [0], [0], [0, 0, 1, 0], [], []>, transpose_lhs_hint = false} : vector<1024x128xf32>, vector<128x128xf32>, vector<1024x128xf32> -> vector<1024x128xf32>
    %get3A_19 = arith.constant 0 : index
    %get3A_20 = arith.constant 0 : index
    %get3A_21 = vector.load %arg5[%get3A_19, %get3A_20] : memref<1x128xf32, #tpu.memory_space<vmem>>, vector<1x128xf32>
    %add3A_22 = vector.broadcast %get3A_21 : vector<1x128xf32> to vector<1024x128xf32>
    %add3A_23 = arith.addf %dot_general3A_18, %add3A_22 : vector<1024x128xf32>
    %get3A_24 = arith.constant 0 : index
    %get3A_25 = arith.constant 0 : index
    %get3A_26 = vector.load %arg3[%get3A_24, %get3A_25] : memref<1024x128xf32, #tpu.memory_space<vmem>>, vector<1024x128xf32>
    %get3A_27 = arith.constant 0 : index
    %get3A_28 = arith.constant 0 : index
    %get3A_29 = vector.load %arg6[%get3A_27, %get3A_28] : memref<128x128xf32, #tpu.memory_space<vmem>>, vector<128x128xf32>
    %dot_general3A_30 = arith.constant dense<0.000000e+00> : vector<1024x128xf32>
    %dot_general3A_31 = tpu.matmul %get3A_26, %get3A_29, %dot_general3A_30 {dimension_numbers = #tpu.dot_dimension_numbers<[1], [1], [0], [0], [0, 0, 1, 0], [], []>, transpose_lhs_hint = false} : vector<1024x128xf32>, vector<128x128xf32>, vector<1024x128xf32> -> vector<1024x128xf32>
    %add3A_32 = arith.addf %add3A_23, %dot_general3A_31 : vector<1024x128xf32>
    %max3A_33 = arith.constant 0.000000e+00 : f32
    %max3A_34 = vector.broadcast %max3A_33 : f32 to vector<1024x128xf32>
    %max3A_35 = arith.maximumf %add3A_32, %max3A_34 : vector<1024x128xf32>
    %swap3A = arith.constant 0 : index
    %swap3A_36 = arith.constant 0 : index
    %swap3A_37 = vector.load %arg7[%swap3A, %swap3A_36] : memref<1024x128xf32, #tpu.memory_space<vmem>>, vector<1024x128xf32>
    tpu.vector_store %arg7[%swap3A, %swap3A_36], %max3A_35 {strides = array<i32>} : memref<1024x128xf32, #tpu.memory_space<vmem>>, vector<1024x128xf32>,
    return
  }
  func.func @transform_0(%arg0: i32) -> (i32, i32, i32) {
    %c0_i32 = arith.constant 0 : i32
    %c0_i32_0 = arith.constant 0 : i32
    %c0_i32_1 = arith.constant 0 : i32
    return %c0_i32, %arg0, %c0_i32_0 : i32, i32, i32
  }
  func.func @transform_1(%arg0: i32) -> (i32, i32) {
    %c0_i32 = arith.constant 0 : i32
    %c0_i32_0 = arith.constant 0 : i32
    return %arg0, %c0_i32 : i32, i32
  }
  func.func @transform_2(%arg0: i32) -> (i32, i32) {
    %c0_i32 = arith.constant 0 : i32
    %c0_i32_0 = arith.constant 0 : i32
    return %arg0, %c0_i32 : i32, i32
  }
  func.func @transform_3(%arg0: i32) -> (i32, i32) {
    %c0_i32 = arith.constant 0 : i32
    %c0_i32_0 = arith.constant 0 : i32
    %c0_i32_1 = arith.constant 0 : i32
    return %c0_i32, %c0_i32_0 : i32, i32
  }
  func.func @transform_4(%arg0: i32) -> (i32, i32) {
    %c0_i32 = arith.constant 0 : i32
    %c0_i32_0 = arith.constant 0 : i32
    %c0_i32_1 = arith.constant 0 : i32
    return %c0_i32, %c0_i32_0 : i32, i32
  }
  func.func @transform_5(%arg0: i32) -> (i32, i32) {
    %c0_i32 = arith.constant 0 : i32
    %c0_i32_0 = arith.constant 0 : i32
    %c0_i32_1 = arith.constant 0 : i32
    return %c0_i32, %c0_i32_0 : i32, i32
  }
  func.func @transform_6(%arg0: i32) -> (i32, i32) {
    %c0_i32 = arith.constant 0 : i32
    %c0_i32_0 = arith.constant 0 : i32
    return %arg0, %c0_i32 : i32, i32
  }
}

</mosaic_0001>

<sc_bundles>
// kernel: kernel.6.cloned.1.call-start
scs
__scs_entry_jumppad:
0x0: {  	(pc) =	sbr.rel $0x88, $3  }
0x1: {  	(tag) =	ssettag $0x0;
	lr =	simm.s32 $0x1  }
0x2: {  	[smem:$0x3F99] =	sst lr;
	_ =	strace $0xD0000000  }
0x3: {  	_ = 	snop  }
0x4: {  	_ = 	snop  }
0x5: {  	_ = 	snop  }
0x6: {  	_ = 	snop  }
0x7: {  	_ = 	snop  }
__scs_overlays_trampoline_lowered:
0x8: {  	[smem:$0x3FA8] =	sst s0  }
0x9: {  	[smem:$0x3FA9] =	sst s1  }
0xa: {  	[smem:$0x3FAA] =	sst s2  }
0xb: {  	[smem:$0x3FAB] =	sst s3  }
0xc: {  	[smem:$0x3FAC] =	sst s4  }
0xd: {  	[smem:$0x3FAD] =	sst s5  }
0xe: {  	[smem:$0x3FAE] =	sst s6  }
0xf: {  	[smem:$0x3FAF] =	sst s7  }
0x10: {  	[smem:$0x3FB0] =	sst s8  }
0x11: {  	[smem:$0x3FB1] =	sst s9;
	s0 =	simm.s32 @!p0 $0x0  }
0x12: {  	s1 =	sld [smem:$0x3F97];
	s0 =	simm.s32 @p0 $0x1  }
0x13: {  	[smem:$0x3FB2] =	sst s0;
	s0 =	simm.s32 @!p1 $0x0  }
0x14: {  	s2 =	sld [smem:$0x3F96];
	s0 =	simm.s32 @p1 $0x1  }
0x15: {  	[smem:$0x3FB3] =	sst s0;
	s0 =	simm.s32 @!p2 $0x0  }
0x16: {  	s3 =	sld [smem:$0x3FDB];
	s0 =	simm.s32 @p2 $0x1  }
0x17: {  	s4 =	simm.s32 $0x1BF5;
	[smem:$0x3FB5] =	sst s0  }
0x18: {  	s0 =	sld [smem:$0x3F98];
	_ =	swait.ge [sflag:s4], $0x0  }
0x19: {  	s7 =	sld [smem:$0x3F99]  }
0x1a: {  	s8 =	sadd.s32 $0xFFFFE003, lr  }
0x1b: {  	s9 =	sadd.s32 $0xFFFFFEF7, lr;
	s5 =	simm.s32 $0xFFFFFFFF;
	p2 =	slt.u32 s8, $0xFFFFF086  }
0x1c: {  	p1 =	slt.u32 s9, $0xF7A;
	s5 =	simm.s32 @!p2 $0x0  }
0x1d: {  	s5 =	simm.s32 @p1 $0x1;
	p0 =	seq.s32 s7, s2  }
0x1e: {  	s7 =	smul.u32 @!p0 $0xF7A, s2;
	p2 =	seq.s32 @!p0 s5, $0x0  }
0x1f: {  	s9 =	smul.u32 $0xF7A, s1;
	s8 =	simm.s32 @!p0 $0x1BF5;
	p2 =	por !p2, p0  }
0x20: {  	[sflag:s8] =	ssyncset.s32 @!p0 $0xFFFFF086;
	s6 =	sadd.s32 @!p0 s3, s7;
	s7 =	simm.s32 @!p0 $0x108  }
0x21: {  	s3 =	sadd.s32 s3, s9;
	s6 =	sadd.s32 @!p0 $0x88, s6;
	s7 =	simm.s32 @p2 $0x1082  }
0x22: {  	[simem:s7], [sflag:s8] =	dma.local @!p0 [hbm:s6], $0xF7A  }
0x23: {  	s9 =	sor.u32 $0xD0000000, s2;
	s6 =	simm.s32 $0x108;
	_ =	swait.ge @!p0 [sflag:s8], $0x0  }
0x24: {  	s3 =	sadd.s32 $0x88, s3;
	s6 =	simm.s32 @!p1 $0x1082;
	[sflag:s4] =	ssyncset.s32 $0xFFFFF086  }
0x25: {  	[simem:s6], [sflag:s4] =	dma.local [hbm:s3], $0xF7A  }
0x26: {  	[smem:$0x3F99] =	sst s1;
	(tag) =	ssettag s2;
	_ =	strace s9  }
0x27: {  	s1 =	sld [smem:$0x3FA9]  }
0x28: {  	s2 =	sld [smem:$0x3FAA]  }
0x29: {  	s4 =	sld [smem:$0x3FAC]  }
0x2a: {  	p0 =	seq.s32 s5, $0x0;
	s5 =	sld [smem:$0x3FAD]  }
0x2b: {  	s6 =	sld [smem:$0x3FAE]  }
0x2c: {  	s7 =	sld [smem:$0x3FAF]  }
0x2d: {  	s3 =	simm.s32 $0x108;
	s8 =	sld [smem:$0x3FB0]  }
0x2e: {  	s3 =	simm.s32 @!p0 $0x1082;
	s9 =	sld [smem:$0x3FB1]  }
0x2f: {  	lr =	sadd.s32 s0, s3;
	s0 =	sld [smem:$0x3FA8]  }
0x30: {  	s3 =	sld [smem:$0x3FAB]  }
0x31: {  	[smem:$0x3FB4] =	sst s10  }
0x32: {  	s10 =	sld [smem:$0x3FB2];
	_ =	sdelay $0x3  }
0x33: {  	p0 =	seq.s32 s10, $0x1;
	s10 =	sld [smem:$0x3FB4];
	_ =	sdelay $0x3  }
0x34: {  	[smem:$0x3FB4] =	sst s10  }
0x35: {  	s10 =	sld [smem:$0x3FB3];
	_ =	sdelay $0x3  }
0x36: {  	p1 =	seq.s32 s10, $0x1;
	s10 =	sld [smem:$0x3FB4];
	_ =	sdelay $0x3  }
0x37: {  	[smem:$0x3FB4] =	sst s10  }
0x38: {  	s10 =	sld [smem:$0x3FB5]  }
0x39: {  	_ = 	snop;
	(pc) =	sbr.ind lr, $3  }
0x3a: {  	_ = 	snop  }
0x3b: {  	_ = 	snop  }
0x3c: {  	p2 =	seq.s32 s10, $0x1;
	s10 =	sld [smem:$0x3FB4]  }
0x3d: {  	_ =	shalt  }
0x3e: {  	_ =	shalt  }
0x3f: {  	_ =	shalt  }
0x40: {  	_ =	shalt  }
0x41: {  	_ =	shalt  }
0x42: {  	_ =	shalt  }
0x43: {  	_ =	shalt  }
0x44: {  	_ =	shalt  }
0x45: {  	_ =	shalt  }
0x46: {  	_ =	shalt  }
0x47: {  	_ =	shalt  }
0x48: {  	_ =	shalt  }
0x49: {  	_ =	shalt  }
0x4a: {  	_ =	shalt  }
0x4b: {  	_ =	shalt  }
0x4c: {  	_ =	shalt  }
0x4d: {  	_ =	shalt  }
0x4e: {  	_ =	shalt  }
0x4f: {  	_ =	shalt  }
0x50: {  	_ =	shalt  }
0x51: {  	_ =	shalt  }
0x52: {  	_ =	shalt  }
0x53: {  	_ =	shalt  }
0x54: {  	_ =	shalt  }
0x55: {  	_ =	shalt  }
0x56: {  	_ =	shalt  }
0x57: {  	_ =	shalt  }
0x58: {  	_ =	shalt  }
0x59: {  	_ =	shalt  }
0x5a: {  	_ =	shalt  }
0x5b: {  	_ =	shalt  }
0x5c: {  	_ =	shalt  }
0x5d: {  	_ =	shalt  }
0x5e: {  	_ =	shalt  }
0x5f: {  	_ =	shalt  }
0x60: {  	_ =	shalt  }
0x61: {  	_ =	shalt  }
0x62: {  	_ =	shalt  }
0x63: {  	_ =	shalt  }
0x64: {  	_ =	shalt  }
0x65: {  	_ =	shalt  }
0x66: {  	_ =	shalt  }
0x67: {  	_ =	shalt  }
0x68: {  	_ =	shalt  }
0x69: {  	_ =	shalt  }
0x6a: {  	_ =	shalt  }
0x6b: {  	_ =	shalt  }
0x6c: {  	_ =	shalt  }
0x6d: {  	_ =	shalt  }
0x6e: {  	_ =	shalt  }
0x6f: {  	_ =	shalt  }
0x70: {  	_ =	shalt  }
0x71: {  	_ =	shalt  }
0x72: {  	_ =	shalt  }
0x73: {  	_ =	shalt  }
0x74: {  	_ =	shalt  }
0x75: {  	_ =	shalt  }
0x76: {  	_ =	shalt  }
0x77: {  	_ =	shalt  }
0x78: {  	_ =	shalt  }
0x79: {  	_ =	shalt  }
0x7a: {  	_ =	shalt  }
0x7b: {  	_ =	shalt  }
0x7c: {  	_ =	shalt  }
0x7d: {  	_ =	shalt  }
0x7e: {  	_ =	shalt  }
0x7f: {  	_ =	shalt  }
0x80: {  	_ =	shalt  }
0x81: {  	_ =	shalt  }
0x82: {  	_ =	shalt  }
0x83: {  	_ =	shalt  }
0x84: {  	_ =	shalt  }
0x85: {  	_ =	shalt  }
0x86: {  	_ =	shalt  }
0x87: {  	_ =	shalt  }
.Lfunc_end0:
.L_simem_size_0:
called_computation_lowered:
.L_overlay_start_0:
0x88: {  	s2 =	sld [smem:$0x3FD9]  }
0x89: {  	s3 =	sld [smem:$0x3FFE];
	_ =	sdelay $0x1  }
0x8a: {  	s1 =	srdreg.scid  }
0x8b: {  	s0 =	sand.u32 $0x1, s1  }
0x8c: {  	s17 =	sshll.u32 s0, $0xA;
	s2 =	sadd.s32 s3, s2  }
0x8d: {  	s2 =	sadd.s32 s2, s17  }
0x8e: {  	[smem:$0x3FC0] =	sst s2  }
0x8f: {  	_ = 	snop  }
0x90: {  	s2 =	sld [smem:$0x3FC9]  }
0x91: {  	s18 =	sld [smem:$0x3FC8]  }
0x92: {  	s4 =	sld [smem:$0x3FD0];
	(tm) =	ssettm $0x1  }
0x93: {  	s5 =	sld [smem:$0x3FFB];
	_ =	sdelay $0x3  }
0x94: {  	_ =	strace s5  }
0x95: {  	s5 =	sld [smem:$0x3FFC];
	_ =	sdelay $0x3  }
0x96: {  	_ =	strace s5  }
0x97: {  	s5 =	sld [smem:$0x3FFD];
	_ =	sdelay $0x3  }
0x98: {  	_ =	strace s5  }
0x99: {  	_ =	strace $0x8FFFFFFF  }
0x9a: {  	s19 =	sld [smem:$0x3FDB];
	_ =	sdelay $0x1  }
0x9b: {  	s6 =	simm.s32 $_scs_section_size  }
0x9c: {  	s7 =	simm.s32 $_size__tile_overlayer_lowered;
	s8 =	simm.s32 $_tile_overlayer_lowered  }
0x9d: {  	s22 =	simm.s32 $0x1BFF;
	s21 =	sshll.u32 s8, $0x1;
	s5 =	sadd.s32 s6, s19  }
0x9e: {  	s9 =	simm.s32 $0x0;
	s20 =	sshll.u32 s7, $0x1;
	s7 =	sadd.s32 s21, s5  }
0x9f: {  	[timem:s9], [sflag:s22] =	dma.local [hbm:s7], s20  }
0xa0: {  	_ =	swait.ge [sflag:s22], s20  }
0xa1: {  	s6 =	ssub.s32 $0x0, s20;
	[sflag:s22] =	ssyncset.done $0x0  }
0xa2: {  	[sflag:s22] =	ssyncadd.s32 s6;
	_ =	sdelay $0x1  }
0xa3: {  	s23 =	simm.s32 $0x1B8B  }
0xa4: {  	_ =	swait.ge [sflag:s23], $0x1  }
0xa5: {  	[sflag:s23] =	ssyncset.done $0x0  }
0xa6: {  	s25 =	simm.s32 $0x1B8E;
	s24 =	sld [smem:$0x3FFE];
	[sflag:s23] =	ssyncadd.s32 $0xFFFFFFFF  }
0xa7: {  	s26 =	simm.s32 $execute0_lowered;
	[smem:$0x3FD2] =	sst s25  }
0xa8: {  	s7 =	sshll.u32 s26, $0x1;
	_ =	strace $0x80000046;
	[dreg:$0x1] =	wrdreg $0xFFFFFFFF  }
0xa9: {  	s28 =	simm.s32 $_size_execute0_lowered;
	s5 =	sadd.s32 s5, s7;
	[dreg:$0x0] =	wrdreg $0x0  }
0xaa: {  	s7 =	sshll.u32 s28, $0x1;
	[dreg:$0x2] =	wrdreg s5  }
0xab: {  	[dreg:$0x3] =	wrdreg s7  }
0xac: {  	[dreg:$0x4] =	wrdreg $0xC0  }
0xad: {  	_ =	task [dreg:s9], $0x5FFFF  }
0xae: {  	[dreg:$0x1] =	wrdreg $0xFFFFFFFF  }
0xaf: {  	[dreg:$0x0] =	wrdreg $0x60  }
0xb0: {  	[dreg:$0x2] =	wrdreg s2  }
0xb1: {  	[dreg:$0x3] =	wrdreg s18  }
0xb2: {  	[dreg:$0x4] =	wrdreg s24  }
0xb3: {  	[dreg:$0x5] =	wrdreg s4  }
0xb4: {  	[dreg:$0x6] =	wrdreg $0x90000  }
0xb5: {  	[dreg:$0x7] =	wrdreg $0x9  }
0xb6: {  	_ =	task.clear_ibuf [dreg:s9], $0x8FFFF;
	_ =	strace $0x90000046  }
0xb7: {  	s29 =	simm.s32 $0x9;
	_ =	strace $0x80000048  }
0xb8: {  	_ =	swait.ge [sflag:s29], $0x1  }
0xb9: {  	[sflag:s29] =	ssyncadd.s32 $0xFFFFFFFF  }
0xba: {  	_ =	strace $0x90000048  }
0xbb: {  	_ =	sfence  }
0xbc: {  	s30 =	sld [smem:$0x0];
	_ =	sdelay $0x2  }
0xbd: {  	s31 =	sshll.u32 s1, $0xD;
	s1 =	sshrl.u32 s1, $0x2  }
0xbe: {  	s3 =	sand.u32 $0x4000, s31;
	s1 =	sadd.s32 s1, s30  }
0xbf: {  	s0 =	sor.u32 s3, s0;
	s1 =	sshll.u32 s1, $0x11  }
0xc0: {  	s0 =	sor.u32 s1, s0  }
0xc1: {  	s0 =	sadd.s32 $0x8F2B, s0  }
0xc2: {  	[sflag:s0] =	ssyncadd.remote.s32 $0x1  }
0xc3: {  	_ =	sfence.sel $0xFFFF  }
0xc4: {  	[dreg:$0x0] =	wrdreg $0xFFFFFFFF;
	(pc) =	sbr.abs _section_cstart, $3  }
0xc5: {  	[dreg:$0x1] =	wrdreg $0xFFFFFFFF  }
0xc6: {  	_ =	task.clear_ibuf [dreg:s9], $0x2FFFF;
	_ =	strace $0x9FFFFFFF  }
0xc7: {  	(tm) =	ssettm $0x7FFFFFFF  }
tec
execute0_lowered:
.L_overlay_start_1:
0x0: {  	(tag) =	ssettag $0x1  }
0x1: {  	s0 =	rddreg [dreg:$0x0]  }
0x2: {  	s12 =	rddreg [dreg:$0x1]  }
0x3: {  	s1 =	rddreg [dreg:$0x2]  }
0x4: {  	s2 =	rddreg [dreg:$0x3]  }
0x5: {  	s3 =	srdreg.scid;
	s4 =	rddreg [dreg:$0x4]  }
0x6: {  	s13 =	stileid.u32;
	s7 =	simm.s32 $0x0;
	s28 =	simm.s32 $0x5  }
0x7: {  	s29 =	simm.s32 $0x80;
	s30 =	simm.s32 $0x5000;
	s31 =	simm.s32 $0x1CC00  }
0x8: {  	s3 =	sand.u32 $0x1, s3;
	s6 =	smul.u32 $0x13C00, s13;
	[smem:$0x7FF] =	sst s7  }
0x9: {  	s8 =	smul.u32 $0x4F000, s13;
	s7 =	sadd.s32 $0x2000, s1;
	s11 =	sshll.u32 s13, $0x1  }
0xa: {  	s16 =	smul.u32 $0xA000, s13;
	s21 =	sadd.s32 $0x1A80, s1;
	s13 =	simm.s32 $0xF00  }
0xb: {  	s5 =	smul.u32 $0x13C000, s3;
	_ =	strace $0x80000047;
	s9 =	ssub.s32 $0x2, s3  }
0xc: {  	[dreg:$0xf] =	wrdreg s21;
	s21 =	simm.s32 $0xE00;
	s10 =	sshrl.u32 s9, $0x1  }
0xd: {  	s8 =	sshrl.u32 s8, $0x2;
	s5 =	sadd.s32 s6, s5;
	s6 =	sadd.s32 $0x1A00, s1  }
0xe: {  	s9 =	ssub.s32 s9, s10;
	s10 =	sor.u32 s3, s11;
	s26 =	sadd.s32 s8, s4  }
0xf: {  	s3 =	smul.u32 $0x5000, s3;
	s5 =	sshrl.u32 s5, $0x3;
	s8 =	sadd.s32 $0x4000, s26  }
0x10: {  	s14 =	sadd.s32 $0x8000, s26;
	s15 =	smul.u32 $0xA00, s10;
	[dreg:$0x6] =	wrdreg s26  }
0x11: {  	s11 =	sadd.s32 $0x10000, s26;
	s19 =	smul.u32 $0x500, s10;
	s25 =	smax.u32 s9, $0x1  }
0x12: {  	p0 =	seq.s32 s10, $0x1F;
	s9 =	simm.s32 $0x3;
	[dreg:$0x7] =	wrdreg s8  }
0x13: {  	s5 =	sadd.s32 s5, s1;
	[dreg:$0x8] =	wrdreg s14;
	s14 =	sadd.s32 $0xC000, s26  }
0x14: {  	[dreg:$0xa] =	wrdreg s11;
	s3 =	sadd.s32 s3, s16;
	s1 =	sadd.s32 $0x2080, s1  }
0x15: {  	[dreg:$0x13] =	wrdreg s25;
	s25 =	simm.s32 $0x1000;
	s11 =	simm.s32 $0x2  }
0x16: {  	[dreg:$0x9] =	wrdreg s14;
	s17 =	sadd.s32 s12, s15;
	s14 =	sadd.s32 $0x10, s12  }
0x17: {  	[dreg:$0x10] =	wrdreg s1;
	s22 =	sadd.s32 s2, s19;
	s23 =	sadd.s32 $0x1800, s3  }
0x18: {  	s24 =	sadd.s32 $0x2600, s5;
	s26 =	sadd.s32 $0x1000, s3;
	s5 =	simm.s32 $0x7  }
0x19: {  	s2 =	simm.s32 $0x1;
	s19 =	simm.s32 $0xD80;
	[dreg:$0xb] =	wrdreg s17  }
0x1a: {  	s3 =	simm.s32 $0x0;
	s8 =	sadd.s32 s15, s14;
	[dreg:$0x11] =	wrdreg s22  }
0x1b: {  	s18 =	sadd.s32 $0x100, s17;
	s20 =	sadd.s32 $0x110, s17;
	[dreg:$0x12] =	wrdreg s24  }
.Ltmp0:
0x1c: {  	s1 =	sshrl.u32 s23, $0x3;
	[dreg:$0x14] =	wrdreg s26;
	(pc) =	sbr.rel .LBB2_1-.Ltmp0, $4  }
0x1d: {  	s15 =	simm.s32 $0x4;
	s26 =	simm.s32 $0x6;
	[dreg:$0xc] =	wrdreg s8  }
0x1e: {  	s22 =	simm.s32 $0x700;
	s23 =	simm.s32 $0xE80;
	[dreg:$0xd] =	wrdreg s18  }
0x1f: {  	s24 =	simm.s32 $0x780;
	[dreg:$0xe] =	wrdreg s20;
	s1 =	sadd.s32 s1, s14  }
0x20: {  	v0 =	vimm.f32 $0.0e+00;
	v1 =	vimm.f32 $1.000000000e+00;
	s20 =	simm.s32 $0x680;
	s8 =	simm.s32 $0xF80;
	[dreg:$0x15] =	wrdreg s1  }
.LBB2_8:
0x21: {  	s1 =	stileid.u32;
	[bflag:$0x0] =	sbarrier.arrive $0xFFFF  }
0x22: {  	s1 =	sshll.u32 s1, $0x6;
	s3 =	rddreg [dreg:$0x6]  }
0x23: {  	s5 =	rddreg [dreg:$0x12];
	s1 =	sor.u32 $0x1C07, s1;
	s3 =	sshrl.u32 s3, $0x3  }
0x24: {  	[hbm:s5], [sflag:s1] =	dma.local [spmem:s3], $0x2780  }
0x25: {  	s5 =	simm.s32 $0x7  }
0x26: {  	_ =	swait.ge [sflag:s5], $0x2780  }
0x27: {  	[sflag:s5] =	ssyncset.done $0x0  }
0x28: {  	s12 =	simm.s32 $0x0;
	s16 =	rddreg [dreg:$0x11];
	[sflag:s5] =	ssyncadd.s32 $0xFFFFD880  }
0x29: {  	[hbm4b:s16+s12] =	stream.linear.scatter [tilespmem:s31], [sflag:$0x7], $0x2800, $0x38;
	[tilespmem:$0x1F400] =	vst v63  }
0x2a: {  	_ =	swait.ge [sflag:s5], $0x2800  }
0x2b: {  	s17 =	rddreg [dreg:$0x16]  }
0x2c: {  	s18 =	rddreg [dreg:$0x13];
	s3 =	sadd.s32 $0x1, s17  }
0x2d: {  	p1 =	sne.s32 s3, s18  }
.Ltmp1:
0x2e: {  	_ = 	snop;
	(pc) =	sbr.rel @!p1 .LBB2_9-.Ltmp1, $3  }
0x2f: {  	_ =	sdelay $0x1  }
0x30: {  	[sflag:s5] =	ssyncset.done $0x0  }
0x31: {  	[sflag:s5] =	ssyncadd.s32 $0xFFFFD800  }
.LBB2_1:
0x32: {  	[dreg:$0x16] =	wrdreg s3;
	s1 =	simm.s32 $0x0;
	s3 =	simm.s32 $0x200  }
.LBB2_2:
0x33: {  	p1 =	sne.s32 s3, $0xFE00;
	[tilespmem:s1+$0x1070] =	vst v0  }
0x34: {  	[tilespmem:s1+$0x1000] =	vst v0  }
0x35: {  	[tilespmem:s1+$0x1010] =	vst v0  }
.Ltmp2:
0x36: {  	[tilespmem:s1+$0x1020] =	vst v0;
	(pc) =	sbr.rel @p1 .LBB2_2-.Ltmp2, $4  }
0x37: {  	[tilespmem:s1+$0x1030] =	vst v0  }
0x38: {  	[tilespmem:s1+$0x1040] =	vst v0  }
0x39: {  	[tilespmem:s1+$0x1050] =	vst v0  }
0x3a: {  	[tilespmem:s1+$0x1060] =	vst v0;
	s1 =	sshra.s32 s3, $0x2;
	s3 =	sadd.s32 $0x200, s3  }
0x3b: {  	[tilespmem:s1+$0x1070] =	vst v0  }
0x3c: {  	[tilespmem:s1+$0x1000] =	vst v0  }
0x3d: {  	[tilespmem:s1+$0x1010] =	vst v0  }
0x3e: {  	[tilespmem:s1+$0x1020] =	vst v0  }
0x3f: {  	[tilespmem:s1+$0x1030] =	vst v0  }
0x40: {  	[tilespmem:s1+$0x1040] =	vst v0  }
0x41: {  	[tilespmem:s1+$0x1050] =	vst v0  }
0x42: {  	[tilespmem:s1+$0x1060] =	vst v0;
	s10 =	rddreg [dreg:$0x6]  }
0x43: {  	[spmem:s10] =	stream.linear.scatter [tilespmem:s25], [sflag:$0x7], $0x4000, $0x38;
	[tilespmem:$0x1F400] =	vst v63  }
0x44: {  	_ =	swait.ge [sflag:s5], $0x4000  }
0x45: {  	[sflag:s5] =	ssyncset.done $0x0  }
0x46: {  	s12 =	rddreg [dreg:$0x7];
	[sflag:s5] =	ssyncadd.s32 $0xFFFFC000  }
0x47: {  	[spmem:s12] =	stream.linear.scatter [tilespmem:s25], [sflag:$0x7], $0x4000, $0x38;
	[tilespmem:$0x1F400] =	vst v63  }
0x48: {  	_ =	swait.ge [sflag:s5], $0x4000  }
0x49: {  	[sflag:s5] =	ssyncset.done $0x0  }
0x4a: {  	s16 =	rddreg [dreg:$0x8];
	[sflag:s5] =	ssyncadd.s32 $0xFFFFC000  }
0x4b: {  	[spmem:s16] =	stream.linear.scatter [tilespmem:s25], [sflag:$0x7], $0x4000, $0x38;
	[tilespmem:$0x1F400] =	vst v63  }
0x4c: {  	_ =	swait.ge [sflag:s5], $0x4000  }
0x4d: {  	[sflag:s5] =	ssyncset.done $0x0  }
0x4e: {  	s17 =	rddreg [dreg:$0x9];
	[sflag:s5] =	ssyncadd.s32 $0xFFFFC000  }
0x4f: {  	[spmem:s17] =	stream.linear.scatter [tilespmem:s25], [sflag:$0x7], $0x4000, $0x38;
	[tilespmem:$0x1F400] =	vst v63  }
0x50: {  	_ =	swait.ge [sflag:s5], $0x4000  }
0x51: {  	[sflag:s5] =	ssyncset.done $0x0  }
0x52: {  	s18 =	rddreg [dreg:$0xa];
	[sflag:s5] =	ssyncadd.s32 $0xFFFFC000  }
0x53: {  	[spmem:s18] =	stream.linear.scatter [tilespmem:s25], [sflag:$0x7], $0x3C00, $0x38;
	[tilespmem:$0x1F400] =	vst v63  }
0x54: {  	_ =	swait.ge [sflag:s5], $0x3C00  }
0x55: {  	[sflag:s5] =	ssyncset.done $0x0  }
0x56: {  	s1 =	simm.s32 $0x0;
	s3 =	simm.s32 $0x200;
	[sflag:s5] =	ssyncadd.s32 $0xFFFFC400  }
.LBB2_4:
0x57: {  	p1 =	sne.s32 s3, $0x9E00;
	[tilespmem:s1+$0x1CC70] =	vst v0  }
0x58: {  	[tilespmem:s1+$0x1CC00] =	vst v0  }
0x59: {  	[tilespmem:s1+$0x1CC10] =	vst v0  }
.Ltmp3:
0x5a: {  	[tilespmem:s1+$0x1CC20] =	vst v0;
	(pc) =	sbr.rel @p1 .LBB2_4-.Ltmp3, $4  }
0x5b: {  	[tilespmem:s1+$0x1CC30] =	vst v0  }
0x5c: {  	[tilespmem:s1+$0x1CC40] =	vst v0  }
0x5d: {  	[tilespmem:s1+$0x1CC50] =	vst v0  }
0x5e: {  	[tilespmem:s1+$0x1CC60] =	vst v0;
	s1 =	sshra.s32 s3, $0x2;
	s3 =	sadd.s32 $0x200, s3  }
0x5f: {  	[tilespmem:s1+$0x1CC70] =	vst v0  }
0x60: {  	[tilespmem:s1+$0x1CC00] =	vst v0  }
0x61: {  	[tilespmem:s1+$0x1CC10] =	vst v0  }
0x62: {  	[tilespmem:s1+$0x1CC20] =	vst v0  }
0x63: {  	[tilespmem:s1+$0x1CC30] =	vst v0  }
0x64: {  	[tilespmem:s1+$0x1CC40] =	vst v0  }
0x65: {  	[tilespmem:s1+$0x1CC50] =	vst v0  }
0x66: {  	[tilespmem:s1+$0x1CC60] =	vst v0  }
0x67: {  	s1 =	simm.s32 @p0 $0x0;
	[bflag:$0x0] =	sbarrier.arrive $0xFFFF  }
0x68: {  	[tilespmem:s1], [sflag:$0x5] =	stream.linear.gather @p0 [hbm4b:s6+s1], $0x400, $0x38;
	[tilespmem:$0x1F400] =	vst v63  }
0x69: {  	s3 =	simm.s32 @p0 $0x800;
	s5 =	rddreg [dreg:$0xf]  }
0x6a: {  	[tilespmem:s3], [sflag:$0x5] =	stream.linear.gather @p0 [hbm4b:s7+s1], $0x400, $0x38;
	[tilespmem:$0x1F400] =	vst v63  }
0x6b: {  	s10 =	rddreg [dreg:$0xb];
	s3 =	simm.s32 @p0 $0x400  }
0x6c: {  	[tilespmem:s3], [sflag:$0x6] =	stream.linear.gather @p0 [hbm4b:s5+s1], $0x400, $0x38;
	[tilespmem:$0x1F400] =	vst v63  }
0x6d: {  	s3 =	simm.s32 @p0 $0xC00;
	s5 =	rddreg [dreg:$0x10]  }
0x6e: {  	[tilespmem:s3], [sflag:$0x6] =	stream.linear.gather @p0 [hbm4b:s5+s1], $0x400, $0x38;
	[tilespmem:$0x1F400] =	vst v63  }
0x6f: {  	s1 =	simm.s32 @!p0 $0x80;
	s3 =	simm.s32 @!p0 $0x100;
	s5 =	simm.s32 @!p0 $0x0  }
0x70: {  	[tilespmem:s5], [sflag:$0x5] =	stream.strided.gather @!p0 [hbm4b:s10+s1], $0x400, s3, s1, $0x38;
	[tilespmem:$0x1F400] =	vst v63  }
0x71: {  	s5 =	simm.s32 @!p0 $0x800;
	s10 =	rddreg [dreg:$0xc]  }
0x72: {  	[tilespmem:s5], [sflag:$0x5] =	stream.strided.gather @!p0 [hbm4b:s10+s1], $0x400, s3, s1, $0x38;
	[tilespmem:$0x1F400] =	vst v63  }
0x73: {  	s5 =	simm.s32 @!p0 $0x400;
	s10 =	rddreg [dreg:$0xd]  }
0x74: {  	[tilespmem:s5], [sflag:$0x6] =	stream.strided.gather @!p0 [hbm4b:s10+s1], $0x400, s3, s1, $0x38;
	[tilespmem:$0x1F400] =	vst v63  }
0x75: {  	s5 =	simm.s32 @!p0 $0xC00;
	s10 =	rddreg [dreg:$0xe]  }
0x76: {  	[tilespmem:s5], [sflag:$0x6] =	stream.strided.gather @!p0 [hbm4b:s10+s1], $0x400, s3, s1, $0x38;
	[tilespmem:$0x1F400] =	vst v63  }
0x77: {  	s5 =	rddreg [dreg:$0x15]  }
0x78: {  	s1 =	simm.s32 $0x0;
	s3 =	rddreg [dreg:$0x14]  }
.LBB2_6:
0x79: {  	_ =	swait.ge [sflag:s28], $0x400  }
0x7a: {  	[sflag:s28] =	ssyncset.done $0x0  }
0x7b: {  	[sflag:s28] =	ssyncadd.s32 $0xFFFFFC00  }
0x7c: {  	_ =	swait.ge [sflag:s28], $0x400  }
0x7d: {  	[sflag:s28] =	ssyncset.done $0x0  }
0x7e: {  	s10 =	simm.s32 $0x0;
	[sflag:s28] =	ssyncadd.s32 $0xFFFFFC00  }
0x7f: {  	[tilespmem:s25], [sflag:$0x1] =	stream.indirect.gather [hbm4b:s0+s29], $0x80, s10, s29, $0xb8;
	[tilespmem:$0x1F400] =	vst v63  }
0x80: {  	_ = 	snop  }
0x81: {  	[tilespmem:s30], [sflag:$0x2] =	stream.indirect.gather [hbm4b:s0+s29], $0x80, s29, s29, $0xb8;
	[tilespmem:$0x1F400] =	vst v63  }
0x82: {  	v2 =	vld [tilespmem:$0x800];
	_ =	sdelay $0x7  }
0x83: {  	[tilespmem:v2+s31+$0x0] =	vst.idx.add.f32.msk $0xffff, v1  }
0x84: {  	v2 =	vld [tilespmem:$0x810];
	_ =	sdelay $0x7  }
0x85: {  	[tilespmem:v2+s31+$0x0] =	vst.idx.add.f32.msk $0xffff, v1  }
0x86: {  	v2 =	vld [tilespmem:$0x820];
	_ =	sdelay $0x7  }
0x87: {  	[tilespmem:v2+s31+$0x0] =	vst.idx.add.f32.msk $0xffff, v1  }
0x88: {  	v2 =	vld [tilespmem:$0x830];
	_ =	sdelay $0x7  }
0x89: {  	[tilespmem:v2+s31+$0x0] =	vst.idx.add.f32.msk $0xffff, v1  }
0x8a: {  	v2 =	vld [tilespmem:$0x840];
	_ =	sdelay $0x7  }
0x8b: {  	[tilespmem:v2+s31+$0x0] =	vst.idx.add.f32.msk $0xffff, v1  }
0x8c: {  	v2 =	vld [tilespmem:$0x850];
	_ =	sdelay $0x7  }
0x8d: {  	[tilespmem:v2+s31+$0x0] =	vst.idx.add.f32.msk $0xffff, v1  }
0x8e: {  	v2 =	vld [tilespmem:$0x860];
	_ =	sdelay $0x7  }
0x8f: {  	[tilespmem:v2+s31+$0x0] =	vst.idx.add.f32.msk $0xffff, v1  }
0x90: {  	v2 =	vld [tilespmem:$0x870];
	_ =	sdelay $0x7  }
0x91: {  	[tilespmem:v2+s31+$0x0] =	vst.idx.add.f32.msk $0xffff, v1  }
0x92: {  	v2 =	vld [tilespmem:$0x880];
	_ =	sdelay $0x7  }
0x93: {  	[tilespmem:v2+s31+$0x0] =	vst.idx.add.f32.msk $0xffff, v1  }
0x94: {  	v2 =	vld [tilespmem:$0x890];
	_ =	sdelay $0x7  }
0x95: {  	[tilespmem:v2+s31+$0x0] =	vst.idx.add.f32.msk $0xffff, v1  }
0x96: {  	v2 =	vld [tilespmem:$0x8A0];
	_ =	sdelay $0x7  }
0x97: {  	[tilespmem:v2+s31+$0x0] =	vst.idx.add.f32.msk $0xffff, v1  }
0x98: {  	v2 =	vld [tilespmem:$0x8B0];
	_ =	sdelay $0x7  }
0x99: {  	[tilespmem:v2+s31+$0x0] =	vst.idx.add.f32.msk $0xffff, v1  }
0x9a: {  	v2 =	vld [tilespmem:$0x8C0];
	_ =	sdelay $0x7  }
0x9b: {  	[tilespmem:v2+s31+$0x0] =	vst.idx.add.f32.msk $0xffff, v1  }
0x9c: {  	v2 =	vld [tilespmem:$0x8D0];
	_ =	sdelay $0x7  }
0x9d: {  	[tilespmem:v2+s31+$0x0] =	vst.idx.add.f32.msk $0xffff, v1  }
0x9e: {  	v2 =	vld [tilespmem:$0x8E0];
	_ =	sdelay $0x7  }
0x9f: {  	[tilespmem:v2+s31+$0x0] =	vst.idx.add.f32.msk $0xffff, v1  }
0xa0: {  	v2 =	vld [tilespmem:$0x8F0];
	_ =	sdelay $0x7  }
0xa1: {  	[tilespmem:v2+s31+$0x0] =	vst.idx.add.f32.msk $0xffff, v1  }
0xa2: {  	v2 =	vld [tilespmem:$0x900];
	_ =	sdelay $0x7  }
0xa3: {  	[tilespmem:v2+s31+$0x0] =	vst.idx.add.f32.msk $0xffff, v1  }
0xa4: {  	v2 =	vld [tilespmem:$0x910];
	_ =	sdelay $0x7  }
0xa5: {  	[tilespmem:v2+s31+$0x0] =	vst.idx.add.f32.msk $0xffff, v1  }
0xa6: {  	v2 =	vld [tilespmem:$0x920];
	_ =	sdelay $0x7  }
0xa7: {  	[tilespmem:v2+s31+$0x0] =	vst.idx.add.f32.msk $0xffff, v1  }
0xa8: {  	v2 =	vld [tilespmem:$0x930];
	_ =	sdelay $0x7  }
0xa9: {  	[tilespmem:v2+s31+$0x0] =	vst.idx.add.f32.msk $0xffff, v1  }
0xaa: {  	v2 =	vld [tilespmem:$0x940];
	_ =	sdelay $0x7  }
0xab: {  	[tilespmem:v2+s31+$0x0] =	vst.idx.add.f32.msk $0xffff, v1  }
0xac: {  	v2 =	vld [tilespmem:$0x950];
	_ =	sdelay $0x7  }
0xad: {  	[tilespmem:v2+s31+$0x0] =	vst.idx.add.f32.msk $0xffff, v1  }
0xae: {  	v2 =	vld [tilespmem:$0x960];
	_ =	sdelay $0x7  }
0xaf: {  	[tilespmem:v2+s31+$0x0] =	vst.idx.add.f32.msk $0xffff, v1  }
0xb0: {  	v2 =	vld [tilespmem:$0x970];
	_ =	sdelay $0x7  }
0xb1: {  	[tilespmem:v2+s31+$0x0] =	vst.idx.add.f32.msk $0xffff, v1  }
0xb2: {  	v2 =	vld [tilespmem:$0x980];
	_ =	sdelay $0x7  }
0xb3: {  	[tilespmem:v2+s31+$0x0] =	vst.idx.add.f32.msk $0xffff, v1  }
0xb4: {  	v2 =	vld [tilespmem:$0x990];
	_ =	sdelay $0x7  }
0xb5: {  	[tilespmem:v2+s31+$0x0] =	vst.idx.add.f32.msk $0xffff, v1  }
0xb6: {  	v2 =	vld [tilespmem:$0x9A0];
	_ =	sdelay $0x7  }
0xb7: {  	[tilespmem:v2+s31+$0x0] =	vst.idx.add.f32.msk $0xffff, v1  }
0xb8: {  	v2 =	vld [tilespmem:$0x9B0];
	_ =	sdelay $0x7  }
0xb9: {  	[tilespmem:v2+s31+$0x0] =	vst.idx.add.f32.msk $0xffff, v1  }
0xba: {  	v2 =	vld [tilespmem:$0x9C0];
	_ =	sdelay $0x7  }
0xbb: {  	[tilespmem:v2+s31+$0x0] =	vst.idx.add.f32.msk $0xffff, v1  }
0xbc: {  	v2 =	vld [tilespmem:$0x9D0];
	_ =	sdelay $0x7  }
0xbd: {  	[tilespmem:v2+s31+$0x0] =	vst.idx.add.f32.msk $0xffff, v1  }
0xbe: {  	v2 =	vld [tilespmem:$0x9E0];
	_ =	sdelay $0x7  }
0xbf: {  	[tilespmem:v2+s31+$0x0] =	vst.idx.add.f32.msk $0xffff, v1  }
0xc0: {  	v2 =	vld [tilespmem:$0x9F0];
	_ =	sdelay $0x7  }
0xc1: {  	[tilespmem:v2+s31+$0x0] =	vst.idx.add.f32.msk $0xffff, v1  }
0xc2: {  	v2 =	vld [tilespmem:$0xA00];
	_ =	sdelay $0x7  }
0xc3: {  	[tilespmem:v2+s31+$0x0] =	vst.idx.add.f32.msk $0xffff, v1  }
0xc4: {  	v2 =	vld [tilespmem:$0xA10];
	_ =	sdelay $0x7  }
0xc5: {  	[tilespmem:v2+s31+$0x0] =	vst.idx.add.f32.msk $0xffff, v1  }
0xc6: {  	v2 =	vld [tilespmem:$0xA20];
	_ =	sdelay $0x7  }
0xc7: {  	[tilespmem:v2+s31+$0x0] =	vst.idx.add.f32.msk $0xffff, v1  }
0xc8: {  	v2 =	vld [tilespmem:$0xA30];
	_ =	sdelay $0x7  }
0xc9: {  	[tilespmem:v2+s31+$0x0] =	vst.idx.add.f32.msk $0xffff, v1  }
0xca: {  	v2 =	vld [tilespmem:$0xA40];
	_ =	sdelay $0x7  }
0xcb: {  	[tilespmem:v2+s31+$0x0] =	vst.idx.add.f32.msk $0xffff, v1  }
0xcc: {  	v2 =	vld [tilespmem:$0xA50];
	_ =	sdelay $0x7  }
0xcd: {  	[tilespmem:v2+s31+$0x0] =	vst.idx.add.f32.msk $0xffff, v1  }
0xce: {  	v2 =	vld [tilespmem:$0xA60];
	_ =	sdelay $0x7  }
0xcf: {  	[tilespmem:v2+s31+$0x0] =	vst.idx.add.f32.msk $0xffff, v1  }
0xd0: {  	v2 =	vld [tilespmem:$0xA70];
	_ =	sdelay $0x7  }
0xd1: {  	[tilespmem:v2+s31+$0x0] =	vst.idx.add.f32.msk $0xffff, v1  }
0xd2: {  	v2 =	vld [tilespmem:$0xA80];
	_ =	sdelay $0x7  }
0xd3: {  	[tilespmem:v2+s31+$0x0] =	vst.idx.add.f32.msk $0xffff, v1  }
0xd4: {  	v2 =	vld [tilespmem:$0xA90];
	_ =	sdelay $0x7  }
0xd5: {  	[tilespmem:v2+s31+$0x0] =	vst.idx.add.f32.msk $0xffff, v1  }
0xd6: {  	v2 =	vld [tilespmem:$0xAA0];
	_ =	sdelay $0x7  }
0xd7: {  	[tilespmem:v2+s31+$0x0] =	vst.idx.add.f32.msk $0xffff, v1  }
0xd8: {  	v2 =	vld [tilespmem:$0xAB0];
	_ =	sdelay $0x7  }
0xd9: {  	[tilespmem:v2+s31+$0x0] =	vst.idx.add.f32.msk $0xffff, v1  }
0xda: {  	v2 =	vld [tilespmem:$0xAC0];
	_ =	sdelay $0x7  }
0xdb: {  	[tilespmem:v2+s31+$0x0] =	vst.idx.add.f32.msk $0xffff, v1  }
0xdc: {  	v2 =	vld [tilespmem:$0xAD0];
	_ =	sdelay $0x7  }
0xdd: {  	[tilespmem:v2+s31+$0x0] =	vst.idx.add.f32.msk $0xffff, v1  }
0xde: {  	v2 =	vld [tilespmem:$0xAE0];
	_ =	sdelay $0x7  }
0xdf: {  	[tilespmem:v2+s31+$0x0] =	vst.idx.add.f32.msk $0xffff, v1  }
0xe0: {  	v2 =	vld [tilespmem:$0xAF0];
	_ =	sdelay $0x7  }
0xe1: {  	[tilespmem:v2+s31+$0x0] =	vst.idx.add.f32.msk $0xffff, v1  }
0xe2: {  	v2 =	vld [tilespmem:$0xB00];
	_ =	sdelay $0x7  }
0xe3: {  	[tilespmem:v2+s31+$0x0] =	vst.idx.add.f32.msk $0xffff, v1  }
0xe4: {  	v2 =	vld [tilespmem:$0xB10];
	_ =	sdelay $0x7  }
0xe5: {  	[tilespmem:v2+s31+$0x0] =	vst.idx.add.f32.msk $0xffff, v1  }
0xe6: {  	v2 =	vld [tilespmem:$0xB20];
	_ =	sdelay $0x7  }
0xe7: {  	[tilespmem:v2+s31+$0x0] =	vst.idx.add.f32.msk $0xffff, v1  }
0xe8: {  	v2 =	vld [tilespmem:$0xB30];
	_ =	sdelay $0x7  }
0xe9: {  	[tilespmem:v2+s31+$0x0] =	vst.idx.add.f32.msk $0xffff, v1  }
0xea: {  	v2 =	vld [tilespmem:$0xB40];
	_ =	sdelay $0x7  }
0xeb: {  	[tilespmem:v2+s31+$0x0] =	vst.idx.add.f32.msk $0xffff, v1  }
0xec: {  	v2 =	vld [tilespmem:$0xB50];
	_ =	sdelay $0x7  }
0xed: {  	[tilespmem:v2+s31+$0x0] =	vst.idx.add.f32.msk $0xffff, v1  }
0xee: {  	v2 =	vld [tilespmem:$0xB60];
	_ =	sdelay $0x7  }
0xef: {  	[tilespmem:v2+s31+$0x0] =	vst.idx.add.f32.msk $0xffff, v1  }
0xf0: {  	v2 =	vld [tilespmem:$0xB70];
	_ =	sdelay $0x7  }
0xf1: {  	[tilespmem:v2+s31+$0x0] =	vst.idx.add.f32.msk $0xffff, v1  }
0xf2: {  	v2 =	vld [tilespmem:$0xB80];
	_ =	sdelay $0x7  }
0xf3: {  	[tilespmem:v2+s31+$0x0] =	vst.idx.add.f32.msk $0xffff, v1  }
0xf4: {  	v2 =	vld [tilespmem:$0xB90];
	_ =	sdelay $0x7  }
0xf5: {  	[tilespmem:v2+s31+$0x0] =	vst.idx.add.f32.msk $0xffff, v1  }
0xf6: {  	v2 =	vld [tilespmem:$0xBA0];
	_ =	sdelay $0x7  }
0xf7: {  	[tilespmem:v2+s31+$0x0] =	vst.idx.add.f32.msk $0xffff, v1  }
0xf8: {  	v2 =	vld [tilespmem:$0xBB0];
	_ =	sdelay $0x7  }
0xf9: {  	[tilespmem:v2+s31+$0x0] =	vst.idx.add.f32.msk $0xffff, v1  }
0xfa: {  	v2 =	vld [tilespmem:$0xBC0];
	_ =	sdelay $0x7  }
0xfb: {  	[tilespmem:v2+s31+$0x0] =	vst.idx.add.f32.msk $0xffff, v1  }
0xfc: {  	v2 =	vld [tilespmem:$0xBD0];
	_ =	sdelay $0x7  }
0xfd: {  	[tilespmem:v2+s31+$0x0] =	vst.idx.add.f32.msk $0xffff, v1  }
0xfe: {  	v2 =	vld [tilespmem:$0xBE0];
	_ =	sdelay $0x7  }
0xff: {  	[tilespmem:v2+s31+$0x0] =	vst.idx.add.f32.msk $0xffff, v1  }
0x100: {  	v2 =	vld [tilespmem:$0xBF0];
	_ =	sdelay $0x7  }
0x101: {  	[tilespmem:v2+s31+$0x0] =	vst.idx.add.f32.msk $0xffff, v1  }
0x102: {  	_ =	swait.ge [sflag:s2], $0x4000  }
0x103: {  	[sflag:s2] =	ssyncset.done $0x0  }
0x104: {  	s17 =	simm.s32 $0x800;
	[sflag:s2] =	ssyncadd.s32 $0xFFFFC000  }
0x105: {  	[spmem:s4] =	stream.indirect.scatter.add.f32 [tilespmem:s25], [sflag:$0x3], $0x80, s17, s29, $0xb8;
	[tilespmem:$0x1F400] =	vst v63  }
0x106: {  	_ =	swait.ge [sflag:s9], $0x4000  }
0x107: {  	[sflag:s9] =	ssyncset.done $0x0  }
0x108: {  	s18 =	simm.s32 $0x100;
	[sflag:s9] =	ssyncadd.s32 $0xFFFFC000  }
0x109: {  	[tilespmem:s25], [sflag:$0x1] =	stream.indirect.gather [hbm4b:s0+s29], $0x80, s18, s29, $0xb8;
	[tilespmem:$0x1F400] =	vst v63  }
0x10a: {  	_ =	swait.ge [sflag:s11], $0x4000  }
0x10b: {  	[sflag:s11] =	ssyncset.done $0x0  }
0x10c: {  	s12 =	simm.s32 $0x880;
	[sflag:s11] =	ssyncadd.s32 $0xFFFFC000  }
0x10d: {  	[spmem:s4] =	stream.indirect.scatter.add.f32 [tilespmem:s30], [sflag:$0x4], $0x80, s12, s29, $0xb8;
	[tilespmem:$0x1F400] =	vst v63  }
0x10e: {  	_ =	swait.ge [sflag:s15], $0x4000  }
0x10f: {  	[sflag:s15] =	ssyncset.done $0x0  }
0x110: {  	s16 =	simm.s32 $0x180;
	[sflag:s15] =	ssyncadd.s32 $0xFFFFC000  }
0x111: {  	[tilespmem:s30], [sflag:$0x2] =	stream.indirect.gather [hbm4b:s0+s29], $0x80, s16, s29, $0xb8;
	[tilespmem:$0x1F400] =	vst v63  }
0x112: {  	_ =	swait.ge [sflag:s2], $0x4000  }
0x113: {  	[sflag:s2] =	ssyncset.done $0x0  }
0x114: {  	s17 =	simm.s32 $0x900;
	[sflag:s2] =	ssyncadd.s32 $0xFFFFC000  }
0x115: {  	[spmem:s4] =	stream.indirect.scatter.add.f32 [tilespmem:s25], [sflag:$0x3], $0x80, s17, s29, $0xb8;
	[tilespmem:$0x1F400] =	vst v63  }
0x116: {  	_ =	swait.ge [sflag:s9], $0x4000  }
0x117: {  	[sflag:s9] =	ssyncset.done $0x0  }
0x118: {  	s18 =	simm.s32 $0x200;
	[sflag:s9] =	ssyncadd.s32 $0xFFFFC000  }
0x119: {  	[tilespmem:s25], [sflag:$0x1] =	stream.indirect.gather [hbm4b:s0+s29], $0x80, s18, s29, $0xb8;
	[tilespmem:$0x1F400] =	vst v63  }
0x11a: {  	_ =	swait.ge [sflag:s11], $0x4000  }
0x11b: {  	[sflag:s11] =	ssyncset.done $0x0  }
0x11c: {  	s12 =	simm.s32 $0x980;
	[sflag:s11] =	ssyncadd.s32 $0xFFFFC000  }
0x11d: {  	[spmem:s4] =	stream.indirect.scatter.add.f32 [tilespmem:s30], [sflag:$0x4], $0x80, s12, s29, $0xb8;
	[tilespmem:$0x1F400] =	vst v63  }
0x11e: {  	_ =	swait.ge [sflag:s15], $0x4000  }
0x11f: {  	[sflag:s15] =	ssyncset.done $0x0  }
0x120: {  	s16 =	simm.s32 $0x280;
	[sflag:s15] =	ssyncadd.s32 $0xFFFFC000  }
0x121: {  	[tilespmem:s30], [sflag:$0x2] =	stream.indirect.gather [hbm4b:s0+s29], $0x80, s16, s29, $0xb8;
	[tilespmem:$0x1F400] =	vst v63  }
0x122: {  	_ =	swait.ge [sflag:s2], $0x4000  }
0x123: {  	[sflag:s2] =	ssyncset.done $0x0  }
0x124: {  	s17 =	simm.s32 $0xA00;
	[sflag:s2] =	ssyncadd.s32 $0xFFFFC000  }
0x125: {  	[spmem:s4] =	stream.indirect.scatter.add.f32 [tilespmem:s25], [sflag:$0x3], $0x80, s17, s29, $0xb8;
	[tilespmem:$0x1F400] =	vst v63  }
0x126: {  	_ =	swait.ge [sflag:s9], $0x4000  }
0x127: {  	[sflag:s9] =	ssyncset.done $0x0  }
0x128: {  	s18 =	simm.s32 $0x300;
	[sflag:s9] =	ssyncadd.s32 $0xFFFFC000  }
0x129: {  	[tilespmem:s25], [sflag:$0x1] =	stream.indirect.gather [hbm4b:s0+s29], $0x80, s18, s29, $0xb8;
	[tilespmem:$0x1F400] =	vst v63  }
0x12a: {  	_ =	swait.ge [sflag:s11], $0x4000  }
0x12b: {  	[sflag:s11] =	ssyncset.done $0x0  }
0x12c: {  	s12 =	simm.s32 $0xA80;
	[sflag:s11] =	ssyncadd.s32 $0xFFFFC000  }
0x12d: {  	[spmem:s4] =	stream.indirect.scatter.add.f32 [tilespmem:s30], [sflag:$0x4], $0x80, s12, s29, $0xb8;
	[tilespmem:$0x1F400] =	vst v63  }
0x12e: {  	_ =	swait.ge [sflag:s15], $0x4000  }
0x12f: {  	[sflag:s15] =	ssyncset.done $0x0  }
0x130: {  	s16 =	simm.s32 $0x380;
	[sflag:s15] =	ssyncadd.s32 $0xFFFFC000  }
0x131: {  	[tilespmem:s30], [sflag:$0x2] =	stream.indirect.gather [hbm4b:s0+s29], $0x80, s16, s29, $0xb8;
	[tilespmem:$0x1F400] =	vst v63  }
0x132: {  	_ =	swait.ge [sflag:s2], $0x4000  }
0x133: {  	[sflag:s2] =	ssyncset.done $0x0  }
0x134: {  	s17 =	simm.s32 $0xB00;
	[sflag:s2] =	ssyncadd.s32 $0xFFFFC000  }
0x135: {  	[spmem:s4] =	stream.indirect.scatter.add.f32 [tilespmem:s25], [sflag:$0x3], $0x80, s17, s29, $0xb8;
	[tilespmem:$0x1F400] =	vst v63  }
0x136: {  	_ =	swait.ge [sflag:s11], $0x4000  }
0x137: {  	[sflag:s11] =	ssyncset.done $0x0  }
0x138: {  	s18 =	simm.s32 $0xB80;
	[sflag:s11] =	ssyncadd.s32 $0xFFFFC000  }
0x139: {  	[spmem:s4] =	stream.indirect.scatter.add.f32 [tilespmem:s30], [sflag:$0x4], $0x80, s18, s29, $0xb8;
	[tilespmem:$0x1F400] =	vst v63  }
0x13a: {  	_ =	swait.ge [sflag:s26], $0x400  }
0x13b: {  	[sflag:s26] =	ssyncset.done $0x0  }
0x13c: {  	[sflag:s26] =	ssyncadd.s32 $0xFFFFFC00  }
0x13d: {  	_ =	swait.ge [sflag:s26], $0x400  }
0x13e: {  	[sflag:s26] =	ssyncset.done $0x0  }
0x13f: {  	[sflag:s26] =	ssyncadd.s32 $0xFFFFFC00  }
0x140: {  	_ =	swait.ge [sflag:s9], $0x4000  }
0x141: {  	[sflag:s9] =	ssyncset.done $0x0  }
0x142: {  	s12 =	simm.s32 $0x400;
	[sflag:s9] =	ssyncadd.s32 $0xFFFFC000  }
0x143: {  	[tilespmem:s25], [sflag:$0x1] =	stream.indirect.gather [hbm4b:s0+s29], $0x80, s12, s29, $0xb8;
	[tilespmem:$0x1F400] =	vst v63  }
0x144: {  	_ =	swait.ge [sflag:s15], $0x4000  }
0x145: {  	[sflag:s15] =	ssyncset.done $0x0  }
0x146: {  	s16 =	simm.s32 $0x480;
	[sflag:s15] =	ssyncadd.s32 $0xFFFFC000  }
0x147: {  	[tilespmem:s30], [sflag:$0x2] =	stream.indirect.gather [hbm4b:s0+s29], $0x80, s16, s29, $0xb8;
	[tilespmem:$0x1F400] =	vst v63  }
0x148: {  	v2 =	vld [tilespmem:$0xC00];
	_ =	sdelay $0x7  }
0x149: {  	[tilespmem:v2+s31+$0x0] =	vst.idx.add.f32.msk $0xffff, v1  }
0x14a: {  	v2 =	vld [tilespmem:$0xC10];
	_ =	sdelay $0x7  }
0x14b: {  	[tilespmem:v2+s31+$0x0] =	vst.idx.add.f32.msk $0xffff, v1  }
0x14c: {  	v2 =	vld [tilespmem:$0xC20];
	_ =	sdelay $0x7  }
0x14d: {  	[tilespmem:v2+s31+$0x0] =	vst.idx.add.f32.msk $0xffff, v1  }
0x14e: {  	v2 =	vld [tilespmem:$0xC30];
	_ =	sdelay $0x7  }
0x14f: {  	[tilespmem:v2+s31+$0x0] =	vst.idx.add.f32.msk $0xffff, v1  }
0x150: {  	v2 =	vld [tilespmem:$0xC40];
	_ =	sdelay $0x7  }
0x151: {  	[tilespmem:v2+s31+$0x0] =	vst.idx.add.f32.msk $0xffff, v1  }
0x152: {  	v2 =	vld [tilespmem:$0xC50];
	_ =	sdelay $0x7  }
0x153: {  	[tilespmem:v2+s31+$0x0] =	vst.idx.add.f32.msk $0xffff, v1  }
0x154: {  	v2 =	vld [tilespmem:$0xC60];
	_ =	sdelay $0x7  }
0x155: {  	[tilespmem:v2+s31+$0x0] =	vst.idx.add.f32.msk $0xffff, v1  }
0x156: {  	v2 =	vld [tilespmem:$0xC70];
	_ =	sdelay $0x7  }
0x157: {  	[tilespmem:v2+s31+$0x0] =	vst.idx.add.f32.msk $0xffff, v1  }
0x158: {  	v2 =	vld [tilespmem:$0xC80];
	_ =	sdelay $0x7  }
0x159: {  	[tilespmem:v2+s31+$0x0] =	vst.idx.add.f32.msk $0xffff, v1  }
0x15a: {  	v2 =	vld [tilespmem:$0xC90];
	_ =	sdelay $0x7  }
0x15b: {  	[tilespmem:v2+s31+$0x0] =	vst.idx.add.f32.msk $0xffff, v1  }
0x15c: {  	v2 =	vld [tilespmem:$0xCA0];
	_ =	sdelay $0x7  }
0x15d: {  	[tilespmem:v2+s31+$0x0] =	vst.idx.add.f32.msk $0xffff, v1  }
0x15e: {  	v2 =	vld [tilespmem:$0xCB0];
	_ =	sdelay $0x7  }
0x15f: {  	[tilespmem:v2+s31+$0x0] =	vst.idx.add.f32.msk $0xffff, v1  }
0x160: {  	v2 =	vld [tilespmem:$0xCC0];
	_ =	sdelay $0x7  }
0x161: {  	[tilespmem:v2+s31+$0x0] =	vst.idx.add.f32.msk $0xffff, v1  }
0x162: {  	v2 =	vld [tilespmem:$0xCD0];
	_ =	sdelay $0x7  }
0x163: {  	[tilespmem:v2+s31+$0x0] =	vst.idx.add.f32.msk $0xffff, v1  }
0x164: {  	v2 =	vld [tilespmem:$0xCE0];
	_ =	sdelay $0x7  }
0x165: {  	[tilespmem:v2+s31+$0x0] =	vst.idx.add.f32.msk $0xffff, v1  }
0x166: {  	v2 =	vld [tilespmem:$0xCF0];
	_ =	sdelay $0x7  }
0x167: {  	[tilespmem:v2+s31+$0x0] =	vst.idx.add.f32.msk $0xffff, v1  }
0x168: {  	v2 =	vld [tilespmem:$0xD00];
	_ =	sdelay $0x7  }
0x169: {  	[tilespmem:v2+s31+$0x0] =	vst.idx.add.f32.msk $0xffff, v1  }
0x16a: {  	v2 =	vld [tilespmem:$0xD10];
	_ =	sdelay $0x7  }
0x16b: {  	[tilespmem:v2+s31+$0x0] =	vst.idx.add.f32.msk $0xffff, v1  }
0x16c: {  	v2 =	vld [tilespmem:$0xD20];
	_ =	sdelay $0x7  }
0x16d: {  	[tilespmem:v2+s31+$0x0] =	vst.idx.add.f32.msk $0xffff, v1  }
0x16e: {  	v2 =	vld [tilespmem:$0xD30];
	_ =	sdelay $0x7  }
0x16f: {  	[tilespmem:v2+s31+$0x0] =	vst.idx.add.f32.msk $0xffff, v1  }
0x170: {  	v2 =	vld [tilespmem:$0xD40];
	_ =	sdelay $0x7  }
0x171: {  	[tilespmem:v2+s31+$0x0] =	vst.idx.add.f32.msk $0xffff, v1  }
0x172: {  	v2 =	vld [tilespmem:$0xD50];
	_ =	sdelay $0x7  }
0x173: {  	[tilespmem:v2+s31+$0x0] =	vst.idx.add.f32.msk $0xffff, v1  }
0x174: {  	v2 =	vld [tilespmem:$0xD60];
	_ =	sdelay $0x7  }
0x175: {  	[tilespmem:v2+s31+$0x0] =	vst.idx.add.f32.msk $0xffff, v1  }
0x176: {  	v2 =	vld [tilespmem:$0xD70];
	_ =	sdelay $0x7  }
0x177: {  	[tilespmem:v2+s31+$0x0] =	vst.idx.add.f32.msk $0xffff, v1  }
0x178: {  	v2 =	vld [tilespmem:$0xD80];
	_ =	sdelay $0x7  }
0x179: {  	[tilespmem:v2+s31+$0x0] =	vst.idx.add.f32.msk $0xffff, v1  }
0x17a: {  	v2 =	vld [tilespmem:$0xD90];
	_ =	sdelay $0x7  }
0x17b: {  	[tilespmem:v2+s31+$0x0] =	vst.idx.add.f32.msk $0xffff, v1  }
0x17c: {  	v2 =	vld [tilespmem:$0xDA0];
	_ =	sdelay $0x7  }
0x17d: {  	[tilespmem:v2+s31+$0x0] =	vst.idx.add.f32.msk $0xffff, v1  }
0x17e: {  	v2 =	vld [tilespmem:$0xDB0];
	_ =	sdelay $0x7  }
0x17f: {  	[tilespmem:v2+s31+$0x0] =	vst.idx.add.f32.msk $0xffff, v1  }
0x180: {  	v2 =	vld [tilespmem:$0xDC0];
	_ =	sdelay $0x7  }
0x181: {  	[tilespmem:v2+s31+$0x0] =	vst.idx.add.f32.msk $0xffff, v1  }
0x182: {  	v2 =	vld [tilespmem:$0xDD0];
	_ =	sdelay $0x7  }
0x183: {  	[tilespmem:v2+s31+$0x0] =	vst.idx.add.f32.msk $0xffff, v1  }
0x184: {  	v2 =	vld [tilespmem:$0xDE0];
	_ =	sdelay $0x7  }
0x185: {  	[tilespmem:v2+s31+$0x0] =	vst.idx.add.f32.msk $0xffff, v1  }
0x186: {  	v2 =	vld [tilespmem:$0xDF0];
	_ =	sdelay $0x7  }
0x187: {  	[tilespmem:v2+s31+$0x0] =	vst.idx.add.f32.msk $0xffff, v1  }
0x188: {  	v2 =	vld [tilespmem:$0xE00];
	_ =	sdelay $0x7  }
0x189: {  	[tilespmem:v2+s31+$0x0] =	vst.idx.add.f32.msk $0xffff, v1  }
0x18a: {  	v2 =	vld [tilespmem:$0xE10];
	_ =	sdelay $0x7  }
0x18b: {  	[tilespmem:v2+s31+$0x0] =	vst.idx.add.f32.msk $0xffff, v1  }
0x18c: {  	v2 =	vld [tilespmem:$0xE20];
	_ =	sdelay $0x7  }
0x18d: {  	[tilespmem:v2+s31+$0x0] =	vst.idx.add.f32.msk $0xffff, v1  }
0x18e: {  	v2 =	vld [tilespmem:$0xE30];
	_ =	sdelay $0x7  }
0x18f: {  	[tilespmem:v2+s31+$0x0] =	vst.idx.add.f32.msk $0xffff, v1  }
0x190: {  	v2 =	vld [tilespmem:$0xE40];
	_ =	sdelay $0x7  }
0x191: {  	[tilespmem:v2+s31+$0x0] =	vst.idx.add.f32.msk $0xffff, v1  }
0x192: {  	v2 =	vld [tilespmem:$0xE50];
	_ =	sdelay $0x7  }
0x193: {  	[tilespmem:v2+s31+$0x0] =	vst.idx.add.f32.msk $0xffff, v1  }
0x194: {  	v2 =	vld [tilespmem:$0xE60];
	_ =	sdelay $0x7  }
0x195: {  	[tilespmem:v2+s31+$0x0] =	vst.idx.add.f32.msk $0xffff, v1  }
0x196: {  	v2 =	vld [tilespmem:$0xE70];
	_ =	sdelay $0x7  }
0x197: {  	[tilespmem:v2+s31+$0x0] =	vst.idx.add.f32.msk $0xffff, v1  }
0x198: {  	v2 =	vld [tilespmem:$0xE80];
	_ =	sdelay $0x7  }
0x199: {  	[tilespmem:v2+s31+$0x0] =	vst.idx.add.f32.msk $0xffff, v1  }
0x19a: {  	v2 =	vld [tilespmem:$0xE90];
	_ =	sdelay $0x7  }
0x19b: {  	[tilespmem:v2+s31+$0x0] =	vst.idx.add.f32.msk $0xffff, v1  }
0x19c: {  	v2 =	vld [tilespmem:$0xEA0];
	_ =	sdelay $0x7  }
0x19d: {  	[tilespmem:v2+s31+$0x0] =	vst.idx.add.f32.msk $0xffff, v1  }
0x19e: {  	v2 =	vld [tilespmem:$0xEB0];
	_ =	sdelay $0x7  }
0x19f: {  	[tilespmem:v2+s31+$0x0] =	vst.idx.add.f32.msk $0xffff, v1  }
0x1a0: {  	v2 =	vld [tilespmem:$0xEC0];
	_ =	sdelay $0x7  }
0x1a1: {  	[tilespmem:v2+s31+$0x0] =	vst.idx.add.f32.msk $0xffff, v1  }
0x1a2: {  	v2 =	vld [tilespmem:$0xED0];
	_ =	sdelay $0x7  }
0x1a3: {  	[tilespmem:v2+s31+$0x0] =	vst.idx.add.f32.msk $0xffff, v1  }
0x1a4: {  	v2 =	vld [tilespmem:$0xEE0];
	_ =	sdelay $0x7  }
0x1a5: {  	[tilespmem:v2+s31+$0x0] =	vst.idx.add.f32.msk $0xffff, v1  }
0x1a6: {  	v2 =	vld [tilespmem:$0xEF0];
	_ =	sdelay $0x7  }
0x1a7: {  	[tilespmem:v2+s31+$0x0] =	vst.idx.add.f32.msk $0xffff, v1  }
0x1a8: {  	v2 =	vld [tilespmem:$0xF00];
	_ =	sdelay $0x7  }
0x1a9: {  	[tilespmem:v2+s31+$0x0] =	vst.idx.add.f32.msk $0xffff, v1  }
0x1aa: {  	v2 =	vld [tilespmem:$0xF10];
	_ =	sdelay $0x7  }
0x1ab: {  	[tilespmem:v2+s31+$0x0] =	vst.idx.add.f32.msk $0xffff, v1  }
0x1ac: {  	v2 =	vld [tilespmem:$0xF20];
	_ =	sdelay $0x7  }
0x1ad: {  	[tilespmem:v2+s31+$0x0] =	vst.idx.add.f32.msk $0xffff, v1  }
0x1ae: {  	v2 =	vld [tilespmem:$0xF30];
	_ =	sdelay $0x7  }
0x1af: {  	[tilespmem:v2+s31+$0x0] =	vst.idx.add.f32.msk $0xffff, v1  }
0x1b0: {  	v2 =	vld [tilespmem:$0xF40];
	_ =	sdelay $0x7  }
0x1b1: {  	[tilespmem:v2+s31+$0x0] =	vst.idx.add.f32.msk $0xffff, v1  }
0x1b2: {  	v2 =	vld [tilespmem:$0xF50];
	_ =	sdelay $0x7  }
0x1b3: {  	[tilespmem:v2+s31+$0x0] =	vst.idx.add.f32.msk $0xffff, v1  }
0x1b4: {  	v2 =	vld [tilespmem:$0xF60];
	_ =	sdelay $0x7  }
0x1b5: {  	[tilespmem:v2+s31+$0x0] =	vst.idx.add.f32.msk $0xffff, v1  }
0x1b6: {  	v2 =	vld [tilespmem:$0xF70];
	_ =	sdelay $0x7  }
0x1b7: {  	[tilespmem:v2+s31+$0x0] =	vst.idx.add.f32.msk $0xffff, v1  }
0x1b8: {  	v2 =	vld [tilespmem:$0xF80];
	_ =	sdelay $0x7  }
0x1b9: {  	[tilespmem:v2+s31+$0x0] =	vst.idx.add.f32.msk $0xffff, v1  }
0x1ba: {  	v2 =	vld [tilespmem:$0xF90];
	_ =	sdelay $0x7  }
0x1bb: {  	[tilespmem:v2+s31+$0x0] =	vst.idx.add.f32.msk $0xffff, v1  }
0x1bc: {  	v2 =	vld [tilespmem:$0xFA0];
	_ =	sdelay $0x7  }
0x1bd: {  	[tilespmem:v2+s31+$0x0] =	vst.idx.add.f32.msk $0xffff, v1  }
0x1be: {  	v2 =	vld [tilespmem:$0xFB0];
	_ =	sdelay $0x7  }
0x1bf: {  	[tilespmem:v2+s31+$0x0] =	vst.idx.add.f32.msk $0xffff, v1  }
0x1c0: {  	v2 =	vld [tilespmem:$0xFC0];
	_ =	sdelay $0x7  }
0x1c1: {  	[tilespmem:v2+s31+$0x0] =	vst.idx.add.f32.msk $0xffff, v1  }
0x1c2: {  	v2 =	vld [tilespmem:$0xFD0];
	_ =	sdelay $0x7  }
0x1c3: {  	[tilespmem:v2+s31+$0x0] =	vst.idx.add.f32.msk $0xffff, v1  }
0x1c4: {  	v2 =	vld [tilespmem:$0xFE0];
	_ =	sdelay $0x7  }
0x1c5: {  	[tilespmem:v2+s31+$0x0] =	vst.idx.add.f32.msk $0xffff, v1  }
0x1c6: {  	v2 =	vld [tilespmem:$0xFF0];
	_ =	sdelay $0x7  }
0x1c7: {  	[tilespmem:v2+s31+$0x0] =	vst.idx.add.f32.msk $0xffff, v1  }
0x1c8: {  	_ =	swait.ge [sflag:s2], $0x4000  }
0x1c9: {  	[sflag:s2] =	ssyncset.done $0x0  }
0x1ca: {  	s17 =	simm.s32 $0xC00;
	[sflag:s2] =	ssyncadd.s32 $0xFFFFC000  }
0x1cb: {  	[spmem:s4] =	stream.indirect.scatter.add.f32 [tilespmem:s25], [sflag:$0x3], $0x80, s17, s29, $0xb8;
	[tilespmem:$0x1F400] =	vst v63  }
0x1cc: {  	_ =	swait.ge [sflag:s9], $0x4000  }
0x1cd: {  	[sflag:s9] =	ssyncset.done $0x0  }
0x1ce: {  	s18 =	simm.s32 $0x500;
	[sflag:s9] =	ssyncadd.s32 $0xFFFFC000  }
0x1cf: {  	[tilespmem:s25], [sflag:$0x1] =	stream.indirect.gather [hbm4b:s0+s29], $0x80, s18, s29, $0xb8;
	[tilespmem:$0x1F400] =	vst v63  }
0x1d0: {  	_ =	swait.ge [sflag:s11], $0x4000  }
0x1d1: {  	[sflag:s11] =	ssyncset.done $0x0  }
0x1d2: {  	s12 =	simm.s32 $0xC80;
	[sflag:s11] =	ssyncadd.s32 $0xFFFFC000  }
0x1d3: {  	[spmem:s4] =	stream.indirect.scatter.add.f32 [tilespmem:s30], [sflag:$0x4], $0x80, s12, s29, $0xb8;
	[tilespmem:$0x1F400] =	vst v63  }
0x1d4: {  	_ =	swait.ge [sflag:s15], $0x4000  }
0x1d5: {  	[sflag:s15] =	ssyncset.done $0x0  }
0x1d6: {  	s16 =	simm.s32 $0x580;
	[sflag:s15] =	ssyncadd.s32 $0xFFFFC000  }
0x1d7: {  	[tilespmem:s30], [sflag:$0x2] =	stream.indirect.gather [hbm4b:s0+s29], $0x80, s16, s29, $0xb8;
	[tilespmem:$0x1F400] =	vst v63  }
0x1d8: {  	_ =	swait.ge [sflag:s2], $0x4000  }
0x1d9: {  	[sflag:s2] =	ssyncset.done $0x0  }
0x1da: {  	s17 =	simm.s32 $0xD00;
	[sflag:s2] =	ssyncadd.s32 $0xFFFFC000  }
0x1db: {  	[spmem:s4] =	stream.indirect.scatter.add.f32 [tilespmem:s25], [sflag:$0x3], $0x80, s17, s29, $0xb8;
	[tilespmem:$0x1F400] =	vst v63  }
0x1dc: {  	_ =	swait.ge [sflag:s9], $0x4000  }
0x1dd: {  	[sflag:s9] =	ssyncset.done $0x0  }
0x1de: {  	s18 =	simm.s32 $0x600;
	[sflag:s9] =	ssyncadd.s32 $0xFFFFC000  }
0x1df: {  	[tilespmem:s25], [sflag:$0x1] =	stream.indirect.gather [hbm4b:s0+s29], $0x80, s18, s29, $0xb8;
	[tilespmem:$0x1F400] =	vst v63  }
0x1e0: {  	_ =	swait.ge [sflag:s11], $0x4000  }
0x1e1: {  	[sflag:s11] =	ssyncset.done $0x0  }
0x1e2: {  	[sflag:s11] =	ssyncadd.s32 $0xFFFFC000  }
0x1e3: {  	[spmem:s4] =	stream.indirect.scatter.add.f32 [tilespmem:s30], [sflag:$0x4], $0x80, s19, s29, $0xb8;
	[tilespmem:$0x1F400] =	vst v63  }
0x1e4: {  	_ =	swait.ge [sflag:s15], $0x4000  }
0x1e5: {  	[sflag:s15] =	ssyncset.done $0x0  }
0x1e6: {  	[sflag:s15] =	ssyncadd.s32 $0xFFFFC000  }
0x1e7: {  	[tilespmem:s30], [sflag:$0x2] =	stream.indirect.gather [hbm4b:s0+s29], $0x80, s20, s29, $0xb8;
	[tilespmem:$0x1F400] =	vst v63  }
0x1e8: {  	_ =	swait.ge [sflag:s2], $0x4000  }
0x1e9: {  	[sflag:s2] =	ssyncset.done $0x0  }
0x1ea: {  	[sflag:s2] =	ssyncadd.s32 $0xFFFFC000  }
0x1eb: {  	[spmem:s4] =	stream.indirect.scatter.add.f32 [tilespmem:s25], [sflag:$0x3], $0x80, s21, s29, $0xb8;
	[tilespmem:$0x1F400] =	vst v63  }
0x1ec: {  	_ =	swait.ge [sflag:s9], $0x4000  }
0x1ed: {  	[sflag:s9] =	ssyncset.done $0x0  }
0x1ee: {  	[sflag:s9] =	ssyncadd.s32 $0xFFFFC000  }
0x1ef: {  	[tilespmem:s25], [sflag:$0x1] =	stream.indirect.gather [hbm4b:s0+s29], $0x80, s22, s29, $0xb8;
	[tilespmem:$0x1F400] =	vst v63  }
0x1f0: {  	_ =	swait.ge [sflag:s11], $0x4000  }
0x1f1: {  	[sflag:s11] =	ssyncset.done $0x0  }
0x1f2: {  	[sflag:s11] =	ssyncadd.s32 $0xFFFFC000  }
0x1f3: {  	[spmem:s4] =	stream.indirect.scatter.add.f32 [tilespmem:s30], [sflag:$0x4], $0x80, s23, s29, $0xb8;
	[tilespmem:$0x1F400] =	vst v63  }
0x1f4: {  	_ =	swait.ge [sflag:s15], $0x4000  }
0x1f5: {  	[sflag:s15] =	ssyncset.done $0x0  }
0x1f6: {  	[sflag:s15] =	ssyncadd.s32 $0xFFFFC000  }
0x1f7: {  	[tilespmem:s30], [sflag:$0x2] =	stream.indirect.gather [hbm4b:s0+s29], $0x80, s24, s29, $0xb8;
	[tilespmem:$0x1F400] =	vst v63  }
0x1f8: {  	_ =	swait.ge [sflag:s2], $0x4000  }
0x1f9: {  	[sflag:s2] =	ssyncset.done $0x0  }
0x1fa: {  	[sflag:s2] =	ssyncadd.s32 $0xFFFFC000  }
0x1fb: {  	[spmem:s4] =	stream.indirect.scatter.add.f32 [tilespmem:s25], [sflag:$0x3], $0x80, s13, s29, $0xb8;
	[tilespmem:$0x1F400] =	vst v63  }
0x1fc: {  	_ =	swait.ge [sflag:s11], $0x4000  }
0x1fd: {  	[sflag:s11] =	ssyncset.done $0x0  }
0x1fe: {  	[sflag:s11] =	ssyncadd.s32 $0xFFFFC000  }
0x1ff: {  	[spmem:s4] =	stream.indirect.scatter.add.f32 [tilespmem:s30], [sflag:$0x4], $0x80, s8, s29, $0xb8;
	[tilespmem:$0x1F400] =	vst v63  }
0x200: {  	p1 =	seq.s32 s1, $0x400;
	_ =	swait.ge [sflag:s9], $0x4000  }
.Ltmp4:
0x201: {  	[sflag:s9] =	ssyncset.done $0x0;
	(pc) =	sbr.rel @p1 .LBB2_8-.Ltmp4, $4  }
0x202: {  	[sflag:s9] =	ssyncadd.s32 $0xFFFFC000  }
0x203: {  	_ =	swait.ge [sflag:s15], $0x4000  }
0x204: {  	[sflag:s15] =	ssyncset.done $0x0  }
0x205: {  	[sflag:s15] =	ssyncadd.s32 $0xFFFFC000  }
0x206: {  	s10 =	sadd.s32 @p0 s1, s6  }
0x207: {  	s16 =	simm.s32 @p0 $0x0;
	s12 =	sadd.s32 @p0 $0x100, s10  }
0x208: {  	[tilespmem:s16], [sflag:$0x5] =	stream.linear.gather @p0 [hbm4b:s12+s16], $0x400, $0x38;
	[tilespmem:$0x1F400] =	vst v63  }
0x209: {  	s12 =	sadd.s32 @p0 s1, s7  }
0x20a: {  	s18 =	simm.s32 @p0 $0x800;
	s17 =	sadd.s32 @p0 $0x100, s12  }
0x20b: {  	[tilespmem:s18], [sflag:$0x5] =	stream.linear.gather @p0 [hbm4b:s17+s16], $0x400, $0x38;
	[tilespmem:$0x1F400] =	vst v63  }
0x20c: {  	s10 =	sadd.s32 @p0 $0x180, s10;
	s17 =	simm.s32 @p0 $0x400  }
0x20d: {  	[tilespmem:s17], [sflag:$0x6] =	stream.linear.gather @p0 [hbm4b:s10+s16], $0x400, $0x38;
	[tilespmem:$0x1F400] =	vst v63  }
0x20e: {  	s10 =	sadd.s32 @p0 $0x180, s12;
	s12 =	simm.s32 @p0 $0xC00  }
0x20f: {  	[tilespmem:s12], [sflag:$0x6] =	stream.linear.gather @p0 [hbm4b:s10+s16], $0x400, $0x38;
	[tilespmem:$0x1F400] =	vst v63  }
0x210: {  	s18 =	simm.s32 @!p0 $0x0;
	s10 =	sshrl.u32 @!p0 s3, $0x3;
	s12 =	rddreg [dreg:$0x1]  }
0x211: {  	s17 =	simm.s32 @!p0 $0x100;
	s16 =	simm.s32 @!p0 $0x80;
	s12 =	sadd.s32 @!p0 s12, s10  }
0x212: {  	[tilespmem:s18], [sflag:$0x5] =	stream.strided.gather @!p0 [hbm4b:s12+s16], $0x400, s17, s16, $0x38;
	[tilespmem:$0x1F400] =	vst v63  }
0x213: {  	s10 =	sadd.s32 @!p0 s10, s14;
	s12 =	simm.s32 @!p0 $0x800  }
0x214: {  	[tilespmem:s12], [sflag:$0x5] =	stream.strided.gather @!p0 [hbm4b:s10+s16], $0x400, s17, s16, $0x38;
	[tilespmem:$0x1F400] =	vst v63  }
.Ltmp5:
0x215: {  	s10 =	sadd.s32 @!p0 $0xFFFFFFF0, s5;
	s12 =	simm.s32 @!p0 $0x400;
	(pc) =	sbr.rel .LBB2_6-.Ltmp5, $4  }
0x216: {  	[tilespmem:s12], [sflag:$0x6] =	stream.strided.gather @!p0 [hbm4b:s10+s16], $0x400, s17, s16, $0x38;
	[tilespmem:$0x1F400] =	vst v63  }
0x217: {  	s10 =	simm.s32 @!p0 $0xC00  }
0x218: {  	[tilespmem:s10], [sflag:$0x6] =	stream.strided.gather @!p0 [hbm4b:s5+s16], $0x400, s17, s16, $0x38;
	[tilespmem:$0x1F400] =	vst v63  }
0x219: {  	s1 =	sadd.s32 $0x100, s1;
	s3 =	sadd.s32 $0x1000, s3;
	s5 =	sadd.s32 $0x200, s5  }
.LBB2_9:
0x21a: {  	_ =	sfence.sel $0x180000  }
0x21b: {  	[bflag:$0x0] =	sbarrier.arrive $0xFFFF  }
0x21c: {  	_ =	strace $0x90000047  }
0x21d: {  	s0 =	stileid.u32;
	[bflag:$0x2] =	sbarrier.arrive $0xFFFF  }
0x21e: {  	p0 =	sne.s32 s0, $0x0;
	s0 =	rddreg [dreg:$0x5]  }
0x21f: {  	s0 =	sadd.s32 @!p0 $0x100000, s0  }
0x220: {  	[sflag:s0] =	ssyncadd.tile.s32 @!p0 $0x1;
	_ =	shalt  }
.Lfunc_end2:
_tile_overlayer_lowered:
.L_overlay_start_2:
0x221: {  	(tag) =	ssettag $0x2  }
0x222: {  	s0 =	rddreg [dreg:$0x0];
	s2 =	stileid.u32  }
0x223: {  	s1 =	rddreg [dreg:$0x1];
	p0 =	sne.s32 s2, $0x0  }
0x224: {  	s3 =	rddreg [dreg:$0x2];
	[bflag:$0x3] =	sbarrier.arrive $0xFFFF;
	s2 =	simm.s32 @!p0 $0x1C07  }
0x225: {  	[timem:s3], [sflag:s2] =	dma.local @!p0 [hbm:s0], s1  }
0x226: {  	s0 =	simm.s32 @!p0 $0x7  }
0x227: {  	_ =	swait.ge @!p0 [sflag:s0], s1  }
0x228: {  	s1 =	ssub.s32 @!p0 $0x0, s1;
	[sflag:s0] =	ssyncset.done @!p0 $0x0  }
0x229: {  	[sflag:s0] =	ssyncadd.s32 @!p0 s1  }
0x22a: {  	[bflag:$0x3] =	sbarrier.arrive $0xFFFF  }
0x22b: {  	_ =	shalt  }

// kernel: kernel.9.cloned.1.call-start
scs
__scs_entry_jumppad:
0x0: {  	(pc) =	sbr.rel $0x88, $3  }
0x1: {  	(tag) =	ssettag $0x0;
	lr =	simm.s32 $0x1  }
0x2: {  	[smem:$0x3F99] =	sst lr;
	_ =	strace $0xD0000000  }
0x3: {  	_ = 	snop  }
0x4: {  	_ = 	snop  }
0x5: {  	_ = 	snop  }
0x6: {  	_ = 	snop  }
0x7: {  	_ = 	snop  }
__scs_overlays_trampoline_lowered:
0x8: {  	[smem:$0x3FA8] =	sst s0  }
0x9: {  	[smem:$0x3FA9] =	sst s1  }
0xa: {  	[smem:$0x3FAA] =	sst s2  }
0xb: {  	[smem:$0x3FAB] =	sst s3  }
0xc: {  	[smem:$0x3FAC] =	sst s4  }
0xd: {  	[smem:$0x3FAD] =	sst s5  }
0xe: {  	[smem:$0x3FAE] =	sst s6  }
0xf: {  	[smem:$0x3FAF] =	sst s7  }
0x10: {  	[smem:$0x3FB0] =	sst s8  }
0x11: {  	[smem:$0x3FB1] =	sst s9;
	s0 =	simm.s32 @!p0 $0x0  }
0x12: {  	s1 =	sld [smem:$0x3F97];
	s0 =	simm.s32 @p0 $0x1  }
0x13: {  	[smem:$0x3FB2] =	sst s0;
	s0 =	simm.s32 @!p1 $0x0  }
0x14: {  	s2 =	sld [smem:$0x3F96];
	s0 =	simm.s32 @p1 $0x1  }
0x15: {  	[smem:$0x3FB3] =	sst s0;
	s0 =	simm.s32 @!p2 $0x0  }
0x16: {  	s3 =	sld [smem:$0x3FDB];
	s0 =	simm.s32 @p2 $0x1  }
0x17: {  	s4 =	simm.s32 $0x1BF5;
	[smem:$0x3FB5] =	sst s0  }
0x18: {  	s0 =	sld [smem:$0x3F98];
	_ =	swait.ge [sflag:s4], $0x0  }
0x19: {  	s7 =	sld [smem:$0x3F99]  }
0x1a: {  	s8 =	sadd.s32 $0xFFFFE003, lr  }
0x1b: {  	s9 =	sadd.s32 $0xFFFFFEF7, lr;
	s5 =	simm.s32 $0xFFFFFFFF;
	p2 =	slt.u32 s8, $0xFFFFF086  }
0x1c: {  	p1 =	slt.u32 s9, $0xF7A;
	s5 =	simm.s32 @!p2 $0x0  }
0x1d: {  	s5 =	simm.s32 @p1 $0x1;
	p0 =	seq.s32 s7, s2  }
0x1e: {  	s7 =	smul.u32 @!p0 $0xF7A, s2;
	p2 =	seq.s32 @!p0 s5, $0x0  }
0x1f: {  	s9 =	smul.u32 $0xF7A, s1;
	s8 =	simm.s32 @!p0 $0x1BF5;
	p2 =	por !p2, p0  }
0x20: {  	[sflag:s8] =	ssyncset.s32 @!p0 $0xFFFFF086;
	s6 =	sadd.s32 @!p0 s3, s7;
	s7 =	simm.s32 @!p0 $0x108  }
0x21: {  	s3 =	sadd.s32 s3, s9;
	s6 =	sadd.s32 @!p0 $0x88, s6;
	s7 =	simm.s32 @p2 $0x1082  }
0x22: {  	[simem:s7], [sflag:s8] =	dma.local @!p0 [hbm:s6], $0xF7A  }
0x23: {  	s9 =	sor.u32 $0xD0000000, s2;
	s6 =	simm.s32 $0x108;
	_ =	swait.ge @!p0 [sflag:s8], $0x0  }
0x24: {  	s3 =	sadd.s32 $0x88, s3;
	s6 =	simm.s32 @!p1 $0x1082;
	[sflag:s4] =	ssyncset.s32 $0xFFFFF086  }
0x25: {  	[simem:s6], [sflag:s4] =	dma.local [hbm:s3], $0xF7A  }
0x26: {  	[smem:$0x3F99] =	sst s1;
	(tag) =	ssettag s2;
	_ =	strace s9  }
0x27: {  	s1 =	sld [smem:$0x3FA9]  }
0x28: {  	s2 =	sld [smem:$0x3FAA]  }
0x29: {  	s4 =	sld [smem:$0x3FAC]  }
0x2a: {  	p0 =	seq.s32 s5, $0x0;
	s5 =	sld [smem:$0x3FAD]  }
0x2b: {  	s6 =	sld [smem:$0x3FAE]  }
0x2c: {  	s7 =	sld [smem:$0x3FAF]  }
0x2d: {  	s3 =	simm.s32 $0x108;
	s8 =	sld [smem:$0x3FB0]  }
0x2e: {  	s3 =	simm.s32 @!p0 $0x1082;
	s9 =	sld [smem:$0x3FB1]  }
0x2f: {  	lr =	sadd.s32 s0, s3;
	s0 =	sld [smem:$0x3FA8]  }
0x30: {  	s3 =	sld [smem:$0x3FAB]  }
0x31: {  	[smem:$0x3FB4] =	sst s10  }
0x32: {  	s10 =	sld [smem:$0x3FB2];
	_ =	sdelay $0x3  }
0x33: {  	p0 =	seq.s32 s10, $0x1;
	s10 =	sld [smem:$0x3FB4];
	_ =	sdelay $0x3  }
0x34: {  	[smem:$0x3FB4] =	sst s10  }
0x35: {  	s10 =	sld [smem:$0x3FB3];
	_ =	sdelay $0x3  }
0x36: {  	p1 =	seq.s32 s10, $0x1;
	s10 =	sld [smem:$0x3FB4];
	_ =	sdelay $0x3  }
0x37: {  	[smem:$0x3FB4] =	sst s10  }
0x38: {  	s10 =	sld [smem:$0x3FB5]  }
0x39: {  	_ = 	snop;
	(pc) =	sbr.ind lr, $3  }
0x3a: {  	_ = 	snop  }
0x3b: {  	_ = 	snop  }
0x3c: {  	p2 =	seq.s32 s10, $0x1;
	s10 =	sld [smem:$0x3FB4]  }
0x3d: {  	_ =	shalt  }
0x3e: {  	_ =	shalt  }
0x3f: {  	_ =	shalt  }
0x40: {  	_ =	shalt  }
0x41: {  	_ =	shalt  }
0x42: {  	_ =	shalt  }
0x43: {  	_ =	shalt  }
0x44: {  	_ =	shalt  }
0x45: {  	_ =	shalt  }
0x46: {  	_ =	shalt  }
0x47: {  	_ =	shalt  }
0x48: {  	_ =	shalt  }
0x49: {  	_ =	shalt  }
0x4a: {  	_ =	shalt  }
0x4b: {  	_ =	shalt  }
0x4c: {  	_ =	shalt  }
0x4d: {  	_ =	shalt  }
0x4e: {  	_ =	shalt  }
0x4f: {  	_ =	shalt  }
0x50: {  	_ =	shalt  }
0x51: {  	_ =	shalt  }
0x52: {  	_ =	shalt  }
0x53: {  	_ =	shalt  }
0x54: {  	_ =	shalt  }
0x55: {  	_ =	shalt  }
0x56: {  	_ =	shalt  }
0x57: {  	_ =	shalt  }
0x58: {  	_ =	shalt  }
0x59: {  	_ =	shalt  }
0x5a: {  	_ =	shalt  }
0x5b: {  	_ =	shalt  }
0x5c: {  	_ =	shalt  }
0x5d: {  	_ =	shalt  }
0x5e: {  	_ =	shalt  }
0x5f: {  	_ =	shalt  }
0x60: {  	_ =	shalt  }
0x61: {  	_ =	shalt  }
0x62: {  	_ =	shalt  }
0x63: {  	_ =	shalt  }
0x64: {  	_ =	shalt  }
0x65: {  	_ =	shalt  }
0x66: {  	_ =	shalt  }
0x67: {  	_ =	shalt  }
0x68: {  	_ =	shalt  }
0x69: {  	_ =	shalt  }
0x6a: {  	_ =	shalt  }
0x6b: {  	_ =	shalt  }
0x6c: {  	_ =	shalt  }
0x6d: {  	_ =	shalt  }
0x6e: {  	_ =	shalt  }
0x6f: {  	_ =	shalt  }
0x70: {  	_ =	shalt  }
0x71: {  	_ =	shalt  }
0x72: {  	_ =	shalt  }
0x73: {  	_ =	shalt  }
0x74: {  	_ =	shalt  }
0x75: {  	_ =	shalt  }
0x76: {  	_ =	shalt  }
0x77: {  	_ =	shalt  }
0x78: {  	_ =	shalt  }
0x79: {  	_ =	shalt  }
0x7a: {  	_ =	shalt  }
0x7b: {  	_ =	shalt  }
0x7c: {  	_ =	shalt  }
0x7d: {  	_ =	shalt  }
0x7e: {  	_ =	shalt  }
0x7f: {  	_ =	shalt  }
0x80: {  	_ =	shalt  }
0x81: {  	_ =	shalt  }
0x82: {  	_ =	shalt  }
0x83: {  	_ =	shalt  }
0x84: {  	_ =	shalt  }
0x85: {  	_ =	shalt  }
0x86: {  	_ =	shalt  }
0x87: {  	_ =	shalt  }
.Lfunc_end0:
.L_simem_size_0:
called_computation.1_lowered:
.L_overlay_start_0:
0x88: {  	s2 =	sld [smem:$0x3FD9]  }
0x89: {  	s3 =	sld [smem:$0x3FFE];
	_ =	sdelay $0x1  }
0x8a: {  	s1 =	srdreg.scid  }
0x8b: {  	s0 =	sand.u32 $0x1, s1  }
0x8c: {  	s17 =	sshll.u32 s0, $0xA;
	s2 =	sadd.s32 s3, s2  }
0x8d: {  	s2 =	sadd.s32 s2, s17  }
0x8e: {  	[smem:$0x3FC0] =	sst s2  }
0x8f: {  	_ = 	snop  }
0x90: {  	s2 =	sld [smem:$0x3FC8]  }
0x91: {  	s18 =	sld [smem:$0x3FD0];
	(tm) =	ssettm $0x1  }
0x92: {  	s4 =	sld [smem:$0x3FFB];
	_ =	sdelay $0x3  }
0x93: {  	_ =	strace s4  }
0x94: {  	s4 =	sld [smem:$0x3FFC];
	_ =	sdelay $0x3  }
0x95: {  	_ =	strace s4  }
0x96: {  	s4 =	sld [smem:$0x3FFD];
	_ =	sdelay $0x3  }
0x97: {  	_ =	strace s4  }
0x98: {  	_ =	strace $0x8FFFFFFF  }
0x99: {  	s19 =	sld [smem:$0x3FDB];
	_ =	sdelay $0x1  }
0x9a: {  	s5 =	simm.s32 $_scs_section_size  }
0x9b: {  	s6 =	simm.s32 $_size__tile_overlayer_lowered;
	s7 =	simm.s32 $_tile_overlayer_lowered  }
0x9c: {  	s22 =	simm.s32 $0x1BFF;
	s21 =	sshll.u32 s7, $0x1;
	s4 =	sadd.s32 s5, s19  }
0x9d: {  	s8 =	simm.s32 $0x0;
	s20 =	sshll.u32 s6, $0x1;
	s6 =	sadd.s32 s21, s4  }
0x9e: {  	[timem:s8], [sflag:s22] =	dma.local [hbm:s6], s20  }
0x9f: {  	_ =	swait.ge [sflag:s22], s20  }
0xa0: {  	s5 =	ssub.s32 $0x0, s20;
	[sflag:s22] =	ssyncset.done $0x0  }
0xa1: {  	[sflag:s22] =	ssyncadd.s32 s5;
	_ =	sdelay $0x1  }
0xa2: {  	s23 =	simm.s32 $0x1B8B  }
0xa3: {  	_ =	swait.ge [sflag:s23], $0x1  }
0xa4: {  	[sflag:s23] =	ssyncset.done $0x0  }
0xa5: {  	s25 =	simm.s32 $0x1B8E;
	s24 =	sld [smem:$0x3FFE];
	[sflag:s23] =	ssyncadd.s32 $0xFFFFFFFF  }
0xa6: {  	s26 =	simm.s32 $execute0_lowered;
	[smem:$0x3FD2] =	sst s25  }
0xa7: {  	s6 =	sshll.u32 s26, $0x1;
	_ =	strace $0x80000049;
	[dreg:$0x1] =	wrdreg $0xFFFFFFFF  }
0xa8: {  	s28 =	simm.s32 $_size_execute0_lowered;
	s4 =	sadd.s32 s4, s6;
	[dreg:$0x0] =	wrdreg $0x0  }
0xa9: {  	s6 =	sshll.u32 s28, $0x1;
	[dreg:$0x2] =	wrdreg s4  }
0xaa: {  	[dreg:$0x3] =	wrdreg s6  }
0xab: {  	[dreg:$0x4] =	wrdreg $0xC0  }
0xac: {  	_ =	task [dreg:s8], $0x5FFFF  }
0xad: {  	[dreg:$0x1] =	wrdreg $0xFFFFFFFF  }
0xae: {  	[dreg:$0x0] =	wrdreg $0x60  }
0xaf: {  	[dreg:$0x2] =	wrdreg s18  }
0xb0: {  	[dreg:$0x3] =	wrdreg s2  }
0xb1: {  	[dreg:$0x4] =	wrdreg s24  }
0xb2: {  	[dreg:$0x5] =	wrdreg $0x90000  }
0xb3: {  	[dreg:$0x6] =	wrdreg $0x9  }
0xb4: {  	_ =	task.clear_ibuf [dreg:s8], $0x7FFFF;
	_ =	strace $0x90000049  }
0xb5: {  	s29 =	simm.s32 $0x9;
	_ =	strace $0x8000004B  }
0xb6: {  	_ =	swait.ge [sflag:s29], $0x1  }
0xb7: {  	[sflag:s29] =	ssyncadd.s32 $0xFFFFFFFF  }
0xb8: {  	_ =	strace $0x9000004B  }
0xb9: {  	_ =	sfence  }
0xba: {  	s30 =	sld [smem:$0x0];
	_ =	sdelay $0x2  }
0xbb: {  	s31 =	sshll.u32 s1, $0xD;
	s1 =	sshrl.u32 s1, $0x2  }
0xbc: {  	s3 =	sand.u32 $0x4000, s31;
	s1 =	sadd.s32 s1, s30  }
0xbd: {  	s0 =	sor.u32 s3, s0;
	s1 =	sshll.u32 s1, $0x11  }
0xbe: {  	s0 =	sor.u32 s1, s0  }
0xbf: {  	s0 =	sadd.s32 $0x8F2B, s0  }
0xc0: {  	[sflag:s0] =	ssyncadd.remote.s32 $0x1  }
0xc1: {  	_ =	sfence.sel $0xFFFF  }
0xc2: {  	[dreg:$0x0] =	wrdreg $0xFFFFFFFF;
	(pc) =	sbr.abs _section_cstart, $3  }
0xc3: {  	[dreg:$0x1] =	wrdreg $0xFFFFFFFF  }
0xc4: {  	_ =	task.clear_ibuf [dreg:s8], $0x2FFFF;
	_ =	strace $0x9FFFFFFF  }
0xc5: {  	(tm) =	ssettm $0x7FFFFFFF  }
tec
execute0_lowered:
.L_overlay_start_1:
0x0: {  	(tag) =	ssettag $0x1  }
0x1: {  	s0 =	rddreg [dreg:$0x0]  }
0x2: {  	s11 =	rddreg [dreg:$0x1]  }
0x3: {  	s1 =	rddreg [dreg:$0x2]  }
0x4: {  	s2 =	srdreg.scid;
	s4 =	rddreg [dreg:$0x3]  }
0x5: {  	s12 =	stileid.u32;
	s6 =	simm.s32 $0x0;
	s28 =	simm.s32 $0x80  }
0x6: {  	s29 =	simm.s32 $0x5000;
	s30 =	simm.s32 $0x1;
	s5 =	smul.u32 $0x13C00, s12  }
0x7: {  	s2 =	sand.u32 $0x1, s2;
	[smem:$0x7FF] =	sst s6;
	s10 =	smul.u32 $0x4F000, s12  }
0x8: {  	s6 =	sadd.s32 $0x1A00, s1;
	s7 =	sadd.s32 $0x2000, s1;
	s15 =	smul.u32 $0xA000, s12  }
0x9: {  	s8 =	sshll.u32 s12, $0x1;
	s22 =	sadd.s32 $0x1A80, s1;
	s3 =	smul.u32 $0x13C000, s2  }
0xa: {  	_ =	strace $0x8000004A;
	s9 =	ssub.s32 $0x2, s2;
	s8 =	sor.u32 s2, s8  }
0xb: {  	s2 =	smul.u32 $0x5000, s2;
	[dreg:$0xe] =	wrdreg s22;
	s22 =	simm.s32 $0xF00  }
0xc: {  	s13 =	smul.u32 $0xA00, s8;
	p0 =	seq.s32 s8, $0x1F;
	s8 =	simm.s32 $0x6  }
0xd: {  	s3 =	sadd.s32 s5, s3;
	s5 =	sshrl.u32 s10, $0x2;
	s10 =	sshrl.u32 s9, $0x1  }
0xe: {  	s2 =	sadd.s32 s2, s15;
	s15 =	simm.s32 $0x600;
	s19 =	sadd.s32 s11, s13  }
0xf: {  	s23 =	sadd.s32 $0x1800, s2;
	s2 =	sadd.s32 $0x1000, s2;
	[dreg:$0xa] =	wrdreg s19  }
0x10: {  	s3 =	sshrl.u32 s3, $0x3;
	s25 =	sadd.s32 s5, s4;
	[dreg:$0x12] =	wrdreg s2  }
0x11: {  	s9 =	ssub.s32 s9, s10;
	s14 =	sadd.s32 $0x4000, s25;
	[dreg:$0x5] =	wrdreg s25  }
0x12: {  	s3 =	sadd.s32 s3, s1;
	s16 =	sadd.s32 $0x8000, s25;
	[dreg:$0x6] =	wrdreg s14  }
0x13: {  	s17 =	sadd.s32 $0xC000, s25;
	s18 =	sadd.s32 $0x10000, s25;
	[dreg:$0x7] =	wrdreg s16  }
0x14: {  	s20 =	sadd.s32 $0x100, s19;
	s21 =	sadd.s32 $0x110, s19;
	[dreg:$0x8] =	wrdreg s17  }
0x15: {  	s1 =	sadd.s32 $0x2080, s1;
	s26 =	sshrl.u32 s23, $0x3;
	[dreg:$0x9] =	wrdreg s18  }
0x16: {  	s31 =	smax.u32 s9, $0x1;
	s2 =	simm.s32 $0x3;
	[dreg:$0xc] =	wrdreg s20  }
0x17: {  	s9 =	simm.s32 $0x2;
	s19 =	simm.s32 $0x700;
	[dreg:$0xd] =	wrdreg s21  }
0x18: {  	s23 =	simm.s32 $0xF80;
	s14 =	sadd.s32 $0x10, s11;
	[dreg:$0xf] =	wrdreg s1  }
0x19: {  	s24 =	sadd.s32 $0x2600, s3;
	[dreg:$0x11] =	wrdreg s31;
	s3 =	simm.s32 $0x7  }
.Ltmp0:
0x1a: {  	s11 =	simm.s32 $0x4;
	s16 =	simm.s32 $0xD80;
	(pc) =	sbr.rel .LBB2_1-.Ltmp0, $4  }
0x1b: {  	s17 =	simm.s32 $0x680;
	s18 =	simm.s32 $0xE00;
	s20 =	simm.s32 $0xE80  }
0x1c: {  	s21 =	simm.s32 $0x780;
	s5 =	sadd.s32 s13, s14;
	[dreg:$0x10] =	wrdreg s24  }
0x1d: {  	s1 =	sadd.s32 s26, s14;
	s24 =	simm.s32 $0x1000;
	[dreg:$0xb] =	wrdreg s5  }
0x1e: {  	v0 =	vimm.f32 $0.0e+00;
	s26 =	simm.s32 $0x5;
	[dreg:$0x13] =	wrdreg s1;
	s5 =	simm.s32 $0x0  }
.LBB2_6:
0x1f: {  	s1 =	stileid.u32;
	[bflag:$0x0] =	sbarrier.arrive $0xFFFF  }
0x20: {  	s1 =	sshll.u32 s1, $0x6;
	s25 =	rddreg [dreg:$0x5]  }
0x21: {  	s5 =	rddreg [dreg:$0x10];
	s1 =	sor.u32 $0x1C07, s1;
	s3 =	sshrl.u32 s25, $0x3  }
0x22: {  	[hbm:s5], [sflag:s1] =	dma.local [spmem:s3], $0x2780  }
0x23: {  	s3 =	simm.s32 $0x7  }
0x24: {  	_ =	swait.ge [sflag:s3], $0x2780  }
0x25: {  	s13 =	rddreg [dreg:$0x14]  }
0x26: {  	s31 =	rddreg [dreg:$0x11];
	s5 =	sadd.s32 $0x1, s13  }
0x27: {  	p1 =	sne.s32 s5, s31  }
.Ltmp1:
0x28: {  	_ = 	snop;
	(pc) =	sbr.rel @!p1 .LBB2_7-.Ltmp1, $3  }
0x29: {  	_ =	sdelay $0x1  }
0x2a: {  	[sflag:s3] =	ssyncset.done $0x0  }
0x2b: {  	[sflag:s3] =	ssyncadd.s32 $0xFFFFD880  }
.LBB2_1:
0x2c: {  	[dreg:$0x14] =	wrdreg s5;
	s1 =	simm.s32 $0x0;
	s13 =	simm.s32 $0x200  }
.LBB2_2:
0x2d: {  	p1 =	sne.s32 s13, $0xFE00;
	[tilespmem:s1+$0x1070] =	vst v0  }
0x2e: {  	[tilespmem:s1+$0x1000] =	vst v0  }
0x2f: {  	[tilespmem:s1+$0x1010] =	vst v0  }
.Ltmp2:
0x30: {  	[tilespmem:s1+$0x1020] =	vst v0;
	(pc) =	sbr.rel @p1 .LBB2_2-.Ltmp2, $4  }
0x31: {  	[tilespmem:s1+$0x1030] =	vst v0  }
0x32: {  	[tilespmem:s1+$0x1040] =	vst v0  }
0x33: {  	[tilespmem:s1+$0x1050] =	vst v0  }
0x34: {  	[tilespmem:s1+$0x1060] =	vst v0;
	s1 =	sshra.s32 s13, $0x2;
	s13 =	sadd.s32 $0x200, s13  }
0x35: {  	[tilespmem:s1+$0x1070] =	vst v0  }
0x36: {  	[tilespmem:s1+$0x1000] =	vst v0  }
0x37: {  	[tilespmem:s1+$0x1010] =	vst v0  }
0x38: {  	[tilespmem:s1+$0x1020] =	vst v0  }
0x39: {  	[tilespmem:s1+$0x1030] =	vst v0  }
0x3a: {  	[tilespmem:s1+$0x1040] =	vst v0  }
0x3b: {  	[tilespmem:s1+$0x1050] =	vst v0  }
0x3c: {  	[tilespmem:s1+$0x1060] =	vst v0  }
0x3d: {  	[spmem:s25] =	stream.linear.scatter [tilespmem:s24], [sflag:$0x7], $0x4000, $0x38;
	[tilespmem:$0x1CC00] =	vst v63  }
0x3e: {  	_ =	swait.ge [sflag:s3], $0x4000  }
0x3f: {  	[sflag:s3] =	ssyncset.done $0x0  }
0x40: {  	s12 =	rddreg [dreg:$0x6];
	[sflag:s3] =	ssyncadd.s32 $0xFFFFC000  }
0x41: {  	[spmem:s12] =	stream.linear.scatter [tilespmem:s24], [sflag:$0x7], $0x4000, $0x38;
	[tilespmem:$0x1CC00] =	vst v63  }
0x42: {  	_ =	swait.ge [sflag:s3], $0x4000  }
0x43: {  	[sflag:s3] =	ssyncset.done $0x0  }
0x44: {  	s13 =	rddreg [dreg:$0x7];
	[sflag:s3] =	ssyncadd.s32 $0xFFFFC000  }
0x45: {  	[spmem:s13] =	stream.linear.scatter [tilespmem:s24], [sflag:$0x7], $0x4000, $0x38;
	[tilespmem:$0x1CC00] =	vst v63  }
0x46: {  	_ =	swait.ge [sflag:s3], $0x4000  }
0x47: {  	[sflag:s3] =	ssyncset.done $0x0  }
0x48: {  	s25 =	rddreg [dreg:$0x8];
	[sflag:s3] =	ssyncadd.s32 $0xFFFFC000  }
0x49: {  	[spmem:s25] =	stream.linear.scatter [tilespmem:s24], [sflag:$0x7], $0x4000, $0x38;
	[tilespmem:$0x1CC00] =	vst v63  }
0x4a: {  	_ =	swait.ge [sflag:s3], $0x4000  }
0x4b: {  	[sflag:s3] =	ssyncset.done $0x0  }
0x4c: {  	s31 =	rddreg [dreg:$0x9];
	[sflag:s3] =	ssyncadd.s32 $0xFFFFC000  }
0x4d: {  	[spmem:s31] =	stream.linear.scatter [tilespmem:s24], [sflag:$0x7], $0x3C00, $0x38;
	[tilespmem:$0x1CC00] =	vst v63  }
0x4e: {  	_ =	swait.ge [sflag:s3], $0x3C00  }
0x4f: {  	[sflag:s3] =	ssyncset.done $0x0  }
0x50: {  	[sflag:s3] =	ssyncadd.s32 $0xFFFFC400  }
0x51: {  	s1 =	simm.s32 @p0 $0x0;
	[bflag:$0x0] =	sbarrier.arrive $0xFFFF  }
0x52: {  	[tilespmem:s1], [sflag:$0x5] =	stream.linear.gather @p0 [hbm4b:s6+s1], $0x400, $0x38;
	[tilespmem:$0x1CC00] =	vst v63  }
0x53: {  	s13 =	simm.s32 @p0 $0x800  }
0x54: {  	[tilespmem:s13], [sflag:$0x5] =	stream.linear.gather @p0 [hbm4b:s7+s1], $0x400, $0x38;
	[tilespmem:$0x1CC00] =	vst v63  }
0x55: {  	s3 =	rddreg [dreg:$0xe];
	s13 =	simm.s32 @p0 $0x400  }
0x56: {  	[tilespmem:s13], [sflag:$0x6] =	stream.linear.gather @p0 [hbm4b:s3+s1], $0x400, $0x38;
	[tilespmem:$0x1CC00] =	vst v63  }
0x57: {  	s25 =	simm.s32 @!p0 $0x0;
	s13 =	simm.s32 @p0 $0xC00;
	s3 =	rddreg [dreg:$0xf]  }
0x58: {  	[tilespmem:s13], [sflag:$0x6] =	stream.linear.gather @p0 [hbm4b:s3+s1], $0x400, $0x38;
	[tilespmem:$0x1CC00] =	vst v63  }
0x59: {  	s1 =	simm.s32 @!p0 $0x80;
	s13 =	simm.s32 @!p0 $0x100;
	s3 =	rddreg [dreg:$0xa]  }
0x5a: {  	[tilespmem:s25], [sflag:$0x5] =	stream.strided.gather @!p0 [hbm4b:s3+s1], $0x400, s13, s1, $0x38;
	[tilespmem:$0x1CC00] =	vst v63  }
0x5b: {  	s25 =	simm.s32 @!p0 $0x800;
	s3 =	rddreg [dreg:$0xb]  }
0x5c: {  	[tilespmem:s25], [sflag:$0x5] =	stream.strided.gather @!p0 [hbm4b:s3+s1], $0x400, s13, s1, $0x38;
	[tilespmem:$0x1CC00] =	vst v63  }
0x5d: {  	s25 =	simm.s32 @!p0 $0x400;
	s3 =	rddreg [dreg:$0xc]  }
0x5e: {  	[tilespmem:s25], [sflag:$0x6] =	stream.strided.gather @!p0 [hbm4b:s3+s1], $0x400, s13, s1, $0x38;
	[tilespmem:$0x1CC00] =	vst v63  }
0x5f: {  	s25 =	simm.s32 @!p0 $0xC00;
	s3 =	rddreg [dreg:$0xd]  }
0x60: {  	[tilespmem:s25], [sflag:$0x6] =	stream.strided.gather @!p0 [hbm4b:s3+s1], $0x400, s13, s1, $0x38;
	[tilespmem:$0x1CC00] =	vst v63  }
0x61: {  	s25 =	rddreg [dreg:$0x13]  }
0x62: {  	s13 =	simm.s32 $0x0;
	s1 =	rddreg [dreg:$0x12]  }
.LBB2_4:
0x63: {  	_ =	swait.ge [sflag:s26], $0x400  }
0x64: {  	[sflag:s26] =	ssyncset.done $0x0  }
0x65: {  	[sflag:s26] =	ssyncadd.s32 $0xFFFFFC00  }
0x66: {  	_ =	swait.ge [sflag:s26], $0x400  }
0x67: {  	[sflag:s26] =	ssyncset.done $0x0  }
0x68: {  	s3 =	simm.s32 $0x0;
	[sflag:s26] =	ssyncadd.s32 $0xFFFFFC00  }
0x69: {  	[tilespmem:s24], [sflag:$0x1] =	stream.indirect.gather [hbm4b:s0+s28], $0x80, s3, s28, $0xb8;
	[tilespmem:$0x1CC00] =	vst v63  }
0x6a: {  	_ = 	snop  }
0x6b: {  	[tilespmem:s29], [sflag:$0x2] =	stream.indirect.gather [hbm4b:s0+s28], $0x80, s28, s28, $0xb8;
	[tilespmem:$0x1CC00] =	vst v63  }
0x6c: {  	_ =	swait.ge [sflag:s30], $0x4000  }
0x6d: {  	[sflag:s30] =	ssyncset.done $0x0  }
0x6e: {  	s31 =	simm.s32 $0x800;
	[sflag:s30] =	ssyncadd.s32 $0xFFFFC000  }
0x6f: {  	[spmem:s4] =	stream.indirect.scatter.add.f32 [tilespmem:s24], [sflag:$0x3], $0x80, s31, s28, $0xb8;
	[tilespmem:$0x1CC00] =	vst v63  }
0x70: {  	_ =	swait.ge [sflag:s2], $0x4000  }
0x71: {  	[sflag:s2] =	ssyncset.done $0x0  }
0x72: {  	s5 =	simm.s32 $0x100;
	[sflag:s2] =	ssyncadd.s32 $0xFFFFC000  }
0x73: {  	[tilespmem:s24], [sflag:$0x1] =	stream.indirect.gather [hbm4b:s0+s28], $0x80, s5, s28, $0xb8;
	[tilespmem:$0x1CC00] =	vst v63  }
0x74: {  	_ =	swait.ge [sflag:s9], $0x4000  }
0x75: {  	[sflag:s9] =	ssyncset.done $0x0  }
0x76: {  	s10 =	simm.s32 $0x880;
	[sflag:s9] =	ssyncadd.s32 $0xFFFFC000  }
0x77: {  	[spmem:s4] =	stream.indirect.scatter.add.f32 [tilespmem:s29], [sflag:$0x4], $0x80, s10, s28, $0xb8;
	[tilespmem:$0x1CC00] =	vst v63  }
0x78: {  	_ =	swait.ge [sflag:s11], $0x4000  }
0x79: {  	[sflag:s11] =	ssyncset.done $0x0  }
0x7a: {  	s12 =	simm.s32 $0x180;
	[sflag:s11] =	ssyncadd.s32 $0xFFFFC000  }
0x7b: {  	[tilespmem:s29], [sflag:$0x2] =	stream.indirect.gather [hbm4b:s0+s28], $0x80, s12, s28, $0xb8;
	[tilespmem:$0x1CC00] =	vst v63  }
0x7c: {  	_ =	swait.ge [sflag:s30], $0x4000  }
0x7d: {  	[sflag:s30] =	ssyncset.done $0x0  }
0x7e: {  	s31 =	simm.s32 $0x900;
	[sflag:s30] =	ssyncadd.s32 $0xFFFFC000  }
0x7f: {  	[spmem:s4] =	stream.indirect.scatter.add.f32 [tilespmem:s24], [sflag:$0x3], $0x80, s31, s28, $0xb8;
	[tilespmem:$0x1CC00] =	vst v63  }
0x80: {  	_ =	swait.ge [sflag:s2], $0x4000  }
0x81: {  	[sflag:s2] =	ssyncset.done $0x0  }
0x82: {  	s5 =	simm.s32 $0x200;
	[sflag:s2] =	ssyncadd.s32 $0xFFFFC000  }
0x83: {  	[tilespmem:s24], [sflag:$0x1] =	stream.indirect.gather [hbm4b:s0+s28], $0x80, s5, s28, $0xb8;
	[tilespmem:$0x1CC00] =	vst v63  }
0x84: {  	_ =	swait.ge [sflag:s9], $0x4000  }
0x85: {  	[sflag:s9] =	ssyncset.done $0x0  }
0x86: {  	s10 =	simm.s32 $0x980;
	[sflag:s9] =	ssyncadd.s32 $0xFFFFC000  }
0x87: {  	[spmem:s4] =	stream.indirect.scatter.add.f32 [tilespmem:s29], [sflag:$0x4], $0x80, s10, s28, $0xb8;
	[tilespmem:$0x1CC00] =	vst v63  }
0x88: {  	_ =	swait.ge [sflag:s11], $0x4000  }
0x89: {  	[sflag:s11] =	ssyncset.done $0x0  }
0x8a: {  	s12 =	simm.s32 $0x280;
	[sflag:s11] =	ssyncadd.s32 $0xFFFFC000  }
0x8b: {  	[tilespmem:s29], [sflag:$0x2] =	stream.indirect.gather [hbm4b:s0+s28], $0x80, s12, s28, $0xb8;
	[tilespmem:$0x1CC00] =	vst v63  }
0x8c: {  	_ =	swait.ge [sflag:s30], $0x4000  }
0x8d: {  	[sflag:s30] =	ssyncset.done $0x0  }
0x8e: {  	s31 =	simm.s32 $0xA00;
	[sflag:s30] =	ssyncadd.s32 $0xFFFFC000  }
0x8f: {  	[spmem:s4] =	stream.indirect.scatter.add.f32 [tilespmem:s24], [sflag:$0x3], $0x80, s31, s28, $0xb8;
	[tilespmem:$0x1CC00] =	vst v63  }
0x90: {  	_ =	swait.ge [sflag:s2], $0x4000  }
0x91: {  	[sflag:s2] =	ssyncset.done $0x0  }
0x92: {  	s5 =	simm.s32 $0x300;
	[sflag:s2] =	ssyncadd.s32 $0xFFFFC000  }
0x93: {  	[tilespmem:s24], [sflag:$0x1] =	stream.indirect.gather [hbm4b:s0+s28], $0x80, s5, s28, $0xb8;
	[tilespmem:$0x1CC00] =	vst v63  }
0x94: {  	_ =	swait.ge [sflag:s9], $0x4000  }
0x95: {  	[sflag:s9] =	ssyncset.done $0x0  }
0x96: {  	s10 =	simm.s32 $0xA80;
	[sflag:s9] =	ssyncadd.s32 $0xFFFFC000  }
0x97: {  	[spmem:s4] =	stream.indirect.scatter.add.f32 [tilespmem:s29], [sflag:$0x4], $0x80, s10, s28, $0xb8;
	[tilespmem:$0x1CC00] =	vst v63  }
0x98: {  	_ =	swait.ge [sflag:s11], $0x4000  }
0x99: {  	[sflag:s11] =	ssyncset.done $0x0  }
0x9a: {  	s12 =	simm.s32 $0x380;
	[sflag:s11] =	ssyncadd.s32 $0xFFFFC000  }
0x9b: {  	[tilespmem:s29], [sflag:$0x2] =	stream.indirect.gather [hbm4b:s0+s28], $0x80, s12, s28, $0xb8;
	[tilespmem:$0x1CC00] =	vst v63  }
0x9c: {  	_ =	swait.ge [sflag:s30], $0x4000  }
0x9d: {  	[sflag:s30] =	ssyncset.done $0x0  }
0x9e: {  	s31 =	simm.s32 $0xB00;
	[sflag:s30] =	ssyncadd.s32 $0xFFFFC000  }
0x9f: {  	[spmem:s4] =	stream.indirect.scatter.add.f32 [tilespmem:s24], [sflag:$0x3], $0x80, s31, s28, $0xb8;
	[tilespmem:$0x1CC00] =	vst v63  }
0xa0: {  	_ =	swait.ge [sflag:s9], $0x4000  }
0xa1: {  	[sflag:s9] =	ssyncset.done $0x0  }
0xa2: {  	s5 =	simm.s32 $0xB80;
	[sflag:s9] =	ssyncadd.s32 $0xFFFFC000  }
0xa3: {  	[spmem:s4] =	stream.indirect.scatter.add.f32 [tilespmem:s29], [sflag:$0x4], $0x80, s5, s28, $0xb8;
	[tilespmem:$0x1CC00] =	vst v63  }
0xa4: {  	_ =	swait.ge [sflag:s8], $0x400  }
0xa5: {  	[sflag:s8] =	ssyncset.done $0x0  }
0xa6: {  	[sflag:s8] =	ssyncadd.s32 $0xFFFFFC00  }
0xa7: {  	_ =	swait.ge [sflag:s8], $0x400  }
0xa8: {  	[sflag:s8] =	ssyncset.done $0x0  }
0xa9: {  	[sflag:s8] =	ssyncadd.s32 $0xFFFFFC00  }
0xaa: {  	_ =	swait.ge [sflag:s2], $0x4000  }
0xab: {  	[sflag:s2] =	ssyncset.done $0x0  }
0xac: {  	s10 =	simm.s32 $0x400;
	[sflag:s2] =	ssyncadd.s32 $0xFFFFC000  }
0xad: {  	[tilespmem:s24], [sflag:$0x1] =	stream.indirect.gather [hbm4b:s0+s28], $0x80, s10, s28, $0xb8;
	[tilespmem:$0x1CC00] =	vst v63  }
0xae: {  	_ =	swait.ge [sflag:s11], $0x4000  }
0xaf: {  	[sflag:s11] =	ssyncset.done $0x0  }
0xb0: {  	s12 =	simm.s32 $0x480;
	[sflag:s11] =	ssyncadd.s32 $0xFFFFC000  }
0xb1: {  	[tilespmem:s29], [sflag:$0x2] =	stream.indirect.gather [hbm4b:s0+s28], $0x80, s12, s28, $0xb8;
	[tilespmem:$0x1CC00] =	vst v63  }
0xb2: {  	_ =	swait.ge [sflag:s30], $0x4000  }
0xb3: {  	[sflag:s30] =	ssyncset.done $0x0  }
0xb4: {  	s31 =	simm.s32 $0xC00;
	[sflag:s30] =	ssyncadd.s32 $0xFFFFC000  }
0xb5: {  	[spmem:s4] =	stream.indirect.scatter.add.f32 [tilespmem:s24], [sflag:$0x3], $0x80, s31, s28, $0xb8;
	[tilespmem:$0x1CC00] =	vst v63  }
0xb6: {  	_ =	swait.ge [sflag:s2], $0x4000  }
0xb7: {  	[sflag:s2] =	ssyncset.done $0x0  }
0xb8: {  	s5 =	simm.s32 $0x500;
	[sflag:s2] =	ssyncadd.s32 $0xFFFFC000  }
0xb9: {  	[tilespmem:s24], [sflag:$0x1] =	stream.indirect.gather [hbm4b:s0+s28], $0x80, s5, s28, $0xb8;
	[tilespmem:$0x1CC00] =	vst v63  }
0xba: {  	_ =	swait.ge [sflag:s9], $0x4000  }
0xbb: {  	[sflag:s9] =	ssyncset.done $0x0  }
0xbc: {  	s10 =	simm.s32 $0xC80;
	[sflag:s9] =	ssyncadd.s32 $0xFFFFC000  }
0xbd: {  	[spmem:s4] =	stream.indirect.scatter.add.f32 [tilespmem:s29], [sflag:$0x4], $0x80, s10, s28, $0xb8;
	[tilespmem:$0x1CC00] =	vst v63  }
0xbe: {  	_ =	swait.ge [sflag:s11], $0x4000  }
0xbf: {  	[sflag:s11] =	ssyncset.done $0x0  }
0xc0: {  	s12 =	simm.s32 $0x580;
	[sflag:s11] =	ssyncadd.s32 $0xFFFFC000  }
0xc1: {  	[tilespmem:s29], [sflag:$0x2] =	stream.indirect.gather [hbm4b:s0+s28], $0x80, s12, s28, $0xb8;
	[tilespmem:$0x1CC00] =	vst v63  }
0xc2: {  	_ =	swait.ge [sflag:s30], $0x4000  }
0xc3: {  	[sflag:s30] =	ssyncset.done $0x0  }
0xc4: {  	s31 =	simm.s32 $0xD00;
	[sflag:s30] =	ssyncadd.s32 $0xFFFFC000  }
0xc5: {  	[spmem:s4] =	stream.indirect.scatter.add.f32 [tilespmem:s24], [sflag:$0x3], $0x80, s31, s28, $0xb8;
	[tilespmem:$0x1CC00] =	vst v63  }
0xc6: {  	_ =	swait.ge [sflag:s2], $0x4000  }
0xc7: {  	[sflag:s2] =	ssyncset.done $0x0  }
0xc8: {  	[sflag:s2] =	ssyncadd.s32 $0xFFFFC000  }
0xc9: {  	[tilespmem:s24], [sflag:$0x1] =	stream.indirect.gather [hbm4b:s0+s28], $0x80, s15, s28, $0xb8;
	[tilespmem:$0x1CC00] =	vst v63  }
0xca: {  	_ =	swait.ge [sflag:s9], $0x4000  }
0xcb: {  	[sflag:s9] =	ssyncset.done $0x0  }
0xcc: {  	[sflag:s9] =	ssyncadd.s32 $0xFFFFC000  }
0xcd: {  	[spmem:s4] =	stream.indirect.scatter.add.f32 [tilespmem:s29], [sflag:$0x4], $0x80, s16, s28, $0xb8;
	[tilespmem:$0x1CC00] =	vst v63  }
0xce: {  	_ =	swait.ge [sflag:s11], $0x4000  }
0xcf: {  	[sflag:s11] =	ssyncset.done $0x0  }
0xd0: {  	[sflag:s11] =	ssyncadd.s32 $0xFFFFC000  }
0xd1: {  	[tilespmem:s29], [sflag:$0x2] =	stream.indirect.gather [hbm4b:s0+s28], $0x80, s17, s28, $0xb8;
	[tilespmem:$0x1CC00] =	vst v63  }
0xd2: {  	_ =	swait.ge [sflag:s30], $0x4000  }
0xd3: {  	[sflag:s30] =	ssyncset.done $0x0  }
0xd4: {  	[sflag:s30] =	ssyncadd.s32 $0xFFFFC000  }
0xd5: {  	[spmem:s4] =	stream.indirect.scatter.add.f32 [tilespmem:s24], [sflag:$0x3], $0x80, s18, s28, $0xb8;
	[tilespmem:$0x1CC00] =	vst v63  }
0xd6: {  	_ =	swait.ge [sflag:s2], $0x4000  }
0xd7: {  	[sflag:s2] =	ssyncset.done $0x0  }
0xd8: {  	[sflag:s2] =	ssyncadd.s32 $0xFFFFC000  }
0xd9: {  	[tilespmem:s24], [sflag:$0x1] =	stream.indirect.gather [hbm4b:s0+s28], $0x80, s19, s28, $0xb8;
	[tilespmem:$0x1CC00] =	vst v63  }
0xda: {  	_ =	swait.ge [sflag:s9], $0x4000  }
0xdb: {  	[sflag:s9] =	ssyncset.done $0x0  }
0xdc: {  	[sflag:s9] =	ssyncadd.s32 $0xFFFFC000  }
0xdd: {  	[spmem:s4] =	stream.indirect.scatter.add.f32 [tilespmem:s29], [sflag:$0x4], $0x80, s20, s28, $0xb8;
	[tilespmem:$0x1CC00] =	vst v63  }
0xde: {  	_ =	swait.ge [sflag:s11], $0x4000  }
0xdf: {  	[sflag:s11] =	ssyncset.done $0x0  }
0xe0: {  	[sflag:s11] =	ssyncadd.s32 $0xFFFFC000  }
0xe1: {  	[tilespmem:s29], [sflag:$0x2] =	stream.indirect.gather [hbm4b:s0+s28], $0x80, s21, s28, $0xb8;
	[tilespmem:$0x1CC00] =	vst v63  }
0xe2: {  	_ =	swait.ge [sflag:s30], $0x4000  }
0xe3: {  	[sflag:s30] =	ssyncset.done $0x0  }
0xe4: {  	[sflag:s30] =	ssyncadd.s32 $0xFFFFC000  }
0xe5: {  	[spmem:s4] =	stream.indirect.scatter.add.f32 [tilespmem:s24], [sflag:$0x3], $0x80, s22, s28, $0xb8;
	[tilespmem:$0x1CC00] =	vst v63  }
0xe6: {  	_ =	swait.ge [sflag:s9], $0x4000  }
0xe7: {  	[sflag:s9] =	ssyncset.done $0x0  }
0xe8: {  	[sflag:s9] =	ssyncadd.s32 $0xFFFFC000  }
0xe9: {  	[spmem:s4] =	stream.indirect.scatter.add.f32 [tilespmem:s29], [sflag:$0x4], $0x80, s23, s28, $0xb8;
	[tilespmem:$0x1CC00] =	vst v63  }
0xea: {  	p1 =	seq.s32 s13, $0x400;
	_ =	swait.ge [sflag:s2], $0x4000  }
.Ltmp3:
0xeb: {  	[sflag:s2] =	ssyncset.done $0x0;
	(pc) =	sbr.rel @p1 .LBB2_6-.Ltmp3, $4  }
0xec: {  	[sflag:s2] =	ssyncadd.s32 $0xFFFFC000  }
0xed: {  	_ =	swait.ge [sflag:s11], $0x4000  }
0xee: {  	[sflag:s11] =	ssyncset.done $0x0  }
0xef: {  	[sflag:s11] =	ssyncadd.s32 $0xFFFFC000  }
0xf0: {  	s5 =	sadd.s32 @p0 s13, s6  }
0xf1: {  	s3 =	simm.s32 @p0 $0x0;
	s31 =	sadd.s32 @p0 $0x100, s5  }
0xf2: {  	[tilespmem:s3], [sflag:$0x5] =	stream.linear.gather @p0 [hbm4b:s31+s3], $0x400, $0x38;
	[tilespmem:$0x1CC00] =	vst v63  }
0xf3: {  	s31 =	sadd.s32 @p0 s13, s7  }
0xf4: {  	s12 =	simm.s32 @p0 $0x800;
	s10 =	sadd.s32 @p0 $0x100, s31  }
0xf5: {  	[tilespmem:s12], [sflag:$0x5] =	stream.linear.gather @p0 [hbm4b:s10+s3], $0x400, $0x38;
	[tilespmem:$0x1CC00] =	vst v63  }
0xf6: {  	s5 =	sadd.s32 @p0 $0x180, s5;
	s10 =	simm.s32 @p0 $0x400  }
0xf7: {  	[tilespmem:s10], [sflag:$0x6] =	stream.linear.gather @p0 [hbm4b:s5+s3], $0x400, $0x38;
	[tilespmem:$0x1CC00] =	vst v63  }
0xf8: {  	s5 =	sadd.s32 @p0 $0x180, s31;
	s10 =	simm.s32 @p0 $0xC00  }
0xf9: {  	[tilespmem:s10], [sflag:$0x6] =	stream.linear.gather @p0 [hbm4b:s5+s3], $0x400, $0x38;
	[tilespmem:$0x1CC00] =	vst v63  }
0xfa: {  	s12 =	simm.s32 @!p0 $0x100;
	s3 =	sshrl.u32 @!p0 s1, $0x3;
	s5 =	rddreg [dreg:$0x1]  }
0xfb: {  	s31 =	simm.s32 @!p0 $0x0;
	s10 =	simm.s32 @!p0 $0x80;
	s5 =	sadd.s32 @!p0 s5, s3  }
0xfc: {  	[tilespmem:s31], [sflag:$0x5] =	stream.strided.gather @!p0 [hbm4b:s5+s10], $0x400, s12, s10, $0x38;
	[tilespmem:$0x1CC00] =	vst v63  }
0xfd: {  	s3 =	sadd.s32 @!p0 s3, s14;
	s5 =	simm.s32 @!p0 $0x800  }
0xfe: {  	[tilespmem:s5], [sflag:$0x5] =	stream.strided.gather @!p0 [hbm4b:s3+s10], $0x400, s12, s10, $0x38;
	[tilespmem:$0x1CC00] =	vst v63  }
.Ltmp4:
0xff: {  	s3 =	sadd.s32 @!p0 $0xFFFFFFF0, s25;
	s5 =	simm.s32 @!p0 $0x400;
	(pc) =	sbr.rel .LBB2_4-.Ltmp4, $4  }
0x100: {  	[tilespmem:s5], [sflag:$0x6] =	stream.strided.gather @!p0 [hbm4b:s3+s10], $0x400, s12, s10, $0x38;
	[tilespmem:$0x1CC00] =	vst v63  }
0x101: {  	s3 =	simm.s32 @!p0 $0xC00  }
0x102: {  	[tilespmem:s3], [sflag:$0x6] =	stream.strided.gather @!p0 [hbm4b:s25+s10], $0x400, s12, s10, $0x38;
	[tilespmem:$0x1CC00] =	vst v63  }
0x103: {  	s13 =	sadd.s32 $0x100, s13;
	s1 =	sadd.s32 $0x1000, s1;
	s25 =	sadd.s32 $0x200, s25  }
.LBB2_7:
0x104: {  	_ =	sfence.sel $0x180000  }
0x105: {  	[bflag:$0x0] =	sbarrier.arrive $0xFFFF  }
0x106: {  	_ =	strace $0x9000004A  }
0x107: {  	s0 =	stileid.u32;
	[bflag:$0x2] =	sbarrier.arrive $0xFFFF  }
0x108: {  	p0 =	sne.s32 s0, $0x0;
	s0 =	rddreg [dreg:$0x4]  }
0x109: {  	s0 =	sadd.s32 @!p0 $0x100000, s0  }
0x10a: {  	[sflag:s0] =	ssyncadd.tile.s32 @!p0 $0x1;
	_ =	shalt  }
.Lfunc_end2:
_tile_overlayer_lowered:
.L_overlay_start_2:
0x10b: {  	(tag) =	ssettag $0x2  }
0x10c: {  	s0 =	rddreg [dreg:$0x0];
	s2 =	stileid.u32  }
0x10d: {  	s1 =	rddreg [dreg:$0x1];
	p0 =	sne.s32 s2, $0x0  }
0x10e: {  	s3 =	rddreg [dreg:$0x2];
	[bflag:$0x3] =	sbarrier.arrive $0xFFFF;
	s2 =	simm.s32 @!p0 $0x1C07  }
0x10f: {  	[timem:s3], [sflag:s2] =	dma.local @!p0 [hbm:s0], s1  }
0x110: {  	s0 =	simm.s32 @!p0 $0x7  }
0x111: {  	_ =	swait.ge @!p0 [sflag:s0], s1  }
0x112: {  	s1 =	ssub.s32 @!p0 $0x0, s1;
	[sflag:s0] =	ssyncset.done @!p0 $0x0  }
0x113: {  	[sflag:s0] =	ssyncadd.s32 @!p0 s1  }
0x114: {  	[bflag:$0x3] =	sbarrier.arrive $0xFFFF  }
0x115: {  	_ =	shalt  }

</sc_bundles>
